<compile_context>
chip_gen: v7x
topology: tpu7x:2x2x1
jax: 0.10.2.dev20260603
libtpu: 0.0.44.dev20260713+nightly
codegen_flags: <defaults>
</compile_context>

<pallas_src>
import functools

import jax
import jax.numpy as jnp
from jax import lax
from jax.experimental import pallas as pl
from jax.experimental.pallas import tpu as pltpu
from jax.experimental.pallas import tpu_sc as plsc

N_LAYERS = 3
N = 10000
E = 320000
D = 128
DH = D // 2
NC, NS = 2, 16
CHUNK = 128
N_CHUNKS = 160
E_TILE = CHUNK * N_CHUNKS
E_PAD = NS * E_TILE
NP = 10240
ROWS_TILE = NP // NS
ZROWS = 128


def _body(x_hbm, col_hbm, row_hbm, vals_hbm, out_hbm, tmp_hbm,
          col_v, row_v, vals_v, gbuf, zbuf, acc):
    c = lax.axis_index("c")
    s = lax.axis_index("s")

    pltpu.sync_copy(col_hbm.at[s], col_v)
    pltpu.sync_copy(row_hbm.at[s], row_v)
    pltpu.sync_copy(vals_hbm.at[s], vals_v)

    offv = lax.broadcast(c.astype(jnp.int32) * NP, (16,))

    def adj_body(r, carry):
        for q in range(CHUNK // 16):
            sl = pl.ds(q * 16, 16)
            col_v[r, sl] = col_v[r, sl] + offv
        return carry

    lax.fori_loop(0, N_CHUNKS, adj_body, 0)

    def zb_body(r, carry):
        for q in range(DH // 16):
            zbuf[r, pl.ds(q * 16, 16)] = jnp.zeros((16,), jnp.float32)
        return carry

    lax.fori_loop(0, ZROWS, zb_body, 0)

    for layer in range(N_LAYERS):
        src = (x_hbm, tmp_hbm, out_hbm)[layer]
        dst = (tmp_hbm, out_hbm, out_hbm)[layer]

        for i in range(ROWS_TILE // ZROWS):
            pltpu.sync_copy(zbuf, acc.at[pl.ds(s * ROWS_TILE + i * ZROWS, ZROWS)])
        plsc.subcore_barrier()

        def chunk_body(k, carry):
            pltpu.sync_copy(src.at[col_v.at[k]], gbuf)

            def grp_body(g, carry2):
                val16 = vals_v[k, pl.ds(g * 16, 16)]
                for e in range(16):
                    vb = lax.broadcast(val16[e], (16,))
                    j = g * 16 + e
                    for d in range(DH // 16):
                        sl = pl.ds(d * 16, 16)
                        gbuf[j, sl] = gbuf[j, sl] * vb
                return carry2

            lax.fori_loop(0, CHUNK // 16, grp_body, 0)

            pltpu.sync_copy(gbuf, acc.at[row_v.at[k]], add=True)
            return carry

        lax.fori_loop(0, N_CHUNKS, chunk_body, 0)
        plsc.subcore_barrier()

        pltpu.sync_copy(
            acc.at[pl.ds(s * ROWS_TILE, ROWS_TILE)],
            dst.at[pl.ds(c * NP + s * ROWS_TILE, ROWS_TILE)],
        )
        plsc.subcore_barrier()


@jax.jit
def kernel(x, edge_row, edge_col, edge_vals):
    x2 = x.reshape(N, NC, DH).transpose(1, 0, 2)
    x2 = jnp.pad(x2, ((0, 0), (0, NP - N), (0, 0))).reshape(NC * NP, DH)
    pad = E_PAD - E
    col3 = jnp.concatenate([edge_col, jnp.zeros((pad,), jnp.int32)]
                           ).reshape(NS, N_CHUNKS, CHUNK)
    row3 = jnp.concatenate([edge_row, jnp.zeros((pad,), jnp.int32)]
                           ).reshape(NS, N_CHUNKS, CHUNK)
    vals3 = jnp.concatenate([edge_vals, jnp.zeros((pad,), jnp.float32)]
                            ).reshape(NS, N_CHUNKS, CHUNK)

    mesh = plsc.VectorSubcoreMesh(core_axis_name="c", subcore_axis_name="s")
    out, _tmp = pl.kernel(
        _body,
        out_type=(
            jax.ShapeDtypeStruct((NC * NP, DH), jnp.float32),
            jax.ShapeDtypeStruct((NC * NP, DH), jnp.float32),
        ),
        mesh=mesh,
        compiler_params=pltpu.CompilerParams(use_tc_tiling_on_sc=False),
        scratch_types=[
            pltpu.VMEM((N_CHUNKS, CHUNK), jnp.int32),
            pltpu.VMEM((N_CHUNKS, CHUNK), jnp.int32),
            pltpu.VMEM((N_CHUNKS, CHUNK), jnp.float32),
            pltpu.VMEM((CHUNK, DH), jnp.float32),
            pltpu.VMEM((ZROWS, DH), jnp.float32),
            pltpu.VMEM_SHARED((NP, DH), jnp.float32),
        ],
    )(x2, col3, row3, vals3)

    return out.reshape(NC, NP, DH)[:, :N].transpose(1, 0, 2).reshape(N, D)

# --- scband reference (transcript-rebuilt; emitter-appended) ---
"""Pipeline reference for scband-light-gcn-30554397343960 (READ-ONLY COPY).

The authoritative reference and input builder live on the scoring server;
editing this copy changes nothing except your own understanding.
"""

import jax, jax.numpy as jnp
import numpy as np

NUM_LAYERS = 3
N_NODES = 10000
N_EDGES = 320000
D_FEAT = 128


def setup_inputs(seed: int = 0) -> dict:
    key = jax.random.key(seed)
    k1, k2, k3, k4 = jax.random.split(key, 4)
    x = jax.random.normal(k1, (N_NODES, D_FEAT), dtype=jnp.float32)
    edge_row = jax.random.randint(k2, (N_EDGES,), 0, N_NODES, dtype=jnp.int32)
    edge_col = jax.random.randint(k3, (N_EDGES,), 0, N_NODES, dtype=jnp.int32)
    # normalized-laplacian-like values, scaled by ~1/avg_degree to keep activations stable
    edge_vals = jax.random.uniform(k4, (N_EDGES,), dtype=jnp.float32) * (1.0 / 32.0)
    return {"x": x, "edge_row": edge_row, "edge_col": edge_col, "edge_vals": edge_vals}


def reference(x, edge_row, edge_col, edge_vals):
    # LightGCN forward: x = L @ x, repeated num_layers times.
    # Sparse COO matmul: out[r] += vals[e] * x[c] for each edge e=(r,c).
    h = x
    for _ in range(NUM_LAYERS):
        msg = edge_vals[:, None] * jnp.take(h, edge_col, axis=0)
        h = jax.ops.segment_sum(msg, edge_row, num_segments=N_NODES)
    return h

if __name__ == "__main__":
    import jax
    _d = setup_inputs()
    print(jax.jit(kernel)(*tuple(_d.values())))

</pallas_src>

<mosaic_0001>
#map = affine_map<(d0, d1) -> (0, 0)>
#map1 = affine_map<(d0, d1) -> (0, 0, 0)>
module attributes {stable_mosaic.version = 14 : i64} {
  func.func @_body(%arg0: i32, %arg1: i32, %arg2: memref<20480x64xf32, #tpu.memory_space<hbm>>, %arg3: memref<16x160x128xi32, #tpu.memory_space<hbm>>, %arg4: memref<16x160x128xi32, #tpu.memory_space<hbm>>, %arg5: memref<16x160x128xf32, #tpu.memory_space<hbm>>, %arg6: memref<20480x64xf32, #tpu.memory_space<hbm>>, %arg7: memref<20480x64xf32, #tpu.memory_space<hbm>>, %arg8: memref<160x128xi32, #tpu.memory_space<vmem>>, %arg9: memref<160x128xi32, #tpu.memory_space<vmem>>, %arg10: memref<160x128xf32, #tpu.memory_space<vmem>>, %arg11: memref<128x64xf32, #tpu.memory_space<vmem>>, %arg12: memref<128x64xf32, #tpu.memory_space<vmem>>, %arg13: memref<10240x64xf32, #tpu.memory_space<vmem_shared>>) attributes {dimension_semantics = [#tpu.dimension_semantics<core_parallel>, #tpu.dimension_semantics<subcore_parallel>], iteration_bounds = array<i64: 2, 16>, scalar_prefetch = 0 : i64, scratch_operands = 6 : i64, tpu.core_type = #tpu.core_type<sc_vector_subcore>, window_params = [{transform_indices = #map}, {transform_indices = #map1}, {transform_indices = #map1}, {transform_indices = #map1}, {transform_indices = #map}, {transform_indices = #map}]} {
    "tpu.region"() ({
      %run_scoped3A = tpu.sem_alloc : memref<!tpu.dma_semaphore, #tpu.memory_space<semaphore_mem>>
      %dma_start3A = arith.constant 0 : i32
      %dma_start3A_118 = arith.constant 0 : i32
      %dma_start3A_119 = tpu.memref_slice %arg3[%arg1, %dma_start3A, %dma_start3A_118] : memref<16x160x128xi32, #tpu.memory_space<hbm>> -> memref<1x160x128xi32, #tpu.memory_space<hbm>>
      %dma_start3A_120 = tpu.memref_squeeze %dma_start3A_119 : memref<1x160x128xi32, #tpu.memory_space<hbm>> -> memref<160x128xi32, #tpu.memory_space<hbm>>
      %dma_start3A_121 = arith.constant 0 : i32
      %dma_start3A_122 = arith.constant 0 : i32
      %dma_start3A_123 = tpu.memref_slice %arg3[%arg1, %dma_start3A_121, %dma_start3A_122] : memref<16x160x128xi32, #tpu.memory_space<hbm>> -> memref<1x160x128xi32, #tpu.memory_space<hbm>>
      %dma_start3A_124 = tpu.memref_squeeze %dma_start3A_123 : memref<1x160x128xi32, #tpu.memory_space<hbm>> -> memref<160x128xi32, #tpu.memory_space<hbm>>
      tpu.enqueue_dma source(%dma_start3A_124 : memref<160x128xi32, #tpu.memory_space<hbm>>) target(%arg8 : memref<160x128xi32, #tpu.memory_space<vmem>>) target_semaphore(%run_scoped3A : memref<!tpu.dma_semaphore, #tpu.memory_space<semaphore_mem>>)
      %dma_wait3A = arith.constant 0 : i32
      %dma_wait3A_125 = arith.constant 0 : i32
      %dma_wait3A_126 = tpu.memref_slice %arg3[%arg1, %dma_wait3A, %dma_wait3A_125] : memref<16x160x128xi32, #tpu.memory_space<hbm>> -> memref<1x160x128xi32, #tpu.memory_space<hbm>>
      %dma_wait3A_127 = tpu.memref_squeeze %dma_wait3A_126 : memref<1x160x128xi32, #tpu.memory_space<hbm>> -> memref<160x128xi32, #tpu.memory_space<hbm>>
      %dma_wait3A_128 = arith.constant 0 : i32
      %dma_wait3A_129 = arith.constant 0 : i32
      %dma_wait3A_130 = tpu.memref_slice %arg3[%arg1, %dma_wait3A_128, %dma_wait3A_129] : memref<16x160x128xi32, #tpu.memory_space<hbm>> -> memref<1x160x128xi32, #tpu.memory_space<hbm>>
      %dma_wait3A_131 = tpu.memref_squeeze %dma_wait3A_130 : memref<1x160x128xi32, #tpu.memory_space<hbm>> -> memref<160x128xi32, #tpu.memory_space<hbm>>
      tpu.wait_dma2 semaphore(%run_scoped3A : memref<!tpu.dma_semaphore, #tpu.memory_space<semaphore_mem>>) src(%dma_wait3A_131 : memref<160x128xi32, #tpu.memory_space<hbm>>) dst(%arg8 : memref<160x128xi32, #tpu.memory_space<vmem>>)
      tpu.yield
    }) : () -> ()
    "tpu.region"() ({
      %run_scoped3A = tpu.sem_alloc : memref<!tpu.dma_semaphore, #tpu.memory_space<semaphore_mem>>
      %dma_start3A = arith.constant 0 : i32
      %dma_start3A_118 = arith.constant 0 : i32
      %dma_start3A_119 = tpu.memref_slice %arg4[%arg1, %dma_start3A, %dma_start3A_118] : memref<16x160x128xi32, #tpu.memory_space<hbm>> -> memref<1x160x128xi32, #tpu.memory_space<hbm>>
      %dma_start3A_120 = tpu.memref_squeeze %dma_start3A_119 : memref<1x160x128xi32, #tpu.memory_space<hbm>> -> memref<160x128xi32, #tpu.memory_space<hbm>>
      %dma_start3A_121 = arith.constant 0 : i32
      %dma_start3A_122 = arith.constant 0 : i32
      %dma_start3A_123 = tpu.memref_slice %arg4[%arg1, %dma_start3A_121, %dma_start3A_122] : memref<16x160x128xi32, #tpu.memory_space<hbm>> -> memref<1x160x128xi32, #tpu.memory_space<hbm>>
      %dma_start3A_124 = tpu.memref_squeeze %dma_start3A_123 : memref<1x160x128xi32, #tpu.memory_space<hbm>> -> memref<160x128xi32, #tpu.memory_space<hbm>>
      tpu.enqueue_dma source(%dma_start3A_124 : memref<160x128xi32, #tpu.memory_space<hbm>>) target(%arg9 : memref<160x128xi32, #tpu.memory_space<vmem>>) target_semaphore(%run_scoped3A : memref<!tpu.dma_semaphore, #tpu.memory_space<semaphore_mem>>)
      %dma_wait3A = arith.constant 0 : i32
      %dma_wait3A_125 = arith.constant 0 : i32
      %dma_wait3A_126 = tpu.memref_slice %arg4[%arg1, %dma_wait3A, %dma_wait3A_125] : memref<16x160x128xi32, #tpu.memory_space<hbm>> -> memref<1x160x128xi32, #tpu.memory_space<hbm>>
      %dma_wait3A_127 = tpu.memref_squeeze %dma_wait3A_126 : memref<1x160x128xi32, #tpu.memory_space<hbm>> -> memref<160x128xi32, #tpu.memory_space<hbm>>
      %dma_wait3A_128 = arith.constant 0 : i32
      %dma_wait3A_129 = arith.constant 0 : i32
      %dma_wait3A_130 = tpu.memref_slice %arg4[%arg1, %dma_wait3A_128, %dma_wait3A_129] : memref<16x160x128xi32, #tpu.memory_space<hbm>> -> memref<1x160x128xi32, #tpu.memory_space<hbm>>
      %dma_wait3A_131 = tpu.memref_squeeze %dma_wait3A_130 : memref<1x160x128xi32, #tpu.memory_space<hbm>> -> memref<160x128xi32, #tpu.memory_space<hbm>>
      tpu.wait_dma2 semaphore(%run_scoped3A : memref<!tpu.dma_semaphore, #tpu.memory_space<semaphore_mem>>) src(%dma_wait3A_131 : memref<160x128xi32, #tpu.memory_space<hbm>>) dst(%arg9 : memref<160x128xi32, #tpu.memory_space<vmem>>)
      tpu.yield
    }) : () -> ()
    "tpu.region"() ({
      %run_scoped3A = tpu.sem_alloc : memref<!tpu.dma_semaphore, #tpu.memory_space<semaphore_mem>>
      %dma_start3A = arith.constant 0 : i32
      %dma_start3A_118 = arith.constant 0 : i32
      %dma_start3A_119 = tpu.memref_slice %arg5[%arg1, %dma_start3A, %dma_start3A_118] : memref<16x160x128xf32, #tpu.memory_space<hbm>> -> memref<1x160x128xf32, #tpu.memory_space<hbm>>
      %dma_start3A_120 = tpu.memref_squeeze %dma_start3A_119 : memref<1x160x128xf32, #tpu.memory_space<hbm>> -> memref<160x128xf32, #tpu.memory_space<hbm>>
      %dma_start3A_121 = arith.constant 0 : i32
      %dma_start3A_122 = arith.constant 0 : i32
      %dma_start3A_123 = tpu.memref_slice %arg5[%arg1, %dma_start3A_121, %dma_start3A_122] : memref<16x160x128xf32, #tpu.memory_space<hbm>> -> memref<1x160x128xf32, #tpu.memory_space<hbm>>
      %dma_start3A_124 = tpu.memref_squeeze %dma_start3A_123 : memref<1x160x128xf32, #tpu.memory_space<hbm>> -> memref<160x128xf32, #tpu.memory_space<hbm>>
      tpu.enqueue_dma source(%dma_start3A_124 : memref<160x128xf32, #tpu.memory_space<hbm>>) target(%arg10 : memref<160x128xf32, #tpu.memory_space<vmem>>) target_semaphore(%run_scoped3A : memref<!tpu.dma_semaphore, #tpu.memory_space<semaphore_mem>>)
      %dma_wait3A = arith.constant 0 : i32
      %dma_wait3A_125 = arith.constant 0 : i32
      %dma_wait3A_126 = tpu.memref_slice %arg5[%arg1, %dma_wait3A, %dma_wait3A_125] : memref<16x160x128xf32, #tpu.memory_space<hbm>> -> memref<1x160x128xf32, #tpu.memory_space<hbm>>
      %dma_wait3A_127 = tpu.memref_squeeze %dma_wait3A_126 : memref<1x160x128xf32, #tpu.memory_space<hbm>> -> memref<160x128xf32, #tpu.memory_space<hbm>>
      %dma_wait3A_128 = arith.constant 0 : i32
      %dma_wait3A_129 = arith.constant 0 : i32
      %dma_wait3A_130 = tpu.memref_slice %arg5[%arg1, %dma_wait3A_128, %dma_wait3A_129] : memref<16x160x128xf32, #tpu.memory_space<hbm>> -> memref<1x160x128xf32, #tpu.memory_space<hbm>>
      %dma_wait3A_131 = tpu.memref_squeeze %dma_wait3A_130 : memref<1x160x128xf32, #tpu.memory_space<hbm>> -> memref<160x128xf32, #tpu.memory_space<hbm>>
      tpu.wait_dma2 semaphore(%run_scoped3A : memref<!tpu.dma_semaphore, #tpu.memory_space<semaphore_mem>>) src(%dma_wait3A_131 : memref<160x128xf32, #tpu.memory_space<hbm>>) dst(%arg10 : memref<160x128xf32, #tpu.memory_space<vmem>>)
      tpu.yield
    }) : () -> ()
    %mul3A = arith.constant 10240 : i32
    %mul3A_0 = arith.muli %arg0, %mul3A : i32
    %broadcast_in_dim3A = vector.broadcast %mul3A_0 : i32 to vector<16xi32>
    %scan3A = arith.constant 0 : i32
    %scan3A_1 = arith.constant 0 : i32
    %scan3A_2 = arith.constant 160 : i32
    %scan3A_3 = arith.addi %scan3A_1, %scan3A_2 : i32
    %scan3A_4 = arith.constant 1 : i32
    scf.for %scan3A_118 = %scan3A_1 to %scan3A_3 step %scan3A_4  : i32 {
      %get3A = arith.index_cast %scan3A_118 : i32 to index
      %get3A_119 = arith.constant 0 : index
      %get3A_120 = tpu.vector_load %arg8[%get3A, %get3A_119] {strides = array<i32>} : memref<160x128xi32, #tpu.memory_space<vmem>>, vector<1x16xi32>,
      %get3A_121 = vector.shape_cast %get3A_120 : vector<1x16xi32> to vector<16xi32>
      %add3A_122 = arith.addi %get3A_121, %broadcast_in_dim3A : vector<16xi32>
      %swap3A = arith.index_cast %scan3A_118 : i32 to index
      %swap3A_123 = arith.constant 0 : index
      %swap3A_124 = tpu.vector_load %arg8[%swap3A, %swap3A_123] {strides = array<i32>} : memref<160x128xi32, #tpu.memory_space<vmem>>, vector<1x16xi32>,
      %swap3A_125 = vector.shape_cast %swap3A_124 : vector<1x16xi32> to vector<16xi32>
      %swap3A_126 = vector.shape_cast %add3A_122 : vector<16xi32> to vector<1x16xi32>
      tpu.vector_store %arg8[%swap3A, %swap3A_123], %swap3A_126 {strides = array<i32>} : memref<160x128xi32, #tpu.memory_space<vmem>>, vector<1x16xi32>,
      %get3A_127 = arith.index_cast %scan3A_118 : i32 to index
      %get3A_128 = arith.constant 16 : index
      %get3A_129 = tpu.vector_load %arg8[%get3A_127, %get3A_128] {strides = array<i32>} : memref<160x128xi32, #tpu.memory_space<vmem>>, vector<1x16xi32>,
      %get3A_130 = vector.shape_cast %get3A_129 : vector<1x16xi32> to vector<16xi32>
      %add3A_131 = arith.addi %get3A_130, %broadcast_in_dim3A : vector<16xi32>
      %swap3A_132 = arith.index_cast %scan3A_118 : i32 to index
      %swap3A_133 = arith.constant 16 : index
      %swap3A_134 = tpu.vector_load %arg8[%swap3A_132, %swap3A_133] {strides = array<i32>} : memref<160x128xi32, #tpu.memory_space<vmem>>, vector<1x16xi32>,
      %swap3A_135 = vector.shape_cast %swap3A_134 : vector<1x16xi32> to vector<16xi32>
      %swap3A_136 = vector.shape_cast %add3A_131 : vector<16xi32> to vector<1x16xi32>
      tpu.vector_store %arg8[%swap3A_132, %swap3A_133], %swap3A_136 {strides = array<i32>} : memref<160x128xi32, #tpu.memory_space<vmem>>, vector<1x16xi32>,
      %get3A_137 = arith.index_cast %scan3A_118 : i32 to index
      %get3A_138 = arith.constant 32 : index
      %get3A_139 = tpu.vector_load %arg8[%get3A_137, %get3A_138] {strides = array<i32>} : memref<160x128xi32, #tpu.memory_space<vmem>>, vector<1x16xi32>,
      %get3A_140 = vector.shape_cast %get3A_139 : vector<1x16xi32> to vector<16xi32>
      %add3A_141 = arith.addi %get3A_140, %broadcast_in_dim3A : vector<16xi32>
      %swap3A_142 = arith.index_cast %scan3A_118 : i32 to index
      %swap3A_143 = arith.constant 32 : index
      %swap3A_144 = tpu.vector_load %arg8[%swap3A_142, %swap3A_143] {strides = array<i32>} : memref<160x128xi32, #tpu.memory_space<vmem>>, vector<1x16xi32>,
      %swap3A_145 = vector.shape_cast %swap3A_144 : vector<1x16xi32> to vector<16xi32>
      %swap3A_146 = vector.shape_cast %add3A_141 : vector<16xi32> to vector<1x16xi32>
      tpu.vector_store %arg8[%swap3A_142, %swap3A_143], %swap3A_146 {strides = array<i32>} : memref<160x128xi32, #tpu.memory_space<vmem>>, vector<1x16xi32>,
      %get3A_147 = arith.index_cast %scan3A_118 : i32 to index
      %get3A_148 = arith.constant 48 : index
      %get3A_149 = tpu.vector_load %arg8[%get3A_147, %get3A_148] {strides = array<i32>} : memref<160x128xi32, #tpu.memory_space<vmem>>, vector<1x16xi32>,
      %get3A_150 = vector.shape_cast %get3A_149 : vector<1x16xi32> to vector<16xi32>
      %add3A_151 = arith.addi %get3A_150, %broadcast_in_dim3A : vector<16xi32>
      %swap3A_152 = arith.index_cast %scan3A_118 : i32 to index
      %swap3A_153 = arith.constant 48 : index
      %swap3A_154 = tpu.vector_load %arg8[%swap3A_152, %swap3A_153] {strides = array<i32>} : memref<160x128xi32, #tpu.memory_space<vmem>>, vector<1x16xi32>,
      %swap3A_155 = vector.shape_cast %swap3A_154 : vector<1x16xi32> to vector<16xi32>
      %swap3A_156 = vector.shape_cast %add3A_151 : vector<16xi32> to vector<1x16xi32>
      tpu.vector_store %arg8[%swap3A_152, %swap3A_153], %swap3A_156 {strides = array<i32>} : memref<160x128xi32, #tpu.memory_space<vmem>>, vector<1x16xi32>,
      %get3A_157 = arith.index_cast %scan3A_118 : i32 to index
      %get3A_158 = arith.constant 64 : index
      %get3A_159 = tpu.vector_load %arg8[%get3A_157, %get3A_158] {strides = array<i32>} : memref<160x128xi32, #tpu.memory_space<vmem>>, vector<1x16xi32>,
      %get3A_160 = vector.shape_cast %get3A_159 : vector<1x16xi32> to vector<16xi32>
      %add3A_161 = arith.addi %get3A_160, %broadcast_in_dim3A : vector<16xi32>
      %swap3A_162 = arith.index_cast %scan3A_118 : i32 to index
      %swap3A_163 = arith.constant 64 : index
      %swap3A_164 = tpu.vector_load %arg8[%swap3A_162, %swap3A_163] {strides = array<i32>} : memref<160x128xi32, #tpu.memory_space<vmem>>, vector<1x16xi32>,
      %swap3A_165 = vector.shape_cast %swap3A_164 : vector<1x16xi32> to vector<16xi32>
      %swap3A_166 = vector.shape_cast %add3A_161 : vector<16xi32> to vector<1x16xi32>
      tpu.vector_store %arg8[%swap3A_162, %swap3A_163], %swap3A_166 {strides = array<i32>} : memref<160x128xi32, #tpu.memory_space<vmem>>, vector<1x16xi32>,
      %get3A_167 = arith.index_cast %scan3A_118 : i32 to index
      %get3A_168 = arith.constant 80 : index
      %get3A_169 = tpu.vector_load %arg8[%get3A_167, %get3A_168] {strides = array<i32>} : memref<160x128xi32, #tpu.memory_space<vmem>>, vector<1x16xi32>,
      %get3A_170 = vector.shape_cast %get3A_169 : vector<1x16xi32> to vector<16xi32>
      %add3A_171 = arith.addi %get3A_170, %broadcast_in_dim3A : vector<16xi32>
      %swap3A_172 = arith.index_cast %scan3A_118 : i32 to index
      %swap3A_173 = arith.constant 80 : index
      %swap3A_174 = tpu.vector_load %arg8[%swap3A_172, %swap3A_173] {strides = array<i32>} : memref<160x128xi32, #tpu.memory_space<vmem>>, vector<1x16xi32>,
      %swap3A_175 = vector.shape_cast %swap3A_174 : vector<1x16xi32> to vector<16xi32>
      %swap3A_176 = vector.shape_cast %add3A_171 : vector<16xi32> to vector<1x16xi32>
      tpu.vector_store %arg8[%swap3A_172, %swap3A_173], %swap3A_176 {strides = array<i32>} : memref<160x128xi32, #tpu.memory_space<vmem>>, vector<1x16xi32>,
      %get3A_177 = arith.index_cast %scan3A_118 : i32 to index
      %get3A_178 = arith.constant 96 : index
      %get3A_179 = tpu.vector_load %arg8[%get3A_177, %get3A_178] {strides = array<i32>} : memref<160x128xi32, #tpu.memory_space<vmem>>, vector<1x16xi32>,
      %get3A_180 = vector.shape_cast %get3A_179 : vector<1x16xi32> to vector<16xi32>
      %add3A_181 = arith.addi %get3A_180, %broadcast_in_dim3A : vector<16xi32>
      %swap3A_182 = arith.index_cast %scan3A_118 : i32 to index
      %swap3A_183 = arith.constant 96 : index
      %swap3A_184 = tpu.vector_load %arg8[%swap3A_182, %swap3A_183] {strides = array<i32>} : memref<160x128xi32, #tpu.memory_space<vmem>>, vector<1x16xi32>,
      %swap3A_185 = vector.shape_cast %swap3A_184 : vector<1x16xi32> to vector<16xi32>
      %swap3A_186 = vector.shape_cast %add3A_181 : vector<16xi32> to vector<1x16xi32>
      tpu.vector_store %arg8[%swap3A_182, %swap3A_183], %swap3A_186 {strides = array<i32>} : memref<160x128xi32, #tpu.memory_space<vmem>>, vector<1x16xi32>,
      %get3A_187 = arith.index_cast %scan3A_118 : i32 to index
      %get3A_188 = arith.constant 112 : index
      %get3A_189 = tpu.vector_load %arg8[%get3A_187, %get3A_188] {strides = array<i32>} : memref<160x128xi32, #tpu.memory_space<vmem>>, vector<1x16xi32>,
      %get3A_190 = vector.shape_cast %get3A_189 : vector<1x16xi32> to vector<16xi32>
      %add3A_191 = arith.addi %get3A_190, %broadcast_in_dim3A : vector<16xi32>
      %swap3A_192 = arith.index_cast %scan3A_118 : i32 to index
      %swap3A_193 = arith.constant 112 : index
      %swap3A_194 = tpu.vector_load %arg8[%swap3A_192, %swap3A_193] {strides = array<i32>} : memref<160x128xi32, #tpu.memory_space<vmem>>, vector<1x16xi32>,
      %swap3A_195 = vector.shape_cast %swap3A_194 : vector<1x16xi32> to vector<16xi32>
      %swap3A_196 = vector.shape_cast %add3A_191 : vector<16xi32> to vector<1x16xi32>
      tpu.vector_store %arg8[%swap3A_192, %swap3A_193], %swap3A_196 {strides = array<i32>} : memref<160x128xi32, #tpu.memory_space<vmem>>, vector<1x16xi32>,
    }
    %scan3A_5 = arith.constant 160 : i32
    %scan3A_6 = arith.constant 0 : i32
    %scan3A_7 = arith.constant 0 : i32
    %scan3A_8 = arith.constant 128 : i32
    %scan3A_9 = arith.addi %scan3A_7, %scan3A_8 : i32
    %scan3A_10 = arith.constant 1 : i32
    scf.for %scan3A_118 = %scan3A_7 to %scan3A_9 step %scan3A_10  : i32 {
      %broadcast_in_dim3A_119 = arith.constant 0.000000e+00 : f32
      %broadcast_in_dim3A_120 = vector.broadcast %broadcast_in_dim3A_119 : f32 to vector<16xf32>
      %swap3A = arith.index_cast %scan3A_118 : i32 to index
      %swap3A_121 = arith.constant 0 : index
      %swap3A_122 = tpu.vector_load %arg12[%swap3A, %swap3A_121] {strides = array<i32>} : memref<128x64xf32, #tpu.memory_space<vmem>>, vector<1x16xf32>,
      %swap3A_123 = vector.shape_cast %swap3A_122 : vector<1x16xf32> to vector<16xf32>
      %swap3A_124 = vector.shape_cast %broadcast_in_dim3A_120 : vector<16xf32> to vector<1x16xf32>
      tpu.vector_store %arg12[%swap3A, %swap3A_121], %swap3A_124 {strides = array<i32>} : memref<128x64xf32, #tpu.memory_space<vmem>>, vector<1x16xf32>,
      %broadcast_in_dim3A_125 = arith.constant 0.000000e+00 : f32
      %broadcast_in_dim3A_126 = vector.broadcast %broadcast_in_dim3A_125 : f32 to vector<16xf32>
      %swap3A_127 = arith.index_cast %scan3A_118 : i32 to index
      %swap3A_128 = arith.constant 16 : index
      %swap3A_129 = tpu.vector_load %arg12[%swap3A_127, %swap3A_128] {strides = array<i32>} : memref<128x64xf32, #tpu.memory_space<vmem>>, vector<1x16xf32>,
      %swap3A_130 = vector.shape_cast %swap3A_129 : vector<1x16xf32> to vector<16xf32>
      %swap3A_131 = vector.shape_cast %broadcast_in_dim3A_126 : vector<16xf32> to vector<1x16xf32>
      tpu.vector_store %arg12[%swap3A_127, %swap3A_128], %swap3A_131 {strides = array<i32>} : memref<128x64xf32, #tpu.memory_space<vmem>>, vector<1x16xf32>,
      %broadcast_in_dim3A_132 = arith.constant 0.000000e+00 : f32
      %broadcast_in_dim3A_133 = vector.broadcast %broadcast_in_dim3A_132 : f32 to vector<16xf32>
      %swap3A_134 = arith.index_cast %scan3A_118 : i32 to index
      %swap3A_135 = arith.constant 32 : index
      %swap3A_136 = tpu.vector_load %arg12[%swap3A_134, %swap3A_135] {strides = array<i32>} : memref<128x64xf32, #tpu.memory_space<vmem>>, vector<1x16xf32>,
      %swap3A_137 = vector.shape_cast %swap3A_136 : vector<1x16xf32> to vector<16xf32>
      %swap3A_138 = vector.shape_cast %broadcast_in_dim3A_133 : vector<16xf32> to vector<1x16xf32>
      tpu.vector_store %arg12[%swap3A_134, %swap3A_135], %swap3A_138 {strides = array<i32>} : memref<128x64xf32, #tpu.memory_space<vmem>>, vector<1x16xf32>,
      %broadcast_in_dim3A_139 = arith.constant 0.000000e+00 : f32
      %broadcast_in_dim3A_140 = vector.broadcast %broadcast_in_dim3A_139 : f32 to vector<16xf32>
      %swap3A_141 = arith.index_cast %scan3A_118 : i32 to index
      %swap3A_142 = arith.constant 48 : index
      %swap3A_143 = tpu.vector_load %arg12[%swap3A_141, %swap3A_142] {strides = array<i32>} : memref<128x64xf32, #tpu.memory_space<vmem>>, vector<1x16xf32>,
      %swap3A_144 = vector.shape_cast %swap3A_143 : vector<1x16xf32> to vector<16xf32>
      %swap3A_145 = vector.shape_cast %broadcast_in_dim3A_140 : vector<16xf32> to vector<1x16xf32>
      tpu.vector_store %arg12[%swap3A_141, %swap3A_142], %swap3A_145 {strides = array<i32>} : memref<128x64xf32, #tpu.memory_space<vmem>>, vector<1x16xf32>,
    }
    %scan3A_11 = arith.constant 128 : i32
    %mul3A_12 = arith.constant 640 : i32
    %mul3A_13 = arith.muli %arg1, %mul3A_12 : i32
    %add3A = arith.constant 0 : i32
    %add3A_14 = arith.addi %mul3A_13, %add3A : i32
    "tpu.region"() ({
      %run_scoped3A = tpu.sem_alloc : memref<!tpu.dma_semaphore, #tpu.memory_space<semaphore_mem>>
      %dma_start3A = arith.constant 0 : i32
      %dma_start3A_118 = tpu.memref_slice %arg13[%add3A_14, %dma_start3A] : memref<10240x64xf32, #tpu.memory_space<vmem_shared>> -> memref<128x64xf32, #tpu.memory_space<vmem_shared>>
      %dma_start3A_119 = arith.constant 0 : i32
      %dma_start3A_120 = tpu.memref_slice %arg13[%add3A_14, %dma_start3A_119] : memref<10240x64xf32, #tpu.memory_space<vmem_shared>> -> memref<128x64xf32, #tpu.memory_space<vmem_shared>>
      tpu.enqueue_dma source(%arg12 : memref<128x64xf32, #tpu.memory_space<vmem>>) target(%dma_start3A_120 : memref<128x64xf32, #tpu.memory_space<vmem_shared>>) target_semaphore(%run_scoped3A : memref<!tpu.dma_semaphore, #tpu.memory_space<semaphore_mem>>)
      %dma_wait3A = arith.constant 0 : i32
      %dma_wait3A_121 = tpu.memref_slice %arg13[%add3A_14, %dma_wait3A] : memref<10240x64xf32, #tpu.memory_space<vmem_shared>> -> memref<128x64xf32, #tpu.memory_space<vmem_shared>>
      %dma_wait3A_122 = arith.constant 0 : i32
      %dma_wait3A_123 = tpu.memref_slice %arg13[%add3A_14, %dma_wait3A_122] : memref<10240x64xf32, #tpu.memory_space<vmem_shared>> -> memref<128x64xf32, #tpu.memory_space<vmem_shared>>
      tpu.wait_dma2 semaphore(%run_scoped3A : memref<!tpu.dma_semaphore, #tpu.memory_space<semaphore_mem>>) src(%arg12 : memref<128x64xf32, #tpu.memory_space<vmem>>) dst(%dma_wait3A_123 : memref<128x64xf32, #tpu.memory_space<vmem_shared>>)
      tpu.yield
    }) : () -> ()
    %mul3A_15 = arith.constant 640 : i32
    %mul3A_16 = arith.muli %arg1, %mul3A_15 : i32
    %add3A_17 = arith.constant 128 : i32
    %add3A_18 = arith.addi %mul3A_16, %add3A_17 : i32
    "tpu.region"() ({
      %run_scoped3A = tpu.sem_alloc : memref<!tpu.dma_semaphore, #tpu.memory_space<semaphore_mem>>
      %dma_start3A = arith.constant 0 : i32
      %dma_start3A_118 = tpu.memref_slice %arg13[%add3A_18, %dma_start3A] : memref<10240x64xf32, #tpu.memory_space<vmem_shared>> -> memref<128x64xf32, #tpu.memory_space<vmem_shared>>
      %dma_start3A_119 = arith.constant 0 : i32
      %dma_start3A_120 = tpu.memref_slice %arg13[%add3A_18, %dma_start3A_119] : memref<10240x64xf32, #tpu.memory_space<vmem_shared>> -> memref<128x64xf32, #tpu.memory_space<vmem_shared>>
      tpu.enqueue_dma source(%arg12 : memref<128x64xf32, #tpu.memory_space<vmem>>) target(%dma_start3A_120 : memref<128x64xf32, #tpu.memory_space<vmem_shared>>) target_semaphore(%run_scoped3A : memref<!tpu.dma_semaphore, #tpu.memory_space<semaphore_mem>>)
      %dma_wait3A = arith.constant 0 : i32
      %dma_wait3A_121 = tpu.memref_slice %arg13[%add3A_18, %dma_wait3A] : memref<10240x64xf32, #tpu.memory_space<vmem_shared>> -> memref<128x64xf32, #tpu.memory_space<vmem_shared>>
      %dma_wait3A_122 = arith.constant 0 : i32
      %dma_wait3A_123 = tpu.memref_slice %arg13[%add3A_18, %dma_wait3A_122] : memref<10240x64xf32, #tpu.memory_space<vmem_shared>> -> memref<128x64xf32, #tpu.memory_space<vmem_shared>>
      tpu.wait_dma2 semaphore(%run_scoped3A : memref<!tpu.dma_semaphore, #tpu.memory_space<semaphore_mem>>) src(%arg12 : memref<128x64xf32, #tpu.memory_space<vmem>>) dst(%dma_wait3A_123 : memref<128x64xf32, #tpu.memory_space<vmem_shared>>)
      tpu.yield
    }) : () -> ()
    %mul3A_19 = arith.constant 640 : i32
    %mul3A_20 = arith.muli %arg1, %mul3A_19 : i32
    %add3A_21 = arith.constant 256 : i32
    %add3A_22 = arith.addi %mul3A_20, %add3A_21 : i32
    "tpu.region"() ({
      %run_scoped3A = tpu.sem_alloc : memref<!tpu.dma_semaphore, #tpu.memory_space<semaphore_mem>>
      %dma_start3A = arith.constant 0 : i32
      %dma_start3A_118 = tpu.memref_slice %arg13[%add3A_22, %dma_start3A] : memref<10240x64xf32, #tpu.memory_space<vmem_shared>> -> memref<128x64xf32, #tpu.memory_space<vmem_shared>>
      %dma_start3A_119 = arith.constant 0 : i32
      %dma_start3A_120 = tpu.memref_slice %arg13[%add3A_22, %dma_start3A_119] : memref<10240x64xf32, #tpu.memory_space<vmem_shared>> -> memref<128x64xf32, #tpu.memory_space<vmem_shared>>
      tpu.enqueue_dma source(%arg12 : memref<128x64xf32, #tpu.memory_space<vmem>>) target(%dma_start3A_120 : memref<128x64xf32, #tpu.memory_space<vmem_shared>>) target_semaphore(%run_scoped3A : memref<!tpu.dma_semaphore, #tpu.memory_space<semaphore_mem>>)
      %dma_wait3A = arith.constant 0 : i32
      %dma_wait3A_121 = tpu.memref_slice %arg13[%add3A_22, %dma_wait3A] : memref<10240x64xf32, #tpu.memory_space<vmem_shared>> -> memref<128x64xf32, #tpu.memory_space<vmem_shared>>
      %dma_wait3A_122 = arith.constant 0 : i32
      %dma_wait3A_123 = tpu.memref_slice %arg13[%add3A_22, %dma_wait3A_122] : memref<10240x64xf32, #tpu.memory_space<vmem_shared>> -> memref<128x64xf32, #tpu.memory_space<vmem_shared>>
      tpu.wait_dma2 semaphore(%run_scoped3A : memref<!tpu.dma_semaphore, #tpu.memory_space<semaphore_mem>>) src(%arg12 : memref<128x64xf32, #tpu.memory_space<vmem>>) dst(%dma_wait3A_123 : memref<128x64xf32, #tpu.memory_space<vmem_shared>>)
      tpu.yield
    }) : () -> ()
    %mul3A_23 = arith.constant 640 : i32
    %mul3A_24 = arith.muli %arg1, %mul3A_23 : i32
    %add3A_25 = arith.constant 384 : i32
    %add3A_26 = arith.addi %mul3A_24, %add3A_25 : i32
    "tpu.region"() ({
      %run_scoped3A = tpu.sem_alloc : memref<!tpu.dma_semaphore, #tpu.memory_space<semaphore_mem>>
      %dma_start3A = arith.constant 0 : i32
      %dma_start3A_118 = tpu.memref_slice %arg13[%add3A_26, %dma_start3A] : memref<10240x64xf32, #tpu.memory_space<vmem_shared>> -> memref<128x64xf32, #tpu.memory_space<vmem_shared>>
      %dma_start3A_119 = arith.constant 0 : i32
      %dma_start3A_120 = tpu.memref_slice %arg13[%add3A_26, %dma_start3A_119] : memref<10240x64xf32, #tpu.memory_space<vmem_shared>> -> memref<128x64xf32, #tpu.memory_space<vmem_shared>>
      tpu.enqueue_dma source(%arg12 : memref<128x64xf32, #tpu.memory_space<vmem>>) target(%dma_start3A_120 : memref<128x64xf32, #tpu.memory_space<vmem_shared>>) target_semaphore(%run_scoped3A : memref<!tpu.dma_semaphore, #tpu.memory_space<semaphore_mem>>)
      %dma_wait3A = arith.constant 0 : i32
      %dma_wait3A_121 = tpu.memref_slice %arg13[%add3A_26, %dma_wait3A] : memref<10240x64xf32, #tpu.memory_space<vmem_shared>> -> memref<128x64xf32, #tpu.memory_space<vmem_shared>>
      %dma_wait3A_122 = arith.constant 0 : i32
      %dma_wait3A_123 = tpu.memref_slice %arg13[%add3A_26, %dma_wait3A_122] : memref<10240x64xf32, #tpu.memory_space<vmem_shared>> -> memref<128x64xf32, #tpu.memory_space<vmem_shared>>
      tpu.wait_dma2 semaphore(%run_scoped3A : memref<!tpu.dma_semaphore, #tpu.memory_space<semaphore_mem>>) src(%arg12 : memref<128x64xf32, #tpu.memory_space<vmem>>) dst(%dma_wait3A_123 : memref<128x64xf32, #tpu.memory_space<vmem_shared>>)
      tpu.yield
    }) : () -> ()
    %mul3A_27 = arith.constant 640 : i32
    %mul3A_28 = arith.muli %arg1, %mul3A_27 : i32
    %add3A_29 = arith.constant 512 : i32
    %add3A_30 = arith.addi %mul3A_28, %add3A_29 : i32
    "tpu.region"() ({
      %run_scoped3A = tpu.sem_alloc : memref<!tpu.dma_semaphore, #tpu.memory_space<semaphore_mem>>
      %dma_start3A = arith.constant 0 : i32
      %dma_start3A_118 = tpu.memref_slice %arg13[%add3A_30, %dma_start3A] : memref<10240x64xf32, #tpu.memory_space<vmem_shared>> -> memref<128x64xf32, #tpu.memory_space<vmem_shared>>
      %dma_start3A_119 = arith.constant 0 : i32
      %dma_start3A_120 = tpu.memref_slice %arg13[%add3A_30, %dma_start3A_119] : memref<10240x64xf32, #tpu.memory_space<vmem_shared>> -> memref<128x64xf32, #tpu.memory_space<vmem_shared>>
      tpu.enqueue_dma source(%arg12 : memref<128x64xf32, #tpu.memory_space<vmem>>) target(%dma_start3A_120 : memref<128x64xf32, #tpu.memory_space<vmem_shared>>) target_semaphore(%run_scoped3A : memref<!tpu.dma_semaphore, #tpu.memory_space<semaphore_mem>>)
      %dma_wait3A = arith.constant 0 : i32
      %dma_wait3A_121 = tpu.memref_slice %arg13[%add3A_30, %dma_wait3A] : memref<10240x64xf32, #tpu.memory_space<vmem_shared>> -> memref<128x64xf32, #tpu.memory_space<vmem_shared>>
      %dma_wait3A_122 = arith.constant 0 : i32
      %dma_wait3A_123 = tpu.memref_slice %arg13[%add3A_30, %dma_wait3A_122] : memref<10240x64xf32, #tpu.memory_space<vmem_shared>> -> memref<128x64xf32, #tpu.memory_space<vmem_shared>>
      tpu.wait_dma2 semaphore(%run_scoped3A : memref<!tpu.dma_semaphore, #tpu.memory_space<semaphore_mem>>) src(%arg12 : memref<128x64xf32, #tpu.memory_space<vmem>>) dst(%dma_wait3A_123 : memref<128x64xf32, #tpu.memory_space<vmem_shared>>)
      tpu.yield
    }) : () -> ()
    %barrier3A = arith.constant 0 : index
    tpu.barrier barrier_id(%barrier3A)
    %scan3A_31 = arith.constant 0 : i32
    %scan3A_32 = arith.constant 0 : i32
    %scan3A_33 = arith.constant 160 : i32
    %scan3A_34 = arith.addi %scan3A_32, %scan3A_33 : i32
    %scan3A_35 = arith.constant 1 : i32
    scf.for %scan3A_118 = %scan3A_32 to %scan3A_34 step %scan3A_35  : i32 {
      "tpu.region"() ({
        %run_scoped3A = tpu.sem_alloc : memref<!tpu.dma_semaphore, #tpu.memory_space<semaphore_mem>>
        %dma_start3A = arith.constant 0 : i32
        %dma_start3A_125 = tpu.memref_slice %arg8[%scan3A_118, %dma_start3A] : memref<160x128xi32, #tpu.memory_space<vmem>> -> memref<1x128xi32, #tpu.memory_space<vmem>>
        %dma_start3A_126 = tpu.memref_squeeze %dma_start3A_125 : memref<1x128xi32, #tpu.memory_space<vmem>> -> memref<128xi32, #tpu.memory_space<vmem>>
        %dma_start3A_127 = arith.constant 0 : i32
        %dma_start3A_128 = arith.constant 0 : i32
        %dma_start3A_129 = tpu.memref_slice %arg2[%dma_start3A_127, %dma_start3A_128] : memref<20480x64xf32, #tpu.memory_space<hbm>> -> memref<20480x64xf32, #tpu.memory_space<hbm>>
        tpu.enqueue_indirect_dma source(%dma_start3A_129 : memref<20480x64xf32, #tpu.memory_space<hbm>>) target(%arg11 : memref<128x64xf32, #tpu.memory_space<vmem>>) offsets(%dma_start3A_126 : memref<128xi32, #tpu.memory_space<vmem>>) semaphore(%run_scoped3A : memref<!tpu.dma_semaphore, #tpu.memory_space<semaphore_mem>>)
        %dma_wait3A = arith.constant 0 : i32
        %dma_wait3A_130 = tpu.memref_slice %arg8[%scan3A_118, %dma_wait3A] : memref<160x128xi32, #tpu.memory_space<vmem>> -> memref<1x128xi32, #tpu.memory_space<vmem>>
        %dma_wait3A_131 = tpu.memref_squeeze %dma_wait3A_130 : memref<1x128xi32, #tpu.memory_space<vmem>> -> memref<128xi32, #tpu.memory_space<vmem>>
        %dma_wait3A_132 = arith.constant 0 : i32
        %dma_wait3A_133 = arith.constant 0 : i32
        %dma_wait3A_134 = tpu.memref_slice %arg2[%dma_wait3A_132, %dma_wait3A_133] : memref<20480x64xf32, #tpu.memory_space<hbm>> -> memref<20480x64xf32, #tpu.memory_space<hbm>>
        tpu.wait_indirect_dma semaphore(%run_scoped3A : memref<!tpu.dma_semaphore, #tpu.memory_space<semaphore_mem>>) src(%dma_wait3A_134 : memref<20480x64xf32, #tpu.memory_space<hbm>>) dst(%arg11 : memref<128x64xf32, #tpu.memory_space<vmem>>)
        tpu.yield
      }) : () -> ()
      %scan3A_119 = arith.constant 0 : i32
      %scan3A_120 = arith.constant 0 : i32
      %scan3A_121 = arith.constant 8 : i32
      %scan3A_122 = arith.addi %scan3A_120, %scan3A_121 : i32
      %scan3A_123 = arith.constant 1 : i32
      scf.for %scan3A_125 = %scan3A_120 to %scan3A_122 step %scan3A_123  : i32 {
        %mul3A_126 = arith.constant 16 : i32
        %mul3A_127 = arith.muli %scan3A_125, %mul3A_126 : i32
        %get3A = arith.index_cast %scan3A_118 : i32 to index
        %get3A_128 = arith.index_cast %mul3A_127 : i32 to index
        %get3A_129 = tpu.vector_load %arg10[%get3A, %get3A_128] {strides = array<i32>} : memref<160x128xf32, #tpu.memory_space<vmem>>, vector<1x16xf32>,
        %get3A_130 = vector.shape_cast %get3A_129 : vector<1x16xf32> to vector<16xf32>
        %slice3A = vector.extract_strided_slice %get3A_130 {offsets = [0], sizes = [1], strides = [1]} : vector<16xf32> to vector<1xf32>
        %squeeze3A = vector.extract %slice3A[0] : f32 from vector<1xf32>
        %broadcast_in_dim3A_131 = vector.broadcast %squeeze3A : f32 to vector<16xf32>
        %mul3A_132 = arith.constant 16 : i32
        %mul3A_133 = arith.muli %scan3A_125, %mul3A_132 : i32
        %add3A_134 = arith.constant 0 : i32
        %add3A_135 = arith.addi %mul3A_133, %add3A_134 : i32
        %get3A_136 = arith.index_cast %add3A_135 : i32 to index
        %get3A_137 = arith.constant 0 : index
        %get3A_138 = tpu.vector_load %arg11[%get3A_136, %get3A_137] {strides = array<i32>} : memref<128x64xf32, #tpu.memory_space<vmem>>, vector<1x16xf32>,
        %get3A_139 = vector.shape_cast %get3A_138 : vector<1x16xf32> to vector<16xf32>
        %mul3A_140 = arith.mulf %get3A_139, %broadcast_in_dim3A_131 : vector<16xf32>
        %swap3A = arith.index_cast %add3A_135 : i32 to index
        %swap3A_141 = arith.constant 0 : index
        %swap3A_142 = tpu.vector_load %arg11[%swap3A, %swap3A_141] {strides = array<i32>} : memref<128x64xf32, #tpu.memory_space<vmem>>, vector<1x16xf32>,
        %swap3A_143 = vector.shape_cast %swap3A_142 : vector<1x16xf32> to vector<16xf32>
        %swap3A_144 = vector.shape_cast %mul3A_140 : vector<16xf32> to vector<1x16xf32>
        tpu.vector_store %arg11[%swap3A, %swap3A_141], %swap3A_144 {strides = array<i32>} : memref<128x64xf32, #tpu.memory_space<vmem>>, vector<1x16xf32>,
        %get3A_145 = arith.index_cast %add3A_135 : i32 to index
        %get3A_146 = arith.constant 16 : index
        %get3A_147 = tpu.vector_load %arg11[%get3A_145, %get3A_146] {strides = array<i32>} : memref<128x64xf32, #tpu.memory_space<vmem>>, vector<1x16xf32>,
        %get3A_148 = vector.shape_cast %get3A_147 : vector<1x16xf32> to vector<16xf32>
        %mul3A_149 = arith.mulf %get3A_148, %broadcast_in_dim3A_131 : vector<16xf32>
        %swap3A_150 = arith.index_cast %add3A_135 : i32 to index
        %swap3A_151 = arith.constant 16 : index
        %swap3A_152 = tpu.vector_load %arg11[%swap3A_150, %swap3A_151] {strides = array<i32>} : memref<128x64xf32, #tpu.memory_space<vmem>>, vector<1x16xf32>,
        %swap3A_153 = vector.shape_cast %swap3A_152 : vector<1x16xf32> to vector<16xf32>
        %swap3A_154 = vector.shape_cast %mul3A_149 : vector<16xf32> to vector<1x16xf32>
        tpu.vector_store %arg11[%swap3A_150, %swap3A_151], %swap3A_154 {strides = array<i32>} : memref<128x64xf32, #tpu.memory_space<vmem>>, vector<1x16xf32>,
        %get3A_155 = arith.index_cast %add3A_135 : i32 to index
        %get3A_156 = arith.constant 32 : index
        %get3A_157 = tpu.vector_load %arg11[%get3A_155, %get3A_156] {strides = array<i32>} : memref<128x64xf32, #tpu.memory_space<vmem>>, vector<1x16xf32>,
        %get3A_158 = vector.shape_cast %get3A_157 : vector<1x16xf32> to vector<16xf32>
        %mul3A_159 = arith.mulf %get3A_158, %broadcast_in_dim3A_131 : vector<16xf32>
        %swap3A_160 = arith.index_cast %add3A_135 : i32 to index
        %swap3A_161 = arith.constant 32 : index
        %swap3A_162 = tpu.vector_load %arg11[%swap3A_160, %swap3A_161] {strides = array<i32>} : memref<128x64xf32, #tpu.memory_space<vmem>>, vector<1x16xf32>,
        %swap3A_163 = vector.shape_cast %swap3A_162 : vector<1x16xf32> to vector<16xf32>
        %swap3A_164 = vector.shape_cast %mul3A_159 : vector<16xf32> to vector<1x16xf32>
        tpu.vector_store %arg11[%swap3A_160, %swap3A_161], %swap3A_164 {strides = array<i32>} : memref<128x64xf32, #tpu.memory_space<vmem>>, vector<1x16xf32>,
        %get3A_165 = arith.index_cast %add3A_135 : i32 to index
        %get3A_166 = arith.constant 48 : index
        %get3A_167 = tpu.vector_load %arg11[%get3A_165, %get3A_166] {strides = array<i32>} : memref<128x64xf32, #tpu.memory_space<vmem>>, vector<1x16xf32>,
        %get3A_168 = vector.shape_cast %get3A_167 : vector<1x16xf32> to vector<16xf32>
        %mul3A_169 = arith.mulf %get3A_168, %broadcast_in_dim3A_131 : vector<16xf32>
        %swap3A_170 = arith.index_cast %add3A_135 : i32 to index
        %swap3A_171 = arith.constant 48 : index
        %swap3A_172 = tpu.vector_load %arg11[%swap3A_170, %swap3A_171] {strides = array<i32>} : memref<128x64xf32, #tpu.memory_space<vmem>>, vector<1x16xf32>,
        %swap3A_173 = vector.shape_cast %swap3A_172 : vector<1x16xf32> to vector<16xf32>
        %swap3A_174 = vector.shape_cast %mul3A_169 : vector<16xf32> to vector<1x16xf32>
        tpu.vector_store %arg11[%swap3A_170, %swap3A_171], %swap3A_174 {strides = array<i32>} : memref<128x64xf32, #tpu.memory_space<vmem>>, vector<1x16xf32>,
        %slice3A_175 = vector.extract_strided_slice %get3A_130 {offsets = [1], sizes = [1], strides = [1]} : vector<16xf32> to vector<1xf32>
        %squeeze3A_176 = vector.extract %slice3A_175[0] : f32 from vector<1xf32>
        %broadcast_in_dim3A_177 = vector.broadcast %squeeze3A_176 : f32 to vector<16xf32>
        %mul3A_178 = arith.constant 16 : i32
        %mul3A_179 = arith.muli %scan3A_125, %mul3A_178 : i32
        %add3A_180 = arith.constant 1 : i32
        %add3A_181 = arith.addi %mul3A_179, %add3A_180 : i32
        %get3A_182 = arith.index_cast %add3A_181 : i32 to index
        %get3A_183 = arith.constant 0 : index
        %get3A_184 = tpu.vector_load %arg11[%get3A_182, %get3A_183] {strides = array<i32>} : memref<128x64xf32, #tpu.memory_space<vmem>>, vector<1x16xf32>,
        %get3A_185 = vector.shape_cast %get3A_184 : vector<1x16xf32> to vector<16xf32>
        %mul3A_186 = arith.mulf %get3A_185, %broadcast_in_dim3A_177 : vector<16xf32>
        %swap3A_187 = arith.index_cast %add3A_181 : i32 to index
        %swap3A_188 = arith.constant 0 : index
        %swap3A_189 = tpu.vector_load %arg11[%swap3A_187, %swap3A_188] {strides = array<i32>} : memref<128x64xf32, #tpu.memory_space<vmem>>, vector<1x16xf32>,
        %swap3A_190 = vector.shape_cast %swap3A_189 : vector<1x16xf32> to vector<16xf32>
        %swap3A_191 = vector.shape_cast %mul3A_186 : vector<16xf32> to vector<1x16xf32>
        tpu.vector_store %arg11[%swap3A_187, %swap3A_188], %swap3A_191 {strides = array<i32>} : memref<128x64xf32, #tpu.memory_space<vmem>>, vector<1x16xf32>,
        %get3A_192 = arith.index_cast %add3A_181 : i32 to index
        %get3A_193 = arith.constant 16 : index
        %get3A_194 = tpu.vector_load %arg11[%get3A_192, %get3A_193] {strides = array<i32>} : memref<128x64xf32, #tpu.memory_space<vmem>>, vector<1x16xf32>,
        %get3A_195 = vector.shape_cast %get3A_194 : vector<1x16xf32> to vector<16xf32>
        %mul3A_196 = arith.mulf %get3A_195, %broadcast_in_dim3A_177 : vector<16xf32>
        %swap3A_197 = arith.index_cast %add3A_181 : i32 to index
        %swap3A_198 = arith.constant 16 : index
        %swap3A_199 = tpu.vector_load %arg11[%swap3A_197, %swap3A_198] {strides = array<i32>} : memref<128x64xf32, #tpu.memory_space<vmem>>, vector<1x16xf32>,
        %swap3A_200 = vector.shape_cast %swap3A_199 : vector<1x16xf32> to vector<16xf32>
        %swap3A_201 = vector.shape_cast %mul3A_196 : vector<16xf32> to vector<1x16xf32>
        tpu.vector_store %arg11[%swap3A_197, %swap3A_198], %swap3A_201 {strides = array<i32>} : memref<128x64xf32, #tpu.memory_space<vmem>>, vector<1x16xf32>,
        %get3A_202 = arith.index_cast %add3A_181 : i32 to index
        %get3A_203 = arith.constant 32 : index
        %get3A_204 = tpu.vector_load %arg11[%get3A_202, %get3A_203] {strides = array<i32>} : memref<128x64xf32, #tpu.memory_space<vmem>>, vector<1x16xf32>,
        %get3A_205 = vector.shape_cast %get3A_204 : vector<1x16xf32> to vector<16xf32>
        %mul3A_206 = arith.mulf %get3A_205, %broadcast_in_dim3A_177 : vector<16xf32>
        %swap3A_207 = arith.index_cast %add3A_181 : i32 to index
        %swap3A_208 = arith.constant 32 : index
        %swap3A_209 = tpu.vector_load %arg11[%swap3A_207, %swap3A_208] {strides = array<i32>} : memref<128x64xf32, #tpu.memory_space<vmem>>, vector<1x16xf32>,
        %swap3A_210 = vector.shape_cast %swap3A_209 : vector<1x16xf32> to vector<16xf32>
        %swap3A_211 = vector.shape_cast %mul3A_206 : vector<16xf32> to vector<1x16xf32>
        tpu.vector_store %arg11[%swap3A_207, %swap3A_208], %swap3A_211 {strides = array<i32>} : memref<128x64xf32, #tpu.memory_space<vmem>>, vector<1x16xf32>,
        %get3A_212 = arith.index_cast %add3A_181 : i32 to index
        %get3A_213 = arith.constant 48 : index
        %get3A_214 = tpu.vector_load %arg11[%get3A_212, %get3A_213] {strides = array<i32>} : memref<128x64xf32, #tpu.memory_space<vmem>>, vector<1x16xf32>,
        %get3A_215 = vector.shape_cast %get3A_214 : vector<1x16xf32> to vector<16xf32>
        %mul3A_216 = arith.mulf %get3A_215, %broadcast_in_dim3A_177 : vector<16xf32>
        %swap3A_217 = arith.index_cast %add3A_181 : i32 to index
        %swap3A_218 = arith.constant 48 : index
        %swap3A_219 = tpu.vector_load %arg11[%swap3A_217, %swap3A_218] {strides = array<i32>} : memref<128x64xf32, #tpu.memory_space<vmem>>, vector<1x16xf32>,
        %swap3A_220 = vector.shape_cast %swap3A_219 : vector<1x16xf32> to vector<16xf32>
        %swap3A_221 = vector.shape_cast %mul3A_216 : vector<16xf32> to vector<1x16xf32>
        tpu.vector_store %arg11[%swap3A_217, %swap3A_218], %swap3A_221 {strides = array<i32>} : memref<128x64xf32, #tpu.memory_space<vmem>>, vector<1x16xf32>,
        %slice3A_222 = vector.extract_strided_slice %get3A_130 {offsets = [2], sizes = [1], strides = [1]} : vector<16xf32> to vector<1xf32>
        %squeeze3A_223 = vector.extract %slice3A_222[0] : f32 from vector<1xf32>
        %broadcast_in_dim3A_224 = vector.broadcast %squeeze3A_223 : f32 to vector<16xf32>
        %mul3A_225 = arith.constant 16 : i32
        %mul3A_226 = arith.muli %scan3A_125, %mul3A_225 : i32
        %add3A_227 = arith.constant 2 : i32
        %add3A_228 = arith.addi %mul3A_226, %add3A_227 : i32
        %get3A_229 = arith.index_cast %add3A_228 : i32 to index
        %get3A_230 = arith.constant 0 : index
        %get3A_231 = tpu.vector_load %arg11[%get3A_229, %get3A_230] {strides = array<i32>} : memref<128x64xf32, #tpu.memory_space<vmem>>, vector<1x16xf32>,
        %get3A_232 = vector.shape_cast %get3A_231 : vector<1x16xf32> to vector<16xf32>
        %mul3A_233 = arith.mulf %get3A_232, %broadcast_in_dim3A_224 : vector<16xf32>
        %swap3A_234 = arith.index_cast %add3A_228 : i32 to index
        %swap3A_235 = arith.constant 0 : index
        %swap3A_236 = tpu.vector_load %arg11[%swap3A_234, %swap3A_235] {strides = array<i32>} : memref<128x64xf32, #tpu.memory_space<vmem>>, vector<1x16xf32>,
        %swap3A_237 = vector.shape_cast %swap3A_236 : vector<1x16xf32> to vector<16xf32>
        %swap3A_238 = vector.shape_cast %mul3A_233 : vector<16xf32> to vector<1x16xf32>
        tpu.vector_store %arg11[%swap3A_234, %swap3A_235], %swap3A_238 {strides = array<i32>} : memref<128x64xf32, #tpu.memory_space<vmem>>, vector<1x16xf32>,
        %get3A_239 = arith.index_cast %add3A_228 : i32 to index
        %get3A_240 = arith.constant 16 : index
        %get3A_241 = tpu.vector_load %arg11[%get3A_239, %get3A_240] {strides = array<i32>} : memref<128x64xf32, #tpu.memory_space<vmem>>, vector<1x16xf32>,
        %get3A_242 = vector.shape_cast %get3A_241 : vector<1x16xf32> to vector<16xf32>
        %mul3A_243 = arith.mulf %get3A_242, %broadcast_in_dim3A_224 : vector<16xf32>
        %swap3A_244 = arith.index_cast %add3A_228 : i32 to index
        %swap3A_245 = arith.constant 16 : index
        %swap3A_246 = tpu.vector_load %arg11[%swap3A_244, %swap3A_245] {strides = array<i32>} : memref<128x64xf32, #tpu.memory_space<vmem>>, vector<1x16xf32>,
        %swap3A_247 = vector.shape_cast %swap3A_246 : vector<1x16xf32> to vector<16xf32>
        %swap3A_248 = vector.shape_cast %mul3A_243 : vector<16xf32> to vector<1x16xf32>
        tpu.vector_store %arg11[%swap3A_244, %swap3A_245], %swap3A_248 {strides = array<i32>} : memref<128x64xf32, #tpu.memory_space<vmem>>, vector<1x16xf32>,
        %get3A_249 = arith.index_cast %add3A_228 : i32 to index
        %get3A_250 = arith.constant 32 : index
        %get3A_251 = tpu.vector_load %arg11[%get3A_249, %get3A_250] {strides = array<i32>} : memref<128x64xf32, #tpu.memory_space<vmem>>, vector<1x16xf32>,
        %get3A_252 = vector.shape_cast %get3A_251 : vector<1x16xf32> to vector<16xf32>
        %mul3A_253 = arith.mulf %get3A_252, %broadcast_in_dim3A_224 : vector<16xf32>
        %swap3A_254 = arith.index_cast %add3A_228 : i32 to index
        %swap3A_255 = arith.constant 32 : index
        %swap3A_256 = tpu.vector_load %arg11[%swap3A_254, %swap3A_255] {strides = array<i32>} : memref<128x64xf32, #tpu.memory_space<vmem>>, vector<1x16xf32>,
        %swap3A_257 = vector.shape_cast %swap3A_256 : vector<1x16xf32> to vector<16xf32>
        %swap3A_258 = vector.shape_cast %mul3A_253 : vector<16xf32> to vector<1x16xf32>
        tpu.vector_store %arg11[%swap3A_254, %swap3A_255], %swap3A_258 {strides = array<i32>} : memref<128x64xf32, #tpu.memory_space<vmem>>, vector<1x16xf32>,
        %get3A_259 = arith.index_cast %add3A_228 : i32 to index
        %get3A_260 = arith.constant 48 : index
        %get3A_261 = tpu.vector_load %arg11[%get3A_259, %get3A_260] {strides = array<i32>} : memref<128x64xf32, #tpu.memory_space<vmem>>, vector<1x16xf32>,
        %get3A_262 = vector.shape_cast %get3A_261 : vector<1x16xf32> to vector<16xf32>
        %mul3A_263 = arith.mulf %get3A_262, %broadcast_in_dim3A_224 : vector<16xf32>
        %swap3A_264 = arith.index_cast %add3A_228 : i32 to index
        %swap3A_265 = arith.constant 48 : index
        %swap3A_266 = tpu.vector_load %arg11[%swap3A_264, %swap3A_265] {strides = array<i32>} : memref<128x64xf32, #tpu.memory_space<vmem>>, vector<1x16xf32>,
        %swap3A_267 = vector.shape_cast %swap3A_266 : vector<1x16xf32> to vector<16xf32>
        %swap3A_268 = vector.shape_cast %mul3A_263 : vector<16xf32> to vector<1x16xf32>
        tpu.vector_store %arg11[%swap3A_264, %swap3A_265], %swap3A_268 {strides = array<i32>} : memref<128x64xf32, #tpu.memory_space<vmem>>, vector<1x16xf32>,
        %slice3A_269 = vector.extract_strided_slice %get3A_130 {offsets = [3], sizes = [1], strides = [1]} : vector<16xf32> to vector<1xf32>
        %squeeze3A_270 = vector.extract %slice3A_269[0] : f32 from vector<1xf32>
        %broadcast_in_dim3A_271 = vector.broadcast %squeeze3A_270 : f32 to vector<16xf32>
        %mul3A_272 = arith.constant 16 : i32
        %mul3A_273 = arith.muli %scan3A_125, %mul3A_272 : i32
        %add3A_274 = arith.constant 3 : i32
        %add3A_275 = arith.addi %mul3A_273, %add3A_274 : i32
        %get3A_276 = arith.index_cast %add3A_275 : i32 to index
        %get3A_277 = arith.constant 0 : index
        %get3A_278 = tpu.vector_load %arg11[%get3A_276, %get3A_277] {strides = array<i32>} : memref<128x64xf32, #tpu.memory_space<vmem>>, vector<1x16xf32>,
        %get3A_279 = vector.shape_cast %get3A_278 : vector<1x16xf32> to vector<16xf32>
        %mul3A_280 = arith.mulf %get3A_279, %broadcast_in_dim3A_271 : vector<16xf32>
        %swap3A_281 = arith.index_cast %add3A_275 : i32 to index
        %swap3A_282 = arith.constant 0 : index
        %swap3A_283 = tpu.vector_load %arg11[%swap3A_281, %swap3A_282] {strides = array<i32>} : memref<128x64xf32, #tpu.memory_space<vmem>>, vector<1x16xf32>,
        %swap3A_284 = vector.shape_cast %swap3A_283 : vector<1x16xf32> to vector<16xf32>
        %swap3A_285 = vector.shape_cast %mul3A_280 : vector<16xf32> to vector<1x16xf32>
        tpu.vector_store %arg11[%swap3A_281, %swap3A_282], %swap3A_285 {strides = array<i32>} : memref<128x64xf32, #tpu.memory_space<vmem>>, vector<1x16xf32>,
        %get3A_286 = arith.index_cast %add3A_275 : i32 to index
        %get3A_287 = arith.constant 16 : index
        %get3A_288 = tpu.vector_load %arg11[%get3A_286, %get3A_287] {strides = array<i32>} : memref<128x64xf32, #tpu.memory_space<vmem>>, vector<1x16xf32>,
        %get3A_289 = vector.shape_cast %get3A_288 : vector<1x16xf32> to vector<16xf32>
        %mul3A_290 = arith.mulf %get3A_289, %broadcast_in_dim3A_271 : vector<16xf32>
        %swap3A_291 = arith.index_cast %add3A_275 : i32 to index
        %swap3A_292 = arith.constant 16 : index
        %swap3A_293 = tpu.vector_load %arg11[%swap3A_291, %swap3A_292] {strides = array<i32>} : memref<128x64xf32, #tpu.memory_space<vmem>>, vector<1x16xf32>,
        %swap3A_294 = vector.shape_cast %swap3A_293 : vector<1x16xf32> to vector<16xf32>
        %swap3A_295 = vector.shape_cast %mul3A_290 : vector<16xf32> to vector<1x16xf32>
        tpu.vector_store %arg11[%swap3A_291, %swap3A_292], %swap3A_295 {strides = array<i32>} : memref<128x64xf32, #tpu.memory_space<vmem>>, vector<1x16xf32>,
        %get3A_296 = arith.index_cast %add3A_275 : i32 to index
        %get3A_297 = arith.constant 32 : index
        %get3A_298 = tpu.vector_load %arg11[%get3A_296, %get3A_297] {strides = array<i32>} : memref<128x64xf32, #tpu.memory_space<vmem>>, vector<1x16xf32>,
        %get3A_299 = vector.shape_cast %get3A_298 : vector<1x16xf32> to vector<16xf32>
        %mul3A_300 = arith.mulf %get3A_299, %broadcast_in_dim3A_271 : vector<16xf32>
        %swap3A_301 = arith.index_cast %add3A_275 : i32 to index
        %swap3A_302 = arith.constant 32 : index
        %swap3A_303 = tpu.vector_load %arg11[%swap3A_301, %swap3A_302] {strides = array<i32>} : memref<128x64xf32, #tpu.memory_space<vmem>>, vector<1x16xf32>,
        %swap3A_304 = vector.shape_cast %swap3A_303 : vector<1x16xf32> to vector<16xf32>
        %swap3A_305 = vector.shape_cast %mul3A_300 : vector<16xf32> to vector<1x16xf32>
        tpu.vector_store %arg11[%swap3A_301, %swap3A_302], %swap3A_305 {strides = array<i32>} : memref<128x64xf32, #tpu.memory_space<vmem>>, vector<1x16xf32>,
        %get3A_306 = arith.index_cast %add3A_275 : i32 to index
        %get3A_307 = arith.constant 48 : index
        %get3A_308 = tpu.vector_load %arg11[%get3A_306, %get3A_307] {strides = array<i32>} : memref<128x64xf32, #tpu.memory_space<vmem>>, vector<1x16xf32>,
        %get3A_309 = vector.shape_cast %get3A_308 : vector<1x16xf32> to vector<16xf32>
        %mul3A_310 = arith.mulf %get3A_309, %broadcast_in_dim3A_271 : vector<16xf32>
        %swap3A_311 = arith.index_cast %add3A_275 : i32 to index
        %swap3A_312 = arith.constant 48 : index
        %swap3A_313 = tpu.vector_load %arg11[%swap3A_311, %swap3A_312] {strides = array<i32>} : memref<128x64xf32, #tpu.memory_space<vmem>>, vector<1x16xf32>,
        %swap3A_314 = vector.shape_cast %swap3A_313 : vector<1x16xf32> to vector<16xf32>
        %swap3A_315 = vector.shape_cast %mul3A_310 : vector<16xf32> to vector<1x16xf32>
        tpu.vector_store %arg11[%swap3A_311, %swap3A_312], %swap3A_315 {strides = array<i32>} : memref<128x64xf32, #tpu.memory_space<vmem>>, vector<1x16xf32>,
        %slice3A_316 = vector.extract_strided_slice %get3A_130 {offsets = [4], sizes = [1], strides = [1]} : vector<16xf32> to vector<1xf32>
        %squeeze3A_317 = vector.extract %slice3A_316[0] : f32 from vector<1xf32>
        %broadcast_in_dim3A_318 = vector.broadcast %squeeze3A_317 : f32 to vector<16xf32>
        %mul3A_319 = arith.constant 16 : i32
        %mul3A_320 = arith.muli %scan3A_125, %mul3A_319 : i32
        %add3A_321 = arith.constant 4 : i32
        %add3A_322 = arith.addi %mul3A_320, %add3A_321 : i32
        %get3A_323 = arith.index_cast %add3A_322 : i32 to index
        %get3A_324 = arith.constant 0 : index
        %get3A_325 = tpu.vector_load %arg11[%get3A_323, %get3A_324] {strides = array<i32>} : memref<128x64xf32, #tpu.memory_space<vmem>>, vector<1x16xf32>,
        %get3A_326 = vector.shape_cast %get3A_325 : vector<1x16xf32> to vector<16xf32>
        %mul3A_327 = arith.mulf %get3A_326, %broadcast_in_dim3A_318 : vector<16xf32>
        %swap3A_328 = arith.index_cast %add3A_322 : i32 to index
        %swap3A_329 = arith.constant 0 : index
        %swap3A_330 = tpu.vector_load %arg11[%swap3A_328, %swap3A_329] {strides = array<i32>} : memref<128x64xf32, #tpu.memory_space<vmem>>, vector<1x16xf32>,
        %swap3A_331 = vector.shape_cast %swap3A_330 : vector<1x16xf32> to vector<16xf32>
        %swap3A_332 = vector.shape_cast %mul3A_327 : vector<16xf32> to vector<1x16xf32>
        tpu.vector_store %arg11[%swap3A_328, %swap3A_329], %swap3A_332 {strides = array<i32>} : memref<128x64xf32, #tpu.memory_space<vmem>>, vector<1x16xf32>,
        %get3A_333 = arith.index_cast %add3A_322 : i32 to index
        %get3A_334 = arith.constant 16 : index
        %get3A_335 = tpu.vector_load %arg11[%get3A_333, %get3A_334] {strides = array<i32>} : memref<128x64xf32, #tpu.memory_space<vmem>>, vector<1x16xf32>,
        %get3A_336 = vector.shape_cast %get3A_335 : vector<1x16xf32> to vector<16xf32>
        %mul3A_337 = arith.mulf %get3A_336, %broadcast_in_dim3A_318 : vector<16xf32>
        %swap3A_338 = arith.index_cast %add3A_322 : i32 to index
        %swap3A_339 = arith.constant 16 : index
        %swap3A_340 = tpu.vector_load %arg11[%swap3A_338, %swap3A_339] {strides = array<i32>} : memref<128x64xf32, #tpu.memory_space<vmem>>, vector<1x16xf32>,
        %swap3A_341 = vector.shape_cast %swap3A_340 : vector<1x16xf32> to vector<16xf32>
        %swap3A_342 = vector.shape_cast %mul3A_337 : vector<16xf32> to vector<1x16xf32>
        tpu.vector_store %arg11[%swap3A_338, %swap3A_339], %swap3A_342 {strides = array<i32>} : memref<128x64xf32, #tpu.memory_space<vmem>>, vector<1x16xf32>,
        %get3A_343 = arith.index_cast %add3A_322 : i32 to index
        %get3A_344 = arith.constant 32 : index
        %get3A_345 = tpu.vector_load %arg11[%get3A_343, %get3A_344] {strides = array<i32>} : memref<128x64xf32, #tpu.memory_space<vmem>>, vector<1x16xf32>,
        %get3A_346 = vector.shape_cast %get3A_345 : vector<1x16xf32> to vector<16xf32>
        %mul3A_347 = arith.mulf %get3A_346, %broadcast_in_dim3A_318 : vector<16xf32>
        %swap3A_348 = arith.index_cast %add3A_322 : i32 to index
        %swap3A_349 = arith.constant 32 : index
        %swap3A_350 = tpu.vector_load %arg11[%swap3A_348, %swap3A_349] {strides = array<i32>} : memref<128x64xf32, #tpu.memory_space<vmem>>, vector<1x16xf32>,
        %swap3A_351 = vector.shape_cast %swap3A_350 : vector<1x16xf32> to vector<16xf32>
        %swap3A_352 = vector.shape_cast %mul3A_347 : vector<16xf32> to vector<1x16xf32>
        tpu.vector_store %arg11[%swap3A_348, %swap3A_349], %swap3A_352 {strides = array<i32>} : memref<128x64xf32, #tpu.memory_space<vmem>>, vector<1x16xf32>,
        %get3A_353 = arith.index_cast %add3A_322 : i32 to index
        %get3A_354 = arith.constant 48 : index
        %get3A_355 = tpu.vector_load %arg11[%get3A_353, %get3A_354] {strides = array<i32>} : memref<128x64xf32, #tpu.memory_space<vmem>>, vector<1x16xf32>,
        %get3A_356 = vector.shape_cast %get3A_355 : vector<1x16xf32> to vector<16xf32>
        %mul3A_357 = arith.mulf %get3A_356, %broadcast_in_dim3A_318 : vector<16xf32>
        %swap3A_358 = arith.index_cast %add3A_322 : i32 to index
        %swap3A_359 = arith.constant 48 : index
        %swap3A_360 = tpu.vector_load %arg11[%swap3A_358, %swap3A_359] {strides = array<i32>} : memref<128x64xf32, #tpu.memory_space<vmem>>, vector<1x16xf32>,
        %swap3A_361 = vector.shape_cast %swap3A_360 : vector<1x16xf32> to vector<16xf32>
        %swap3A_362 = vector.shape_cast %mul3A_357 : vector<16xf32> to vector<1x16xf32>
        tpu.vector_store %arg11[%swap3A_358, %swap3A_359], %swap3A_362 {strides = array<i32>} : memref<128x64xf32, #tpu.memory_space<vmem>>, vector<1x16xf32>,
        %slice3A_363 = vector.extract_strided_slice %get3A_130 {offsets = [5], sizes = [1], strides = [1]} : vector<16xf32> to vector<1xf32>
        %squeeze3A_364 = vector.extract %slice3A_363[0] : f32 from vector<1xf32>
        %broadcast_in_dim3A_365 = vector.broadcast %squeeze3A_364 : f32 to vector<16xf32>
        %mul3A_366 = arith.constant 16 : i32
        %mul3A_367 = arith.muli %scan3A_125, %mul3A_366 : i32
        %add3A_368 = arith.constant 5 : i32
        %add3A_369 = arith.addi %mul3A_367, %add3A_368 : i32
        %get3A_370 = arith.index_cast %add3A_369 : i32 to index
        %get3A_371 = arith.constant 0 : index
        %get3A_372 = tpu.vector_load %arg11[%get3A_370, %get3A_371] {strides = array<i32>} : memref<128x64xf32, #tpu.memory_space<vmem>>, vector<1x16xf32>,
        %get3A_373 = vector.shape_cast %get3A_372 : vector<1x16xf32> to vector<16xf32>
        %mul3A_374 = arith.mulf %get3A_373, %broadcast_in_dim3A_365 : vector<16xf32>
        %swap3A_375 = arith.index_cast %add3A_369 : i32 to index
        %swap3A_376 = arith.constant 0 : index
        %swap3A_377 = tpu.vector_load %arg11[%swap3A_375, %swap3A_376] {strides = array<i32>} : memref<128x64xf32, #tpu.memory_space<vmem>>, vector<1x16xf32>,
        %swap3A_378 = vector.shape_cast %swap3A_377 : vector<1x16xf32> to vector<16xf32>
        %swap3A_379 = vector.shape_cast %mul3A_374 : vector<16xf32> to vector<1x16xf32>
        tpu.vector_store %arg11[%swap3A_375, %swap3A_376], %swap3A_379 {strides = array<i32>} : memref<128x64xf32, #tpu.memory_space<vmem>>, vector<1x16xf32>,
        %get3A_380 = arith.index_cast %add3A_369 : i32 to index
        %get3A_381 = arith.constant 16 : index
        %get3A_382 = tpu.vector_load %arg11[%get3A_380, %get3A_381] {strides = array<i32>} : memref<128x64xf32, #tpu.memory_space<vmem>>, vector<1x16xf32>,
        %get3A_383 = vector.shape_cast %get3A_382 : vector<1x16xf32> to vector<16xf32>
        %mul3A_384 = arith.mulf %get3A_383, %broadcast_in_dim3A_365 : vector<16xf32>
        %swap3A_385 = arith.index_cast %add3A_369 : i32 to index
        %swap3A_386 = arith.constant 16 : index
        %swap3A_387 = tpu.vector_load %arg11[%swap3A_385, %swap3A_386] {strides = array<i32>} : memref<128x64xf32, #tpu.memory_space<vmem>>, vector<1x16xf32>,
        %swap3A_388 = vector.shape_cast %swap3A_387 : vector<1x16xf32> to vector<16xf32>
        %swap3A_389 = vector.shape_cast %mul3A_384 : vector<16xf32> to vector<1x16xf32>
        tpu.vector_store %arg11[%swap3A_385, %swap3A_386], %swap3A_389 {strides = array<i32>} : memref<128x64xf32, #tpu.memory_space<vmem>>, vector<1x16xf32>,
        %get3A_390 = arith.index_cast %add3A_369 : i32 to index
        %get3A_391 = arith.constant 32 : index
        %get3A_392 = tpu.vector_load %arg11[%get3A_390, %get3A_391] {strides = array<i32>} : memref<128x64xf32, #tpu.memory_space<vmem>>, vector<1x16xf32>,
        %get3A_393 = vector.shape_cast %get3A_392 : vector<1x16xf32> to vector<16xf32>
        %mul3A_394 = arith.mulf %get3A_393, %broadcast_in_dim3A_365 : vector<16xf32>
        %swap3A_395 = arith.index_cast %add3A_369 : i32 to index
        %swap3A_396 = arith.constant 32 : index
        %swap3A_397 = tpu.vector_load %arg11[%swap3A_395, %swap3A_396] {strides = array<i32>} : memref<128x64xf32, #tpu.memory_space<vmem>>, vector<1x16xf32>,
        %swap3A_398 = vector.shape_cast %swap3A_397 : vector<1x16xf32> to vector<16xf32>
        %swap3A_399 = vector.shape_cast %mul3A_394 : vector<16xf32> to vector<1x16xf32>
        tpu.vector_store %arg11[%swap3A_395, %swap3A_396], %swap3A_399 {strides = array<i32>} : memref<128x64xf32, #tpu.memory_space<vmem>>, vector<1x16xf32>,
        %get3A_400 = arith.index_cast %add3A_369 : i32 to index
        %get3A_401 = arith.constant 48 : index
        %get3A_402 = tpu.vector_load %arg11[%get3A_400, %get3A_401] {strides = array<i32>} : memref<128x64xf32, #tpu.memory_space<vmem>>, vector<1x16xf32>,
        %get3A_403 = vector.shape_cast %get3A_402 : vector<1x16xf32> to vector<16xf32>
        %mul3A_404 = arith.mulf %get3A_403, %broadcast_in_dim3A_365 : vector<16xf32>
        %swap3A_405 = arith.index_cast %add3A_369 : i32 to index
        %swap3A_406 = arith.constant 48 : index
        %swap3A_407 = tpu.vector_load %arg11[%swap3A_405, %swap3A_406] {strides = array<i32>} : memref<128x64xf32, #tpu.memory_space<vmem>>, vector<1x16xf32>,
        %swap3A_408 = vector.shape_cast %swap3A_407 : vector<1x16xf32> to vector<16xf32>
        %swap3A_409 = vector.shape_cast %mul3A_404 : vector<16xf32> to vector<1x16xf32>
        tpu.vector_store %arg11[%swap3A_405, %swap3A_406], %swap3A_409 {strides = array<i32>} : memref<128x64xf32, #tpu.memory_space<vmem>>, vector<1x16xf32>,
        %slice3A_410 = vector.extract_strided_slice %get3A_130 {offsets = [6], sizes = [1], strides = [1]} : vector<16xf32> to vector<1xf32>
        %squeeze3A_411 = vector.extract %slice3A_410[0] : f32 from vector<1xf32>
        %broadcast_in_dim3A_412 = vector.broadcast %squeeze3A_411 : f32 to vector<16xf32>
        %mul3A_413 = arith.constant 16 : i32
        %mul3A_414 = arith.muli %scan3A_125, %mul3A_413 : i32
        %add3A_415 = arith.constant 6 : i32
        %add3A_416 = arith.addi %mul3A_414, %add3A_415 : i32
        %get3A_417 = arith.index_cast %add3A_416 : i32 to index
        %get3A_418 = arith.constant 0 : index
        %get3A_419 = tpu.vector_load %arg11[%get3A_417, %get3A_418] {strides = array<i32>} : memref<128x64xf32, #tpu.memory_space<vmem>>, vector<1x16xf32>,
        %get3A_420 = vector.shape_cast %get3A_419 : vector<1x16xf32> to vector<16xf32>
        %mul3A_421 = arith.mulf %get3A_420, %broadcast_in_dim3A_412 : vector<16xf32>
        %swap3A_422 = arith.index_cast %add3A_416 : i32 to index
        %swap3A_423 = arith.constant 0 : index
        %swap3A_424 = tpu.vector_load %arg11[%swap3A_422, %swap3A_423] {strides = array<i32>} : memref<128x64xf32, #tpu.memory_space<vmem>>, vector<1x16xf32>,
        %swap3A_425 = vector.shape_cast %swap3A_424 : vector<1x16xf32> to vector<16xf32>
        %swap3A_426 = vector.shape_cast %mul3A_421 : vector<16xf32> to vector<1x16xf32>
        tpu.vector_store %arg11[%swap3A_422, %swap3A_423], %swap3A_426 {strides = array<i32>} : memref<128x64xf32, #tpu.memory_space<vmem>>, vector<1x16xf32>,
        %get3A_427 = arith.index_cast %add3A_416 : i32 to index
        %get3A_428 = arith.constant 16 : index
        %get3A_429 = tpu.vector_load %arg11[%get3A_427, %get3A_428] {strides = array<i32>} : memref<128x64xf32, #tpu.memory_space<vmem>>, vector<1x16xf32>,
        %get3A_430 = vector.shape_cast %get3A_429 : vector<1x16xf32> to vector<16xf32>
        %mul3A_431 = arith.mulf %get3A_430, %broadcast_in_dim3A_412 : vector<16xf32>
        %swap3A_432 = arith.index_cast %add3A_416 : i32 to index
        %swap3A_433 = arith.constant 16 : index
        %swap3A_434 = tpu.vector_load %arg11[%swap3A_432, %swap3A_433] {strides = array<i32>} : memref<128x64xf32, #tpu.memory_space<vmem>>, vector<1x16xf32>,
        %swap3A_435 = vector.shape_cast %swap3A_434 : vector<1x16xf32> to vector<16xf32>
        %swap3A_436 = vector.shape_cast %mul3A_431 : vector<16xf32> to vector<1x16xf32>
        tpu.vector_store %arg11[%swap3A_432, %swap3A_433], %swap3A_436 {strides = array<i32>} : memref<128x64xf32, #tpu.memory_space<vmem>>, vector<1x16xf32>,
        %get3A_437 = arith.index_cast %add3A_416 : i32 to index
        %get3A_438 = arith.constant 32 : index
        %get3A_439 = tpu.vector_load %arg11[%get3A_437, %get3A_438] {strides = array<i32>} : memref<128x64xf32, #tpu.memory_space<vmem>>, vector<1x16xf32>,
        %get3A_440 = vector.shape_cast %get3A_439 : vector<1x16xf32> to vector<16xf32>
        %mul3A_441 = arith.mulf %get3A_440, %broadcast_in_dim3A_412 : vector<16xf32>
        %swap3A_442 = arith.index_cast %add3A_416 : i32 to index
        %swap3A_443 = arith.constant 32 : index
        %swap3A_444 = tpu.vector_load %arg11[%swap3A_442, %swap3A_443] {strides = array<i32>} : memref<128x64xf32, #tpu.memory_space<vmem>>, vector<1x16xf32>,
        %swap3A_445 = vector.shape_cast %swap3A_444 : vector<1x16xf32> to vector<16xf32>
        %swap3A_446 = vector.shape_cast %mul3A_441 : vector<16xf32> to vector<1x16xf32>
        tpu.vector_store %arg11[%swap3A_442, %swap3A_443], %swap3A_446 {strides = array<i32>} : memref<128x64xf32, #tpu.memory_space<vmem>>, vector<1x16xf32>,
        %get3A_447 = arith.index_cast %add3A_416 : i32 to index
        %get3A_448 = arith.constant 48 : index
        %get3A_449 = tpu.vector_load %arg11[%get3A_447, %get3A_448] {strides = array<i32>} : memref<128x64xf32, #tpu.memory_space<vmem>>, vector<1x16xf32>,
        %get3A_450 = vector.shape_cast %get3A_449 : vector<1x16xf32> to vector<16xf32>
        %mul3A_451 = arith.mulf %get3A_450, %broadcast_in_dim3A_412 : vector<16xf32>
        %swap3A_452 = arith.index_cast %add3A_416 : i32 to index
        %swap3A_453 = arith.constant 48 : index
        %swap3A_454 = tpu.vector_load %arg11[%swap3A_452, %swap3A_453] {strides = array<i32>} : memref<128x64xf32, #tpu.memory_space<vmem>>, vector<1x16xf32>,
        %swap3A_455 = vector.shape_cast %swap3A_454 : vector<1x16xf32> to vector<16xf32>
        %swap3A_456 = vector.shape_cast %mul3A_451 : vector<16xf32> to vector<1x16xf32>
        tpu.vector_store %arg11[%swap3A_452, %swap3A_453], %swap3A_456 {strides = array<i32>} : memref<128x64xf32, #tpu.memory_space<vmem>>, vector<1x16xf32>,
        %slice3A_457 = vector.extract_strided_slice %get3A_130 {offsets = [7], sizes = [1], strides = [1]} : vector<16xf32> to vector<1xf32>
        %squeeze3A_458 = vector.extract %slice3A_457[0] : f32 from vector<1xf32>
        %broadcast_in_dim3A_459 = vector.broadcast %squeeze3A_458 : f32 to vector<16xf32>
        %mul3A_460 = arith.constant 16 : i32
        %mul3A_461 = arith.muli %scan3A_125, %mul3A_460 : i32
        %add3A_462 = arith.constant 7 : i32
        %add3A_463 = arith.addi %mul3A_461, %add3A_462 : i32
        %get3A_464 = arith.index_cast %add3A_463 : i32 to index
        %get3A_465 = arith.constant 0 : index
        %get3A_466 = tpu.vector_load %arg11[%get3A_464, %get3A_465] {strides = array<i32>} : memref<128x64xf32, #tpu.memory_space<vmem>>, vector<1x16xf32>,
        %get3A_467 = vector.shape_cast %get3A_466 : vector<1x16xf32> to vector<16xf32>
        %mul3A_468 = arith.mulf %get3A_467, %broadcast_in_dim3A_459 : vector<16xf32>
        %swap3A_469 = arith.index_cast %add3A_463 : i32 to index
        %swap3A_470 = arith.constant 0 : index
        %swap3A_471 = tpu.vector_load %arg11[%swap3A_469, %swap3A_470] {strides = array<i32>} : memref<128x64xf32, #tpu.memory_space<vmem>>, vector<1x16xf32>,
        %swap3A_472 = vector.shape_cast %swap3A_471 : vector<1x16xf32> to vector<16xf32>
        %swap3A_473 = vector.shape_cast %mul3A_468 : vector<16xf32> to vector<1x16xf32>
        tpu.vector_store %arg11[%swap3A_469, %swap3A_470], %swap3A_473 {strides = array<i32>} : memref<128x64xf32, #tpu.memory_space<vmem>>, vector<1x16xf32>,
        %get3A_474 = arith.index_cast %add3A_463 : i32 to index
        %get3A_475 = arith.constant 16 : index
        %get3A_476 = tpu.vector_load %arg11[%get3A_474, %get3A_475] {strides = array<i32>} : memref<128x64xf32, #tpu.memory_space<vmem>>, vector<1x16xf32>,
        %get3A_477 = vector.shape_cast %get3A_476 : vector<1x16xf32> to vector<16xf32>
        %mul3A_478 = arith.mulf %get3A_477, %broadcast_in_dim3A_459 : vector<16xf32>
        %swap3A_479 = arith.index_cast %add3A_463 : i32 to index
        %swap3A_480 = arith.constant 16 : index
        %swap3A_481 = tpu.vector_load %arg11[%swap3A_479, %swap3A_480] {strides = array<i32>} : memref<128x64xf32, #tpu.memory_space<vmem>>, vector<1x16xf32>,
        %swap3A_482 = vector.shape_cast %swap3A_481 : vector<1x16xf32> to vector<16xf32>
        %swap3A_483 = vector.shape_cast %mul3A_478 : vector<16xf32> to vector<1x16xf32>
        tpu.vector_store %arg11[%swap3A_479, %swap3A_480], %swap3A_483 {strides = array<i32>} : memref<128x64xf32, #tpu.memory_space<vmem>>, vector<1x16xf32>,
        %get3A_484 = arith.index_cast %add3A_463 : i32 to index
        %get3A_485 = arith.constant 32 : index
        %get3A_486 = tpu.vector_load %arg11[%get3A_484, %get3A_485] {strides = array<i32>} : memref<128x64xf32, #tpu.memory_space<vmem>>, vector<1x16xf32>,
        %get3A_487 = vector.shape_cast %get3A_486 : vector<1x16xf32> to vector<16xf32>
        %mul3A_488 = arith.mulf %get3A_487, %broadcast_in_dim3A_459 : vector<16xf32>
        %swap3A_489 = arith.index_cast %add3A_463 : i32 to index
        %swap3A_490 = arith.constant 32 : index
        %swap3A_491 = tpu.vector_load %arg11[%swap3A_489, %swap3A_490] {strides = array<i32>} : memref<128x64xf32, #tpu.memory_space<vmem>>, vector<1x16xf32>,
        %swap3A_492 = vector.shape_cast %swap3A_491 : vector<1x16xf32> to vector<16xf32>
        %swap3A_493 = vector.shape_cast %mul3A_488 : vector<16xf32> to vector<1x16xf32>
        tpu.vector_store %arg11[%swap3A_489, %swap3A_490], %swap3A_493 {strides = array<i32>} : memref<128x64xf32, #tpu.memory_space<vmem>>, vector<1x16xf32>,
        %get3A_494 = arith.index_cast %add3A_463 : i32 to index
        %get3A_495 = arith.constant 48 : index
        %get3A_496 = tpu.vector_load %arg11[%get3A_494, %get3A_495] {strides = array<i32>} : memref<128x64xf32, #tpu.memory_space<vmem>>, vector<1x16xf32>,
        %get3A_497 = vector.shape_cast %get3A_496 : vector<1x16xf32> to vector<16xf32>
        %mul3A_498 = arith.mulf %get3A_497, %broadcast_in_dim3A_459 : vector<16xf32>
        %swap3A_499 = arith.index_cast %add3A_463 : i32 to index
        %swap3A_500 = arith.constant 48 : index
        %swap3A_501 = tpu.vector_load %arg11[%swap3A_499, %swap3A_500] {strides = array<i32>} : memref<128x64xf32, #tpu.memory_space<vmem>>, vector<1x16xf32>,
        %swap3A_502 = vector.shape_cast %swap3A_501 : vector<1x16xf32> to vector<16xf32>
        %swap3A_503 = vector.shape_cast %mul3A_498 : vector<16xf32> to vector<1x16xf32>
        tpu.vector_store %arg11[%swap3A_499, %swap3A_500], %swap3A_503 {strides = array<i32>} : memref<128x64xf32, #tpu.memory_space<vmem>>, vector<1x16xf32>,
        %slice3A_504 = vector.extract_strided_slice %get3A_130 {offsets = [8], sizes = [1], strides = [1]} : vector<16xf32> to vector<1xf32>
        %squeeze3A_505 = vector.extract %slice3A_504[0] : f32 from vector<1xf32>
        %broadcast_in_dim3A_506 = vector.broadcast %squeeze3A_505 : f32 to vector<16xf32>
        %mul3A_507 = arith.constant 16 : i32
        %mul3A_508 = arith.muli %scan3A_125, %mul3A_507 : i32
        %add3A_509 = arith.constant 8 : i32
        %add3A_510 = arith.addi %mul3A_508, %add3A_509 : i32
        %get3A_511 = arith.index_cast %add3A_510 : i32 to index
        %get3A_512 = arith.constant 0 : index
        %get3A_513 = tpu.vector_load %arg11[%get3A_511, %get3A_512] {strides = array<i32>} : memref<128x64xf32, #tpu.memory_space<vmem>>, vector<1x16xf32>,
        %get3A_514 = vector.shape_cast %get3A_513 : vector<1x16xf32> to vector<16xf32>
        %mul3A_515 = arith.mulf %get3A_514, %broadcast_in_dim3A_506 : vector<16xf32>
        %swap3A_516 = arith.index_cast %add3A_510 : i32 to index
        %swap3A_517 = arith.constant 0 : index
        %swap3A_518 = tpu.vector_load %arg11[%swap3A_516, %swap3A_517] {strides = array<i32>} : memref<128x64xf32, #tpu.memory_space<vmem>>, vector<1x16xf32>,
        %swap3A_519 = vector.shape_cast %swap3A_518 : vector<1x16xf32> to vector<16xf32>
        %swap3A_520 = vector.shape_cast %mul3A_515 : vector<16xf32> to vector<1x16xf32>
        tpu.vector_store %arg11[%swap3A_516, %swap3A_517], %swap3A_520 {strides = array<i32>} : memref<128x64xf32, #tpu.memory_space<vmem>>, vector<1x16xf32>,
        %get3A_521 = arith.index_cast %add3A_510 : i32 to index
        %get3A_522 = arith.constant 16 : index
        %get3A_523 = tpu.vector_load %arg11[%get3A_521, %get3A_522] {strides = array<i32>} : memref<128x64xf32, #tpu.memory_space<vmem>>, vector<1x16xf32>,
        %get3A_524 = vector.shape_cast %get3A_523 : vector<1x16xf32> to vector<16xf32>
        %mul3A_525 = arith.mulf %get3A_524, %broadcast_in_dim3A_506 : vector<16xf32>
        %swap3A_526 = arith.index_cast %add3A_510 : i32 to index
        %swap3A_527 = arith.constant 16 : index
        %swap3A_528 = tpu.vector_load %arg11[%swap3A_526, %swap3A_527] {strides = array<i32>} : memref<128x64xf32, #tpu.memory_space<vmem>>, vector<1x16xf32>,
        %swap3A_529 = vector.shape_cast %swap3A_528 : vector<1x16xf32> to vector<16xf32>
        %swap3A_530 = vector.shape_cast %mul3A_525 : vector<16xf32> to vector<1x16xf32>
        tpu.vector_store %arg11[%swap3A_526, %swap3A_527], %swap3A_530 {strides = array<i32>} : memref<128x64xf32, #tpu.memory_space<vmem>>, vector<1x16xf32>,
        %get3A_531 = arith.index_cast %add3A_510 : i32 to index
        %get3A_532 = arith.constant 32 : index
        %get3A_533 = tpu.vector_load %arg11[%get3A_531, %get3A_532] {strides = array<i32>} : memref<128x64xf32, #tpu.memory_space<vmem>>, vector<1x16xf32>,
        %get3A_534 = vector.shape_cast %get3A_533 : vector<1x16xf32> to vector<16xf32>
        %mul3A_535 = arith.mulf %get3A_534, %broadcast_in_dim3A_506 : vector<16xf32>
        %swap3A_536 = arith.index_cast %add3A_510 : i32 to index
        %swap3A_537 = arith.constant 32 : index
        %swap3A_538 = tpu.vector_load %arg11[%swap3A_536, %swap3A_537] {strides = array<i32>} : memref<128x64xf32, #tpu.memory_space<vmem>>, vector<1x16xf32>,
        %swap3A_539 = vector.shape_cast %swap3A_538 : vector<1x16xf32> to vector<16xf32>
        %swap3A_540 = vector.shape_cast %mul3A_535 : vector<16xf32> to vector<1x16xf32>
        tpu.vector_store %arg11[%swap3A_536, %swap3A_537], %swap3A_540 {strides = array<i32>} : memref<128x64xf32, #tpu.memory_space<vmem>>, vector<1x16xf32>,
        %get3A_541 = arith.index_cast %add3A_510 : i32 to index
        %get3A_542 = arith.constant 48 : index
        %get3A_543 = tpu.vector_load %arg11[%get3A_541, %get3A_542] {strides = array<i32>} : memref<128x64xf32, #tpu.memory_space<vmem>>, vector<1x16xf32>,
        %get3A_544 = vector.shape_cast %get3A_543 : vector<1x16xf32> to vector<16xf32>
        %mul3A_545 = arith.mulf %get3A_544, %broadcast_in_dim3A_506 : vector<16xf32>
        %swap3A_546 = arith.index_cast %add3A_510 : i32 to index
        %swap3A_547 = arith.constant 48 : index
        %swap3A_548 = tpu.vector_load %arg11[%swap3A_546, %swap3A_547] {strides = array<i32>} : memref<128x64xf32, #tpu.memory_space<vmem>>, vector<1x16xf32>,
        %swap3A_549 = vector.shape_cast %swap3A_548 : vector<1x16xf32> to vector<16xf32>
        %swap3A_550 = vector.shape_cast %mul3A_545 : vector<16xf32> to vector<1x16xf32>
        tpu.vector_store %arg11[%swap3A_546, %swap3A_547], %swap3A_550 {strides = array<i32>} : memref<128x64xf32, #tpu.memory_space<vmem>>, vector<1x16xf32>,
        %slice3A_551 = vector.extract_strided_slice %get3A_130 {offsets = [9], sizes = [1], strides = [1]} : vector<16xf32> to vector<1xf32>
        %squeeze3A_552 = vector.extract %slice3A_551[0] : f32 from vector<1xf32>
        %broadcast_in_dim3A_553 = vector.broadcast %squeeze3A_552 : f32 to vector<16xf32>
        %mul3A_554 = arith.constant 16 : i32
        %mul3A_555 = arith.muli %scan3A_125, %mul3A_554 : i32
        %add3A_556 = arith.constant 9 : i32
        %add3A_557 = arith.addi %mul3A_555, %add3A_556 : i32
        %get3A_558 = arith.index_cast %add3A_557 : i32 to index
        %get3A_559 = arith.constant 0 : index
        %get3A_560 = tpu.vector_load %arg11[%get3A_558, %get3A_559] {strides = array<i32>} : memref<128x64xf32, #tpu.memory_space<vmem>>, vector<1x16xf32>,
        %get3A_561 = vector.shape_cast %get3A_560 : vector<1x16xf32> to vector<16xf32>
        %mul3A_562 = arith.mulf %get3A_561, %broadcast_in_dim3A_553 : vector<16xf32>
        %swap3A_563 = arith.index_cast %add3A_557 : i32 to index
        %swap3A_564 = arith.constant 0 : index
        %swap3A_565 = tpu.vector_load %arg11[%swap3A_563, %swap3A_564] {strides = array<i32>} : memref<128x64xf32, #tpu.memory_space<vmem>>, vector<1x16xf32>,
        %swap3A_566 = vector.shape_cast %swap3A_565 : vector<1x16xf32> to vector<16xf32>
        %swap3A_567 = vector.shape_cast %mul3A_562 : vector<16xf32> to vector<1x16xf32>
        tpu.vector_store %arg11[%swap3A_563, %swap3A_564], %swap3A_567 {strides = array<i32>} : memref<128x64xf32, #tpu.memory_space<vmem>>, vector<1x16xf32>,
        %get3A_568 = arith.index_cast %add3A_557 : i32 to index
        %get3A_569 = arith.constant 16 : index
        %get3A_570 = tpu.vector_load %arg11[%get3A_568, %get3A_569] {strides = array<i32>} : memref<128x64xf32, #tpu.memory_space<vmem>>, vector<1x16xf32>,
        %get3A_571 = vector.shape_cast %get3A_570 : vector<1x16xf32> to vector<16xf32>
        %mul3A_572 = arith.mulf %get3A_571, %broadcast_in_dim3A_553 : vector<16xf32>
        %swap3A_573 = arith.index_cast %add3A_557 : i32 to index
        %swap3A_574 = arith.constant 16 : index
        %swap3A_575 = tpu.vector_load %arg11[%swap3A_573, %swap3A_574] {strides = array<i32>} : memref<128x64xf32, #tpu.memory_space<vmem>>, vector<1x16xf32>,
        %swap3A_576 = vector.shape_cast %swap3A_575 : vector<1x16xf32> to vector<16xf32>
        %swap3A_577 = vector.shape_cast %mul3A_572 : vector<16xf32> to vector<1x16xf32>
        tpu.vector_store %arg11[%swap3A_573, %swap3A_574], %swap3A_577 {strides = array<i32>} : memref<128x64xf32, #tpu.memory_space<vmem>>, vector<1x16xf32>,
        %get3A_578 = arith.index_cast %add3A_557 : i32 to index
        %get3A_579 = arith.constant 32 : index
        %get3A_580 = tpu.vector_load %arg11[%get3A_578, %get3A_579] {strides = array<i32>} : memref<128x64xf32, #tpu.memory_space<vmem>>, vector<1x16xf32>,
        %get3A_581 = vector.shape_cast %get3A_580 : vector<1x16xf32> to vector<16xf32>
        %mul3A_582 = arith.mulf %get3A_581, %broadcast_in_dim3A_553 : vector<16xf32>
        %swap3A_583 = arith.index_cast %add3A_557 : i32 to index
        %swap3A_584 = arith.constant 32 : index
        %swap3A_585 = tpu.vector_load %arg11[%swap3A_583, %swap3A_584] {strides = array<i32>} : memref<128x64xf32, #tpu.memory_space<vmem>>, vector<1x16xf32>,
        %swap3A_586 = vector.shape_cast %swap3A_585 : vector<1x16xf32> to vector<16xf32>
        %swap3A_587 = vector.shape_cast %mul3A_582 : vector<16xf32> to vector<1x16xf32>
        tpu.vector_store %arg11[%swap3A_583, %swap3A_584], %swap3A_587 {strides = array<i32>} : memref<128x64xf32, #tpu.memory_space<vmem>>, vector<1x16xf32>,
        %get3A_588 = arith.index_cast %add3A_557 : i32 to index
        %get3A_589 = arith.constant 48 : index
        %get3A_590 = tpu.vector_load %arg11[%get3A_588, %get3A_589] {strides = array<i32>} : memref<128x64xf32, #tpu.memory_space<vmem>>, vector<1x16xf32>,
        %get3A_591 = vector.shape_cast %get3A_590 : vector<1x16xf32> to vector<16xf32>
        %mul3A_592 = arith.mulf %get3A_591, %broadcast_in_dim3A_553 : vector<16xf32>
        %swap3A_593 = arith.index_cast %add3A_557 : i32 to index
        %swap3A_594 = arith.constant 48 : index
        %swap3A_595 = tpu.vector_load %arg11[%swap3A_593, %swap3A_594] {strides = array<i32>} : memref<128x64xf32, #tpu.memory_space<vmem>>, vector<1x16xf32>,
        %swap3A_596 = vector.shape_cast %swap3A_595 : vector<1x16xf32> to vector<16xf32>
        %swap3A_597 = vector.shape_cast %mul3A_592 : vector<16xf32> to vector<1x16xf32>
        tpu.vector_store %arg11[%swap3A_593, %swap3A_594], %swap3A_597 {strides = array<i32>} : memref<128x64xf32, #tpu.memory_space<vmem>>, vector<1x16xf32>,
        %slice3A_598 = vector.extract_strided_slice %get3A_130 {offsets = [10], sizes = [1], strides = [1]} : vector<16xf32> to vector<1xf32>
        %squeeze3A_599 = vector.extract %slice3A_598[0] : f32 from vector<1xf32>
        %broadcast_in_dim3A_600 = vector.broadcast %squeeze3A_599 : f32 to vector<16xf32>
        %mul3A_601 = arith.constant 16 : i32
        %mul3A_602 = arith.muli %scan3A_125, %mul3A_601 : i32
        %add3A_603 = arith.constant 10 : i32
        %add3A_604 = arith.addi %mul3A_602, %add3A_603 : i32
        %get3A_605 = arith.index_cast %add3A_604 : i32 to index
        %get3A_606 = arith.constant 0 : index
        %get3A_607 = tpu.vector_load %arg11[%get3A_605, %get3A_606] {strides = array<i32>} : memref<128x64xf32, #tpu.memory_space<vmem>>, vector<1x16xf32>,
        %get3A_608 = vector.shape_cast %get3A_607 : vector<1x16xf32> to vector<16xf32>
        %mul3A_609 = arith.mulf %get3A_608, %broadcast_in_dim3A_600 : vector<16xf32>
        %swap3A_610 = arith.index_cast %add3A_604 : i32 to index
        %swap3A_611 = arith.constant 0 : index
        %swap3A_612 = tpu.vector_load %arg11[%swap3A_610, %swap3A_611] {strides = array<i32>} : memref<128x64xf32, #tpu.memory_space<vmem>>, vector<1x16xf32>,
        %swap3A_613 = vector.shape_cast %swap3A_612 : vector<1x16xf32> to vector<16xf32>
        %swap3A_614 = vector.shape_cast %mul3A_609 : vector<16xf32> to vector<1x16xf32>
        tpu.vector_store %arg11[%swap3A_610, %swap3A_611], %swap3A_614 {strides = array<i32>} : memref<128x64xf32, #tpu.memory_space<vmem>>, vector<1x16xf32>,
        %get3A_615 = arith.index_cast %add3A_604 : i32 to index
        %get3A_616 = arith.constant 16 : index
        %get3A_617 = tpu.vector_load %arg11[%get3A_615, %get3A_616] {strides = array<i32>} : memref<128x64xf32, #tpu.memory_space<vmem>>, vector<1x16xf32>,
        %get3A_618 = vector.shape_cast %get3A_617 : vector<1x16xf32> to vector<16xf32>
        %mul3A_619 = arith.mulf %get3A_618, %broadcast_in_dim3A_600 : vector<16xf32>
        %swap3A_620 = arith.index_cast %add3A_604 : i32 to index
        %swap3A_621 = arith.constant 16 : index
        %swap3A_622 = tpu.vector_load %arg11[%swap3A_620, %swap3A_621] {strides = array<i32>} : memref<128x64xf32, #tpu.memory_space<vmem>>, vector<1x16xf32>,
        %swap3A_623 = vector.shape_cast %swap3A_622 : vector<1x16xf32> to vector<16xf32>
        %swap3A_624 = vector.shape_cast %mul3A_619 : vector<16xf32> to vector<1x16xf32>
        tpu.vector_store %arg11[%swap3A_620, %swap3A_621], %swap3A_624 {strides = array<i32>} : memref<128x64xf32, #tpu.memory_space<vmem>>, vector<1x16xf32>,
        %get3A_625 = arith.index_cast %add3A_604 : i32 to index
        %get3A_626 = arith.constant 32 : index
        %get3A_627 = tpu.vector_load %arg11[%get3A_625, %get3A_626] {strides = array<i32>} : memref<128x64xf32, #tpu.memory_space<vmem>>, vector<1x16xf32>,
        %get3A_628 = vector.shape_cast %get3A_627 : vector<1x16xf32> to vector<16xf32>
        %mul3A_629 = arith.mulf %get3A_628, %broadcast_in_dim3A_600 : vector<16xf32>
        %swap3A_630 = arith.index_cast %add3A_604 : i32 to index
        %swap3A_631 = arith.constant 32 : index
        %swap3A_632 = tpu.vector_load %arg11[%swap3A_630, %swap3A_631] {strides = array<i32>} : memref<128x64xf32, #tpu.memory_space<vmem>>, vector<1x16xf32>,
        %swap3A_633 = vector.shape_cast %swap3A_632 : vector<1x16xf32> to vector<16xf32>
        %swap3A_634 = vector.shape_cast %mul3A_629 : vector<16xf32> to vector<1x16xf32>
        tpu.vector_store %arg11[%swap3A_630, %swap3A_631], %swap3A_634 {strides = array<i32>} : memref<128x64xf32, #tpu.memory_space<vmem>>, vector<1x16xf32>,
        %get3A_635 = arith.index_cast %add3A_604 : i32 to index
        %get3A_636 = arith.constant 48 : index
        %get3A_637 = tpu.vector_load %arg11[%get3A_635, %get3A_636] {strides = array<i32>} : memref<128x64xf32, #tpu.memory_space<vmem>>, vector<1x16xf32>,
        %get3A_638 = vector.shape_cast %get3A_637 : vector<1x16xf32> to vector<16xf32>
        %mul3A_639 = arith.mulf %get3A_638, %broadcast_in_dim3A_600 : vector<16xf32>
        %swap3A_640 = arith.index_cast %add3A_604 : i32 to index
        %swap3A_641 = arith.constant 48 : index
        %swap3A_642 = tpu.vector_load %arg11[%swap3A_640, %swap3A_641] {strides = array<i32>} : memref<128x64xf32, #tpu.memory_space<vmem>>, vector<1x16xf32>,
        %swap3A_643 = vector.shape_cast %swap3A_642 : vector<1x16xf32> to vector<16xf32>
        %swap3A_644 = vector.shape_cast %mul3A_639 : vector<16xf32> to vector<1x16xf32>
        tpu.vector_store %arg11[%swap3A_640, %swap3A_641], %swap3A_644 {strides = array<i32>} : memref<128x64xf32, #tpu.memory_space<vmem>>, vector<1x16xf32>,
        %slice3A_645 = vector.extract_strided_slice %get3A_130 {offsets = [11], sizes = [1], strides = [1]} : vector<16xf32> to vector<1xf32>
        %squeeze3A_646 = vector.extract %slice3A_645[0] : f32 from vector<1xf32>
        %broadcast_in_dim3A_647 = vector.broadcast %squeeze3A_646 : f32 to vector<16xf32>
        %mul3A_648 = arith.constant 16 : i32
        %mul3A_649 = arith.muli %scan3A_125, %mul3A_648 : i32
        %add3A_650 = arith.constant 11 : i32
        %add3A_651 = arith.addi %mul3A_649, %add3A_650 : i32
        %get3A_652 = arith.index_cast %add3A_651 : i32 to index
        %get3A_653 = arith.constant 0 : index
        %get3A_654 = tpu.vector_load %arg11[%get3A_652, %get3A_653] {strides = array<i32>} : memref<128x64xf32, #tpu.memory_space<vmem>>, vector<1x16xf32>,
        %get3A_655 = vector.shape_cast %get3A_654 : vector<1x16xf32> to vector<16xf32>
        %mul3A_656 = arith.mulf %get3A_655, %broadcast_in_dim3A_647 : vector<16xf32>
        %swap3A_657 = arith.index_cast %add3A_651 : i32 to index
        %swap3A_658 = arith.constant 0 : index
        %swap3A_659 = tpu.vector_load %arg11[%swap3A_657, %swap3A_658] {strides = array<i32>} : memref<128x64xf32, #tpu.memory_space<vmem>>, vector<1x16xf32>,
        %swap3A_660 = vector.shape_cast %swap3A_659 : vector<1x16xf32> to vector<16xf32>
        %swap3A_661 = vector.shape_cast %mul3A_656 : vector<16xf32> to vector<1x16xf32>
        tpu.vector_store %arg11[%swap3A_657, %swap3A_658], %swap3A_661 {strides = array<i32>} : memref<128x64xf32, #tpu.memory_space<vmem>>, vector<1x16xf32>,
        %get3A_662 = arith.index_cast %add3A_651 : i32 to index
        %get3A_663 = arith.constant 16 : index
        %get3A_664 = tpu.vector_load %arg11[%get3A_662, %get3A_663] {strides = array<i32>} : memref<128x64xf32, #tpu.memory_space<vmem>>, vector<1x16xf32>,
        %get3A_665 = vector.shape_cast %get3A_664 : vector<1x16xf32> to vector<16xf32>
        %mul3A_666 = arith.mulf %get3A_665, %broadcast_in_dim3A_647 : vector<16xf32>
        %swap3A_667 = arith.index_cast %add3A_651 : i32 to index
        %swap3A_668 = arith.constant 16 : index
        %swap3A_669 = tpu.vector_load %arg11[%swap3A_667, %swap3A_668] {strides = array<i32>} : memref<128x64xf32, #tpu.memory_space<vmem>>, vector<1x16xf32>,
        %swap3A_670 = vector.shape_cast %swap3A_669 : vector<1x16xf32> to vector<16xf32>
        %swap3A_671 = vector.shape_cast %mul3A_666 : vector<16xf32> to vector<1x16xf32>
        tpu.vector_store %arg11[%swap3A_667, %swap3A_668], %swap3A_671 {strides = array<i32>} : memref<128x64xf32, #tpu.memory_space<vmem>>, vector<1x16xf32>,
        %get3A_672 = arith.index_cast %add3A_651 : i32 to index
        %get3A_673 = arith.constant 32 : index
        %get3A_674 = tpu.vector_load %arg11[%get3A_672, %get3A_673] {strides = array<i32>} : memref<128x64xf32, #tpu.memory_space<vmem>>, vector<1x16xf32>,
        %get3A_675 = vector.shape_cast %get3A_674 : vector<1x16xf32> to vector<16xf32>
        %mul3A_676 = arith.mulf %get3A_675, %broadcast_in_dim3A_647 : vector<16xf32>
        %swap3A_677 = arith.index_cast %add3A_651 : i32 to index
        %swap3A_678 = arith.constant 32 : index
        %swap3A_679 = tpu.vector_load %arg11[%swap3A_677, %swap3A_678] {strides = array<i32>} : memref<128x64xf32, #tpu.memory_space<vmem>>, vector<1x16xf32>,
        %swap3A_680 = vector.shape_cast %swap3A_679 : vector<1x16xf32> to vector<16xf32>
        %swap3A_681 = vector.shape_cast %mul3A_676 : vector<16xf32> to vector<1x16xf32>
        tpu.vector_store %arg11[%swap3A_677, %swap3A_678], %swap3A_681 {strides = array<i32>} : memref<128x64xf32, #tpu.memory_space<vmem>>, vector<1x16xf32>,
        %get3A_682 = arith.index_cast %add3A_651 : i32 to index
        %get3A_683 = arith.constant 48 : index
        %get3A_684 = tpu.vector_load %arg11[%get3A_682, %get3A_683] {strides = array<i32>} : memref<128x64xf32, #tpu.memory_space<vmem>>, vector<1x16xf32>,
        %get3A_685 = vector.shape_cast %get3A_684 : vector<1x16xf32> to vector<16xf32>
        %mul3A_686 = arith.mulf %get3A_685, %broadcast_in_dim3A_647 : vector<16xf32>
        %swap3A_687 = arith.index_cast %add3A_651 : i32 to index
        %swap3A_688 = arith.constant 48 : index
        %swap3A_689 = tpu.vector_load %arg11[%swap3A_687, %swap3A_688] {strides = array<i32>} : memref<128x64xf32, #tpu.memory_space<vmem>>, vector<1x16xf32>,
        %swap3A_690 = vector.shape_cast %swap3A_689 : vector<1x16xf32> to vector<16xf32>
        %swap3A_691 = vector.shape_cast %mul3A_686 : vector<16xf32> to vector<1x16xf32>
        tpu.vector_store %arg11[%swap3A_687, %swap3A_688], %swap3A_691 {strides = array<i32>} : memref<128x64xf32, #tpu.memory_space<vmem>>, vector<1x16xf32>,
        %slice3A_692 = vector.extract_strided_slice %get3A_130 {offsets = [12], sizes = [1], strides = [1]} : vector<16xf32> to vector<1xf32>
        %squeeze3A_693 = vector.extract %slice3A_692[0] : f32 from vector<1xf32>
        %broadcast_in_dim3A_694 = vector.broadcast %squeeze3A_693 : f32 to vector<16xf32>
        %mul3A_695 = arith.constant 16 : i32
        %mul3A_696 = arith.muli %scan3A_125, %mul3A_695 : i32
        %add3A_697 = arith.constant 12 : i32
        %add3A_698 = arith.addi %mul3A_696, %add3A_697 : i32
        %get3A_699 = arith.index_cast %add3A_698 : i32 to index
        %get3A_700 = arith.constant 0 : index
        %get3A_701 = tpu.vector_load %arg11[%get3A_699, %get3A_700] {strides = array<i32>} : memref<128x64xf32, #tpu.memory_space<vmem>>, vector<1x16xf32>,
        %get3A_702 = vector.shape_cast %get3A_701 : vector<1x16xf32> to vector<16xf32>
        %mul3A_703 = arith.mulf %get3A_702, %broadcast_in_dim3A_694 : vector<16xf32>
        %swap3A_704 = arith.index_cast %add3A_698 : i32 to index
        %swap3A_705 = arith.constant 0 : index
        %swap3A_706 = tpu.vector_load %arg11[%swap3A_704, %swap3A_705] {strides = array<i32>} : memref<128x64xf32, #tpu.memory_space<vmem>>, vector<1x16xf32>,
        %swap3A_707 = vector.shape_cast %swap3A_706 : vector<1x16xf32> to vector<16xf32>
        %swap3A_708 = vector.shape_cast %mul3A_703 : vector<16xf32> to vector<1x16xf32>
        tpu.vector_store %arg11[%swap3A_704, %swap3A_705], %swap3A_708 {strides = array<i32>} : memref<128x64xf32, #tpu.memory_space<vmem>>, vector<1x16xf32>,
        %get3A_709 = arith.index_cast %add3A_698 : i32 to index
        %get3A_710 = arith.constant 16 : index
        %get3A_711 = tpu.vector_load %arg11[%get3A_709, %get3A_710] {strides = array<i32>} : memref<128x64xf32, #tpu.memory_space<vmem>>, vector<1x16xf32>,
        %get3A_712 = vector.shape_cast %get3A_711 : vector<1x16xf32> to vector<16xf32>
        %mul3A_713 = arith.mulf %get3A_712, %broadcast_in_dim3A_694 : vector<16xf32>
        %swap3A_714 = arith.index_cast %add3A_698 : i32 to index
        %swap3A_715 = arith.constant 16 : index
        %swap3A_716 = tpu.vector_load %arg11[%swap3A_714, %swap3A_715] {strides = array<i32>} : memref<128x64xf32, #tpu.memory_space<vmem>>, vector<1x16xf32>,
        %swap3A_717 = vector.shape_cast %swap3A_716 : vector<1x16xf32> to vector<16xf32>
        %swap3A_718 = vector.shape_cast %mul3A_713 : vector<16xf32> to vector<1x16xf32>
        tpu.vector_store %arg11[%swap3A_714, %swap3A_715], %swap3A_718 {strides = array<i32>} : memref<128x64xf32, #tpu.memory_space<vmem>>, vector<1x16xf32>,
        %get3A_719 = arith.index_cast %add3A_698 : i32 to index
        %get3A_720 = arith.constant 32 : index
        %get3A_721 = tpu.vector_load %arg11[%get3A_719, %get3A_720] {strides = array<i32>} : memref<128x64xf32, #tpu.memory_space<vmem>>, vector<1x16xf32>,
        %get3A_722 = vector.shape_cast %get3A_721 : vector<1x16xf32> to vector<16xf32>
        %mul3A_723 = arith.mulf %get3A_722, %broadcast_in_dim3A_694 : vector<16xf32>
        %swap3A_724 = arith.index_cast %add3A_698 : i32 to index
        %swap3A_725 = arith.constant 32 : index
        %swap3A_726 = tpu.vector_load %arg11[%swap3A_724, %swap3A_725] {strides = array<i32>} : memref<128x64xf32, #tpu.memory_space<vmem>>, vector<1x16xf32>,
        %swap3A_727 = vector.shape_cast %swap3A_726 : vector<1x16xf32> to vector<16xf32>
        %swap3A_728 = vector.shape_cast %mul3A_723 : vector<16xf32> to vector<1x16xf32>
        tpu.vector_store %arg11[%swap3A_724, %swap3A_725], %swap3A_728 {strides = array<i32>} : memref<128x64xf32, #tpu.memory_space<vmem>>, vector<1x16xf32>,
        %get3A_729 = arith.index_cast %add3A_698 : i32 to index
        %get3A_730 = arith.constant 48 : index
        %get3A_731 = tpu.vector_load %arg11[%get3A_729, %get3A_730] {strides = array<i32>} : memref<128x64xf32, #tpu.memory_space<vmem>>, vector<1x16xf32>,
        %get3A_732 = vector.shape_cast %get3A_731 : vector<1x16xf32> to vector<16xf32>
        %mul3A_733 = arith.mulf %get3A_732, %broadcast_in_dim3A_694 : vector<16xf32>
        %swap3A_734 = arith.index_cast %add3A_698 : i32 to index
        %swap3A_735 = arith.constant 48 : index
        %swap3A_736 = tpu.vector_load %arg11[%swap3A_734, %swap3A_735] {strides = array<i32>} : memref<128x64xf32, #tpu.memory_space<vmem>>, vector<1x16xf32>,
        %swap3A_737 = vector.shape_cast %swap3A_736 : vector<1x16xf32> to vector<16xf32>
        %swap3A_738 = vector.shape_cast %mul3A_733 : vector<16xf32> to vector<1x16xf32>
        tpu.vector_store %arg11[%swap3A_734, %swap3A_735], %swap3A_738 {strides = array<i32>} : memref<128x64xf32, #tpu.memory_space<vmem>>, vector<1x16xf32>,
        %slice3A_739 = vector.extract_strided_slice %get3A_130 {offsets = [13], sizes = [1], strides = [1]} : vector<16xf32> to vector<1xf32>
        %squeeze3A_740 = vector.extract %slice3A_739[0] : f32 from vector<1xf32>
        %broadcast_in_dim3A_741 = vector.broadcast %squeeze3A_740 : f32 to vector<16xf32>
        %mul3A_742 = arith.constant 16 : i32
        %mul3A_743 = arith.muli %scan3A_125, %mul3A_742 : i32
        %add3A_744 = arith.constant 13 : i32
        %add3A_745 = arith.addi %mul3A_743, %add3A_744 : i32
        %get3A_746 = arith.index_cast %add3A_745 : i32 to index
        %get3A_747 = arith.constant 0 : index
        %get3A_748 = tpu.vector_load %arg11[%get3A_746, %get3A_747] {strides = array<i32>} : memref<128x64xf32, #tpu.memory_space<vmem>>, vector<1x16xf32>,
        %get3A_749 = vector.shape_cast %get3A_748 : vector<1x16xf32> to vector<16xf32>
        %mul3A_750 = arith.mulf %get3A_749, %broadcast_in_dim3A_741 : vector<16xf32>
        %swap3A_751 = arith.index_cast %add3A_745 : i32 to index
        %swap3A_752 = arith.constant 0 : index
        %swap3A_753 = tpu.vector_load %arg11[%swap3A_751, %swap3A_752] {strides = array<i32>} : memref<128x64xf32, #tpu.memory_space<vmem>>, vector<1x16xf32>,
        %swap3A_754 = vector.shape_cast %swap3A_753 : vector<1x16xf32> to vector<16xf32>
        %swap3A_755 = vector.shape_cast %mul3A_750 : vector<16xf32> to vector<1x16xf32>
        tpu.vector_store %arg11[%swap3A_751, %swap3A_752], %swap3A_755 {strides = array<i32>} : memref<128x64xf32, #tpu.memory_space<vmem>>, vector<1x16xf32>,
        %get3A_756 = arith.index_cast %add3A_745 : i32 to index
        %get3A_757 = arith.constant 16 : index
        %get3A_758 = tpu.vector_load %arg11[%get3A_756, %get3A_757] {strides = array<i32>} : memref<128x64xf32, #tpu.memory_space<vmem>>, vector<1x16xf32>,
        %get3A_759 = vector.shape_cast %get3A_758 : vector<1x16xf32> to vector<16xf32>
        %mul3A_760 = arith.mulf %get3A_759, %broadcast_in_dim3A_741 : vector<16xf32>
        %swap3A_761 = arith.index_cast %add3A_745 : i32 to index
        %swap3A_762 = arith.constant 16 : index
        %swap3A_763 = tpu.vector_load %arg11[%swap3A_761, %swap3A_762] {strides = array<i32>} : memref<128x64xf32, #tpu.memory_space<vmem>>, vector<1x16xf32>,
        %swap3A_764 = vector.shape_cast %swap3A_763 : vector<1x16xf32> to vector<16xf32>
        %swap3A_765 = vector.shape_cast %mul3A_760 : vector<16xf32> to vector<1x16xf32>
        tpu.vector_store %arg11[%swap3A_761, %swap3A_762], %swap3A_765 {strides = array<i32>} : memref<128x64xf32, #tpu.memory_space<vmem>>, vector<1x16xf32>,
        %get3A_766 = arith.index_cast %add3A_745 : i32 to index
        %get3A_767 = arith.constant 32 : index
        %get3A_768 = tpu.vector_load %arg11[%get3A_766, %get3A_767] {strides = array<i32>} : memref<128x64xf32, #tpu.memory_space<vmem>>, vector<1x16xf32>,
        %get3A_769 = vector.shape_cast %get3A_768 : vector<1x16xf32> to vector<16xf32>
        %mul3A_770 = arith.mulf %get3A_769, %broadcast_in_dim3A_741 : vector<16xf32>
        %swap3A_771 = arith.index_cast %add3A_745 : i32 to index
        %swap3A_772 = arith.constant 32 : index
        %swap3A_773 = tpu.vector_load %arg11[%swap3A_771, %swap3A_772] {strides = array<i32>} : memref<128x64xf32, #tpu.memory_space<vmem>>, vector<1x16xf32>,
        %swap3A_774 = vector.shape_cast %swap3A_773 : vector<1x16xf32> to vector<16xf32>
        %swap3A_775 = vector.shape_cast %mul3A_770 : vector<16xf32> to vector<1x16xf32>
        tpu.vector_store %arg11[%swap3A_771, %swap3A_772], %swap3A_775 {strides = array<i32>} : memref<128x64xf32, #tpu.memory_space<vmem>>, vector<1x16xf32>,
        %get3A_776 = arith.index_cast %add3A_745 : i32 to index
        %get3A_777 = arith.constant 48 : index
        %get3A_778 = tpu.vector_load %arg11[%get3A_776, %get3A_777] {strides = array<i32>} : memref<128x64xf32, #tpu.memory_space<vmem>>, vector<1x16xf32>,
        %get3A_779 = vector.shape_cast %get3A_778 : vector<1x16xf32> to vector<16xf32>
        %mul3A_780 = arith.mulf %get3A_779, %broadcast_in_dim3A_741 : vector<16xf32>
        %swap3A_781 = arith.index_cast %add3A_745 : i32 to index
        %swap3A_782 = arith.constant 48 : index
        %swap3A_783 = tpu.vector_load %arg11[%swap3A_781, %swap3A_782] {strides = array<i32>} : memref<128x64xf32, #tpu.memory_space<vmem>>, vector<1x16xf32>,
        %swap3A_784 = vector.shape_cast %swap3A_783 : vector<1x16xf32> to vector<16xf32>
        %swap3A_785 = vector.shape_cast %mul3A_780 : vector<16xf32> to vector<1x16xf32>
        tpu.vector_store %arg11[%swap3A_781, %swap3A_782], %swap3A_785 {strides = array<i32>} : memref<128x64xf32, #tpu.memory_space<vmem>>, vector<1x16xf32>,
        %slice3A_786 = vector.extract_strided_slice %get3A_130 {offsets = [14], sizes = [1], strides = [1]} : vector<16xf32> to vector<1xf32>
        %squeeze3A_787 = vector.extract %slice3A_786[0] : f32 from vector<1xf32>
        %broadcast_in_dim3A_788 = vector.broadcast %squeeze3A_787 : f32 to vector<16xf32>
        %mul3A_789 = arith.constant 16 : i32
        %mul3A_790 = arith.muli %scan3A_125, %mul3A_789 : i32
        %add3A_791 = arith.constant 14 : i32
        %add3A_792 = arith.addi %mul3A_790, %add3A_791 : i32
        %get3A_793 = arith.index_cast %add3A_792 : i32 to index
        %get3A_794 = arith.constant 0 : index
        %get3A_795 = tpu.vector_load %arg11[%get3A_793, %get3A_794] {strides = array<i32>} : memref<128x64xf32, #tpu.memory_space<vmem>>, vector<1x16xf32>,
        %get3A_796 = vector.shape_cast %get3A_795 : vector<1x16xf32> to vector<16xf32>
        %mul3A_797 = arith.mulf %get3A_796, %broadcast_in_dim3A_788 : vector<16xf32>
        %swap3A_798 = arith.index_cast %add3A_792 : i32 to index
        %swap3A_799 = arith.constant 0 : index
        %swap3A_800 = tpu.vector_load %arg11[%swap3A_798, %swap3A_799] {strides = array<i32>} : memref<128x64xf32, #tpu.memory_space<vmem>>, vector<1x16xf32>,
        %swap3A_801 = vector.shape_cast %swap3A_800 : vector<1x16xf32> to vector<16xf32>
        %swap3A_802 = vector.shape_cast %mul3A_797 : vector<16xf32> to vector<1x16xf32>
        tpu.vector_store %arg11[%swap3A_798, %swap3A_799], %swap3A_802 {strides = array<i32>} : memref<128x64xf32, #tpu.memory_space<vmem>>, vector<1x16xf32>,
        %get3A_803 = arith.index_cast %add3A_792 : i32 to index
        %get3A_804 = arith.constant 16 : index
        %get3A_805 = tpu.vector_load %arg11[%get3A_803, %get3A_804] {strides = array<i32>} : memref<128x64xf32, #tpu.memory_space<vmem>>, vector<1x16xf32>,
        %get3A_806 = vector.shape_cast %get3A_805 : vector<1x16xf32> to vector<16xf32>
        %mul3A_807 = arith.mulf %get3A_806, %broadcast_in_dim3A_788 : vector<16xf32>
        %swap3A_808 = arith.index_cast %add3A_792 : i32 to index
        %swap3A_809 = arith.constant 16 : index
        %swap3A_810 = tpu.vector_load %arg11[%swap3A_808, %swap3A_809] {strides = array<i32>} : memref<128x64xf32, #tpu.memory_space<vmem>>, vector<1x16xf32>,
        %swap3A_811 = vector.shape_cast %swap3A_810 : vector<1x16xf32> to vector<16xf32>
        %swap3A_812 = vector.shape_cast %mul3A_807 : vector<16xf32> to vector<1x16xf32>
        tpu.vector_store %arg11[%swap3A_808, %swap3A_809], %swap3A_812 {strides = array<i32>} : memref<128x64xf32, #tpu.memory_space<vmem>>, vector<1x16xf32>,
        %get3A_813 = arith.index_cast %add3A_792 : i32 to index
        %get3A_814 = arith.constant 32 : index
        %get3A_815 = tpu.vector_load %arg11[%get3A_813, %get3A_814] {strides = array<i32>} : memref<128x64xf32, #tpu.memory_space<vmem>>, vector<1x16xf32>,
        %get3A_816 = vector.shape_cast %get3A_815 : vector<1x16xf32> to vector<16xf32>
        %mul3A_817 = arith.mulf %get3A_816, %broadcast_in_dim3A_788 : vector<16xf32>
        %swap3A_818 = arith.index_cast %add3A_792 : i32 to index
        %swap3A_819 = arith.constant 32 : index
        %swap3A_820 = tpu.vector_load %arg11[%swap3A_818, %swap3A_819] {strides = array<i32>} : memref<128x64xf32, #tpu.memory_space<vmem>>, vector<1x16xf32>,
        %swap3A_821 = vector.shape_cast %swap3A_820 : vector<1x16xf32> to vector<16xf32>
        %swap3A_822 = vector.shape_cast %mul3A_817 : vector<16xf32> to vector<1x16xf32>
        tpu.vector_store %arg11[%swap3A_818, %swap3A_819], %swap3A_822 {strides = array<i32>} : memref<128x64xf32, #tpu.memory_space<vmem>>, vector<1x16xf32>,
        %get3A_823 = arith.index_cast %add3A_792 : i32 to index
        %get3A_824 = arith.constant 48 : index
        %get3A_825 = tpu.vector_load %arg11[%get3A_823, %get3A_824] {strides = array<i32>} : memref<128x64xf32, #tpu.memory_space<vmem>>, vector<1x16xf32>,
        %get3A_826 = vector.shape_cast %get3A_825 : vector<1x16xf32> to vector<16xf32>
        %mul3A_827 = arith.mulf %get3A_826, %broadcast_in_dim3A_788 : vector<16xf32>
        %swap3A_828 = arith.index_cast %add3A_792 : i32 to index
        %swap3A_829 = arith.constant 48 : index
        %swap3A_830 = tpu.vector_load %arg11[%swap3A_828, %swap3A_829] {strides = array<i32>} : memref<128x64xf32, #tpu.memory_space<vmem>>, vector<1x16xf32>,
        %swap3A_831 = vector.shape_cast %swap3A_830 : vector<1x16xf32> to vector<16xf32>
        %swap3A_832 = vector.shape_cast %mul3A_827 : vector<16xf32> to vector<1x16xf32>
        tpu.vector_store %arg11[%swap3A_828, %swap3A_829], %swap3A_832 {strides = array<i32>} : memref<128x64xf32, #tpu.memory_space<vmem>>, vector<1x16xf32>,
        %slice3A_833 = vector.extract_strided_slice %get3A_130 {offsets = [15], sizes = [1], strides = [1]} : vector<16xf32> to vector<1xf32>
        %squeeze3A_834 = vector.extract %slice3A_833[0] : f32 from vector<1xf32>
        %broadcast_in_dim3A_835 = vector.broadcast %squeeze3A_834 : f32 to vector<16xf32>
        %mul3A_836 = arith.constant 16 : i32
        %mul3A_837 = arith.muli %scan3A_125, %mul3A_836 : i32
        %add3A_838 = arith.constant 15 : i32
        %add3A_839 = arith.addi %mul3A_837, %add3A_838 : i32
        %get3A_840 = arith.index_cast %add3A_839 : i32 to index
        %get3A_841 = arith.constant 0 : index
        %get3A_842 = tpu.vector_load %arg11[%get3A_840, %get3A_841] {strides = array<i32>} : memref<128x64xf32, #tpu.memory_space<vmem>>, vector<1x16xf32>,
        %get3A_843 = vector.shape_cast %get3A_842 : vector<1x16xf32> to vector<16xf32>
        %mul3A_844 = arith.mulf %get3A_843, %broadcast_in_dim3A_835 : vector<16xf32>
        %swap3A_845 = arith.index_cast %add3A_839 : i32 to index
        %swap3A_846 = arith.constant 0 : index
        %swap3A_847 = tpu.vector_load %arg11[%swap3A_845, %swap3A_846] {strides = array<i32>} : memref<128x64xf32, #tpu.memory_space<vmem>>, vector<1x16xf32>,
        %swap3A_848 = vector.shape_cast %swap3A_847 : vector<1x16xf32> to vector<16xf32>
        %swap3A_849 = vector.shape_cast %mul3A_844 : vector<16xf32> to vector<1x16xf32>
        tpu.vector_store %arg11[%swap3A_845, %swap3A_846], %swap3A_849 {strides = array<i32>} : memref<128x64xf32, #tpu.memory_space<vmem>>, vector<1x16xf32>,
        %get3A_850 = arith.index_cast %add3A_839 : i32 to index
        %get3A_851 = arith.constant 16 : index
        %get3A_852 = tpu.vector_load %arg11[%get3A_850, %get3A_851] {strides = array<i32>} : memref<128x64xf32, #tpu.memory_space<vmem>>, vector<1x16xf32>,
        %get3A_853 = vector.shape_cast %get3A_852 : vector<1x16xf32> to vector<16xf32>
        %mul3A_854 = arith.mulf %get3A_853, %broadcast_in_dim3A_835 : vector<16xf32>
        %swap3A_855 = arith.index_cast %add3A_839 : i32 to index
        %swap3A_856 = arith.constant 16 : index
        %swap3A_857 = tpu.vector_load %arg11[%swap3A_855, %swap3A_856] {strides = array<i32>} : memref<128x64xf32, #tpu.memory_space<vmem>>, vector<1x16xf32>,
        %swap3A_858 = vector.shape_cast %swap3A_857 : vector<1x16xf32> to vector<16xf32>
        %swap3A_859 = vector.shape_cast %mul3A_854 : vector<16xf32> to vector<1x16xf32>
        tpu.vector_store %arg11[%swap3A_855, %swap3A_856], %swap3A_859 {strides = array<i32>} : memref<128x64xf32, #tpu.memory_space<vmem>>, vector<1x16xf32>,
        %get3A_860 = arith.index_cast %add3A_839 : i32 to index
        %get3A_861 = arith.constant 32 : index
        %get3A_862 = tpu.vector_load %arg11[%get3A_860, %get3A_861] {strides = array<i32>} : memref<128x64xf32, #tpu.memory_space<vmem>>, vector<1x16xf32>,
        %get3A_863 = vector.shape_cast %get3A_862 : vector<1x16xf32> to vector<16xf32>
        %mul3A_864 = arith.mulf %get3A_863, %broadcast_in_dim3A_835 : vector<16xf32>
        %swap3A_865 = arith.index_cast %add3A_839 : i32 to index
        %swap3A_866 = arith.constant 32 : index
        %swap3A_867 = tpu.vector_load %arg11[%swap3A_865, %swap3A_866] {strides = array<i32>} : memref<128x64xf32, #tpu.memory_space<vmem>>, vector<1x16xf32>,
        %swap3A_868 = vector.shape_cast %swap3A_867 : vector<1x16xf32> to vector<16xf32>
        %swap3A_869 = vector.shape_cast %mul3A_864 : vector<16xf32> to vector<1x16xf32>
        tpu.vector_store %arg11[%swap3A_865, %swap3A_866], %swap3A_869 {strides = array<i32>} : memref<128x64xf32, #tpu.memory_space<vmem>>, vector<1x16xf32>,
        %get3A_870 = arith.index_cast %add3A_839 : i32 to index
        %get3A_871 = arith.constant 48 : index
        %get3A_872 = tpu.vector_load %arg11[%get3A_870, %get3A_871] {strides = array<i32>} : memref<128x64xf32, #tpu.memory_space<vmem>>, vector<1x16xf32>,
        %get3A_873 = vector.shape_cast %get3A_872 : vector<1x16xf32> to vector<16xf32>
        %mul3A_874 = arith.mulf %get3A_873, %broadcast_in_dim3A_835 : vector<16xf32>
        %swap3A_875 = arith.index_cast %add3A_839 : i32 to index
        %swap3A_876 = arith.constant 48 : index
        %swap3A_877 = tpu.vector_load %arg11[%swap3A_875, %swap3A_876] {strides = array<i32>} : memref<128x64xf32, #tpu.memory_space<vmem>>, vector<1x16xf32>,
        %swap3A_878 = vector.shape_cast %swap3A_877 : vector<1x16xf32> to vector<16xf32>
        %swap3A_879 = vector.shape_cast %mul3A_874 : vector<16xf32> to vector<1x16xf32>
        tpu.vector_store %arg11[%swap3A_875, %swap3A_876], %swap3A_879 {strides = array<i32>} : memref<128x64xf32, #tpu.memory_space<vmem>>, vector<1x16xf32>,
      }
      %scan3A_124 = arith.constant 8 : i32
      "tpu.region"() ({
        %run_scoped3A = tpu.sem_alloc : memref<!tpu.dma_semaphore, #tpu.memory_space<semaphore_mem>>
        %dma_start3A = arith.constant 0 : i32
        %dma_start3A_125 = tpu.memref_slice %arg9[%scan3A_118, %dma_start3A] : memref<160x128xi32, #tpu.memory_space<vmem>> -> memref<1x128xi32, #tpu.memory_space<vmem>>
        %dma_start3A_126 = tpu.memref_squeeze %dma_start3A_125 : memref<1x128xi32, #tpu.memory_space<vmem>> -> memref<128xi32, #tpu.memory_space<vmem>>
        %dma_start3A_127 = arith.constant 0 : i32
        %dma_start3A_128 = arith.constant 0 : i32
        %dma_start3A_129 = tpu.memref_slice %arg13[%dma_start3A_127, %dma_start3A_128] : memref<10240x64xf32, #tpu.memory_space<vmem_shared>> -> memref<10240x64xf32, #tpu.memory_space<vmem_shared>>
        tpu.enqueue_indirect_dma source(%arg11 : memref<128x64xf32, #tpu.memory_space<vmem>>) target(%dma_start3A_129 : memref<10240x64xf32, #tpu.memory_space<vmem_shared>>) offsets(%dma_start3A_126 : memref<128xi32, #tpu.memory_space<vmem>>) semaphore(%run_scoped3A : memref<!tpu.dma_semaphore, #tpu.memory_space<semaphore_mem>>) {add = true}
        %dma_wait3A = arith.constant 0 : i32
        %dma_wait3A_130 = tpu.memref_slice %arg9[%scan3A_118, %dma_wait3A] : memref<160x128xi32, #tpu.memory_space<vmem>> -> memref<1x128xi32, #tpu.memory_space<vmem>>
        %dma_wait3A_131 = tpu.memref_squeeze %dma_wait3A_130 : memref<1x128xi32, #tpu.memory_space<vmem>> -> memref<128xi32, #tpu.memory_space<vmem>>
        %dma_wait3A_132 = arith.constant 0 : i32
        %dma_wait3A_133 = arith.constant 0 : i32
        %dma_wait3A_134 = tpu.memref_slice %arg13[%dma_wait3A_132, %dma_wait3A_133] : memref<10240x64xf32, #tpu.memory_space<vmem_shared>> -> memref<10240x64xf32, #tpu.memory_space<vmem_shared>>
        tpu.wait_indirect_dma semaphore(%run_scoped3A : memref<!tpu.dma_semaphore, #tpu.memory_space<semaphore_mem>>) src(%arg11 : memref<128x64xf32, #tpu.memory_space<vmem>>) dst(%dma_wait3A_134 : memref<10240x64xf32, #tpu.memory_space<vmem_shared>>)
        tpu.yield
      }) : () -> ()
    }
    %scan3A_36 = arith.constant 160 : i32
    %barrier3A_37 = arith.constant 0 : index
    tpu.barrier barrier_id(%barrier3A_37)
    %mul3A_38 = arith.constant 640 : i32
    %mul3A_39 = arith.muli %arg1, %mul3A_38 : i32
    %mul3A_40 = arith.constant 10240 : i32
    %mul3A_41 = arith.muli %arg0, %mul3A_40 : i32
    %mul3A_42 = arith.constant 640 : i32
    %mul3A_43 = arith.muli %arg1, %mul3A_42 : i32
    %add3A_44 = arith.addi %mul3A_41, %mul3A_43 : i32
    "tpu.region"() ({
      %run_scoped3A = tpu.sem_alloc : memref<!tpu.dma_semaphore, #tpu.memory_space<semaphore_mem>>
      %dma_start3A = arith.constant 0 : i32
      %dma_start3A_118 = tpu.memref_slice %arg7[%add3A_44, %dma_start3A] : memref<20480x64xf32, #tpu.memory_space<hbm>> -> memref<640x64xf32, #tpu.memory_space<hbm>>
      %dma_start3A_119 = arith.constant 0 : i32
      %dma_start3A_120 = tpu.memref_slice %arg13[%mul3A_39, %dma_start3A_119] : memref<10240x64xf32, #tpu.memory_space<vmem_shared>> -> memref<640x64xf32, #tpu.memory_space<vmem_shared>>
      tpu.enqueue_dma source(%dma_start3A_120 : memref<640x64xf32, #tpu.memory_space<vmem_shared>>) target(%dma_start3A_118 : memref<640x64xf32, #tpu.memory_space<hbm>>) target_semaphore(%run_scoped3A : memref<!tpu.dma_semaphore, #tpu.memory_space<semaphore_mem>>)
      %dma_wait3A = arith.constant 0 : i32
      %dma_wait3A_121 = tpu.memref_slice %arg7[%add3A_44, %dma_wait3A] : memref<20480x64xf32, #tpu.memory_space<hbm>> -> memref<640x64xf32, #tpu.memory_space<hbm>>
      %dma_wait3A_122 = arith.constant 0 : i32
      %dma_wait3A_123 = tpu.memref_slice %arg13[%mul3A_39, %dma_wait3A_122] : memref<10240x64xf32, #tpu.memory_space<vmem_shared>> -> memref<640x64xf32, #tpu.memory_space<vmem_shared>>
      tpu.wait_dma2 semaphore(%run_scoped3A : memref<!tpu.dma_semaphore, #tpu.memory_space<semaphore_mem>>) src(%dma_wait3A_123 : memref<640x64xf32, #tpu.memory_space<vmem_shared>>) dst(%dma_wait3A_121 : memref<640x64xf32, #tpu.memory_space<hbm>>)
      tpu.yield
    }) : () -> ()
    %barrier3A_45 = arith.constant 0 : index
    tpu.barrier barrier_id(%barrier3A_45)
    %mul3A_46 = arith.constant 640 : i32
    %mul3A_47 = arith.muli %arg1, %mul3A_46 : i32
    %add3A_48 = arith.constant 0 : i32
    %add3A_49 = arith.addi %mul3A_47, %add3A_48 : i32
    "tpu.region"() ({
      %run_scoped3A = tpu.sem_alloc : memref<!tpu.dma_semaphore, #tpu.memory_space<semaphore_mem>>
      %dma_start3A = arith.constant 0 : i32
      %dma_start3A_118 = tpu.memref_slice %arg13[%add3A_49, %dma_start3A] : memref<10240x64xf32, #tpu.memory_space<vmem_shared>> -> memref<128x64xf32, #tpu.memory_space<vmem_shared>>
      %dma_start3A_119 = arith.constant 0 : i32
      %dma_start3A_120 = tpu.memref_slice %arg13[%add3A_49, %dma_start3A_119] : memref<10240x64xf32, #tpu.memory_space<vmem_shared>> -> memref<128x64xf32, #tpu.memory_space<vmem_shared>>
      tpu.enqueue_dma source(%arg12 : memref<128x64xf32, #tpu.memory_space<vmem>>) target(%dma_start3A_120 : memref<128x64xf32, #tpu.memory_space<vmem_shared>>) target_semaphore(%run_scoped3A : memref<!tpu.dma_semaphore, #tpu.memory_space<semaphore_mem>>)
      %dma_wait3A = arith.constant 0 : i32
      %dma_wait3A_121 = tpu.memref_slice %arg13[%add3A_49, %dma_wait3A] : memref<10240x64xf32, #tpu.memory_space<vmem_shared>> -> memref<128x64xf32, #tpu.memory_space<vmem_shared>>
      %dma_wait3A_122 = arith.constant 0 : i32
      %dma_wait3A_123 = tpu.memref_slice %arg13[%add3A_49, %dma_wait3A_122] : memref<10240x64xf32, #tpu.memory_space<vmem_shared>> -> memref<128x64xf32, #tpu.memory_space<vmem_shared>>
      tpu.wait_dma2 semaphore(%run_scoped3A : memref<!tpu.dma_semaphore, #tpu.memory_space<semaphore_mem>>) src(%arg12 : memref<128x64xf32, #tpu.memory_space<vmem>>) dst(%dma_wait3A_123 : memref<128x64xf32, #tpu.memory_space<vmem_shared>>)
      tpu.yield
    }) : () -> ()
    %mul3A_50 = arith.constant 640 : i32
    %mul3A_51 = arith.muli %arg1, %mul3A_50 : i32
    %add3A_52 = arith.constant 128 : i32
    %add3A_53 = arith.addi %mul3A_51, %add3A_52 : i32
    "tpu.region"() ({
      %run_scoped3A = tpu.sem_alloc : memref<!tpu.dma_semaphore, #tpu.memory_space<semaphore_mem>>
      %dma_start3A = arith.constant 0 : i32
      %dma_start3A_118 = tpu.memref_slice %arg13[%add3A_53, %dma_start3A] : memref<10240x64xf32, #tpu.memory_space<vmem_shared>> -> memref<128x64xf32, #tpu.memory_space<vmem_shared>>
      %dma_start3A_119 = arith.constant 0 : i32
      %dma_start3A_120 = tpu.memref_slice %arg13[%add3A_53, %dma_start3A_119] : memref<10240x64xf32, #tpu.memory_space<vmem_shared>> -> memref<128x64xf32, #tpu.memory_space<vmem_shared>>
      tpu.enqueue_dma source(%arg12 : memref<128x64xf32, #tpu.memory_space<vmem>>) target(%dma_start3A_120 : memref<128x64xf32, #tpu.memory_space<vmem_shared>>) target_semaphore(%run_scoped3A : memref<!tpu.dma_semaphore, #tpu.memory_space<semaphore_mem>>)
      %dma_wait3A = arith.constant 0 : i32
      %dma_wait3A_121 = tpu.memref_slice %arg13[%add3A_53, %dma_wait3A] : memref<10240x64xf32, #tpu.memory_space<vmem_shared>> -> memref<128x64xf32, #tpu.memory_space<vmem_shared>>
      %dma_wait3A_122 = arith.constant 0 : i32
      %dma_wait3A_123 = tpu.memref_slice %arg13[%add3A_53, %dma_wait3A_122] : memref<10240x64xf32, #tpu.memory_space<vmem_shared>> -> memref<128x64xf32, #tpu.memory_space<vmem_shared>>
      tpu.wait_dma2 semaphore(%run_scoped3A : memref<!tpu.dma_semaphore, #tpu.memory_space<semaphore_mem>>) src(%arg12 : memref<128x64xf32, #tpu.memory_space<vmem>>) dst(%dma_wait3A_123 : memref<128x64xf32, #tpu.memory_space<vmem_shared>>)
      tpu.yield
    }) : () -> ()
    %mul3A_54 = arith.constant 640 : i32
    %mul3A_55 = arith.muli %arg1, %mul3A_54 : i32
    %add3A_56 = arith.constant 256 : i32
    %add3A_57 = arith.addi %mul3A_55, %add3A_56 : i32
    "tpu.region"() ({
      %run_scoped3A = tpu.sem_alloc : memref<!tpu.dma_semaphore, #tpu.memory_space<semaphore_mem>>
      %dma_start3A = arith.constant 0 : i32
      %dma_start3A_118 = tpu.memref_slice %arg13[%add3A_57, %dma_start3A] : memref<10240x64xf32, #tpu.memory_space<vmem_shared>> -> memref<128x64xf32, #tpu.memory_space<vmem_shared>>
      %dma_start3A_119 = arith.constant 0 : i32
      %dma_start3A_120 = tpu.memref_slice %arg13[%add3A_57, %dma_start3A_119] : memref<10240x64xf32, #tpu.memory_space<vmem_shared>> -> memref<128x64xf32, #tpu.memory_space<vmem_shared>>
      tpu.enqueue_dma source(%arg12 : memref<128x64xf32, #tpu.memory_space<vmem>>) target(%dma_start3A_120 : memref<128x64xf32, #tpu.memory_space<vmem_shared>>) target_semaphore(%run_scoped3A : memref<!tpu.dma_semaphore, #tpu.memory_space<semaphore_mem>>)
      %dma_wait3A = arith.constant 0 : i32
      %dma_wait3A_121 = tpu.memref_slice %arg13[%add3A_57, %dma_wait3A] : memref<10240x64xf32, #tpu.memory_space<vmem_shared>> -> memref<128x64xf32, #tpu.memory_space<vmem_shared>>
      %dma_wait3A_122 = arith.constant 0 : i32
      %dma_wait3A_123 = tpu.memref_slice %arg13[%add3A_57, %dma_wait3A_122] : memref<10240x64xf32, #tpu.memory_space<vmem_shared>> -> memref<128x64xf32, #tpu.memory_space<vmem_shared>>
      tpu.wait_dma2 semaphore(%run_scoped3A : memref<!tpu.dma_semaphore, #tpu.memory_space<semaphore_mem>>) src(%arg12 : memref<128x64xf32, #tpu.memory_space<vmem>>) dst(%dma_wait3A_123 : memref<128x64xf32, #tpu.memory_space<vmem_shared>>)
      tpu.yield
    }) : () -> ()
    %mul3A_58 = arith.constant 640 : i32
    %mul3A_59 = arith.muli %arg1, %mul3A_58 : i32
    %add3A_60 = arith.constant 384 : i32
    %add3A_61 = arith.addi %mul3A_59, %add3A_60 : i32
    "tpu.region"() ({
      %run_scoped3A = tpu.sem_alloc : memref<!tpu.dma_semaphore, #tpu.memory_space<semaphore_mem>>
      %dma_start3A = arith.constant 0 : i32
      %dma_start3A_118 = tpu.memref_slice %arg13[%add3A_61, %dma_start3A] : memref<10240x64xf32, #tpu.memory_space<vmem_shared>> -> memref<128x64xf32, #tpu.memory_space<vmem_shared>>
      %dma_start3A_119 = arith.constant 0 : i32
      %dma_start3A_120 = tpu.memref_slice %arg13[%add3A_61, %dma_start3A_119] : memref<10240x64xf32, #tpu.memory_space<vmem_shared>> -> memref<128x64xf32, #tpu.memory_space<vmem_shared>>
      tpu.enqueue_dma source(%arg12 : memref<128x64xf32, #tpu.memory_space<vmem>>) target(%dma_start3A_120 : memref<128x64xf32, #tpu.memory_space<vmem_shared>>) target_semaphore(%run_scoped3A : memref<!tpu.dma_semaphore, #tpu.memory_space<semaphore_mem>>)
      %dma_wait3A = arith.constant 0 : i32
      %dma_wait3A_121 = tpu.memref_slice %arg13[%add3A_61, %dma_wait3A] : memref<10240x64xf32, #tpu.memory_space<vmem_shared>> -> memref<128x64xf32, #tpu.memory_space<vmem_shared>>
      %dma_wait3A_122 = arith.constant 0 : i32
      %dma_wait3A_123 = tpu.memref_slice %arg13[%add3A_61, %dma_wait3A_122] : memref<10240x64xf32, #tpu.memory_space<vmem_shared>> -> memref<128x64xf32, #tpu.memory_space<vmem_shared>>
      tpu.wait_dma2 semaphore(%run_scoped3A : memref<!tpu.dma_semaphore, #tpu.memory_space<semaphore_mem>>) src(%arg12 : memref<128x64xf32, #tpu.memory_space<vmem>>) dst(%dma_wait3A_123 : memref<128x64xf32, #tpu.memory_space<vmem_shared>>)
      tpu.yield
    }) : () -> ()
    %mul3A_62 = arith.constant 640 : i32
    %mul3A_63 = arith.muli %arg1, %mul3A_62 : i32
    %add3A_64 = arith.constant 512 : i32
    %add3A_65 = arith.addi %mul3A_63, %add3A_64 : i32
    "tpu.region"() ({
      %run_scoped3A = tpu.sem_alloc : memref<!tpu.dma_semaphore, #tpu.memory_space<semaphore_mem>>
      %dma_start3A = arith.constant 0 : i32
      %dma_start3A_118 = tpu.memref_slice %arg13[%add3A_65, %dma_start3A] : memref<10240x64xf32, #tpu.memory_space<vmem_shared>> -> memref<128x64xf32, #tpu.memory_space<vmem_shared>>
      %dma_start3A_119 = arith.constant 0 : i32
      %dma_start3A_120 = tpu.memref_slice %arg13[%add3A_65, %dma_start3A_119] : memref<10240x64xf32, #tpu.memory_space<vmem_shared>> -> memref<128x64xf32, #tpu.memory_space<vmem_shared>>
      tpu.enqueue_dma source(%arg12 : memref<128x64xf32, #tpu.memory_space<vmem>>) target(%dma_start3A_120 : memref<128x64xf32, #tpu.memory_space<vmem_shared>>) target_semaphore(%run_scoped3A : memref<!tpu.dma_semaphore, #tpu.memory_space<semaphore_mem>>)
      %dma_wait3A = arith.constant 0 : i32
      %dma_wait3A_121 = tpu.memref_slice %arg13[%add3A_65, %dma_wait3A] : memref<10240x64xf32, #tpu.memory_space<vmem_shared>> -> memref<128x64xf32, #tpu.memory_space<vmem_shared>>
      %dma_wait3A_122 = arith.constant 0 : i32
      %dma_wait3A_123 = tpu.memref_slice %arg13[%add3A_65, %dma_wait3A_122] : memref<10240x64xf32, #tpu.memory_space<vmem_shared>> -> memref<128x64xf32, #tpu.memory_space<vmem_shared>>
      tpu.wait_dma2 semaphore(%run_scoped3A : memref<!tpu.dma_semaphore, #tpu.memory_space<semaphore_mem>>) src(%arg12 : memref<128x64xf32, #tpu.memory_space<vmem>>) dst(%dma_wait3A_123 : memref<128x64xf32, #tpu.memory_space<vmem_shared>>)
      tpu.yield
    }) : () -> ()
    %barrier3A_66 = arith.constant 0 : index
    tpu.barrier barrier_id(%barrier3A_66)
    %scan3A_67 = arith.constant 0 : i32
    %scan3A_68 = arith.constant 0 : i32
    %scan3A_69 = arith.constant 160 : i32
    %scan3A_70 = arith.addi %scan3A_68, %scan3A_69 : i32
    %scan3A_71 = arith.constant 1 : i32
    scf.for %scan3A_118 = %scan3A_68 to %scan3A_70 step %scan3A_71  : i32 {
      "tpu.region"() ({
        %run_scoped3A = tpu.sem_alloc : memref<!tpu.dma_semaphore, #tpu.memory_space<semaphore_mem>>
        %dma_start3A = arith.constant 0 : i32
        %dma_start3A_125 = tpu.memref_slice %arg8[%scan3A_118, %dma_start3A] : memref<160x128xi32, #tpu.memory_space<vmem>> -> memref<1x128xi32, #tpu.memory_space<vmem>>
        %dma_start3A_126 = tpu.memref_squeeze %dma_start3A_125 : memref<1x128xi32, #tpu.memory_space<vmem>> -> memref<128xi32, #tpu.memory_space<vmem>>
        %dma_start3A_127 = arith.constant 0 : i32
        %dma_start3A_128 = arith.constant 0 : i32
        %dma_start3A_129 = tpu.memref_slice %arg7[%dma_start3A_127, %dma_start3A_128] : memref<20480x64xf32, #tpu.memory_space<hbm>> -> memref<20480x64xf32, #tpu.memory_space<hbm>>
        tpu.enqueue_indirect_dma source(%dma_start3A_129 : memref<20480x64xf32, #tpu.memory_space<hbm>>) target(%arg11 : memref<128x64xf32, #tpu.memory_space<vmem>>) offsets(%dma_start3A_126 : memref<128xi32, #tpu.memory_space<vmem>>) semaphore(%run_scoped3A : memref<!tpu.dma_semaphore, #tpu.memory_space<semaphore_mem>>)
        %dma_wait3A = arith.constant 0 : i32
        %dma_wait3A_130 = tpu.memref_slice %arg8[%scan3A_118, %dma_wait3A] : memref<160x128xi32, #tpu.memory_space<vmem>> -> memref<1x128xi32, #tpu.memory_space<vmem>>
        %dma_wait3A_131 = tpu.memref_squeeze %dma_wait3A_130 : memref<1x128xi32, #tpu.memory_space<vmem>> -> memref<128xi32, #tpu.memory_space<vmem>>
        %dma_wait3A_132 = arith.constant 0 : i32
        %dma_wait3A_133 = arith.constant 0 : i32
        %dma_wait3A_134 = tpu.memref_slice %arg7[%dma_wait3A_132, %dma_wait3A_133] : memref<20480x64xf32, #tpu.memory_space<hbm>> -> memref<20480x64xf32, #tpu.memory_space<hbm>>
        tpu.wait_indirect_dma semaphore(%run_scoped3A : memref<!tpu.dma_semaphore, #tpu.memory_space<semaphore_mem>>) src(%dma_wait3A_134 : memref<20480x64xf32, #tpu.memory_space<hbm>>) dst(%arg11 : memref<128x64xf32, #tpu.memory_space<vmem>>)
        tpu.yield
      }) : () -> ()
      %scan3A_119 = arith.constant 0 : i32
      %scan3A_120 = arith.constant 0 : i32
      %scan3A_121 = arith.constant 8 : i32
      %scan3A_122 = arith.addi %scan3A_120, %scan3A_121 : i32
      %scan3A_123 = arith.constant 1 : i32
      scf.for %scan3A_125 = %scan3A_120 to %scan3A_122 step %scan3A_123  : i32 {
        %mul3A_126 = arith.constant 16 : i32
        %mul3A_127 = arith.muli %scan3A_125, %mul3A_126 : i32
        %get3A = arith.index_cast %scan3A_118 : i32 to index
        %get3A_128 = arith.index_cast %mul3A_127 : i32 to index
        %get3A_129 = tpu.vector_load %arg10[%get3A, %get3A_128] {strides = array<i32>} : memref<160x128xf32, #tpu.memory_space<vmem>>, vector<1x16xf32>,
        %get3A_130 = vector.shape_cast %get3A_129 : vector<1x16xf32> to vector<16xf32>
        %slice3A = vector.extract_strided_slice %get3A_130 {offsets = [0], sizes = [1], strides = [1]} : vector<16xf32> to vector<1xf32>
        %squeeze3A = vector.extract %slice3A[0] : f32 from vector<1xf32>
        %broadcast_in_dim3A_131 = vector.broadcast %squeeze3A : f32 to vector<16xf32>
        %mul3A_132 = arith.constant 16 : i32
        %mul3A_133 = arith.muli %scan3A_125, %mul3A_132 : i32
        %add3A_134 = arith.constant 0 : i32
        %add3A_135 = arith.addi %mul3A_133, %add3A_134 : i32
        %get3A_136 = arith.index_cast %add3A_135 : i32 to index
        %get3A_137 = arith.constant 0 : index
        %get3A_138 = tpu.vector_load %arg11[%get3A_136, %get3A_137] {strides = array<i32>} : memref<128x64xf32, #tpu.memory_space<vmem>>, vector<1x16xf32>,
        %get3A_139 = vector.shape_cast %get3A_138 : vector<1x16xf32> to vector<16xf32>
        %mul3A_140 = arith.mulf %get3A_139, %broadcast_in_dim3A_131 : vector<16xf32>
        %swap3A = arith.index_cast %add3A_135 : i32 to index
        %swap3A_141 = arith.constant 0 : index
        %swap3A_142 = tpu.vector_load %arg11[%swap3A, %swap3A_141] {strides = array<i32>} : memref<128x64xf32, #tpu.memory_space<vmem>>, vector<1x16xf32>,
        %swap3A_143 = vector.shape_cast %swap3A_142 : vector<1x16xf32> to vector<16xf32>
        %swap3A_144 = vector.shape_cast %mul3A_140 : vector<16xf32> to vector<1x16xf32>
        tpu.vector_store %arg11[%swap3A, %swap3A_141], %swap3A_144 {strides = array<i32>} : memref<128x64xf32, #tpu.memory_space<vmem>>, vector<1x16xf32>,
        %get3A_145 = arith.index_cast %add3A_135 : i32 to index
        %get3A_146 = arith.constant 16 : index
        %get3A_147 = tpu.vector_load %arg11[%get3A_145, %get3A_146] {strides = array<i32>} : memref<128x64xf32, #tpu.memory_space<vmem>>, vector<1x16xf32>,
        %get3A_148 = vector.shape_cast %get3A_147 : vector<1x16xf32> to vector<16xf32>
        %mul3A_149 = arith.mulf %get3A_148, %broadcast_in_dim3A_131 : vector<16xf32>
        %swap3A_150 = arith.index_cast %add3A_135 : i32 to index
        %swap3A_151 = arith.constant 16 : index
        %swap3A_152 = tpu.vector_load %arg11[%swap3A_150, %swap3A_151] {strides = array<i32>} : memref<128x64xf32, #tpu.memory_space<vmem>>, vector<1x16xf32>,
        %swap3A_153 = vector.shape_cast %swap3A_152 : vector<1x16xf32> to vector<16xf32>
        %swap3A_154 = vector.shape_cast %mul3A_149 : vector<16xf32> to vector<1x16xf32>
        tpu.vector_store %arg11[%swap3A_150, %swap3A_151], %swap3A_154 {strides = array<i32>} : memref<128x64xf32, #tpu.memory_space<vmem>>, vector<1x16xf32>,
        %get3A_155 = arith.index_cast %add3A_135 : i32 to index
        %get3A_156 = arith.constant 32 : index
        %get3A_157 = tpu.vector_load %arg11[%get3A_155, %get3A_156] {strides = array<i32>} : memref<128x64xf32, #tpu.memory_space<vmem>>, vector<1x16xf32>,
        %get3A_158 = vector.shape_cast %get3A_157 : vector<1x16xf32> to vector<16xf32>
        %mul3A_159 = arith.mulf %get3A_158, %broadcast_in_dim3A_131 : vector<16xf32>
        %swap3A_160 = arith.index_cast %add3A_135 : i32 to index
        %swap3A_161 = arith.constant 32 : index
        %swap3A_162 = tpu.vector_load %arg11[%swap3A_160, %swap3A_161] {strides = array<i32>} : memref<128x64xf32, #tpu.memory_space<vmem>>, vector<1x16xf32>,
        %swap3A_163 = vector.shape_cast %swap3A_162 : vector<1x16xf32> to vector<16xf32>
        %swap3A_164 = vector.shape_cast %mul3A_159 : vector<16xf32> to vector<1x16xf32>
        tpu.vector_store %arg11[%swap3A_160, %swap3A_161], %swap3A_164 {strides = array<i32>} : memref<128x64xf32, #tpu.memory_space<vmem>>, vector<1x16xf32>,
        %get3A_165 = arith.index_cast %add3A_135 : i32 to index
        %get3A_166 = arith.constant 48 : index
        %get3A_167 = tpu.vector_load %arg11[%get3A_165, %get3A_166] {strides = array<i32>} : memref<128x64xf32, #tpu.memory_space<vmem>>, vector<1x16xf32>,
        %get3A_168 = vector.shape_cast %get3A_167 : vector<1x16xf32> to vector<16xf32>
        %mul3A_169 = arith.mulf %get3A_168, %broadcast_in_dim3A_131 : vector<16xf32>
        %swap3A_170 = arith.index_cast %add3A_135 : i32 to index
        %swap3A_171 = arith.constant 48 : index
        %swap3A_172 = tpu.vector_load %arg11[%swap3A_170, %swap3A_171] {strides = array<i32>} : memref<128x64xf32, #tpu.memory_space<vmem>>, vector<1x16xf32>,
        %swap3A_173 = vector.shape_cast %swap3A_172 : vector<1x16xf32> to vector<16xf32>
        %swap3A_174 = vector.shape_cast %mul3A_169 : vector<16xf32> to vector<1x16xf32>
        tpu.vector_store %arg11[%swap3A_170, %swap3A_171], %swap3A_174 {strides = array<i32>} : memref<128x64xf32, #tpu.memory_space<vmem>>, vector<1x16xf32>,
        %slice3A_175 = vector.extract_strided_slice %get3A_130 {offsets = [1], sizes = [1], strides = [1]} : vector<16xf32> to vector<1xf32>
        %squeeze3A_176 = vector.extract %slice3A_175[0] : f32 from vector<1xf32>
        %broadcast_in_dim3A_177 = vector.broadcast %squeeze3A_176 : f32 to vector<16xf32>
        %mul3A_178 = arith.constant 16 : i32
        %mul3A_179 = arith.muli %scan3A_125, %mul3A_178 : i32
        %add3A_180 = arith.constant 1 : i32
        %add3A_181 = arith.addi %mul3A_179, %add3A_180 : i32
        %get3A_182 = arith.index_cast %add3A_181 : i32 to index
        %get3A_183 = arith.constant 0 : index
        %get3A_184 = tpu.vector_load %arg11[%get3A_182, %get3A_183] {strides = array<i32>} : memref<128x64xf32, #tpu.memory_space<vmem>>, vector<1x16xf32>,
        %get3A_185 = vector.shape_cast %get3A_184 : vector<1x16xf32> to vector<16xf32>
        %mul3A_186 = arith.mulf %get3A_185, %broadcast_in_dim3A_177 : vector<16xf32>
        %swap3A_187 = arith.index_cast %add3A_181 : i32 to index
        %swap3A_188 = arith.constant 0 : index
        %swap3A_189 = tpu.vector_load %arg11[%swap3A_187, %swap3A_188] {strides = array<i32>} : memref<128x64xf32, #tpu.memory_space<vmem>>, vector<1x16xf32>,
        %swap3A_190 = vector.shape_cast %swap3A_189 : vector<1x16xf32> to vector<16xf32>
        %swap3A_191 = vector.shape_cast %mul3A_186 : vector<16xf32> to vector<1x16xf32>
        tpu.vector_store %arg11[%swap3A_187, %swap3A_188], %swap3A_191 {strides = array<i32>} : memref<128x64xf32, #tpu.memory_space<vmem>>, vector<1x16xf32>,
        %get3A_192 = arith.index_cast %add3A_181 : i32 to index
        %get3A_193 = arith.constant 16 : index
        %get3A_194 = tpu.vector_load %arg11[%get3A_192, %get3A_193] {strides = array<i32>} : memref<128x64xf32, #tpu.memory_space<vmem>>, vector<1x16xf32>,
        %get3A_195 = vector.shape_cast %get3A_194 : vector<1x16xf32> to vector<16xf32>
        %mul3A_196 = arith.mulf %get3A_195, %broadcast_in_dim3A_177 : vector<16xf32>
        %swap3A_197 = arith.index_cast %add3A_181 : i32 to index
        %swap3A_198 = arith.constant 16 : index
        %swap3A_199 = tpu.vector_load %arg11[%swap3A_197, %swap3A_198] {strides = array<i32>} : memref<128x64xf32, #tpu.memory_space<vmem>>, vector<1x16xf32>,
        %swap3A_200 = vector.shape_cast %swap3A_199 : vector<1x16xf32> to vector<16xf32>
        %swap3A_201 = vector.shape_cast %mul3A_196 : vector<16xf32> to vector<1x16xf32>
        tpu.vector_store %arg11[%swap3A_197, %swap3A_198], %swap3A_201 {strides = array<i32>} : memref<128x64xf32, #tpu.memory_space<vmem>>, vector<1x16xf32>,
        %get3A_202 = arith.index_cast %add3A_181 : i32 to index
        %get3A_203 = arith.constant 32 : index
        %get3A_204 = tpu.vector_load %arg11[%get3A_202, %get3A_203] {strides = array<i32>} : memref<128x64xf32, #tpu.memory_space<vmem>>, vector<1x16xf32>,
        %get3A_205 = vector.shape_cast %get3A_204 : vector<1x16xf32> to vector<16xf32>
        %mul3A_206 = arith.mulf %get3A_205, %broadcast_in_dim3A_177 : vector<16xf32>
        %swap3A_207 = arith.index_cast %add3A_181 : i32 to index
        %swap3A_208 = arith.constant 32 : index
        %swap3A_209 = tpu.vector_load %arg11[%swap3A_207, %swap3A_208] {strides = array<i32>} : memref<128x64xf32, #tpu.memory_space<vmem>>, vector<1x16xf32>,
        %swap3A_210 = vector.shape_cast %swap3A_209 : vector<1x16xf32> to vector<16xf32>
        %swap3A_211 = vector.shape_cast %mul3A_206 : vector<16xf32> to vector<1x16xf32>
        tpu.vector_store %arg11[%swap3A_207, %swap3A_208], %swap3A_211 {strides = array<i32>} : memref<128x64xf32, #tpu.memory_space<vmem>>, vector<1x16xf32>,
        %get3A_212 = arith.index_cast %add3A_181 : i32 to index
        %get3A_213 = arith.constant 48 : index
        %get3A_214 = tpu.vector_load %arg11[%get3A_212, %get3A_213] {strides = array<i32>} : memref<128x64xf32, #tpu.memory_space<vmem>>, vector<1x16xf32>,
        %get3A_215 = vector.shape_cast %get3A_214 : vector<1x16xf32> to vector<16xf32>
        %mul3A_216 = arith.mulf %get3A_215, %broadcast_in_dim3A_177 : vector<16xf32>
        %swap3A_217 = arith.index_cast %add3A_181 : i32 to index
        %swap3A_218 = arith.constant 48 : index
        %swap3A_219 = tpu.vector_load %arg11[%swap3A_217, %swap3A_218] {strides = array<i32>} : memref<128x64xf32, #tpu.memory_space<vmem>>, vector<1x16xf32>,
        %swap3A_220 = vector.shape_cast %swap3A_219 : vector<1x16xf32> to vector<16xf32>
        %swap3A_221 = vector.shape_cast %mul3A_216 : vector<16xf32> to vector<1x16xf32>
        tpu.vector_store %arg11[%swap3A_217, %swap3A_218], %swap3A_221 {strides = array<i32>} : memref<128x64xf32, #tpu.memory_space<vmem>>, vector<1x16xf32>,
        %slice3A_222 = vector.extract_strided_slice %get3A_130 {offsets = [2], sizes = [1], strides = [1]} : vector<16xf32> to vector<1xf32>
        %squeeze3A_223 = vector.extract %slice3A_222[0] : f32 from vector<1xf32>
        %broadcast_in_dim3A_224 = vector.broadcast %squeeze3A_223 : f32 to vector<16xf32>
        %mul3A_225 = arith.constant 16 : i32
        %mul3A_226 = arith.muli %scan3A_125, %mul3A_225 : i32
        %add3A_227 = arith.constant 2 : i32
        %add3A_228 = arith.addi %mul3A_226, %add3A_227 : i32
        %get3A_229 = arith.index_cast %add3A_228 : i32 to index
        %get3A_230 = arith.constant 0 : index
        %get3A_231 = tpu.vector_load %arg11[%get3A_229, %get3A_230] {strides = array<i32>} : memref<128x64xf32, #tpu.memory_space<vmem>>, vector<1x16xf32>,
        %get3A_232 = vector.shape_cast %get3A_231 : vector<1x16xf32> to vector<16xf32>
        %mul3A_233 = arith.mulf %get3A_232, %broadcast_in_dim3A_224 : vector<16xf32>
        %swap3A_234 = arith.index_cast %add3A_228 : i32 to index
        %swap3A_235 = arith.constant 0 : index
        %swap3A_236 = tpu.vector_load %arg11[%swap3A_234, %swap3A_235] {strides = array<i32>} : memref<128x64xf32, #tpu.memory_space<vmem>>, vector<1x16xf32>,
        %swap3A_237 = vector.shape_cast %swap3A_236 : vector<1x16xf32> to vector<16xf32>
        %swap3A_238 = vector.shape_cast %mul3A_233 : vector<16xf32> to vector<1x16xf32>
        tpu.vector_store %arg11[%swap3A_234, %swap3A_235], %swap3A_238 {strides = array<i32>} : memref<128x64xf32, #tpu.memory_space<vmem>>, vector<1x16xf32>,
        %get3A_239 = arith.index_cast %add3A_228 : i32 to index
        %get3A_240 = arith.constant 16 : index
        %get3A_241 = tpu.vector_load %arg11[%get3A_239, %get3A_240] {strides = array<i32>} : memref<128x64xf32, #tpu.memory_space<vmem>>, vector<1x16xf32>,
        %get3A_242 = vector.shape_cast %get3A_241 : vector<1x16xf32> to vector<16xf32>
        %mul3A_243 = arith.mulf %get3A_242, %broadcast_in_dim3A_224 : vector<16xf32>
        %swap3A_244 = arith.index_cast %add3A_228 : i32 to index
        %swap3A_245 = arith.constant 16 : index
        %swap3A_246 = tpu.vector_load %arg11[%swap3A_244, %swap3A_245] {strides = array<i32>} : memref<128x64xf32, #tpu.memory_space<vmem>>, vector<1x16xf32>,
        %swap3A_247 = vector.shape_cast %swap3A_246 : vector<1x16xf32> to vector<16xf32>
        %swap3A_248 = vector.shape_cast %mul3A_243 : vector<16xf32> to vector<1x16xf32>
        tpu.vector_store %arg11[%swap3A_244, %swap3A_245], %swap3A_248 {strides = array<i32>} : memref<128x64xf32, #tpu.memory_space<vmem>>, vector<1x16xf32>,
        %get3A_249 = arith.index_cast %add3A_228 : i32 to index
        %get3A_250 = arith.constant 32 : index
        %get3A_251 = tpu.vector_load %arg11[%get3A_249, %get3A_250] {strides = array<i32>} : memref<128x64xf32, #tpu.memory_space<vmem>>, vector<1x16xf32>,
        %get3A_252 = vector.shape_cast %get3A_251 : vector<1x16xf32> to vector<16xf32>
        %mul3A_253 = arith.mulf %get3A_252, %broadcast_in_dim3A_224 : vector<16xf32>
        %swap3A_254 = arith.index_cast %add3A_228 : i32 to index
        %swap3A_255 = arith.constant 32 : index
        %swap3A_256 = tpu.vector_load %arg11[%swap3A_254, %swap3A_255] {strides = array<i32>} : memref<128x64xf32, #tpu.memory_space<vmem>>, vector<1x16xf32>,
        %swap3A_257 = vector.shape_cast %swap3A_256 : vector<1x16xf32> to vector<16xf32>
        %swap3A_258 = vector.shape_cast %mul3A_253 : vector<16xf32> to vector<1x16xf32>
        tpu.vector_store %arg11[%swap3A_254, %swap3A_255], %swap3A_258 {strides = array<i32>} : memref<128x64xf32, #tpu.memory_space<vmem>>, vector<1x16xf32>,
        %get3A_259 = arith.index_cast %add3A_228 : i32 to index
        %get3A_260 = arith.constant 48 : index
        %get3A_261 = tpu.vector_load %arg11[%get3A_259, %get3A_260] {strides = array<i32>} : memref<128x64xf32, #tpu.memory_space<vmem>>, vector<1x16xf32>,
        %get3A_262 = vector.shape_cast %get3A_261 : vector<1x16xf32> to vector<16xf32>
        %mul3A_263 = arith.mulf %get3A_262, %broadcast_in_dim3A_224 : vector<16xf32>
        %swap3A_264 = arith.index_cast %add3A_228 : i32 to index
        %swap3A_265 = arith.constant 48 : index
        %swap3A_266 = tpu.vector_load %arg11[%swap3A_264, %swap3A_265] {strides = array<i32>} : memref<128x64xf32, #tpu.memory_space<vmem>>, vector<1x16xf32>,
        %swap3A_267 = vector.shape_cast %swap3A_266 : vector<1x16xf32> to vector<16xf32>
        %swap3A_268 = vector.shape_cast %mul3A_263 : vector<16xf32> to vector<1x16xf32>
        tpu.vector_store %arg11[%swap3A_264, %swap3A_265], %swap3A_268 {strides = array<i32>} : memref<128x64xf32, #tpu.memory_space<vmem>>, vector<1x16xf32>,
        %slice3A_269 = vector.extract_strided_slice %get3A_130 {offsets = [3], sizes = [1], strides = [1]} : vector<16xf32> to vector<1xf32>
        %squeeze3A_270 = vector.extract %slice3A_269[0] : f32 from vector<1xf32>
        %broadcast_in_dim3A_271 = vector.broadcast %squeeze3A_270 : f32 to vector<16xf32>
        %mul3A_272 = arith.constant 16 : i32
        %mul3A_273 = arith.muli %scan3A_125, %mul3A_272 : i32
        %add3A_274 = arith.constant 3 : i32
        %add3A_275 = arith.addi %mul3A_273, %add3A_274 : i32
        %get3A_276 = arith.index_cast %add3A_275 : i32 to index
        %get3A_277 = arith.constant 0 : index
        %get3A_278 = tpu.vector_load %arg11[%get3A_276, %get3A_277] {strides = array<i32>} : memref<128x64xf32, #tpu.memory_space<vmem>>, vector<1x16xf32>,
        %get3A_279 = vector.shape_cast %get3A_278 : vector<1x16xf32> to vector<16xf32>
        %mul3A_280 = arith.mulf %get3A_279, %broadcast_in_dim3A_271 : vector<16xf32>
        %swap3A_281 = arith.index_cast %add3A_275 : i32 to index
        %swap3A_282 = arith.constant 0 : index
        %swap3A_283 = tpu.vector_load %arg11[%swap3A_281, %swap3A_282] {strides = array<i32>} : memref<128x64xf32, #tpu.memory_space<vmem>>, vector<1x16xf32>,
        %swap3A_284 = vector.shape_cast %swap3A_283 : vector<1x16xf32> to vector<16xf32>
        %swap3A_285 = vector.shape_cast %mul3A_280 : vector<16xf32> to vector<1x16xf32>
        tpu.vector_store %arg11[%swap3A_281, %swap3A_282], %swap3A_285 {strides = array<i32>} : memref<128x64xf32, #tpu.memory_space<vmem>>, vector<1x16xf32>,
        %get3A_286 = arith.index_cast %add3A_275 : i32 to index
        %get3A_287 = arith.constant 16 : index
        %get3A_288 = tpu.vector_load %arg11[%get3A_286, %get3A_287] {strides = array<i32>} : memref<128x64xf32, #tpu.memory_space<vmem>>, vector<1x16xf32>,
        %get3A_289 = vector.shape_cast %get3A_288 : vector<1x16xf32> to vector<16xf32>
        %mul3A_290 = arith.mulf %get3A_289, %broadcast_in_dim3A_271 : vector<16xf32>
        %swap3A_291 = arith.index_cast %add3A_275 : i32 to index
        %swap3A_292 = arith.constant 16 : index
        %swap3A_293 = tpu.vector_load %arg11[%swap3A_291, %swap3A_292] {strides = array<i32>} : memref<128x64xf32, #tpu.memory_space<vmem>>, vector<1x16xf32>,
        %swap3A_294 = vector.shape_cast %swap3A_293 : vector<1x16xf32> to vector<16xf32>
        %swap3A_295 = vector.shape_cast %mul3A_290 : vector<16xf32> to vector<1x16xf32>
        tpu.vector_store %arg11[%swap3A_291, %swap3A_292], %swap3A_295 {strides = array<i32>} : memref<128x64xf32, #tpu.memory_space<vmem>>, vector<1x16xf32>,
        %get3A_296 = arith.index_cast %add3A_275 : i32 to index
        %get3A_297 = arith.constant 32 : index
        %get3A_298 = tpu.vector_load %arg11[%get3A_296, %get3A_297] {strides = array<i32>} : memref<128x64xf32, #tpu.memory_space<vmem>>, vector<1x16xf32>,
        %get3A_299 = vector.shape_cast %get3A_298 : vector<1x16xf32> to vector<16xf32>
        %mul3A_300 = arith.mulf %get3A_299, %broadcast_in_dim3A_271 : vector<16xf32>
        %swap3A_301 = arith.index_cast %add3A_275 : i32 to index
        %swap3A_302 = arith.constant 32 : index
        %swap3A_303 = tpu.vector_load %arg11[%swap3A_301, %swap3A_302] {strides = array<i32>} : memref<128x64xf32, #tpu.memory_space<vmem>>, vector<1x16xf32>,
        %swap3A_304 = vector.shape_cast %swap3A_303 : vector<1x16xf32> to vector<16xf32>
        %swap3A_305 = vector.shape_cast %mul3A_300 : vector<16xf32> to vector<1x16xf32>
        tpu.vector_store %arg11[%swap3A_301, %swap3A_302], %swap3A_305 {strides = array<i32>} : memref<128x64xf32, #tpu.memory_space<vmem>>, vector<1x16xf32>,
        %get3A_306 = arith.index_cast %add3A_275 : i32 to index
        %get3A_307 = arith.constant 48 : index
        %get3A_308 = tpu.vector_load %arg11[%get3A_306, %get3A_307] {strides = array<i32>} : memref<128x64xf32, #tpu.memory_space<vmem>>, vector<1x16xf32>,
        %get3A_309 = vector.shape_cast %get3A_308 : vector<1x16xf32> to vector<16xf32>
        %mul3A_310 = arith.mulf %get3A_309, %broadcast_in_dim3A_271 : vector<16xf32>
        %swap3A_311 = arith.index_cast %add3A_275 : i32 to index
        %swap3A_312 = arith.constant 48 : index
        %swap3A_313 = tpu.vector_load %arg11[%swap3A_311, %swap3A_312] {strides = array<i32>} : memref<128x64xf32, #tpu.memory_space<vmem>>, vector<1x16xf32>,
        %swap3A_314 = vector.shape_cast %swap3A_313 : vector<1x16xf32> to vector<16xf32>
        %swap3A_315 = vector.shape_cast %mul3A_310 : vector<16xf32> to vector<1x16xf32>
        tpu.vector_store %arg11[%swap3A_311, %swap3A_312], %swap3A_315 {strides = array<i32>} : memref<128x64xf32, #tpu.memory_space<vmem>>, vector<1x16xf32>,
        %slice3A_316 = vector.extract_strided_slice %get3A_130 {offsets = [4], sizes = [1], strides = [1]} : vector<16xf32> to vector<1xf32>
        %squeeze3A_317 = vector.extract %slice3A_316[0] : f32 from vector<1xf32>
        %broadcast_in_dim3A_318 = vector.broadcast %squeeze3A_317 : f32 to vector<16xf32>
        %mul3A_319 = arith.constant 16 : i32
        %mul3A_320 = arith.muli %scan3A_125, %mul3A_319 : i32
        %add3A_321 = arith.constant 4 : i32
        %add3A_322 = arith.addi %mul3A_320, %add3A_321 : i32
        %get3A_323 = arith.index_cast %add3A_322 : i32 to index
        %get3A_324 = arith.constant 0 : index
        %get3A_325 = tpu.vector_load %arg11[%get3A_323, %get3A_324] {strides = array<i32>} : memref<128x64xf32, #tpu.memory_space<vmem>>, vector<1x16xf32>,
        %get3A_326 = vector.shape_cast %get3A_325 : vector<1x16xf32> to vector<16xf32>
        %mul3A_327 = arith.mulf %get3A_326, %broadcast_in_dim3A_318 : vector<16xf32>
        %swap3A_328 = arith.index_cast %add3A_322 : i32 to index
        %swap3A_329 = arith.constant 0 : index
        %swap3A_330 = tpu.vector_load %arg11[%swap3A_328, %swap3A_329] {strides = array<i32>} : memref<128x64xf32, #tpu.memory_space<vmem>>, vector<1x16xf32>,
        %swap3A_331 = vector.shape_cast %swap3A_330 : vector<1x16xf32> to vector<16xf32>
        %swap3A_332 = vector.shape_cast %mul3A_327 : vector<16xf32> to vector<1x16xf32>
        tpu.vector_store %arg11[%swap3A_328, %swap3A_329], %swap3A_332 {strides = array<i32>} : memref<128x64xf32, #tpu.memory_space<vmem>>, vector<1x16xf32>,
        %get3A_333 = arith.index_cast %add3A_322 : i32 to index
        %get3A_334 = arith.constant 16 : index
        %get3A_335 = tpu.vector_load %arg11[%get3A_333, %get3A_334] {strides = array<i32>} : memref<128x64xf32, #tpu.memory_space<vmem>>, vector<1x16xf32>,
        %get3A_336 = vector.shape_cast %get3A_335 : vector<1x16xf32> to vector<16xf32>
        %mul3A_337 = arith.mulf %get3A_336, %broadcast_in_dim3A_318 : vector<16xf32>
        %swap3A_338 = arith.index_cast %add3A_322 : i32 to index
        %swap3A_339 = arith.constant 16 : index
        %swap3A_340 = tpu.vector_load %arg11[%swap3A_338, %swap3A_339] {strides = array<i32>} : memref<128x64xf32, #tpu.memory_space<vmem>>, vector<1x16xf32>,
        %swap3A_341 = vector.shape_cast %swap3A_340 : vector<1x16xf32> to vector<16xf32>
        %swap3A_342 = vector.shape_cast %mul3A_337 : vector<16xf32> to vector<1x16xf32>
        tpu.vector_store %arg11[%swap3A_338, %swap3A_339], %swap3A_342 {strides = array<i32>} : memref<128x64xf32, #tpu.memory_space<vmem>>, vector<1x16xf32>,
        %get3A_343 = arith.index_cast %add3A_322 : i32 to index
        %get3A_344 = arith.constant 32 : index
        %get3A_345 = tpu.vector_load %arg11[%get3A_343, %get3A_344] {strides = array<i32>} : memref<128x64xf32, #tpu.memory_space<vmem>>, vector<1x16xf32>,
        %get3A_346 = vector.shape_cast %get3A_345 : vector<1x16xf32> to vector<16xf32>
        %mul3A_347 = arith.mulf %get3A_346, %broadcast_in_dim3A_318 : vector<16xf32>
        %swap3A_348 = arith.index_cast %add3A_322 : i32 to index
        %swap3A_349 = arith.constant 32 : index
        %swap3A_350 = tpu.vector_load %arg11[%swap3A_348, %swap3A_349] {strides = array<i32>} : memref<128x64xf32, #tpu.memory_space<vmem>>, vector<1x16xf32>,
        %swap3A_351 = vector.shape_cast %swap3A_350 : vector<1x16xf32> to vector<16xf32>
        %swap3A_352 = vector.shape_cast %mul3A_347 : vector<16xf32> to vector<1x16xf32>
        tpu.vector_store %arg11[%swap3A_348, %swap3A_349], %swap3A_352 {strides = array<i32>} : memref<128x64xf32, #tpu.memory_space<vmem>>, vector<1x16xf32>,
        %get3A_353 = arith.index_cast %add3A_322 : i32 to index
        %get3A_354 = arith.constant 48 : index
        %get3A_355 = tpu.vector_load %arg11[%get3A_353, %get3A_354] {strides = array<i32>} : memref<128x64xf32, #tpu.memory_space<vmem>>, vector<1x16xf32>,
        %get3A_356 = vector.shape_cast %get3A_355 : vector<1x16xf32> to vector<16xf32>
        %mul3A_357 = arith.mulf %get3A_356, %broadcast_in_dim3A_318 : vector<16xf32>
        %swap3A_358 = arith.index_cast %add3A_322 : i32 to index
        %swap3A_359 = arith.constant 48 : index
        %swap3A_360 = tpu.vector_load %arg11[%swap3A_358, %swap3A_359] {strides = array<i32>} : memref<128x64xf32, #tpu.memory_space<vmem>>, vector<1x16xf32>,
        %swap3A_361 = vector.shape_cast %swap3A_360 : vector<1x16xf32> to vector<16xf32>
        %swap3A_362 = vector.shape_cast %mul3A_357 : vector<16xf32> to vector<1x16xf32>
        tpu.vector_store %arg11[%swap3A_358, %swap3A_359], %swap3A_362 {strides = array<i32>} : memref<128x64xf32, #tpu.memory_space<vmem>>, vector<1x16xf32>,
        %slice3A_363 = vector.extract_strided_slice %get3A_130 {offsets = [5], sizes = [1], strides = [1]} : vector<16xf32> to vector<1xf32>
        %squeeze3A_364 = vector.extract %slice3A_363[0] : f32 from vector<1xf32>
        %broadcast_in_dim3A_365 = vector.broadcast %squeeze3A_364 : f32 to vector<16xf32>
        %mul3A_366 = arith.constant 16 : i32
        %mul3A_367 = arith.muli %scan3A_125, %mul3A_366 : i32
        %add3A_368 = arith.constant 5 : i32
        %add3A_369 = arith.addi %mul3A_367, %add3A_368 : i32
        %get3A_370 = arith.index_cast %add3A_369 : i32 to index
        %get3A_371 = arith.constant 0 : index
        %get3A_372 = tpu.vector_load %arg11[%get3A_370, %get3A_371] {strides = array<i32>} : memref<128x64xf32, #tpu.memory_space<vmem>>, vector<1x16xf32>,
        %get3A_373 = vector.shape_cast %get3A_372 : vector<1x16xf32> to vector<16xf32>
        %mul3A_374 = arith.mulf %get3A_373, %broadcast_in_dim3A_365 : vector<16xf32>
        %swap3A_375 = arith.index_cast %add3A_369 : i32 to index
        %swap3A_376 = arith.constant 0 : index
        %swap3A_377 = tpu.vector_load %arg11[%swap3A_375, %swap3A_376] {strides = array<i32>} : memref<128x64xf32, #tpu.memory_space<vmem>>, vector<1x16xf32>,
        %swap3A_378 = vector.shape_cast %swap3A_377 : vector<1x16xf32> to vector<16xf32>
        %swap3A_379 = vector.shape_cast %mul3A_374 : vector<16xf32> to vector<1x16xf32>
        tpu.vector_store %arg11[%swap3A_375, %swap3A_376], %swap3A_379 {strides = array<i32>} : memref<128x64xf32, #tpu.memory_space<vmem>>, vector<1x16xf32>,
        %get3A_380 = arith.index_cast %add3A_369 : i32 to index
        %get3A_381 = arith.constant 16 : index
        %get3A_382 = tpu.vector_load %arg11[%get3A_380, %get3A_381] {strides = array<i32>} : memref<128x64xf32, #tpu.memory_space<vmem>>, vector<1x16xf32>,
        %get3A_383 = vector.shape_cast %get3A_382 : vector<1x16xf32> to vector<16xf32>
        %mul3A_384 = arith.mulf %get3A_383, %broadcast_in_dim3A_365 : vector<16xf32>
        %swap3A_385 = arith.index_cast %add3A_369 : i32 to index
        %swap3A_386 = arith.constant 16 : index
        %swap3A_387 = tpu.vector_load %arg11[%swap3A_385, %swap3A_386] {strides = array<i32>} : memref<128x64xf32, #tpu.memory_space<vmem>>, vector<1x16xf32>,
        %swap3A_388 = vector.shape_cast %swap3A_387 : vector<1x16xf32> to vector<16xf32>
        %swap3A_389 = vector.shape_cast %mul3A_384 : vector<16xf32> to vector<1x16xf32>
        tpu.vector_store %arg11[%swap3A_385, %swap3A_386], %swap3A_389 {strides = array<i32>} : memref<128x64xf32, #tpu.memory_space<vmem>>, vector<1x16xf32>,
        %get3A_390 = arith.index_cast %add3A_369 : i32 to index
        %get3A_391 = arith.constant 32 : index
        %get3A_392 = tpu.vector_load %arg11[%get3A_390, %get3A_391] {strides = array<i32>} : memref<128x64xf32, #tpu.memory_space<vmem>>, vector<1x16xf32>,
        %get3A_393 = vector.shape_cast %get3A_392 : vector<1x16xf32> to vector<16xf32>
        %mul3A_394 = arith.mulf %get3A_393, %broadcast_in_dim3A_365 : vector<16xf32>
        %swap3A_395 = arith.index_cast %add3A_369 : i32 to index
        %swap3A_396 = arith.constant 32 : index
        %swap3A_397 = tpu.vector_load %arg11[%swap3A_395, %swap3A_396] {strides = array<i32>} : memref<128x64xf32, #tpu.memory_space<vmem>>, vector<1x16xf32>,
        %swap3A_398 = vector.shape_cast %swap3A_397 : vector<1x16xf32> to vector<16xf32>
        %swap3A_399 = vector.shape_cast %mul3A_394 : vector<16xf32> to vector<1x16xf32>
        tpu.vector_store %arg11[%swap3A_395, %swap3A_396], %swap3A_399 {strides = array<i32>} : memref<128x64xf32, #tpu.memory_space<vmem>>, vector<1x16xf32>,
        %get3A_400 = arith.index_cast %add3A_369 : i32 to index
        %get3A_401 = arith.constant 48 : index
        %get3A_402 = tpu.vector_load %arg11[%get3A_400, %get3A_401] {strides = array<i32>} : memref<128x64xf32, #tpu.memory_space<vmem>>, vector<1x16xf32>,
        %get3A_403 = vector.shape_cast %get3A_402 : vector<1x16xf32> to vector<16xf32>
        %mul3A_404 = arith.mulf %get3A_403, %broadcast_in_dim3A_365 : vector<16xf32>
        %swap3A_405 = arith.index_cast %add3A_369 : i32 to index
        %swap3A_406 = arith.constant 48 : index
        %swap3A_407 = tpu.vector_load %arg11[%swap3A_405, %swap3A_406] {strides = array<i32>} : memref<128x64xf32, #tpu.memory_space<vmem>>, vector<1x16xf32>,
        %swap3A_408 = vector.shape_cast %swap3A_407 : vector<1x16xf32> to vector<16xf32>
        %swap3A_409 = vector.shape_cast %mul3A_404 : vector<16xf32> to vector<1x16xf32>
        tpu.vector_store %arg11[%swap3A_405, %swap3A_406], %swap3A_409 {strides = array<i32>} : memref<128x64xf32, #tpu.memory_space<vmem>>, vector<1x16xf32>,
        %slice3A_410 = vector.extract_strided_slice %get3A_130 {offsets = [6], sizes = [1], strides = [1]} : vector<16xf32> to vector<1xf32>
        %squeeze3A_411 = vector.extract %slice3A_410[0] : f32 from vector<1xf32>
        %broadcast_in_dim3A_412 = vector.broadcast %squeeze3A_411 : f32 to vector<16xf32>
        %mul3A_413 = arith.constant 16 : i32
        %mul3A_414 = arith.muli %scan3A_125, %mul3A_413 : i32
        %add3A_415 = arith.constant 6 : i32
        %add3A_416 = arith.addi %mul3A_414, %add3A_415 : i32
        %get3A_417 = arith.index_cast %add3A_416 : i32 to index
        %get3A_418 = arith.constant 0 : index
        %get3A_419 = tpu.vector_load %arg11[%get3A_417, %get3A_418] {strides = array<i32>} : memref<128x64xf32, #tpu.memory_space<vmem>>, vector<1x16xf32>,
        %get3A_420 = vector.shape_cast %get3A_419 : vector<1x16xf32> to vector<16xf32>
        %mul3A_421 = arith.mulf %get3A_420, %broadcast_in_dim3A_412 : vector<16xf32>
        %swap3A_422 = arith.index_cast %add3A_416 : i32 to index
        %swap3A_423 = arith.constant 0 : index
        %swap3A_424 = tpu.vector_load %arg11[%swap3A_422, %swap3A_423] {strides = array<i32>} : memref<128x64xf32, #tpu.memory_space<vmem>>, vector<1x16xf32>,
        %swap3A_425 = vector.shape_cast %swap3A_424 : vector<1x16xf32> to vector<16xf32>
        %swap3A_426 = vector.shape_cast %mul3A_421 : vector<16xf32> to vector<1x16xf32>
        tpu.vector_store %arg11[%swap3A_422, %swap3A_423], %swap3A_426 {strides = array<i32>} : memref<128x64xf32, #tpu.memory_space<vmem>>, vector<1x16xf32>,
        %get3A_427 = arith.index_cast %add3A_416 : i32 to index
        %get3A_428 = arith.constant 16 : index
        %get3A_429 = tpu.vector_load %arg11[%get3A_427, %get3A_428] {strides = array<i32>} : memref<128x64xf32, #tpu.memory_space<vmem>>, vector<1x16xf32>,
        %get3A_430 = vector.shape_cast %get3A_429 : vector<1x16xf32> to vector<16xf32>
        %mul3A_431 = arith.mulf %get3A_430, %broadcast_in_dim3A_412 : vector<16xf32>
        %swap3A_432 = arith.index_cast %add3A_416 : i32 to index
        %swap3A_433 = arith.constant 16 : index
        %swap3A_434 = tpu.vector_load %arg11[%swap3A_432, %swap3A_433] {strides = array<i32>} : memref<128x64xf32, #tpu.memory_space<vmem>>, vector<1x16xf32>,
        %swap3A_435 = vector.shape_cast %swap3A_434 : vector<1x16xf32> to vector<16xf32>
        %swap3A_436 = vector.shape_cast %mul3A_431 : vector<16xf32> to vector<1x16xf32>
        tpu.vector_store %arg11[%swap3A_432, %swap3A_433], %swap3A_436 {strides = array<i32>} : memref<128x64xf32, #tpu.memory_space<vmem>>, vector<1x16xf32>,
        %get3A_437 = arith.index_cast %add3A_416 : i32 to index
        %get3A_438 = arith.constant 32 : index
        %get3A_439 = tpu.vector_load %arg11[%get3A_437, %get3A_438] {strides = array<i32>} : memref<128x64xf32, #tpu.memory_space<vmem>>, vector<1x16xf32>,
        %get3A_440 = vector.shape_cast %get3A_439 : vector<1x16xf32> to vector<16xf32>
        %mul3A_441 = arith.mulf %get3A_440, %broadcast_in_dim3A_412 : vector<16xf32>
        %swap3A_442 = arith.index_cast %add3A_416 : i32 to index
        %swap3A_443 = arith.constant 32 : index
        %swap3A_444 = tpu.vector_load %arg11[%swap3A_442, %swap3A_443] {strides = array<i32>} : memref<128x64xf32, #tpu.memory_space<vmem>>, vector<1x16xf32>,
        %swap3A_445 = vector.shape_cast %swap3A_444 : vector<1x16xf32> to vector<16xf32>
        %swap3A_446 = vector.shape_cast %mul3A_441 : vector<16xf32> to vector<1x16xf32>
        tpu.vector_store %arg11[%swap3A_442, %swap3A_443], %swap3A_446 {strides = array<i32>} : memref<128x64xf32, #tpu.memory_space<vmem>>, vector<1x16xf32>,
        %get3A_447 = arith.index_cast %add3A_416 : i32 to index
        %get3A_448 = arith.constant 48 : index
        %get3A_449 = tpu.vector_load %arg11[%get3A_447, %get3A_448] {strides = array<i32>} : memref<128x64xf32, #tpu.memory_space<vmem>>, vector<1x16xf32>,
        %get3A_450 = vector.shape_cast %get3A_449 : vector<1x16xf32> to vector<16xf32>
        %mul3A_451 = arith.mulf %get3A_450, %broadcast_in_dim3A_412 : vector<16xf32>
        %swap3A_452 = arith.index_cast %add3A_416 : i32 to index
        %swap3A_453 = arith.constant 48 : index
        %swap3A_454 = tpu.vector_load %arg11[%swap3A_452, %swap3A_453] {strides = array<i32>} : memref<128x64xf32, #tpu.memory_space<vmem>>, vector<1x16xf32>,
        %swap3A_455 = vector.shape_cast %swap3A_454 : vector<1x16xf32> to vector<16xf32>
        %swap3A_456 = vector.shape_cast %mul3A_451 : vector<16xf32> to vector<1x16xf32>
        tpu.vector_store %arg11[%swap3A_452, %swap3A_453], %swap3A_456 {strides = array<i32>} : memref<128x64xf32, #tpu.memory_space<vmem>>, vector<1x16xf32>,
        %slice3A_457 = vector.extract_strided_slice %get3A_130 {offsets = [7], sizes = [1], strides = [1]} : vector<16xf32> to vector<1xf32>
        %squeeze3A_458 = vector.extract %slice3A_457[0] : f32 from vector<1xf32>
        %broadcast_in_dim3A_459 = vector.broadcast %squeeze3A_458 : f32 to vector<16xf32>
        %mul3A_460 = arith.constant 16 : i32
        %mul3A_461 = arith.muli %scan3A_125, %mul3A_460 : i32
        %add3A_462 = arith.constant 7 : i32
        %add3A_463 = arith.addi %mul3A_461, %add3A_462 : i32
        %get3A_464 = arith.index_cast %add3A_463 : i32 to index
        %get3A_465 = arith.constant 0 : index
        %get3A_466 = tpu.vector_load %arg11[%get3A_464, %get3A_465] {strides = array<i32>} : memref<128x64xf32, #tpu.memory_space<vmem>>, vector<1x16xf32>,
        %get3A_467 = vector.shape_cast %get3A_466 : vector<1x16xf32> to vector<16xf32>
        %mul3A_468 = arith.mulf %get3A_467, %broadcast_in_dim3A_459 : vector<16xf32>
        %swap3A_469 = arith.index_cast %add3A_463 : i32 to index
        %swap3A_470 = arith.constant 0 : index
        %swap3A_471 = tpu.vector_load %arg11[%swap3A_469, %swap3A_470] {strides = array<i32>} : memref<128x64xf32, #tpu.memory_space<vmem>>, vector<1x16xf32>,
        %swap3A_472 = vector.shape_cast %swap3A_471 : vector<1x16xf32> to vector<16xf32>
        %swap3A_473 = vector.shape_cast %mul3A_468 : vector<16xf32> to vector<1x16xf32>
        tpu.vector_store %arg11[%swap3A_469, %swap3A_470], %swap3A_473 {strides = array<i32>} : memref<128x64xf32, #tpu.memory_space<vmem>>, vector<1x16xf32>,
        %get3A_474 = arith.index_cast %add3A_463 : i32 to index
        %get3A_475 = arith.constant 16 : index
        %get3A_476 = tpu.vector_load %arg11[%get3A_474, %get3A_475] {strides = array<i32>} : memref<128x64xf32, #tpu.memory_space<vmem>>, vector<1x16xf32>,
        %get3A_477 = vector.shape_cast %get3A_476 : vector<1x16xf32> to vector<16xf32>
        %mul3A_478 = arith.mulf %get3A_477, %broadcast_in_dim3A_459 : vector<16xf32>
        %swap3A_479 = arith.index_cast %add3A_463 : i32 to index
        %swap3A_480 = arith.constant 16 : index
        %swap3A_481 = tpu.vector_load %arg11[%swap3A_479, %swap3A_480] {strides = array<i32>} : memref<128x64xf32, #tpu.memory_space<vmem>>, vector<1x16xf32>,
        %swap3A_482 = vector.shape_cast %swap3A_481 : vector<1x16xf32> to vector<16xf32>
        %swap3A_483 = vector.shape_cast %mul3A_478 : vector<16xf32> to vector<1x16xf32>
        tpu.vector_store %arg11[%swap3A_479, %swap3A_480], %swap3A_483 {strides = array<i32>} : memref<128x64xf32, #tpu.memory_space<vmem>>, vector<1x16xf32>,
        %get3A_484 = arith.index_cast %add3A_463 : i32 to index
        %get3A_485 = arith.constant 32 : index
        %get3A_486 = tpu.vector_load %arg11[%get3A_484, %get3A_485] {strides = array<i32>} : memref<128x64xf32, #tpu.memory_space<vmem>>, vector<1x16xf32>,
        %get3A_487 = vector.shape_cast %get3A_486 : vector<1x16xf32> to vector<16xf32>
        %mul3A_488 = arith.mulf %get3A_487, %broadcast_in_dim3A_459 : vector<16xf32>
        %swap3A_489 = arith.index_cast %add3A_463 : i32 to index
        %swap3A_490 = arith.constant 32 : index
        %swap3A_491 = tpu.vector_load %arg11[%swap3A_489, %swap3A_490] {strides = array<i32>} : memref<128x64xf32, #tpu.memory_space<vmem>>, vector<1x16xf32>,
        %swap3A_492 = vector.shape_cast %swap3A_491 : vector<1x16xf32> to vector<16xf32>
        %swap3A_493 = vector.shape_cast %mul3A_488 : vector<16xf32> to vector<1x16xf32>
        tpu.vector_store %arg11[%swap3A_489, %swap3A_490], %swap3A_493 {strides = array<i32>} : memref<128x64xf32, #tpu.memory_space<vmem>>, vector<1x16xf32>,
        %get3A_494 = arith.index_cast %add3A_463 : i32 to index
        %get3A_495 = arith.constant 48 : index
        %get3A_496 = tpu.vector_load %arg11[%get3A_494, %get3A_495] {strides = array<i32>} : memref<128x64xf32, #tpu.memory_space<vmem>>, vector<1x16xf32>,
        %get3A_497 = vector.shape_cast %get3A_496 : vector<1x16xf32> to vector<16xf32>
        %mul3A_498 = arith.mulf %get3A_497, %broadcast_in_dim3A_459 : vector<16xf32>
        %swap3A_499 = arith.index_cast %add3A_463 : i32 to index
        %swap3A_500 = arith.constant 48 : index
        %swap3A_501 = tpu.vector_load %arg11[%swap3A_499, %swap3A_500] {strides = array<i32>} : memref<128x64xf32, #tpu.memory_space<vmem>>, vector<1x16xf32>,
        %swap3A_502 = vector.shape_cast %swap3A_501 : vector<1x16xf32> to vector<16xf32>
        %swap3A_503 = vector.shape_cast %mul3A_498 : vector<16xf32> to vector<1x16xf32>
        tpu.vector_store %arg11[%swap3A_499, %swap3A_500], %swap3A_503 {strides = array<i32>} : memref<128x64xf32, #tpu.memory_space<vmem>>, vector<1x16xf32>,
        %slice3A_504 = vector.extract_strided_slice %get3A_130 {offsets = [8], sizes = [1], strides = [1]} : vector<16xf32> to vector<1xf32>
        %squeeze3A_505 = vector.extract %slice3A_504[0] : f32 from vector<1xf32>
        %broadcast_in_dim3A_506 = vector.broadcast %squeeze3A_505 : f32 to vector<16xf32>
        %mul3A_507 = arith.constant 16 : i32
        %mul3A_508 = arith.muli %scan3A_125, %mul3A_507 : i32
        %add3A_509 = arith.constant 8 : i32
        %add3A_510 = arith.addi %mul3A_508, %add3A_509 : i32
        %get3A_511 = arith.index_cast %add3A_510 : i32 to index
        %get3A_512 = arith.constant 0 : index
        %get3A_513 = tpu.vector_load %arg11[%get3A_511, %get3A_512] {strides = array<i32>} : memref<128x64xf32, #tpu.memory_space<vmem>>, vector<1x16xf32>,
        %get3A_514 = vector.shape_cast %get3A_513 : vector<1x16xf32> to vector<16xf32>
        %mul3A_515 = arith.mulf %get3A_514, %broadcast_in_dim3A_506 : vector<16xf32>
        %swap3A_516 = arith.index_cast %add3A_510 : i32 to index
        %swap3A_517 = arith.constant 0 : index
        %swap3A_518 = tpu.vector_load %arg11[%swap3A_516, %swap3A_517] {strides = array<i32>} : memref<128x64xf32, #tpu.memory_space<vmem>>, vector<1x16xf32>,
        %swap3A_519 = vector.shape_cast %swap3A_518 : vector<1x16xf32> to vector<16xf32>
        %swap3A_520 = vector.shape_cast %mul3A_515 : vector<16xf32> to vector<1x16xf32>
        tpu.vector_store %arg11[%swap3A_516, %swap3A_517], %swap3A_520 {strides = array<i32>} : memref<128x64xf32, #tpu.memory_space<vmem>>, vector<1x16xf32>,
        %get3A_521 = arith.index_cast %add3A_510 : i32 to index
        %get3A_522 = arith.constant 16 : index
        %get3A_523 = tpu.vector_load %arg11[%get3A_521, %get3A_522] {strides = array<i32>} : memref<128x64xf32, #tpu.memory_space<vmem>>, vector<1x16xf32>,
        %get3A_524 = vector.shape_cast %get3A_523 : vector<1x16xf32> to vector<16xf32>
        %mul3A_525 = arith.mulf %get3A_524, %broadcast_in_dim3A_506 : vector<16xf32>
        %swap3A_526 = arith.index_cast %add3A_510 : i32 to index
        %swap3A_527 = arith.constant 16 : index
        %swap3A_528 = tpu.vector_load %arg11[%swap3A_526, %swap3A_527] {strides = array<i32>} : memref<128x64xf32, #tpu.memory_space<vmem>>, vector<1x16xf32>,
        %swap3A_529 = vector.shape_cast %swap3A_528 : vector<1x16xf32> to vector<16xf32>
        %swap3A_530 = vector.shape_cast %mul3A_525 : vector<16xf32> to vector<1x16xf32>
        tpu.vector_store %arg11[%swap3A_526, %swap3A_527], %swap3A_530 {strides = array<i32>} : memref<128x64xf32, #tpu.memory_space<vmem>>, vector<1x16xf32>,
        %get3A_531 = arith.index_cast %add3A_510 : i32 to index
        %get3A_532 = arith.constant 32 : index
        %get3A_533 = tpu.vector_load %arg11[%get3A_531, %get3A_532] {strides = array<i32>} : memref<128x64xf32, #tpu.memory_space<vmem>>, vector<1x16xf32>,
        %get3A_534 = vector.shape_cast %get3A_533 : vector<1x16xf32> to vector<16xf32>
        %mul3A_535 = arith.mulf %get3A_534, %broadcast_in_dim3A_506 : vector<16xf32>
        %swap3A_536 = arith.index_cast %add3A_510 : i32 to index
        %swap3A_537 = arith.constant 32 : index
        %swap3A_538 = tpu.vector_load %arg11[%swap3A_536, %swap3A_537] {strides = array<i32>} : memref<128x64xf32, #tpu.memory_space<vmem>>, vector<1x16xf32>,
        %swap3A_539 = vector.shape_cast %swap3A_538 : vector<1x16xf32> to vector<16xf32>
        %swap3A_540 = vector.shape_cast %mul3A_535 : vector<16xf32> to vector<1x16xf32>
        tpu.vector_store %arg11[%swap3A_536, %swap3A_537], %swap3A_540 {strides = array<i32>} : memref<128x64xf32, #tpu.memory_space<vmem>>, vector<1x16xf32>,
        %get3A_541 = arith.index_cast %add3A_510 : i32 to index
        %get3A_542 = arith.constant 48 : index
        %get3A_543 = tpu.vector_load %arg11[%get3A_541, %get3A_542] {strides = array<i32>} : memref<128x64xf32, #tpu.memory_space<vmem>>, vector<1x16xf32>,
        %get3A_544 = vector.shape_cast %get3A_543 : vector<1x16xf32> to vector<16xf32>
        %mul3A_545 = arith.mulf %get3A_544, %broadcast_in_dim3A_506 : vector<16xf32>
        %swap3A_546 = arith.index_cast %add3A_510 : i32 to index
        %swap3A_547 = arith.constant 48 : index
        %swap3A_548 = tpu.vector_load %arg11[%swap3A_546, %swap3A_547] {strides = array<i32>} : memref<128x64xf32, #tpu.memory_space<vmem>>, vector<1x16xf32>,
        %swap3A_549 = vector.shape_cast %swap3A_548 : vector<1x16xf32> to vector<16xf32>
        %swap3A_550 = vector.shape_cast %mul3A_545 : vector<16xf32> to vector<1x16xf32>
        tpu.vector_store %arg11[%swap3A_546, %swap3A_547], %swap3A_550 {strides = array<i32>} : memref<128x64xf32, #tpu.memory_space<vmem>>, vector<1x16xf32>,
        %slice3A_551 = vector.extract_strided_slice %get3A_130 {offsets = [9], sizes = [1], strides = [1]} : vector<16xf32> to vector<1xf32>
        %squeeze3A_552 = vector.extract %slice3A_551[0] : f32 from vector<1xf32>
        %broadcast_in_dim3A_553 = vector.broadcast %squeeze3A_552 : f32 to vector<16xf32>
        %mul3A_554 = arith.constant 16 : i32
        %mul3A_555 = arith.muli %scan3A_125, %mul3A_554 : i32
        %add3A_556 = arith.constant 9 : i32
        %add3A_557 = arith.addi %mul3A_555, %add3A_556 : i32
        %get3A_558 = arith.index_cast %add3A_557 : i32 to index
        %get3A_559 = arith.constant 0 : index
        %get3A_560 = tpu.vector_load %arg11[%get3A_558, %get3A_559] {strides = array<i32>} : memref<128x64xf32, #tpu.memory_space<vmem>>, vector<1x16xf32>,
        %get3A_561 = vector.shape_cast %get3A_560 : vector<1x16xf32> to vector<16xf32>
        %mul3A_562 = arith.mulf %get3A_561, %broadcast_in_dim3A_553 : vector<16xf32>
        %swap3A_563 = arith.index_cast %add3A_557 : i32 to index
        %swap3A_564 = arith.constant 0 : index
        %swap3A_565 = tpu.vector_load %arg11[%swap3A_563, %swap3A_564] {strides = array<i32>} : memref<128x64xf32, #tpu.memory_space<vmem>>, vector<1x16xf32>,
        %swap3A_566 = vector.shape_cast %swap3A_565 : vector<1x16xf32> to vector<16xf32>
        %swap3A_567 = vector.shape_cast %mul3A_562 : vector<16xf32> to vector<1x16xf32>
        tpu.vector_store %arg11[%swap3A_563, %swap3A_564], %swap3A_567 {strides = array<i32>} : memref<128x64xf32, #tpu.memory_space<vmem>>, vector<1x16xf32>,
        %get3A_568 = arith.index_cast %add3A_557 : i32 to index
        %get3A_569 = arith.constant 16 : index
        %get3A_570 = tpu.vector_load %arg11[%get3A_568, %get3A_569] {strides = array<i32>} : memref<128x64xf32, #tpu.memory_space<vmem>>, vector<1x16xf32>,
        %get3A_571 = vector.shape_cast %get3A_570 : vector<1x16xf32> to vector<16xf32>
        %mul3A_572 = arith.mulf %get3A_571, %broadcast_in_dim3A_553 : vector<16xf32>
        %swap3A_573 = arith.index_cast %add3A_557 : i32 to index
        %swap3A_574 = arith.constant 16 : index
        %swap3A_575 = tpu.vector_load %arg11[%swap3A_573, %swap3A_574] {strides = array<i32>} : memref<128x64xf32, #tpu.memory_space<vmem>>, vector<1x16xf32>,
        %swap3A_576 = vector.shape_cast %swap3A_575 : vector<1x16xf32> to vector<16xf32>
        %swap3A_577 = vector.shape_cast %mul3A_572 : vector<16xf32> to vector<1x16xf32>
        tpu.vector_store %arg11[%swap3A_573, %swap3A_574], %swap3A_577 {strides = array<i32>} : memref<128x64xf32, #tpu.memory_space<vmem>>, vector<1x16xf32>,
        %get3A_578 = arith.index_cast %add3A_557 : i32 to index
        %get3A_579 = arith.constant 32 : index
        %get3A_580 = tpu.vector_load %arg11[%get3A_578, %get3A_579] {strides = array<i32>} : memref<128x64xf32, #tpu.memory_space<vmem>>, vector<1x16xf32>,
        %get3A_581 = vector.shape_cast %get3A_580 : vector<1x16xf32> to vector<16xf32>
        %mul3A_582 = arith.mulf %get3A_581, %broadcast_in_dim3A_553 : vector<16xf32>
        %swap3A_583 = arith.index_cast %add3A_557 : i32 to index
        %swap3A_584 = arith.constant 32 : index
        %swap3A_585 = tpu.vector_load %arg11[%swap3A_583, %swap3A_584] {strides = array<i32>} : memref<128x64xf32, #tpu.memory_space<vmem>>, vector<1x16xf32>,
        %swap3A_586 = vector.shape_cast %swap3A_585 : vector<1x16xf32> to vector<16xf32>
        %swap3A_587 = vector.shape_cast %mul3A_582 : vector<16xf32> to vector<1x16xf32>
        tpu.vector_store %arg11[%swap3A_583, %swap3A_584], %swap3A_587 {strides = array<i32>} : memref<128x64xf32, #tpu.memory_space<vmem>>, vector<1x16xf32>,
        %get3A_588 = arith.index_cast %add3A_557 : i32 to index
        %get3A_589 = arith.constant 48 : index
        %get3A_590 = tpu.vector_load %arg11[%get3A_588, %get3A_589] {strides = array<i32>} : memref<128x64xf32, #tpu.memory_space<vmem>>, vector<1x16xf32>,
        %get3A_591 = vector.shape_cast %get3A_590 : vector<1x16xf32> to vector<16xf32>
        %mul3A_592 = arith.mulf %get3A_591, %broadcast_in_dim3A_553 : vector<16xf32>
        %swap3A_593 = arith.index_cast %add3A_557 : i32 to index
        %swap3A_594 = arith.constant 48 : index
        %swap3A_595 = tpu.vector_load %arg11[%swap3A_593, %swap3A_594] {strides = array<i32>} : memref<128x64xf32, #tpu.memory_space<vmem>>, vector<1x16xf32>,
        %swap3A_596 = vector.shape_cast %swap3A_595 : vector<1x16xf32> to vector<16xf32>
        %swap3A_597 = vector.shape_cast %mul3A_592 : vector<16xf32> to vector<1x16xf32>
        tpu.vector_store %arg11[%swap3A_593, %swap3A_594], %swap3A_597 {strides = array<i32>} : memref<128x64xf32, #tpu.memory_space<vmem>>, vector<1x16xf32>,
        %slice3A_598 = vector.extract_strided_slice %get3A_130 {offsets = [10], sizes = [1], strides = [1]} : vector<16xf32> to vector<1xf32>
        %squeeze3A_599 = vector.extract %slice3A_598[0] : f32 from vector<1xf32>
        %broadcast_in_dim3A_600 = vector.broadcast %squeeze3A_599 : f32 to vector<16xf32>
        %mul3A_601 = arith.constant 16 : i32
        %mul3A_602 = arith.muli %scan3A_125, %mul3A_601 : i32
        %add3A_603 = arith.constant 10 : i32
        %add3A_604 = arith.addi %mul3A_602, %add3A_603 : i32
        %get3A_605 = arith.index_cast %add3A_604 : i32 to index
        %get3A_606 = arith.constant 0 : index
        %get3A_607 = tpu.vector_load %arg11[%get3A_605, %get3A_606] {strides = array<i32>} : memref<128x64xf32, #tpu.memory_space<vmem>>, vector<1x16xf32>,
        %get3A_608 = vector.shape_cast %get3A_607 : vector<1x16xf32> to vector<16xf32>
        %mul3A_609 = arith.mulf %get3A_608, %broadcast_in_dim3A_600 : vector<16xf32>
        %swap3A_610 = arith.index_cast %add3A_604 : i32 to index
        %swap3A_611 = arith.constant 0 : index
        %swap3A_612 = tpu.vector_load %arg11[%swap3A_610, %swap3A_611] {strides = array<i32>} : memref<128x64xf32, #tpu.memory_space<vmem>>, vector<1x16xf32>,
        %swap3A_613 = vector.shape_cast %swap3A_612 : vector<1x16xf32> to vector<16xf32>
        %swap3A_614 = vector.shape_cast %mul3A_609 : vector<16xf32> to vector<1x16xf32>
        tpu.vector_store %arg11[%swap3A_610, %swap3A_611], %swap3A_614 {strides = array<i32>} : memref<128x64xf32, #tpu.memory_space<vmem>>, vector<1x16xf32>,
        %get3A_615 = arith.index_cast %add3A_604 : i32 to index
        %get3A_616 = arith.constant 16 : index
        %get3A_617 = tpu.vector_load %arg11[%get3A_615, %get3A_616] {strides = array<i32>} : memref<128x64xf32, #tpu.memory_space<vmem>>, vector<1x16xf32>,
        %get3A_618 = vector.shape_cast %get3A_617 : vector<1x16xf32> to vector<16xf32>
        %mul3A_619 = arith.mulf %get3A_618, %broadcast_in_dim3A_600 : vector<16xf32>
        %swap3A_620 = arith.index_cast %add3A_604 : i32 to index
        %swap3A_621 = arith.constant 16 : index
        %swap3A_622 = tpu.vector_load %arg11[%swap3A_620, %swap3A_621] {strides = array<i32>} : memref<128x64xf32, #tpu.memory_space<vmem>>, vector<1x16xf32>,
        %swap3A_623 = vector.shape_cast %swap3A_622 : vector<1x16xf32> to vector<16xf32>
        %swap3A_624 = vector.shape_cast %mul3A_619 : vector<16xf32> to vector<1x16xf32>
        tpu.vector_store %arg11[%swap3A_620, %swap3A_621], %swap3A_624 {strides = array<i32>} : memref<128x64xf32, #tpu.memory_space<vmem>>, vector<1x16xf32>,
        %get3A_625 = arith.index_cast %add3A_604 : i32 to index
        %get3A_626 = arith.constant 32 : index
        %get3A_627 = tpu.vector_load %arg11[%get3A_625, %get3A_626] {strides = array<i32>} : memref<128x64xf32, #tpu.memory_space<vmem>>, vector<1x16xf32>,
        %get3A_628 = vector.shape_cast %get3A_627 : vector<1x16xf32> to vector<16xf32>
        %mul3A_629 = arith.mulf %get3A_628, %broadcast_in_dim3A_600 : vector<16xf32>
        %swap3A_630 = arith.index_cast %add3A_604 : i32 to index
        %swap3A_631 = arith.constant 32 : index
        %swap3A_632 = tpu.vector_load %arg11[%swap3A_630, %swap3A_631] {strides = array<i32>} : memref<128x64xf32, #tpu.memory_space<vmem>>, vector<1x16xf32>,
        %swap3A_633 = vector.shape_cast %swap3A_632 : vector<1x16xf32> to vector<16xf32>
        %swap3A_634 = vector.shape_cast %mul3A_629 : vector<16xf32> to vector<1x16xf32>
        tpu.vector_store %arg11[%swap3A_630, %swap3A_631], %swap3A_634 {strides = array<i32>} : memref<128x64xf32, #tpu.memory_space<vmem>>, vector<1x16xf32>,
        %get3A_635 = arith.index_cast %add3A_604 : i32 to index
        %get3A_636 = arith.constant 48 : index
        %get3A_637 = tpu.vector_load %arg11[%get3A_635, %get3A_636] {strides = array<i32>} : memref<128x64xf32, #tpu.memory_space<vmem>>, vector<1x16xf32>,
        %get3A_638 = vector.shape_cast %get3A_637 : vector<1x16xf32> to vector<16xf32>
        %mul3A_639 = arith.mulf %get3A_638, %broadcast_in_dim3A_600 : vector<16xf32>
        %swap3A_640 = arith.index_cast %add3A_604 : i32 to index
        %swap3A_641 = arith.constant 48 : index
        %swap3A_642 = tpu.vector_load %arg11[%swap3A_640, %swap3A_641] {strides = array<i32>} : memref<128x64xf32, #tpu.memory_space<vmem>>, vector<1x16xf32>,
        %swap3A_643 = vector.shape_cast %swap3A_642 : vector<1x16xf32> to vector<16xf32>
        %swap3A_644 = vector.shape_cast %mul3A_639 : vector<16xf32> to vector<1x16xf32>
        tpu.vector_store %arg11[%swap3A_640, %swap3A_641], %swap3A_644 {strides = array<i32>} : memref<128x64xf32, #tpu.memory_space<vmem>>, vector<1x16xf32>,
        %slice3A_645 = vector.extract_strided_slice %get3A_130 {offsets = [11], sizes = [1], strides = [1]} : vector<16xf32> to vector<1xf32>
        %squeeze3A_646 = vector.extract %slice3A_645[0] : f32 from vector<1xf32>
        %broadcast_in_dim3A_647 = vector.broadcast %squeeze3A_646 : f32 to vector<16xf32>
        %mul3A_648 = arith.constant 16 : i32
        %mul3A_649 = arith.muli %scan3A_125, %mul3A_648 : i32
        %add3A_650 = arith.constant 11 : i32
        %add3A_651 = arith.addi %mul3A_649, %add3A_650 : i32
        %get3A_652 = arith.index_cast %add3A_651 : i32 to index
        %get3A_653 = arith.constant 0 : index
        %get3A_654 = tpu.vector_load %arg11[%get3A_652, %get3A_653] {strides = array<i32>} : memref<128x64xf32, #tpu.memory_space<vmem>>, vector<1x16xf32>,
        %get3A_655 = vector.shape_cast %get3A_654 : vector<1x16xf32> to vector<16xf32>
        %mul3A_656 = arith.mulf %get3A_655, %broadcast_in_dim3A_647 : vector<16xf32>
        %swap3A_657 = arith.index_cast %add3A_651 : i32 to index
        %swap3A_658 = arith.constant 0 : index
        %swap3A_659 = tpu.vector_load %arg11[%swap3A_657, %swap3A_658] {strides = array<i32>} : memref<128x64xf32, #tpu.memory_space<vmem>>, vector<1x16xf32>,
        %swap3A_660 = vector.shape_cast %swap3A_659 : vector<1x16xf32> to vector<16xf32>
        %swap3A_661 = vector.shape_cast %mul3A_656 : vector<16xf32> to vector<1x16xf32>
        tpu.vector_store %arg11[%swap3A_657, %swap3A_658], %swap3A_661 {strides = array<i32>} : memref<128x64xf32, #tpu.memory_space<vmem>>, vector<1x16xf32>,
        %get3A_662 = arith.index_cast %add3A_651 : i32 to index
        %get3A_663 = arith.constant 16 : index
        %get3A_664 = tpu.vector_load %arg11[%get3A_662, %get3A_663] {strides = array<i32>} : memref<128x64xf32, #tpu.memory_space<vmem>>, vector<1x16xf32>,
        %get3A_665 = vector.shape_cast %get3A_664 : vector<1x16xf32> to vector<16xf32>
        %mul3A_666 = arith.mulf %get3A_665, %broadcast_in_dim3A_647 : vector<16xf32>
        %swap3A_667 = arith.index_cast %add3A_651 : i32 to index
        %swap3A_668 = arith.constant 16 : index
        %swap3A_669 = tpu.vector_load %arg11[%swap3A_667, %swap3A_668] {strides = array<i32>} : memref<128x64xf32, #tpu.memory_space<vmem>>, vector<1x16xf32>,
        %swap3A_670 = vector.shape_cast %swap3A_669 : vector<1x16xf32> to vector<16xf32>
        %swap3A_671 = vector.shape_cast %mul3A_666 : vector<16xf32> to vector<1x16xf32>
        tpu.vector_store %arg11[%swap3A_667, %swap3A_668], %swap3A_671 {strides = array<i32>} : memref<128x64xf32, #tpu.memory_space<vmem>>, vector<1x16xf32>,
        %get3A_672 = arith.index_cast %add3A_651 : i32 to index
        %get3A_673 = arith.constant 32 : index
        %get3A_674 = tpu.vector_load %arg11[%get3A_672, %get3A_673] {strides = array<i32>} : memref<128x64xf32, #tpu.memory_space<vmem>>, vector<1x16xf32>,
        %get3A_675 = vector.shape_cast %get3A_674 : vector<1x16xf32> to vector<16xf32>
        %mul3A_676 = arith.mulf %get3A_675, %broadcast_in_dim3A_647 : vector<16xf32>
        %swap3A_677 = arith.index_cast %add3A_651 : i32 to index
        %swap3A_678 = arith.constant 32 : index
        %swap3A_679 = tpu.vector_load %arg11[%swap3A_677, %swap3A_678] {strides = array<i32>} : memref<128x64xf32, #tpu.memory_space<vmem>>, vector<1x16xf32>,
        %swap3A_680 = vector.shape_cast %swap3A_679 : vector<1x16xf32> to vector<16xf32>
        %swap3A_681 = vector.shape_cast %mul3A_676 : vector<16xf32> to vector<1x16xf32>
        tpu.vector_store %arg11[%swap3A_677, %swap3A_678], %swap3A_681 {strides = array<i32>} : memref<128x64xf32, #tpu.memory_space<vmem>>, vector<1x16xf32>,
        %get3A_682 = arith.index_cast %add3A_651 : i32 to index
        %get3A_683 = arith.constant 48 : index
        %get3A_684 = tpu.vector_load %arg11[%get3A_682, %get3A_683] {strides = array<i32>} : memref<128x64xf32, #tpu.memory_space<vmem>>, vector<1x16xf32>,
        %get3A_685 = vector.shape_cast %get3A_684 : vector<1x16xf32> to vector<16xf32>
        %mul3A_686 = arith.mulf %get3A_685, %broadcast_in_dim3A_647 : vector<16xf32>
        %swap3A_687 = arith.index_cast %add3A_651 : i32 to index
        %swap3A_688 = arith.constant 48 : index
        %swap3A_689 = tpu.vector_load %arg11[%swap3A_687, %swap3A_688] {strides = array<i32>} : memref<128x64xf32, #tpu.memory_space<vmem>>, vector<1x16xf32>,
        %swap3A_690 = vector.shape_cast %swap3A_689 : vector<1x16xf32> to vector<16xf32>
        %swap3A_691 = vector.shape_cast %mul3A_686 : vector<16xf32> to vector<1x16xf32>
        tpu.vector_store %arg11[%swap3A_687, %swap3A_688], %swap3A_691 {strides = array<i32>} : memref<128x64xf32, #tpu.memory_space<vmem>>, vector<1x16xf32>,
        %slice3A_692 = vector.extract_strided_slice %get3A_130 {offsets = [12], sizes = [1], strides = [1]} : vector<16xf32> to vector<1xf32>
        %squeeze3A_693 = vector.extract %slice3A_692[0] : f32 from vector<1xf32>
        %broadcast_in_dim3A_694 = vector.broadcast %squeeze3A_693 : f32 to vector<16xf32>
        %mul3A_695 = arith.constant 16 : i32
        %mul3A_696 = arith.muli %scan3A_125, %mul3A_695 : i32
        %add3A_697 = arith.constant 12 : i32
        %add3A_698 = arith.addi %mul3A_696, %add3A_697 : i32
        %get3A_699 = arith.index_cast %add3A_698 : i32 to index
        %get3A_700 = arith.constant 0 : index
        %get3A_701 = tpu.vector_load %arg11[%get3A_699, %get3A_700] {strides = array<i32>} : memref<128x64xf32, #tpu.memory_space<vmem>>, vector<1x16xf32>,
        %get3A_702 = vector.shape_cast %get3A_701 : vector<1x16xf32> to vector<16xf32>
        %mul3A_703 = arith.mulf %get3A_702, %broadcast_in_dim3A_694 : vector<16xf32>
        %swap3A_704 = arith.index_cast %add3A_698 : i32 to index
        %swap3A_705 = arith.constant 0 : index
        %swap3A_706 = tpu.vector_load %arg11[%swap3A_704, %swap3A_705] {strides = array<i32>} : memref<128x64xf32, #tpu.memory_space<vmem>>, vector<1x16xf32>,
        %swap3A_707 = vector.shape_cast %swap3A_706 : vector<1x16xf32> to vector<16xf32>
        %swap3A_708 = vector.shape_cast %mul3A_703 : vector<16xf32> to vector<1x16xf32>
        tpu.vector_store %arg11[%swap3A_704, %swap3A_705], %swap3A_708 {strides = array<i32>} : memref<128x64xf32, #tpu.memory_space<vmem>>, vector<1x16xf32>,
        %get3A_709 = arith.index_cast %add3A_698 : i32 to index
        %get3A_710 = arith.constant 16 : index
        %get3A_711 = tpu.vector_load %arg11[%get3A_709, %get3A_710] {strides = array<i32>} : memref<128x64xf32, #tpu.memory_space<vmem>>, vector<1x16xf32>,
        %get3A_712 = vector.shape_cast %get3A_711 : vector<1x16xf32> to vector<16xf32>
        %mul3A_713 = arith.mulf %get3A_712, %broadcast_in_dim3A_694 : vector<16xf32>
        %swap3A_714 = arith.index_cast %add3A_698 : i32 to index
        %swap3A_715 = arith.constant 16 : index
        %swap3A_716 = tpu.vector_load %arg11[%swap3A_714, %swap3A_715] {strides = array<i32>} : memref<128x64xf32, #tpu.memory_space<vmem>>, vector<1x16xf32>,
        %swap3A_717 = vector.shape_cast %swap3A_716 : vector<1x16xf32> to vector<16xf32>
        %swap3A_718 = vector.shape_cast %mul3A_713 : vector<16xf32> to vector<1x16xf32>
        tpu.vector_store %arg11[%swap3A_714, %swap3A_715], %swap3A_718 {strides = array<i32>} : memref<128x64xf32, #tpu.memory_space<vmem>>, vector<1x16xf32>,
        %get3A_719 = arith.index_cast %add3A_698 : i32 to index
        %get3A_720 = arith.constant 32 : index
        %get3A_721 = tpu.vector_load %arg11[%get3A_719, %get3A_720] {strides = array<i32>} : memref<128x64xf32, #tpu.memory_space<vmem>>, vector<1x16xf32>,
        %get3A_722 = vector.shape_cast %get3A_721 : vector<1x16xf32> to vector<16xf32>
        %mul3A_723 = arith.mulf %get3A_722, %broadcast_in_dim3A_694 : vector<16xf32>
        %swap3A_724 = arith.index_cast %add3A_698 : i32 to index
        %swap3A_725 = arith.constant 32 : index
        %swap3A_726 = tpu.vector_load %arg11[%swap3A_724, %swap3A_725] {strides = array<i32>} : memref<128x64xf32, #tpu.memory_space<vmem>>, vector<1x16xf32>,
        %swap3A_727 = vector.shape_cast %swap3A_726 : vector<1x16xf32> to vector<16xf32>
        %swap3A_728 = vector.shape_cast %mul3A_723 : vector<16xf32> to vector<1x16xf32>
        tpu.vector_store %arg11[%swap3A_724, %swap3A_725], %swap3A_728 {strides = array<i32>} : memref<128x64xf32, #tpu.memory_space<vmem>>, vector<1x16xf32>,
        %get3A_729 = arith.index_cast %add3A_698 : i32 to index
        %get3A_730 = arith.constant 48 : index
        %get3A_731 = tpu.vector_load %arg11[%get3A_729, %get3A_730] {strides = array<i32>} : memref<128x64xf32, #tpu.memory_space<vmem>>, vector<1x16xf32>,
        %get3A_732 = vector.shape_cast %get3A_731 : vector<1x16xf32> to vector<16xf32>
        %mul3A_733 = arith.mulf %get3A_732, %broadcast_in_dim3A_694 : vector<16xf32>
        %swap3A_734 = arith.index_cast %add3A_698 : i32 to index
        %swap3A_735 = arith.constant 48 : index
        %swap3A_736 = tpu.vector_load %arg11[%swap3A_734, %swap3A_735] {strides = array<i32>} : memref<128x64xf32, #tpu.memory_space<vmem>>, vector<1x16xf32>,
        %swap3A_737 = vector.shape_cast %swap3A_736 : vector<1x16xf32> to vector<16xf32>
        %swap3A_738 = vector.shape_cast %mul3A_733 : vector<16xf32> to vector<1x16xf32>
        tpu.vector_store %arg11[%swap3A_734, %swap3A_735], %swap3A_738 {strides = array<i32>} : memref<128x64xf32, #tpu.memory_space<vmem>>, vector<1x16xf32>,
        %slice3A_739 = vector.extract_strided_slice %get3A_130 {offsets = [13], sizes = [1], strides = [1]} : vector<16xf32> to vector<1xf32>
        %squeeze3A_740 = vector.extract %slice3A_739[0] : f32 from vector<1xf32>
        %broadcast_in_dim3A_741 = vector.broadcast %squeeze3A_740 : f32 to vector<16xf32>
        %mul3A_742 = arith.constant 16 : i32
        %mul3A_743 = arith.muli %scan3A_125, %mul3A_742 : i32
        %add3A_744 = arith.constant 13 : i32
        %add3A_745 = arith.addi %mul3A_743, %add3A_744 : i32
        %get3A_746 = arith.index_cast %add3A_745 : i32 to index
        %get3A_747 = arith.constant 0 : index
        %get3A_748 = tpu.vector_load %arg11[%get3A_746, %get3A_747] {strides = array<i32>} : memref<128x64xf32, #tpu.memory_space<vmem>>, vector<1x16xf32>,
        %get3A_749 = vector.shape_cast %get3A_748 : vector<1x16xf32> to vector<16xf32>
        %mul3A_750 = arith.mulf %get3A_749, %broadcast_in_dim3A_741 : vector<16xf32>
        %swap3A_751 = arith.index_cast %add3A_745 : i32 to index
        %swap3A_752 = arith.constant 0 : index
        %swap3A_753 = tpu.vector_load %arg11[%swap3A_751, %swap3A_752] {strides = array<i32>} : memref<128x64xf32, #tpu.memory_space<vmem>>, vector<1x16xf32>,
        %swap3A_754 = vector.shape_cast %swap3A_753 : vector<1x16xf32> to vector<16xf32>
        %swap3A_755 = vector.shape_cast %mul3A_750 : vector<16xf32> to vector<1x16xf32>
        tpu.vector_store %arg11[%swap3A_751, %swap3A_752], %swap3A_755 {strides = array<i32>} : memref<128x64xf32, #tpu.memory_space<vmem>>, vector<1x16xf32>,
        %get3A_756 = arith.index_cast %add3A_745 : i32 to index
        %get3A_757 = arith.constant 16 : index
        %get3A_758 = tpu.vector_load %arg11[%get3A_756, %get3A_757] {strides = array<i32>} : memref<128x64xf32, #tpu.memory_space<vmem>>, vector<1x16xf32>,
        %get3A_759 = vector.shape_cast %get3A_758 : vector<1x16xf32> to vector<16xf32>
        %mul3A_760 = arith.mulf %get3A_759, %broadcast_in_dim3A_741 : vector<16xf32>
        %swap3A_761 = arith.index_cast %add3A_745 : i32 to index
        %swap3A_762 = arith.constant 16 : index
        %swap3A_763 = tpu.vector_load %arg11[%swap3A_761, %swap3A_762] {strides = array<i32>} : memref<128x64xf32, #tpu.memory_space<vmem>>, vector<1x16xf32>,
        %swap3A_764 = vector.shape_cast %swap3A_763 : vector<1x16xf32> to vector<16xf32>
        %swap3A_765 = vector.shape_cast %mul3A_760 : vector<16xf32> to vector<1x16xf32>
        tpu.vector_store %arg11[%swap3A_761, %swap3A_762], %swap3A_765 {strides = array<i32>} : memref<128x64xf32, #tpu.memory_space<vmem>>, vector<1x16xf32>,
        %get3A_766 = arith.index_cast %add3A_745 : i32 to index
        %get3A_767 = arith.constant 32 : index
        %get3A_768 = tpu.vector_load %arg11[%get3A_766, %get3A_767] {strides = array<i32>} : memref<128x64xf32, #tpu.memory_space<vmem>>, vector<1x16xf32>,
        %get3A_769 = vector.shape_cast %get3A_768 : vector<1x16xf32> to vector<16xf32>
        %mul3A_770 = arith.mulf %get3A_769, %broadcast_in_dim3A_741 : vector<16xf32>
        %swap3A_771 = arith.index_cast %add3A_745 : i32 to index
        %swap3A_772 = arith.constant 32 : index
        %swap3A_773 = tpu.vector_load %arg11[%swap3A_771, %swap3A_772] {strides = array<i32>} : memref<128x64xf32, #tpu.memory_space<vmem>>, vector<1x16xf32>,
        %swap3A_774 = vector.shape_cast %swap3A_773 : vector<1x16xf32> to vector<16xf32>
        %swap3A_775 = vector.shape_cast %mul3A_770 : vector<16xf32> to vector<1x16xf32>
        tpu.vector_store %arg11[%swap3A_771, %swap3A_772], %swap3A_775 {strides = array<i32>} : memref<128x64xf32, #tpu.memory_space<vmem>>, vector<1x16xf32>,
        %get3A_776 = arith.index_cast %add3A_745 : i32 to index
        %get3A_777 = arith.constant 48 : index
        %get3A_778 = tpu.vector_load %arg11[%get3A_776, %get3A_777] {strides = array<i32>} : memref<128x64xf32, #tpu.memory_space<vmem>>, vector<1x16xf32>,
        %get3A_779 = vector.shape_cast %get3A_778 : vector<1x16xf32> to vector<16xf32>
        %mul3A_780 = arith.mulf %get3A_779, %broadcast_in_dim3A_741 : vector<16xf32>
        %swap3A_781 = arith.index_cast %add3A_745 : i32 to index
        %swap3A_782 = arith.constant 48 : index
        %swap3A_783 = tpu.vector_load %arg11[%swap3A_781, %swap3A_782] {strides = array<i32>} : memref<128x64xf32, #tpu.memory_space<vmem>>, vector<1x16xf32>,
        %swap3A_784 = vector.shape_cast %swap3A_783 : vector<1x16xf32> to vector<16xf32>
        %swap3A_785 = vector.shape_cast %mul3A_780 : vector<16xf32> to vector<1x16xf32>
        tpu.vector_store %arg11[%swap3A_781, %swap3A_782], %swap3A_785 {strides = array<i32>} : memref<128x64xf32, #tpu.memory_space<vmem>>, vector<1x16xf32>,
        %slice3A_786 = vector.extract_strided_slice %get3A_130 {offsets = [14], sizes = [1], strides = [1]} : vector<16xf32> to vector<1xf32>
        %squeeze3A_787 = vector.extract %slice3A_786[0] : f32 from vector<1xf32>
        %broadcast_in_dim3A_788 = vector.broadcast %squeeze3A_787 : f32 to vector<16xf32>
        %mul3A_789 = arith.constant 16 : i32
        %mul3A_790 = arith.muli %scan3A_125, %mul3A_789 : i32
        %add3A_791 = arith.constant 14 : i32
        %add3A_792 = arith.addi %mul3A_790, %add3A_791 : i32
        %get3A_793 = arith.index_cast %add3A_792 : i32 to index
        %get3A_794 = arith.constant 0 : index
        %get3A_795 = tpu.vector_load %arg11[%get3A_793, %get3A_794] {strides = array<i32>} : memref<128x64xf32, #tpu.memory_space<vmem>>, vector<1x16xf32>,
        %get3A_796 = vector.shape_cast %get3A_795 : vector<1x16xf32> to vector<16xf32>
        %mul3A_797 = arith.mulf %get3A_796, %broadcast_in_dim3A_788 : vector<16xf32>
        %swap3A_798 = arith.index_cast %add3A_792 : i32 to index
        %swap3A_799 = arith.constant 0 : index
        %swap3A_800 = tpu.vector_load %arg11[%swap3A_798, %swap3A_799] {strides = array<i32>} : memref<128x64xf32, #tpu.memory_space<vmem>>, vector<1x16xf32>,
        %swap3A_801 = vector.shape_cast %swap3A_800 : vector<1x16xf32> to vector<16xf32>
        %swap3A_802 = vector.shape_cast %mul3A_797 : vector<16xf32> to vector<1x16xf32>
        tpu.vector_store %arg11[%swap3A_798, %swap3A_799], %swap3A_802 {strides = array<i32>} : memref<128x64xf32, #tpu.memory_space<vmem>>, vector<1x16xf32>,
        %get3A_803 = arith.index_cast %add3A_792 : i32 to index
        %get3A_804 = arith.constant 16 : index
        %get3A_805 = tpu.vector_load %arg11[%get3A_803, %get3A_804] {strides = array<i32>} : memref<128x64xf32, #tpu.memory_space<vmem>>, vector<1x16xf32>,
        %get3A_806 = vector.shape_cast %get3A_805 : vector<1x16xf32> to vector<16xf32>
        %mul3A_807 = arith.mulf %get3A_806, %broadcast_in_dim3A_788 : vector<16xf32>
        %swap3A_808 = arith.index_cast %add3A_792 : i32 to index
        %swap3A_809 = arith.constant 16 : index
        %swap3A_810 = tpu.vector_load %arg11[%swap3A_808, %swap3A_809] {strides = array<i32>} : memref<128x64xf32, #tpu.memory_space<vmem>>, vector<1x16xf32>,
        %swap3A_811 = vector.shape_cast %swap3A_810 : vector<1x16xf32> to vector<16xf32>
        %swap3A_812 = vector.shape_cast %mul3A_807 : vector<16xf32> to vector<1x16xf32>
        tpu.vector_store %arg11[%swap3A_808, %swap3A_809], %swap3A_812 {strides = array<i32>} : memref<128x64xf32, #tpu.memory_space<vmem>>, vector<1x16xf32>,
        %get3A_813 = arith.index_cast %add3A_792 : i32 to index
        %get3A_814 = arith.constant 32 : index
        %get3A_815 = tpu.vector_load %arg11[%get3A_813, %get3A_814] {strides = array<i32>} : memref<128x64xf32, #tpu.memory_space<vmem>>, vector<1x16xf32>,
        %get3A_816 = vector.shape_cast %get3A_815 : vector<1x16xf32> to vector<16xf32>
        %mul3A_817 = arith.mulf %get3A_816, %broadcast_in_dim3A_788 : vector<16xf32>
        %swap3A_818 = arith.index_cast %add3A_792 : i32 to index
        %swap3A_819 = arith.constant 32 : index
        %swap3A_820 = tpu.vector_load %arg11[%swap3A_818, %swap3A_819] {strides = array<i32>} : memref<128x64xf32, #tpu.memory_space<vmem>>, vector<1x16xf32>,
        %swap3A_821 = vector.shape_cast %swap3A_820 : vector<1x16xf32> to vector<16xf32>
        %swap3A_822 = vector.shape_cast %mul3A_817 : vector<16xf32> to vector<1x16xf32>
        tpu.vector_store %arg11[%swap3A_818, %swap3A_819], %swap3A_822 {strides = array<i32>} : memref<128x64xf32, #tpu.memory_space<vmem>>, vector<1x16xf32>,
        %get3A_823 = arith.index_cast %add3A_792 : i32 to index
        %get3A_824 = arith.constant 48 : index
        %get3A_825 = tpu.vector_load %arg11[%get3A_823, %get3A_824] {strides = array<i32>} : memref<128x64xf32, #tpu.memory_space<vmem>>, vector<1x16xf32>,
        %get3A_826 = vector.shape_cast %get3A_825 : vector<1x16xf32> to vector<16xf32>
        %mul3A_827 = arith.mulf %get3A_826, %broadcast_in_dim3A_788 : vector<16xf32>
        %swap3A_828 = arith.index_cast %add3A_792 : i32 to index
        %swap3A_829 = arith.constant 48 : index
        %swap3A_830 = tpu.vector_load %arg11[%swap3A_828, %swap3A_829] {strides = array<i32>} : memref<128x64xf32, #tpu.memory_space<vmem>>, vector<1x16xf32>,
        %swap3A_831 = vector.shape_cast %swap3A_830 : vector<1x16xf32> to vector<16xf32>
        %swap3A_832 = vector.shape_cast %mul3A_827 : vector<16xf32> to vector<1x16xf32>
        tpu.vector_store %arg11[%swap3A_828, %swap3A_829], %swap3A_832 {strides = array<i32>} : memref<128x64xf32, #tpu.memory_space<vmem>>, vector<1x16xf32>,
        %slice3A_833 = vector.extract_strided_slice %get3A_130 {offsets = [15], sizes = [1], strides = [1]} : vector<16xf32> to vector<1xf32>
        %squeeze3A_834 = vector.extract %slice3A_833[0] : f32 from vector<1xf32>
        %broadcast_in_dim3A_835 = vector.broadcast %squeeze3A_834 : f32 to vector<16xf32>
        %mul3A_836 = arith.constant 16 : i32
        %mul3A_837 = arith.muli %scan3A_125, %mul3A_836 : i32
        %add3A_838 = arith.constant 15 : i32
        %add3A_839 = arith.addi %mul3A_837, %add3A_838 : i32
        %get3A_840 = arith.index_cast %add3A_839 : i32 to index
        %get3A_841 = arith.constant 0 : index
        %get3A_842 = tpu.vector_load %arg11[%get3A_840, %get3A_841] {strides = array<i32>} : memref<128x64xf32, #tpu.memory_space<vmem>>, vector<1x16xf32>,
        %get3A_843 = vector.shape_cast %get3A_842 : vector<1x16xf32> to vector<16xf32>
        %mul3A_844 = arith.mulf %get3A_843, %broadcast_in_dim3A_835 : vector<16xf32>
        %swap3A_845 = arith.index_cast %add3A_839 : i32 to index
        %swap3A_846 = arith.constant 0 : index
        %swap3A_847 = tpu.vector_load %arg11[%swap3A_845, %swap3A_846] {strides = array<i32>} : memref<128x64xf32, #tpu.memory_space<vmem>>, vector<1x16xf32>,
        %swap3A_848 = vector.shape_cast %swap3A_847 : vector<1x16xf32> to vector<16xf32>
        %swap3A_849 = vector.shape_cast %mul3A_844 : vector<16xf32> to vector<1x16xf32>
        tpu.vector_store %arg11[%swap3A_845, %swap3A_846], %swap3A_849 {strides = array<i32>} : memref<128x64xf32, #tpu.memory_space<vmem>>, vector<1x16xf32>,
        %get3A_850 = arith.index_cast %add3A_839 : i32 to index
        %get3A_851 = arith.constant 16 : index
        %get3A_852 = tpu.vector_load %arg11[%get3A_850, %get3A_851] {strides = array<i32>} : memref<128x64xf32, #tpu.memory_space<vmem>>, vector<1x16xf32>,
        %get3A_853 = vector.shape_cast %get3A_852 : vector<1x16xf32> to vector<16xf32>
        %mul3A_854 = arith.mulf %get3A_853, %broadcast_in_dim3A_835 : vector<16xf32>
        %swap3A_855 = arith.index_cast %add3A_839 : i32 to index
        %swap3A_856 = arith.constant 16 : index
        %swap3A_857 = tpu.vector_load %arg11[%swap3A_855, %swap3A_856] {strides = array<i32>} : memref<128x64xf32, #tpu.memory_space<vmem>>, vector<1x16xf32>,
        %swap3A_858 = vector.shape_cast %swap3A_857 : vector<1x16xf32> to vector<16xf32>
        %swap3A_859 = vector.shape_cast %mul3A_854 : vector<16xf32> to vector<1x16xf32>
        tpu.vector_store %arg11[%swap3A_855, %swap3A_856], %swap3A_859 {strides = array<i32>} : memref<128x64xf32, #tpu.memory_space<vmem>>, vector<1x16xf32>,
        %get3A_860 = arith.index_cast %add3A_839 : i32 to index
        %get3A_861 = arith.constant 32 : index
        %get3A_862 = tpu.vector_load %arg11[%get3A_860, %get3A_861] {strides = array<i32>} : memref<128x64xf32, #tpu.memory_space<vmem>>, vector<1x16xf32>,
        %get3A_863 = vector.shape_cast %get3A_862 : vector<1x16xf32> to vector<16xf32>
        %mul3A_864 = arith.mulf %get3A_863, %broadcast_in_dim3A_835 : vector<16xf32>
        %swap3A_865 = arith.index_cast %add3A_839 : i32 to index
        %swap3A_866 = arith.constant 32 : index
        %swap3A_867 = tpu.vector_load %arg11[%swap3A_865, %swap3A_866] {strides = array<i32>} : memref<128x64xf32, #tpu.memory_space<vmem>>, vector<1x16xf32>,
        %swap3A_868 = vector.shape_cast %swap3A_867 : vector<1x16xf32> to vector<16xf32>
        %swap3A_869 = vector.shape_cast %mul3A_864 : vector<16xf32> to vector<1x16xf32>
        tpu.vector_store %arg11[%swap3A_865, %swap3A_866], %swap3A_869 {strides = array<i32>} : memref<128x64xf32, #tpu.memory_space<vmem>>, vector<1x16xf32>,
        %get3A_870 = arith.index_cast %add3A_839 : i32 to index
        %get3A_871 = arith.constant 48 : index
        %get3A_872 = tpu.vector_load %arg11[%get3A_870, %get3A_871] {strides = array<i32>} : memref<128x64xf32, #tpu.memory_space<vmem>>, vector<1x16xf32>,
        %get3A_873 = vector.shape_cast %get3A_872 : vector<1x16xf32> to vector<16xf32>
        %mul3A_874 = arith.mulf %get3A_873, %broadcast_in_dim3A_835 : vector<16xf32>
        %swap3A_875 = arith.index_cast %add3A_839 : i32 to index
        %swap3A_876 = arith.constant 48 : index
        %swap3A_877 = tpu.vector_load %arg11[%swap3A_875, %swap3A_876] {strides = array<i32>} : memref<128x64xf32, #tpu.memory_space<vmem>>, vector<1x16xf32>,
        %swap3A_878 = vector.shape_cast %swap3A_877 : vector<1x16xf32> to vector<16xf32>
        %swap3A_879 = vector.shape_cast %mul3A_874 : vector<16xf32> to vector<1x16xf32>
        tpu.vector_store %arg11[%swap3A_875, %swap3A_876], %swap3A_879 {strides = array<i32>} : memref<128x64xf32, #tpu.memory_space<vmem>>, vector<1x16xf32>,
      }
      %scan3A_124 = arith.constant 8 : i32
      "tpu.region"() ({
        %run_scoped3A = tpu.sem_alloc : memref<!tpu.dma_semaphore, #tpu.memory_space<semaphore_mem>>
        %dma_start3A = arith.constant 0 : i32
        %dma_start3A_125 = tpu.memref_slice %arg9[%scan3A_118, %dma_start3A] : memref<160x128xi32, #tpu.memory_space<vmem>> -> memref<1x128xi32, #tpu.memory_space<vmem>>
        %dma_start3A_126 = tpu.memref_squeeze %dma_start3A_125 : memref<1x128xi32, #tpu.memory_space<vmem>> -> memref<128xi32, #tpu.memory_space<vmem>>
        %dma_start3A_127 = arith.constant 0 : i32
        %dma_start3A_128 = arith.constant 0 : i32
        %dma_start3A_129 = tpu.memref_slice %arg13[%dma_start3A_127, %dma_start3A_128] : memref<10240x64xf32, #tpu.memory_space<vmem_shared>> -> memref<10240x64xf32, #tpu.memory_space<vmem_shared>>
        tpu.enqueue_indirect_dma source(%arg11 : memref<128x64xf32, #tpu.memory_space<vmem>>) target(%dma_start3A_129 : memref<10240x64xf32, #tpu.memory_space<vmem_shared>>) offsets(%dma_start3A_126 : memref<128xi32, #tpu.memory_space<vmem>>) semaphore(%run_scoped3A : memref<!tpu.dma_semaphore, #tpu.memory_space<semaphore_mem>>) {add = true}
        %dma_wait3A = arith.constant 0 : i32
        %dma_wait3A_130 = tpu.memref_slice %arg9[%scan3A_118, %dma_wait3A] : memref<160x128xi32, #tpu.memory_space<vmem>> -> memref<1x128xi32, #tpu.memory_space<vmem>>
        %dma_wait3A_131 = tpu.memref_squeeze %dma_wait3A_130 : memref<1x128xi32, #tpu.memory_space<vmem>> -> memref<128xi32, #tpu.memory_space<vmem>>
        %dma_wait3A_132 = arith.constant 0 : i32
        %dma_wait3A_133 = arith.constant 0 : i32
        %dma_wait3A_134 = tpu.memref_slice %arg13[%dma_wait3A_132, %dma_wait3A_133] : memref<10240x64xf32, #tpu.memory_space<vmem_shared>> -> memref<10240x64xf32, #tpu.memory_space<vmem_shared>>
        tpu.wait_indirect_dma semaphore(%run_scoped3A : memref<!tpu.dma_semaphore, #tpu.memory_space<semaphore_mem>>) src(%arg11 : memref<128x64xf32, #tpu.memory_space<vmem>>) dst(%dma_wait3A_134 : memref<10240x64xf32, #tpu.memory_space<vmem_shared>>)
        tpu.yield
      }) : () -> ()
    }
    %scan3A_72 = arith.constant 160 : i32
    %barrier3A_73 = arith.constant 0 : index
    tpu.barrier barrier_id(%barrier3A_73)
    %mul3A_74 = arith.constant 640 : i32
    %mul3A_75 = arith.muli %arg1, %mul3A_74 : i32
    %mul3A_76 = arith.constant 10240 : i32
    %mul3A_77 = arith.muli %arg0, %mul3A_76 : i32
    %mul3A_78 = arith.constant 640 : i32
    %mul3A_79 = arith.muli %arg1, %mul3A_78 : i32
    %add3A_80 = arith.addi %mul3A_77, %mul3A_79 : i32
    "tpu.region"() ({
      %run_scoped3A = tpu.sem_alloc : memref<!tpu.dma_semaphore, #tpu.memory_space<semaphore_mem>>
      %dma_start3A = arith.constant 0 : i32
      %dma_start3A_118 = tpu.memref_slice %arg6[%add3A_80, %dma_start3A] : memref<20480x64xf32, #tpu.memory_space<hbm>> -> memref<640x64xf32, #tpu.memory_space<hbm>>
      %dma_start3A_119 = arith.constant 0 : i32
      %dma_start3A_120 = tpu.memref_slice %arg13[%mul3A_75, %dma_start3A_119] : memref<10240x64xf32, #tpu.memory_space<vmem_shared>> -> memref<640x64xf32, #tpu.memory_space<vmem_shared>>
      tpu.enqueue_dma source(%dma_start3A_120 : memref<640x64xf32, #tpu.memory_space<vmem_shared>>) target(%dma_start3A_118 : memref<640x64xf32, #tpu.memory_space<hbm>>) target_semaphore(%run_scoped3A : memref<!tpu.dma_semaphore, #tpu.memory_space<semaphore_mem>>)
      %dma_wait3A = arith.constant 0 : i32
      %dma_wait3A_121 = tpu.memref_slice %arg6[%add3A_80, %dma_wait3A] : memref<20480x64xf32, #tpu.memory_space<hbm>> -> memref<640x64xf32, #tpu.memory_space<hbm>>
      %dma_wait3A_122 = arith.constant 0 : i32
      %dma_wait3A_123 = tpu.memref_slice %arg13[%mul3A_75, %dma_wait3A_122] : memref<10240x64xf32, #tpu.memory_space<vmem_shared>> -> memref<640x64xf32, #tpu.memory_space<vmem_shared>>
      tpu.wait_dma2 semaphore(%run_scoped3A : memref<!tpu.dma_semaphore, #tpu.memory_space<semaphore_mem>>) src(%dma_wait3A_123 : memref<640x64xf32, #tpu.memory_space<vmem_shared>>) dst(%dma_wait3A_121 : memref<640x64xf32, #tpu.memory_space<hbm>>)
      tpu.yield
    }) : () -> ()
    %barrier3A_81 = arith.constant 0 : index
    tpu.barrier barrier_id(%barrier3A_81)
    %mul3A_82 = arith.constant 640 : i32
    %mul3A_83 = arith.muli %arg1, %mul3A_82 : i32
    %add3A_84 = arith.constant 0 : i32
    %add3A_85 = arith.addi %mul3A_83, %add3A_84 : i32
    "tpu.region"() ({
      %run_scoped3A = tpu.sem_alloc : memref<!tpu.dma_semaphore, #tpu.memory_space<semaphore_mem>>
      %dma_start3A = arith.constant 0 : i32
      %dma_start3A_118 = tpu.memref_slice %arg13[%add3A_85, %dma_start3A] : memref<10240x64xf32, #tpu.memory_space<vmem_shared>> -> memref<128x64xf32, #tpu.memory_space<vmem_shared>>
      %dma_start3A_119 = arith.constant 0 : i32
      %dma_start3A_120 = tpu.memref_slice %arg13[%add3A_85, %dma_start3A_119] : memref<10240x64xf32, #tpu.memory_space<vmem_shared>> -> memref<128x64xf32, #tpu.memory_space<vmem_shared>>
      tpu.enqueue_dma source(%arg12 : memref<128x64xf32, #tpu.memory_space<vmem>>) target(%dma_start3A_120 : memref<128x64xf32, #tpu.memory_space<vmem_shared>>) target_semaphore(%run_scoped3A : memref<!tpu.dma_semaphore, #tpu.memory_space<semaphore_mem>>)
      %dma_wait3A = arith.constant 0 : i32
      %dma_wait3A_121 = tpu.memref_slice %arg13[%add3A_85, %dma_wait3A] : memref<10240x64xf32, #tpu.memory_space<vmem_shared>> -> memref<128x64xf32, #tpu.memory_space<vmem_shared>>
      %dma_wait3A_122 = arith.constant 0 : i32
      %dma_wait3A_123 = tpu.memref_slice %arg13[%add3A_85, %dma_wait3A_122] : memref<10240x64xf32, #tpu.memory_space<vmem_shared>> -> memref<128x64xf32, #tpu.memory_space<vmem_shared>>
      tpu.wait_dma2 semaphore(%run_scoped3A : memref<!tpu.dma_semaphore, #tpu.memory_space<semaphore_mem>>) src(%arg12 : memref<128x64xf32, #tpu.memory_space<vmem>>) dst(%dma_wait3A_123 : memref<128x64xf32, #tpu.memory_space<vmem_shared>>)
      tpu.yield
    }) : () -> ()
    %mul3A_86 = arith.constant 640 : i32
    %mul3A_87 = arith.muli %arg1, %mul3A_86 : i32
    %add3A_88 = arith.constant 128 : i32
    %add3A_89 = arith.addi %mul3A_87, %add3A_88 : i32
    "tpu.region"() ({
      %run_scoped3A = tpu.sem_alloc : memref<!tpu.dma_semaphore, #tpu.memory_space<semaphore_mem>>
      %dma_start3A = arith.constant 0 : i32
      %dma_start3A_118 = tpu.memref_slice %arg13[%add3A_89, %dma_start3A] : memref<10240x64xf32, #tpu.memory_space<vmem_shared>> -> memref<128x64xf32, #tpu.memory_space<vmem_shared>>
      %dma_start3A_119 = arith.constant 0 : i32
      %dma_start3A_120 = tpu.memref_slice %arg13[%add3A_89, %dma_start3A_119] : memref<10240x64xf32, #tpu.memory_space<vmem_shared>> -> memref<128x64xf32, #tpu.memory_space<vmem_shared>>
      tpu.enqueue_dma source(%arg12 : memref<128x64xf32, #tpu.memory_space<vmem>>) target(%dma_start3A_120 : memref<128x64xf32, #tpu.memory_space<vmem_shared>>) target_semaphore(%run_scoped3A : memref<!tpu.dma_semaphore, #tpu.memory_space<semaphore_mem>>)
      %dma_wait3A = arith.constant 0 : i32
      %dma_wait3A_121 = tpu.memref_slice %arg13[%add3A_89, %dma_wait3A] : memref<10240x64xf32, #tpu.memory_space<vmem_shared>> -> memref<128x64xf32, #tpu.memory_space<vmem_shared>>
      %dma_wait3A_122 = arith.constant 0 : i32
      %dma_wait3A_123 = tpu.memref_slice %arg13[%add3A_89, %dma_wait3A_122] : memref<10240x64xf32, #tpu.memory_space<vmem_shared>> -> memref<128x64xf32, #tpu.memory_space<vmem_shared>>
      tpu.wait_dma2 semaphore(%run_scoped3A : memref<!tpu.dma_semaphore, #tpu.memory_space<semaphore_mem>>) src(%arg12 : memref<128x64xf32, #tpu.memory_space<vmem>>) dst(%dma_wait3A_123 : memref<128x64xf32, #tpu.memory_space<vmem_shared>>)
      tpu.yield
    }) : () -> ()
    %mul3A_90 = arith.constant 640 : i32
    %mul3A_91 = arith.muli %arg1, %mul3A_90 : i32
    %add3A_92 = arith.constant 256 : i32
    %add3A_93 = arith.addi %mul3A_91, %add3A_92 : i32
    "tpu.region"() ({
      %run_scoped3A = tpu.sem_alloc : memref<!tpu.dma_semaphore, #tpu.memory_space<semaphore_mem>>
      %dma_start3A = arith.constant 0 : i32
      %dma_start3A_118 = tpu.memref_slice %arg13[%add3A_93, %dma_start3A] : memref<10240x64xf32, #tpu.memory_space<vmem_shared>> -> memref<128x64xf32, #tpu.memory_space<vmem_shared>>
      %dma_start3A_119 = arith.constant 0 : i32
      %dma_start3A_120 = tpu.memref_slice %arg13[%add3A_93, %dma_start3A_119] : memref<10240x64xf32, #tpu.memory_space<vmem_shared>> -> memref<128x64xf32, #tpu.memory_space<vmem_shared>>
      tpu.enqueue_dma source(%arg12 : memref<128x64xf32, #tpu.memory_space<vmem>>) target(%dma_start3A_120 : memref<128x64xf32, #tpu.memory_space<vmem_shared>>) target_semaphore(%run_scoped3A : memref<!tpu.dma_semaphore, #tpu.memory_space<semaphore_mem>>)
      %dma_wait3A = arith.constant 0 : i32
      %dma_wait3A_121 = tpu.memref_slice %arg13[%add3A_93, %dma_wait3A] : memref<10240x64xf32, #tpu.memory_space<vmem_shared>> -> memref<128x64xf32, #tpu.memory_space<vmem_shared>>
      %dma_wait3A_122 = arith.constant 0 : i32
      %dma_wait3A_123 = tpu.memref_slice %arg13[%add3A_93, %dma_wait3A_122] : memref<10240x64xf32, #tpu.memory_space<vmem_shared>> -> memref<128x64xf32, #tpu.memory_space<vmem_shared>>
      tpu.wait_dma2 semaphore(%run_scoped3A : memref<!tpu.dma_semaphore, #tpu.memory_space<semaphore_mem>>) src(%arg12 : memref<128x64xf32, #tpu.memory_space<vmem>>) dst(%dma_wait3A_123 : memref<128x64xf32, #tpu.memory_space<vmem_shared>>)
      tpu.yield
    }) : () -> ()
    %mul3A_94 = arith.constant 640 : i32
    %mul3A_95 = arith.muli %arg1, %mul3A_94 : i32
    %add3A_96 = arith.constant 384 : i32
    %add3A_97 = arith.addi %mul3A_95, %add3A_96 : i32
    "tpu.region"() ({
      %run_scoped3A = tpu.sem_alloc : memref<!tpu.dma_semaphore, #tpu.memory_space<semaphore_mem>>
      %dma_start3A = arith.constant 0 : i32
      %dma_start3A_118 = tpu.memref_slice %arg13[%add3A_97, %dma_start3A] : memref<10240x64xf32, #tpu.memory_space<vmem_shared>> -> memref<128x64xf32, #tpu.memory_space<vmem_shared>>
      %dma_start3A_119 = arith.constant 0 : i32
      %dma_start3A_120 = tpu.memref_slice %arg13[%add3A_97, %dma_start3A_119] : memref<10240x64xf32, #tpu.memory_space<vmem_shared>> -> memref<128x64xf32, #tpu.memory_space<vmem_shared>>
      tpu.enqueue_dma source(%arg12 : memref<128x64xf32, #tpu.memory_space<vmem>>) target(%dma_start3A_120 : memref<128x64xf32, #tpu.memory_space<vmem_shared>>) target_semaphore(%run_scoped3A : memref<!tpu.dma_semaphore, #tpu.memory_space<semaphore_mem>>)
      %dma_wait3A = arith.constant 0 : i32
      %dma_wait3A_121 = tpu.memref_slice %arg13[%add3A_97, %dma_wait3A] : memref<10240x64xf32, #tpu.memory_space<vmem_shared>> -> memref<128x64xf32, #tpu.memory_space<vmem_shared>>
      %dma_wait3A_122 = arith.constant 0 : i32
      %dma_wait3A_123 = tpu.memref_slice %arg13[%add3A_97, %dma_wait3A_122] : memref<10240x64xf32, #tpu.memory_space<vmem_shared>> -> memref<128x64xf32, #tpu.memory_space<vmem_shared>>
      tpu.wait_dma2 semaphore(%run_scoped3A : memref<!tpu.dma_semaphore, #tpu.memory_space<semaphore_mem>>) src(%arg12 : memref<128x64xf32, #tpu.memory_space<vmem>>) dst(%dma_wait3A_123 : memref<128x64xf32, #tpu.memory_space<vmem_shared>>)
      tpu.yield
    }) : () -> ()
    %mul3A_98 = arith.constant 640 : i32
    %mul3A_99 = arith.muli %arg1, %mul3A_98 : i32
    %add3A_100 = arith.constant 512 : i32
    %add3A_101 = arith.addi %mul3A_99, %add3A_100 : i32
    "tpu.region"() ({
      %run_scoped3A = tpu.sem_alloc : memref<!tpu.dma_semaphore, #tpu.memory_space<semaphore_mem>>
      %dma_start3A = arith.constant 0 : i32
      %dma_start3A_118 = tpu.memref_slice %arg13[%add3A_101, %dma_start3A] : memref<10240x64xf32, #tpu.memory_space<vmem_shared>> -> memref<128x64xf32, #tpu.memory_space<vmem_shared>>
      %dma_start3A_119 = arith.constant 0 : i32
      %dma_start3A_120 = tpu.memref_slice %arg13[%add3A_101, %dma_start3A_119] : memref<10240x64xf32, #tpu.memory_space<vmem_shared>> -> memref<128x64xf32, #tpu.memory_space<vmem_shared>>
      tpu.enqueue_dma source(%arg12 : memref<128x64xf32, #tpu.memory_space<vmem>>) target(%dma_start3A_120 : memref<128x64xf32, #tpu.memory_space<vmem_shared>>) target_semaphore(%run_scoped3A : memref<!tpu.dma_semaphore, #tpu.memory_space<semaphore_mem>>)
      %dma_wait3A = arith.constant 0 : i32
      %dma_wait3A_121 = tpu.memref_slice %arg13[%add3A_101, %dma_wait3A] : memref<10240x64xf32, #tpu.memory_space<vmem_shared>> -> memref<128x64xf32, #tpu.memory_space<vmem_shared>>
      %dma_wait3A_122 = arith.constant 0 : i32
      %dma_wait3A_123 = tpu.memref_slice %arg13[%add3A_101, %dma_wait3A_122] : memref<10240x64xf32, #tpu.memory_space<vmem_shared>> -> memref<128x64xf32, #tpu.memory_space<vmem_shared>>
      tpu.wait_dma2 semaphore(%run_scoped3A : memref<!tpu.dma_semaphore, #tpu.memory_space<semaphore_mem>>) src(%arg12 : memref<128x64xf32, #tpu.memory_space<vmem>>) dst(%dma_wait3A_123 : memref<128x64xf32, #tpu.memory_space<vmem_shared>>)
      tpu.yield
    }) : () -> ()
    %barrier3A_102 = arith.constant 0 : index
    tpu.barrier barrier_id(%barrier3A_102)
    %scan3A_103 = arith.constant 0 : i32
    %scan3A_104 = arith.constant 0 : i32
    %scan3A_105 = arith.constant 160 : i32
    %scan3A_106 = arith.addi %scan3A_104, %scan3A_105 : i32
    %scan3A_107 = arith.constant 1 : i32
    scf.for %scan3A_118 = %scan3A_104 to %scan3A_106 step %scan3A_107  : i32 {
      "tpu.region"() ({
        %run_scoped3A = tpu.sem_alloc : memref<!tpu.dma_semaphore, #tpu.memory_space<semaphore_mem>>
        %dma_start3A = arith.constant 0 : i32
        %dma_start3A_125 = tpu.memref_slice %arg8[%scan3A_118, %dma_start3A] : memref<160x128xi32, #tpu.memory_space<vmem>> -> memref<1x128xi32, #tpu.memory_space<vmem>>
        %dma_start3A_126 = tpu.memref_squeeze %dma_start3A_125 : memref<1x128xi32, #tpu.memory_space<vmem>> -> memref<128xi32, #tpu.memory_space<vmem>>
        %dma_start3A_127 = arith.constant 0 : i32
        %dma_start3A_128 = arith.constant 0 : i32
        %dma_start3A_129 = tpu.memref_slice %arg6[%dma_start3A_127, %dma_start3A_128] : memref<20480x64xf32, #tpu.memory_space<hbm>> -> memref<20480x64xf32, #tpu.memory_space<hbm>>
        tpu.enqueue_indirect_dma source(%dma_start3A_129 : memref<20480x64xf32, #tpu.memory_space<hbm>>) target(%arg11 : memref<128x64xf32, #tpu.memory_space<vmem>>) offsets(%dma_start3A_126 : memref<128xi32, #tpu.memory_space<vmem>>) semaphore(%run_scoped3A : memref<!tpu.dma_semaphore, #tpu.memory_space<semaphore_mem>>)
        %dma_wait3A = arith.constant 0 : i32
        %dma_wait3A_130 = tpu.memref_slice %arg8[%scan3A_118, %dma_wait3A] : memref<160x128xi32, #tpu.memory_space<vmem>> -> memref<1x128xi32, #tpu.memory_space<vmem>>
        %dma_wait3A_131 = tpu.memref_squeeze %dma_wait3A_130 : memref<1x128xi32, #tpu.memory_space<vmem>> -> memref<128xi32, #tpu.memory_space<vmem>>
        %dma_wait3A_132 = arith.constant 0 : i32
        %dma_wait3A_133 = arith.constant 0 : i32
        %dma_wait3A_134 = tpu.memref_slice %arg6[%dma_wait3A_132, %dma_wait3A_133] : memref<20480x64xf32, #tpu.memory_space<hbm>> -> memref<20480x64xf32, #tpu.memory_space<hbm>>
        tpu.wait_indirect_dma semaphore(%run_scoped3A : memref<!tpu.dma_semaphore, #tpu.memory_space<semaphore_mem>>) src(%dma_wait3A_134 : memref<20480x64xf32, #tpu.memory_space<hbm>>) dst(%arg11 : memref<128x64xf32, #tpu.memory_space<vmem>>)
        tpu.yield
      }) : () -> ()
      %scan3A_119 = arith.constant 0 : i32
      %scan3A_120 = arith.constant 0 : i32
      %scan3A_121 = arith.constant 8 : i32
      %scan3A_122 = arith.addi %scan3A_120, %scan3A_121 : i32
      %scan3A_123 = arith.constant 1 : i32
      scf.for %scan3A_125 = %scan3A_120 to %scan3A_122 step %scan3A_123  : i32 {
        %mul3A_126 = arith.constant 16 : i32
        %mul3A_127 = arith.muli %scan3A_125, %mul3A_126 : i32
        %get3A = arith.index_cast %scan3A_118 : i32 to index
        %get3A_128 = arith.index_cast %mul3A_127 : i32 to index
        %get3A_129 = tpu.vector_load %arg10[%get3A, %get3A_128] {strides = array<i32>} : memref<160x128xf32, #tpu.memory_space<vmem>>, vector<1x16xf32>,
        %get3A_130 = vector.shape_cast %get3A_129 : vector<1x16xf32> to vector<16xf32>
        %slice3A = vector.extract_strided_slice %get3A_130 {offsets = [0], sizes = [1], strides = [1]} : vector<16xf32> to vector<1xf32>
        %squeeze3A = vector.extract %slice3A[0] : f32 from vector<1xf32>
        %broadcast_in_dim3A_131 = vector.broadcast %squeeze3A : f32 to vector<16xf32>
        %mul3A_132 = arith.constant 16 : i32
        %mul3A_133 = arith.muli %scan3A_125, %mul3A_132 : i32
        %add3A_134 = arith.constant 0 : i32
        %add3A_135 = arith.addi %mul3A_133, %add3A_134 : i32
        %get3A_136 = arith.index_cast %add3A_135 : i32 to index
        %get3A_137 = arith.constant 0 : index
        %get3A_138 = tpu.vector_load %arg11[%get3A_136, %get3A_137] {strides = array<i32>} : memref<128x64xf32, #tpu.memory_space<vmem>>, vector<1x16xf32>,
        %get3A_139 = vector.shape_cast %get3A_138 : vector<1x16xf32> to vector<16xf32>
        %mul3A_140 = arith.mulf %get3A_139, %broadcast_in_dim3A_131 : vector<16xf32>
        %swap3A = arith.index_cast %add3A_135 : i32 to index
        %swap3A_141 = arith.constant 0 : index
        %swap3A_142 = tpu.vector_load %arg11[%swap3A, %swap3A_141] {strides = array<i32>} : memref<128x64xf32, #tpu.memory_space<vmem>>, vector<1x16xf32>,
        %swap3A_143 = vector.shape_cast %swap3A_142 : vector<1x16xf32> to vector<16xf32>
        %swap3A_144 = vector.shape_cast %mul3A_140 : vector<16xf32> to vector<1x16xf32>
        tpu.vector_store %arg11[%swap3A, %swap3A_141], %swap3A_144 {strides = array<i32>} : memref<128x64xf32, #tpu.memory_space<vmem>>, vector<1x16xf32>,
        %get3A_145 = arith.index_cast %add3A_135 : i32 to index
        %get3A_146 = arith.constant 16 : index
        %get3A_147 = tpu.vector_load %arg11[%get3A_145, %get3A_146] {strides = array<i32>} : memref<128x64xf32, #tpu.memory_space<vmem>>, vector<1x16xf32>,
        %get3A_148 = vector.shape_cast %get3A_147 : vector<1x16xf32> to vector<16xf32>
        %mul3A_149 = arith.mulf %get3A_148, %broadcast_in_dim3A_131 : vector<16xf32>
        %swap3A_150 = arith.index_cast %add3A_135 : i32 to index
        %swap3A_151 = arith.constant 16 : index
        %swap3A_152 = tpu.vector_load %arg11[%swap3A_150, %swap3A_151] {strides = array<i32>} : memref<128x64xf32, #tpu.memory_space<vmem>>, vector<1x16xf32>,
        %swap3A_153 = vector.shape_cast %swap3A_152 : vector<1x16xf32> to vector<16xf32>
        %swap3A_154 = vector.shape_cast %mul3A_149 : vector<16xf32> to vector<1x16xf32>
        tpu.vector_store %arg11[%swap3A_150, %swap3A_151], %swap3A_154 {strides = array<i32>} : memref<128x64xf32, #tpu.memory_space<vmem>>, vector<1x16xf32>,
        %get3A_155 = arith.index_cast %add3A_135 : i32 to index
        %get3A_156 = arith.constant 32 : index
        %get3A_157 = tpu.vector_load %arg11[%get3A_155, %get3A_156] {strides = array<i32>} : memref<128x64xf32, #tpu.memory_space<vmem>>, vector<1x16xf32>,
        %get3A_158 = vector.shape_cast %get3A_157 : vector<1x16xf32> to vector<16xf32>
        %mul3A_159 = arith.mulf %get3A_158, %broadcast_in_dim3A_131 : vector<16xf32>
        %swap3A_160 = arith.index_cast %add3A_135 : i32 to index
        %swap3A_161 = arith.constant 32 : index
        %swap3A_162 = tpu.vector_load %arg11[%swap3A_160, %swap3A_161] {strides = array<i32>} : memref<128x64xf32, #tpu.memory_space<vmem>>, vector<1x16xf32>,
        %swap3A_163 = vector.shape_cast %swap3A_162 : vector<1x16xf32> to vector<16xf32>
        %swap3A_164 = vector.shape_cast %mul3A_159 : vector<16xf32> to vector<1x16xf32>
        tpu.vector_store %arg11[%swap3A_160, %swap3A_161], %swap3A_164 {strides = array<i32>} : memref<128x64xf32, #tpu.memory_space<vmem>>, vector<1x16xf32>,
        %get3A_165 = arith.index_cast %add3A_135 : i32 to index
        %get3A_166 = arith.constant 48 : index
        %get3A_167 = tpu.vector_load %arg11[%get3A_165, %get3A_166] {strides = array<i32>} : memref<128x64xf32, #tpu.memory_space<vmem>>, vector<1x16xf32>,
        %get3A_168 = vector.shape_cast %get3A_167 : vector<1x16xf32> to vector<16xf32>
        %mul3A_169 = arith.mulf %get3A_168, %broadcast_in_dim3A_131 : vector<16xf32>
        %swap3A_170 = arith.index_cast %add3A_135 : i32 to index
        %swap3A_171 = arith.constant 48 : index
        %swap3A_172 = tpu.vector_load %arg11[%swap3A_170, %swap3A_171] {strides = array<i32>} : memref<128x64xf32, #tpu.memory_space<vmem>>, vector<1x16xf32>,
        %swap3A_173 = vector.shape_cast %swap3A_172 : vector<1x16xf32> to vector<16xf32>
        %swap3A_174 = vector.shape_cast %mul3A_169 : vector<16xf32> to vector<1x16xf32>
        tpu.vector_store %arg11[%swap3A_170, %swap3A_171], %swap3A_174 {strides = array<i32>} : memref<128x64xf32, #tpu.memory_space<vmem>>, vector<1x16xf32>,
        %slice3A_175 = vector.extract_strided_slice %get3A_130 {offsets = [1], sizes = [1], strides = [1]} : vector<16xf32> to vector<1xf32>
        %squeeze3A_176 = vector.extract %slice3A_175[0] : f32 from vector<1xf32>
        %broadcast_in_dim3A_177 = vector.broadcast %squeeze3A_176 : f32 to vector<16xf32>
        %mul3A_178 = arith.constant 16 : i32
        %mul3A_179 = arith.muli %scan3A_125, %mul3A_178 : i32
        %add3A_180 = arith.constant 1 : i32
        %add3A_181 = arith.addi %mul3A_179, %add3A_180 : i32
        %get3A_182 = arith.index_cast %add3A_181 : i32 to index
        %get3A_183 = arith.constant 0 : index
        %get3A_184 = tpu.vector_load %arg11[%get3A_182, %get3A_183] {strides = array<i32>} : memref<128x64xf32, #tpu.memory_space<vmem>>, vector<1x16xf32>,
        %get3A_185 = vector.shape_cast %get3A_184 : vector<1x16xf32> to vector<16xf32>
        %mul3A_186 = arith.mulf %get3A_185, %broadcast_in_dim3A_177 : vector<16xf32>
        %swap3A_187 = arith.index_cast %add3A_181 : i32 to index
        %swap3A_188 = arith.constant 0 : index
        %swap3A_189 = tpu.vector_load %arg11[%swap3A_187, %swap3A_188] {strides = array<i32>} : memref<128x64xf32, #tpu.memory_space<vmem>>, vector<1x16xf32>,
        %swap3A_190 = vector.shape_cast %swap3A_189 : vector<1x16xf32> to vector<16xf32>
        %swap3A_191 = vector.shape_cast %mul3A_186 : vector<16xf32> to vector<1x16xf32>
        tpu.vector_store %arg11[%swap3A_187, %swap3A_188], %swap3A_191 {strides = array<i32>} : memref<128x64xf32, #tpu.memory_space<vmem>>, vector<1x16xf32>,
        %get3A_192 = arith.index_cast %add3A_181 : i32 to index
        %get3A_193 = arith.constant 16 : index
        %get3A_194 = tpu.vector_load %arg11[%get3A_192, %get3A_193] {strides = array<i32>} : memref<128x64xf32, #tpu.memory_space<vmem>>, vector<1x16xf32>,
        %get3A_195 = vector.shape_cast %get3A_194 : vector<1x16xf32> to vector<16xf32>
        %mul3A_196 = arith.mulf %get3A_195, %broadcast_in_dim3A_177 : vector<16xf32>
        %swap3A_197 = arith.index_cast %add3A_181 : i32 to index
        %swap3A_198 = arith.constant 16 : index
        %swap3A_199 = tpu.vector_load %arg11[%swap3A_197, %swap3A_198] {strides = array<i32>} : memref<128x64xf32, #tpu.memory_space<vmem>>, vector<1x16xf32>,
        %swap3A_200 = vector.shape_cast %swap3A_199 : vector<1x16xf32> to vector<16xf32>
        %swap3A_201 = vector.shape_cast %mul3A_196 : vector<16xf32> to vector<1x16xf32>
        tpu.vector_store %arg11[%swap3A_197, %swap3A_198], %swap3A_201 {strides = array<i32>} : memref<128x64xf32, #tpu.memory_space<vmem>>, vector<1x16xf32>,
        %get3A_202 = arith.index_cast %add3A_181 : i32 to index
        %get3A_203 = arith.constant 32 : index
        %get3A_204 = tpu.vector_load %arg11[%get3A_202, %get3A_203] {strides = array<i32>} : memref<128x64xf32, #tpu.memory_space<vmem>>, vector<1x16xf32>,
        %get3A_205 = vector.shape_cast %get3A_204 : vector<1x16xf32> to vector<16xf32>
        %mul3A_206 = arith.mulf %get3A_205, %broadcast_in_dim3A_177 : vector<16xf32>
        %swap3A_207 = arith.index_cast %add3A_181 : i32 to index
        %swap3A_208 = arith.constant 32 : index
        %swap3A_209 = tpu.vector_load %arg11[%swap3A_207, %swap3A_208] {strides = array<i32>} : memref<128x64xf32, #tpu.memory_space<vmem>>, vector<1x16xf32>,
        %swap3A_210 = vector.shape_cast %swap3A_209 : vector<1x16xf32> to vector<16xf32>
        %swap3A_211 = vector.shape_cast %mul3A_206 : vector<16xf32> to vector<1x16xf32>
        tpu.vector_store %arg11[%swap3A_207, %swap3A_208], %swap3A_211 {strides = array<i32>} : memref<128x64xf32, #tpu.memory_space<vmem>>, vector<1x16xf32>,
        %get3A_212 = arith.index_cast %add3A_181 : i32 to index
        %get3A_213 = arith.constant 48 : index
        %get3A_214 = tpu.vector_load %arg11[%get3A_212, %get3A_213] {strides = array<i32>} : memref<128x64xf32, #tpu.memory_space<vmem>>, vector<1x16xf32>,
        %get3A_215 = vector.shape_cast %get3A_214 : vector<1x16xf32> to vector<16xf32>
        %mul3A_216 = arith.mulf %get3A_215, %broadcast_in_dim3A_177 : vector<16xf32>
        %swap3A_217 = arith.index_cast %add3A_181 : i32 to index
        %swap3A_218 = arith.constant 48 : index
        %swap3A_219 = tpu.vector_load %arg11[%swap3A_217, %swap3A_218] {strides = array<i32>} : memref<128x64xf32, #tpu.memory_space<vmem>>, vector<1x16xf32>,
        %swap3A_220 = vector.shape_cast %swap3A_219 : vector<1x16xf32> to vector<16xf32>
        %swap3A_221 = vector.shape_cast %mul3A_216 : vector<16xf32> to vector<1x16xf32>
        tpu.vector_store %arg11[%swap3A_217, %swap3A_218], %swap3A_221 {strides = array<i32>} : memref<128x64xf32, #tpu.memory_space<vmem>>, vector<1x16xf32>,
        %slice3A_222 = vector.extract_strided_slice %get3A_130 {offsets = [2], sizes = [1], strides = [1]} : vector<16xf32> to vector<1xf32>
        %squeeze3A_223 = vector.extract %slice3A_222[0] : f32 from vector<1xf32>
        %broadcast_in_dim3A_224 = vector.broadcast %squeeze3A_223 : f32 to vector<16xf32>
        %mul3A_225 = arith.constant 16 : i32
        %mul3A_226 = arith.muli %scan3A_125, %mul3A_225 : i32
        %add3A_227 = arith.constant 2 : i32
        %add3A_228 = arith.addi %mul3A_226, %add3A_227 : i32
        %get3A_229 = arith.index_cast %add3A_228 : i32 to index
        %get3A_230 = arith.constant 0 : index
        %get3A_231 = tpu.vector_load %arg11[%get3A_229, %get3A_230] {strides = array<i32>} : memref<128x64xf32, #tpu.memory_space<vmem>>, vector<1x16xf32>,
        %get3A_232 = vector.shape_cast %get3A_231 : vector<1x16xf32> to vector<16xf32>
        %mul3A_233 = arith.mulf %get3A_232, %broadcast_in_dim3A_224 : vector<16xf32>
        %swap3A_234 = arith.index_cast %add3A_228 : i32 to index
        %swap3A_235 = arith.constant 0 : index
        %swap3A_236 = tpu.vector_load %arg11[%swap3A_234, %swap3A_235] {strides = array<i32>} : memref<128x64xf32, #tpu.memory_space<vmem>>, vector<1x16xf32>,
        %swap3A_237 = vector.shape_cast %swap3A_236 : vector<1x16xf32> to vector<16xf32>
        %swap3A_238 = vector.shape_cast %mul3A_233 : vector<16xf32> to vector<1x16xf32>
        tpu.vector_store %arg11[%swap3A_234, %swap3A_235], %swap3A_238 {strides = array<i32>} : memref<128x64xf32, #tpu.memory_space<vmem>>, vector<1x16xf32>,
        %get3A_239 = arith.index_cast %add3A_228 : i32 to index
        %get3A_240 = arith.constant 16 : index
        %get3A_241 = tpu.vector_load %arg11[%get3A_239, %get3A_240] {strides = array<i32>} : memref<128x64xf32, #tpu.memory_space<vmem>>, vector<1x16xf32>,
        %get3A_242 = vector.shape_cast %get3A_241 : vector<1x16xf32> to vector<16xf32>
        %mul3A_243 = arith.mulf %get3A_242, %broadcast_in_dim3A_224 : vector<16xf32>
        %swap3A_244 = arith.index_cast %add3A_228 : i32 to index
        %swap3A_245 = arith.constant 16 : index
        %swap3A_246 = tpu.vector_load %arg11[%swap3A_244, %swap3A_245] {strides = array<i32>} : memref<128x64xf32, #tpu.memory_space<vmem>>, vector<1x16xf32>,
        %swap3A_247 = vector.shape_cast %swap3A_246 : vector<1x16xf32> to vector<16xf32>
        %swap3A_248 = vector.shape_cast %mul3A_243 : vector<16xf32> to vector<1x16xf32>
        tpu.vector_store %arg11[%swap3A_244, %swap3A_245], %swap3A_248 {strides = array<i32>} : memref<128x64xf32, #tpu.memory_space<vmem>>, vector<1x16xf32>,
        %get3A_249 = arith.index_cast %add3A_228 : i32 to index
        %get3A_250 = arith.constant 32 : index
        %get3A_251 = tpu.vector_load %arg11[%get3A_249, %get3A_250] {strides = array<i32>} : memref<128x64xf32, #tpu.memory_space<vmem>>, vector<1x16xf32>,
        %get3A_252 = vector.shape_cast %get3A_251 : vector<1x16xf32> to vector<16xf32>
        %mul3A_253 = arith.mulf %get3A_252, %broadcast_in_dim3A_224 : vector<16xf32>
        %swap3A_254 = arith.index_cast %add3A_228 : i32 to index
        %swap3A_255 = arith.constant 32 : index
        %swap3A_256 = tpu.vector_load %arg11[%swap3A_254, %swap3A_255] {strides = array<i32>} : memref<128x64xf32, #tpu.memory_space<vmem>>, vector<1x16xf32>,
        %swap3A_257 = vector.shape_cast %swap3A_256 : vector<1x16xf32> to vector<16xf32>
        %swap3A_258 = vector.shape_cast %mul3A_253 : vector<16xf32> to vector<1x16xf32>
        tpu.vector_store %arg11[%swap3A_254, %swap3A_255], %swap3A_258 {strides = array<i32>} : memref<128x64xf32, #tpu.memory_space<vmem>>, vector<1x16xf32>,
        %get3A_259 = arith.index_cast %add3A_228 : i32 to index
        %get3A_260 = arith.constant 48 : index
        %get3A_261 = tpu.vector_load %arg11[%get3A_259, %get3A_260] {strides = array<i32>} : memref<128x64xf32, #tpu.memory_space<vmem>>, vector<1x16xf32>,
        %get3A_262 = vector.shape_cast %get3A_261 : vector<1x16xf32> to vector<16xf32>
        %mul3A_263 = arith.mulf %get3A_262, %broadcast_in_dim3A_224 : vector<16xf32>
        %swap3A_264 = arith.index_cast %add3A_228 : i32 to index
        %swap3A_265 = arith.constant 48 : index
        %swap3A_266 = tpu.vector_load %arg11[%swap3A_264, %swap3A_265] {strides = array<i32>} : memref<128x64xf32, #tpu.memory_space<vmem>>, vector<1x16xf32>,
        %swap3A_267 = vector.shape_cast %swap3A_266 : vector<1x16xf32> to vector<16xf32>
        %swap3A_268 = vector.shape_cast %mul3A_263 : vector<16xf32> to vector<1x16xf32>
        tpu.vector_store %arg11[%swap3A_264, %swap3A_265], %swap3A_268 {strides = array<i32>} : memref<128x64xf32, #tpu.memory_space<vmem>>, vector<1x16xf32>,
        %slice3A_269 = vector.extract_strided_slice %get3A_130 {offsets = [3], sizes = [1], strides = [1]} : vector<16xf32> to vector<1xf32>
        %squeeze3A_270 = vector.extract %slice3A_269[0] : f32 from vector<1xf32>
        %broadcast_in_dim3A_271 = vector.broadcast %squeeze3A_270 : f32 to vector<16xf32>
        %mul3A_272 = arith.constant 16 : i32
        %mul3A_273 = arith.muli %scan3A_125, %mul3A_272 : i32
        %add3A_274 = arith.constant 3 : i32
        %add3A_275 = arith.addi %mul3A_273, %add3A_274 : i32
        %get3A_276 = arith.index_cast %add3A_275 : i32 to index
        %get3A_277 = arith.constant 0 : index
        %get3A_278 = tpu.vector_load %arg11[%get3A_276, %get3A_277] {strides = array<i32>} : memref<128x64xf32, #tpu.memory_space<vmem>>, vector<1x16xf32>,
        %get3A_279 = vector.shape_cast %get3A_278 : vector<1x16xf32> to vector<16xf32>
        %mul3A_280 = arith.mulf %get3A_279, %broadcast_in_dim3A_271 : vector<16xf32>
        %swap3A_281 = arith.index_cast %add3A_275 : i32 to index
        %swap3A_282 = arith.constant 0 : index
        %swap3A_283 = tpu.vector_load %arg11[%swap3A_281, %swap3A_282] {strides = array<i32>} : memref<128x64xf32, #tpu.memory_space<vmem>>, vector<1x16xf32>,
        %swap3A_284 = vector.shape_cast %swap3A_283 : vector<1x16xf32> to vector<16xf32>
        %swap3A_285 = vector.shape_cast %mul3A_280 : vector<16xf32> to vector<1x16xf32>
        tpu.vector_store %arg11[%swap3A_281, %swap3A_282], %swap3A_285 {strides = array<i32>} : memref<128x64xf32, #tpu.memory_space<vmem>>, vector<1x16xf32>,
        %get3A_286 = arith.index_cast %add3A_275 : i32 to index
        %get3A_287 = arith.constant 16 : index
        %get3A_288 = tpu.vector_load %arg11[%get3A_286, %get3A_287] {strides = array<i32>} : memref<128x64xf32, #tpu.memory_space<vmem>>, vector<1x16xf32>,
        %get3A_289 = vector.shape_cast %get3A_288 : vector<1x16xf32> to vector<16xf32>
        %mul3A_290 = arith.mulf %get3A_289, %broadcast_in_dim3A_271 : vector<16xf32>
        %swap3A_291 = arith.index_cast %add3A_275 : i32 to index
        %swap3A_292 = arith.constant 16 : index
        %swap3A_293 = tpu.vector_load %arg11[%swap3A_291, %swap3A_292] {strides = array<i32>} : memref<128x64xf32, #tpu.memory_space<vmem>>, vector<1x16xf32>,
        %swap3A_294 = vector.shape_cast %swap3A_293 : vector<1x16xf32> to vector<16xf32>
        %swap3A_295 = vector.shape_cast %mul3A_290 : vector<16xf32> to vector<1x16xf32>
        tpu.vector_store %arg11[%swap3A_291, %swap3A_292], %swap3A_295 {strides = array<i32>} : memref<128x64xf32, #tpu.memory_space<vmem>>, vector<1x16xf32>,
        %get3A_296 = arith.index_cast %add3A_275 : i32 to index
        %get3A_297 = arith.constant 32 : index
        %get3A_298 = tpu.vector_load %arg11[%get3A_296, %get3A_297] {strides = array<i32>} : memref<128x64xf32, #tpu.memory_space<vmem>>, vector<1x16xf32>,
        %get3A_299 = vector.shape_cast %get3A_298 : vector<1x16xf32> to vector<16xf32>
        %mul3A_300 = arith.mulf %get3A_299, %broadcast_in_dim3A_271 : vector<16xf32>
        %swap3A_301 = arith.index_cast %add3A_275 : i32 to index
        %swap3A_302 = arith.constant 32 : index
        %swap3A_303 = tpu.vector_load %arg11[%swap3A_301, %swap3A_302] {strides = array<i32>} : memref<128x64xf32, #tpu.memory_space<vmem>>, vector<1x16xf32>,
        %swap3A_304 = vector.shape_cast %swap3A_303 : vector<1x16xf32> to vector<16xf32>
        %swap3A_305 = vector.shape_cast %mul3A_300 : vector<16xf32> to vector<1x16xf32>
        tpu.vector_store %arg11[%swap3A_301, %swap3A_302], %swap3A_305 {strides = array<i32>} : memref<128x64xf32, #tpu.memory_space<vmem>>, vector<1x16xf32>,
        %get3A_306 = arith.index_cast %add3A_275 : i32 to index
        %get3A_307 = arith.constant 48 : index
        %get3A_308 = tpu.vector_load %arg11[%get3A_306, %get3A_307] {strides = array<i32>} : memref<128x64xf32, #tpu.memory_space<vmem>>, vector<1x16xf32>,
        %get3A_309 = vector.shape_cast %get3A_308 : vector<1x16xf32> to vector<16xf32>
        %mul3A_310 = arith.mulf %get3A_309, %broadcast_in_dim3A_271 : vector<16xf32>
        %swap3A_311 = arith.index_cast %add3A_275 : i32 to index
        %swap3A_312 = arith.constant 48 : index
        %swap3A_313 = tpu.vector_load %arg11[%swap3A_311, %swap3A_312] {strides = array<i32>} : memref<128x64xf32, #tpu.memory_space<vmem>>, vector<1x16xf32>,
        %swap3A_314 = vector.shape_cast %swap3A_313 : vector<1x16xf32> to vector<16xf32>
        %swap3A_315 = vector.shape_cast %mul3A_310 : vector<16xf32> to vector<1x16xf32>
        tpu.vector_store %arg11[%swap3A_311, %swap3A_312], %swap3A_315 {strides = array<i32>} : memref<128x64xf32, #tpu.memory_space<vmem>>, vector<1x16xf32>,
        %slice3A_316 = vector.extract_strided_slice %get3A_130 {offsets = [4], sizes = [1], strides = [1]} : vector<16xf32> to vector<1xf32>
        %squeeze3A_317 = vector.extract %slice3A_316[0] : f32 from vector<1xf32>
        %broadcast_in_dim3A_318 = vector.broadcast %squeeze3A_317 : f32 to vector<16xf32>
        %mul3A_319 = arith.constant 16 : i32
        %mul3A_320 = arith.muli %scan3A_125, %mul3A_319 : i32
        %add3A_321 = arith.constant 4 : i32
        %add3A_322 = arith.addi %mul3A_320, %add3A_321 : i32
        %get3A_323 = arith.index_cast %add3A_322 : i32 to index
        %get3A_324 = arith.constant 0 : index
        %get3A_325 = tpu.vector_load %arg11[%get3A_323, %get3A_324] {strides = array<i32>} : memref<128x64xf32, #tpu.memory_space<vmem>>, vector<1x16xf32>,
        %get3A_326 = vector.shape_cast %get3A_325 : vector<1x16xf32> to vector<16xf32>
        %mul3A_327 = arith.mulf %get3A_326, %broadcast_in_dim3A_318 : vector<16xf32>
        %swap3A_328 = arith.index_cast %add3A_322 : i32 to index
        %swap3A_329 = arith.constant 0 : index
        %swap3A_330 = tpu.vector_load %arg11[%swap3A_328, %swap3A_329] {strides = array<i32>} : memref<128x64xf32, #tpu.memory_space<vmem>>, vector<1x16xf32>,
        %swap3A_331 = vector.shape_cast %swap3A_330 : vector<1x16xf32> to vector<16xf32>
        %swap3A_332 = vector.shape_cast %mul3A_327 : vector<16xf32> to vector<1x16xf32>
        tpu.vector_store %arg11[%swap3A_328, %swap3A_329], %swap3A_332 {strides = array<i32>} : memref<128x64xf32, #tpu.memory_space<vmem>>, vector<1x16xf32>,
        %get3A_333 = arith.index_cast %add3A_322 : i32 to index
        %get3A_334 = arith.constant 16 : index
        %get3A_335 = tpu.vector_load %arg11[%get3A_333, %get3A_334] {strides = array<i32>} : memref<128x64xf32, #tpu.memory_space<vmem>>, vector<1x16xf32>,
        %get3A_336 = vector.shape_cast %get3A_335 : vector<1x16xf32> to vector<16xf32>
        %mul3A_337 = arith.mulf %get3A_336, %broadcast_in_dim3A_318 : vector<16xf32>
        %swap3A_338 = arith.index_cast %add3A_322 : i32 to index
        %swap3A_339 = arith.constant 16 : index
        %swap3A_340 = tpu.vector_load %arg11[%swap3A_338, %swap3A_339] {strides = array<i32>} : memref<128x64xf32, #tpu.memory_space<vmem>>, vector<1x16xf32>,
        %swap3A_341 = vector.shape_cast %swap3A_340 : vector<1x16xf32> to vector<16xf32>
        %swap3A_342 = vector.shape_cast %mul3A_337 : vector<16xf32> to vector<1x16xf32>
        tpu.vector_store %arg11[%swap3A_338, %swap3A_339], %swap3A_342 {strides = array<i32>} : memref<128x64xf32, #tpu.memory_space<vmem>>, vector<1x16xf32>,
        %get3A_343 = arith.index_cast %add3A_322 : i32 to index
        %get3A_344 = arith.constant 32 : index
        %get3A_345 = tpu.vector_load %arg11[%get3A_343, %get3A_344] {strides = array<i32>} : memref<128x64xf32, #tpu.memory_space<vmem>>, vector<1x16xf32>,
        %get3A_346 = vector.shape_cast %get3A_345 : vector<1x16xf32> to vector<16xf32>
        %mul3A_347 = arith.mulf %get3A_346, %broadcast_in_dim3A_318 : vector<16xf32>
        %swap3A_348 = arith.index_cast %add3A_322 : i32 to index
        %swap3A_349 = arith.constant 32 : index
        %swap3A_350 = tpu.vector_load %arg11[%swap3A_348, %swap3A_349] {strides = array<i32>} : memref<128x64xf32, #tpu.memory_space<vmem>>, vector<1x16xf32>,
        %swap3A_351 = vector.shape_cast %swap3A_350 : vector<1x16xf32> to vector<16xf32>
        %swap3A_352 = vector.shape_cast %mul3A_347 : vector<16xf32> to vector<1x16xf32>
        tpu.vector_store %arg11[%swap3A_348, %swap3A_349], %swap3A_352 {strides = array<i32>} : memref<128x64xf32, #tpu.memory_space<vmem>>, vector<1x16xf32>,
        %get3A_353 = arith.index_cast %add3A_322 : i32 to index
        %get3A_354 = arith.constant 48 : index
        %get3A_355 = tpu.vector_load %arg11[%get3A_353, %get3A_354] {strides = array<i32>} : memref<128x64xf32, #tpu.memory_space<vmem>>, vector<1x16xf32>,
        %get3A_356 = vector.shape_cast %get3A_355 : vector<1x16xf32> to vector<16xf32>
        %mul3A_357 = arith.mulf %get3A_356, %broadcast_in_dim3A_318 : vector<16xf32>
        %swap3A_358 = arith.index_cast %add3A_322 : i32 to index
        %swap3A_359 = arith.constant 48 : index
        %swap3A_360 = tpu.vector_load %arg11[%swap3A_358, %swap3A_359] {strides = array<i32>} : memref<128x64xf32, #tpu.memory_space<vmem>>, vector<1x16xf32>,
        %swap3A_361 = vector.shape_cast %swap3A_360 : vector<1x16xf32> to vector<16xf32>
        %swap3A_362 = vector.shape_cast %mul3A_357 : vector<16xf32> to vector<1x16xf32>
        tpu.vector_store %arg11[%swap3A_358, %swap3A_359], %swap3A_362 {strides = array<i32>} : memref<128x64xf32, #tpu.memory_space<vmem>>, vector<1x16xf32>,
        %slice3A_363 = vector.extract_strided_slice %get3A_130 {offsets = [5], sizes = [1], strides = [1]} : vector<16xf32> to vector<1xf32>
        %squeeze3A_364 = vector.extract %slice3A_363[0] : f32 from vector<1xf32>
        %broadcast_in_dim3A_365 = vector.broadcast %squeeze3A_364 : f32 to vector<16xf32>
        %mul3A_366 = arith.constant 16 : i32
        %mul3A_367 = arith.muli %scan3A_125, %mul3A_366 : i32
        %add3A_368 = arith.constant 5 : i32
        %add3A_369 = arith.addi %mul3A_367, %add3A_368 : i32
        %get3A_370 = arith.index_cast %add3A_369 : i32 to index
        %get3A_371 = arith.constant 0 : index
        %get3A_372 = tpu.vector_load %arg11[%get3A_370, %get3A_371] {strides = array<i32>} : memref<128x64xf32, #tpu.memory_space<vmem>>, vector<1x16xf32>,
        %get3A_373 = vector.shape_cast %get3A_372 : vector<1x16xf32> to vector<16xf32>
        %mul3A_374 = arith.mulf %get3A_373, %broadcast_in_dim3A_365 : vector<16xf32>
        %swap3A_375 = arith.index_cast %add3A_369 : i32 to index
        %swap3A_376 = arith.constant 0 : index
        %swap3A_377 = tpu.vector_load %arg11[%swap3A_375, %swap3A_376] {strides = array<i32>} : memref<128x64xf32, #tpu.memory_space<vmem>>, vector<1x16xf32>,
        %swap3A_378 = vector.shape_cast %swap3A_377 : vector<1x16xf32> to vector<16xf32>
        %swap3A_379 = vector.shape_cast %mul3A_374 : vector<16xf32> to vector<1x16xf32>
        tpu.vector_store %arg11[%swap3A_375, %swap3A_376], %swap3A_379 {strides = array<i32>} : memref<128x64xf32, #tpu.memory_space<vmem>>, vector<1x16xf32>,
        %get3A_380 = arith.index_cast %add3A_369 : i32 to index
        %get3A_381 = arith.constant 16 : index
        %get3A_382 = tpu.vector_load %arg11[%get3A_380, %get3A_381] {strides = array<i32>} : memref<128x64xf32, #tpu.memory_space<vmem>>, vector<1x16xf32>,
        %get3A_383 = vector.shape_cast %get3A_382 : vector<1x16xf32> to vector<16xf32>
        %mul3A_384 = arith.mulf %get3A_383, %broadcast_in_dim3A_365 : vector<16xf32>
        %swap3A_385 = arith.index_cast %add3A_369 : i32 to index
        %swap3A_386 = arith.constant 16 : index
        %swap3A_387 = tpu.vector_load %arg11[%swap3A_385, %swap3A_386] {strides = array<i32>} : memref<128x64xf32, #tpu.memory_space<vmem>>, vector<1x16xf32>,
        %swap3A_388 = vector.shape_cast %swap3A_387 : vector<1x16xf32> to vector<16xf32>
        %swap3A_389 = vector.shape_cast %mul3A_384 : vector<16xf32> to vector<1x16xf32>
        tpu.vector_store %arg11[%swap3A_385, %swap3A_386], %swap3A_389 {strides = array<i32>} : memref<128x64xf32, #tpu.memory_space<vmem>>, vector<1x16xf32>,
        %get3A_390 = arith.index_cast %add3A_369 : i32 to index
        %get3A_391 = arith.constant 32 : index
        %get3A_392 = tpu.vector_load %arg11[%get3A_390, %get3A_391] {strides = array<i32>} : memref<128x64xf32, #tpu.memory_space<vmem>>, vector<1x16xf32>,
        %get3A_393 = vector.shape_cast %get3A_392 : vector<1x16xf32> to vector<16xf32>
        %mul3A_394 = arith.mulf %get3A_393, %broadcast_in_dim3A_365 : vector<16xf32>
        %swap3A_395 = arith.index_cast %add3A_369 : i32 to index
        %swap3A_396 = arith.constant 32 : index
        %swap3A_397 = tpu.vector_load %arg11[%swap3A_395, %swap3A_396] {strides = array<i32>} : memref<128x64xf32, #tpu.memory_space<vmem>>, vector<1x16xf32>,
        %swap3A_398 = vector.shape_cast %swap3A_397 : vector<1x16xf32> to vector<16xf32>
        %swap3A_399 = vector.shape_cast %mul3A_394 : vector<16xf32> to vector<1x16xf32>
        tpu.vector_store %arg11[%swap3A_395, %swap3A_396], %swap3A_399 {strides = array<i32>} : memref<128x64xf32, #tpu.memory_space<vmem>>, vector<1x16xf32>,
        %get3A_400 = arith.index_cast %add3A_369 : i32 to index
        %get3A_401 = arith.constant 48 : index
        %get3A_402 = tpu.vector_load %arg11[%get3A_400, %get3A_401] {strides = array<i32>} : memref<128x64xf32, #tpu.memory_space<vmem>>, vector<1x16xf32>,
        %get3A_403 = vector.shape_cast %get3A_402 : vector<1x16xf32> to vector<16xf32>
        %mul3A_404 = arith.mulf %get3A_403, %broadcast_in_dim3A_365 : vector<16xf32>
        %swap3A_405 = arith.index_cast %add3A_369 : i32 to index
        %swap3A_406 = arith.constant 48 : index
        %swap3A_407 = tpu.vector_load %arg11[%swap3A_405, %swap3A_406] {strides = array<i32>} : memref<128x64xf32, #tpu.memory_space<vmem>>, vector<1x16xf32>,
        %swap3A_408 = vector.shape_cast %swap3A_407 : vector<1x16xf32> to vector<16xf32>
        %swap3A_409 = vector.shape_cast %mul3A_404 : vector<16xf32> to vector<1x16xf32>
        tpu.vector_store %arg11[%swap3A_405, %swap3A_406], %swap3A_409 {strides = array<i32>} : memref<128x64xf32, #tpu.memory_space<vmem>>, vector<1x16xf32>,
        %slice3A_410 = vector.extract_strided_slice %get3A_130 {offsets = [6], sizes = [1], strides = [1]} : vector<16xf32> to vector<1xf32>
        %squeeze3A_411 = vector.extract %slice3A_410[0] : f32 from vector<1xf32>
        %broadcast_in_dim3A_412 = vector.broadcast %squeeze3A_411 : f32 to vector<16xf32>
        %mul3A_413 = arith.constant 16 : i32
        %mul3A_414 = arith.muli %scan3A_125, %mul3A_413 : i32
        %add3A_415 = arith.constant 6 : i32
        %add3A_416 = arith.addi %mul3A_414, %add3A_415 : i32
        %get3A_417 = arith.index_cast %add3A_416 : i32 to index
        %get3A_418 = arith.constant 0 : index
        %get3A_419 = tpu.vector_load %arg11[%get3A_417, %get3A_418] {strides = array<i32>} : memref<128x64xf32, #tpu.memory_space<vmem>>, vector<1x16xf32>,
        %get3A_420 = vector.shape_cast %get3A_419 : vector<1x16xf32> to vector<16xf32>
        %mul3A_421 = arith.mulf %get3A_420, %broadcast_in_dim3A_412 : vector<16xf32>
        %swap3A_422 = arith.index_cast %add3A_416 : i32 to index
        %swap3A_423 = arith.constant 0 : index
        %swap3A_424 = tpu.vector_load %arg11[%swap3A_422, %swap3A_423] {strides = array<i32>} : memref<128x64xf32, #tpu.memory_space<vmem>>, vector<1x16xf32>,
        %swap3A_425 = vector.shape_cast %swap3A_424 : vector<1x16xf32> to vector<16xf32>
        %swap3A_426 = vector.shape_cast %mul3A_421 : vector<16xf32> to vector<1x16xf32>
        tpu.vector_store %arg11[%swap3A_422, %swap3A_423], %swap3A_426 {strides = array<i32>} : memref<128x64xf32, #tpu.memory_space<vmem>>, vector<1x16xf32>,
        %get3A_427 = arith.index_cast %add3A_416 : i32 to index
        %get3A_428 = arith.constant 16 : index
        %get3A_429 = tpu.vector_load %arg11[%get3A_427, %get3A_428] {strides = array<i32>} : memref<128x64xf32, #tpu.memory_space<vmem>>, vector<1x16xf32>,
        %get3A_430 = vector.shape_cast %get3A_429 : vector<1x16xf32> to vector<16xf32>
        %mul3A_431 = arith.mulf %get3A_430, %broadcast_in_dim3A_412 : vector<16xf32>
        %swap3A_432 = arith.index_cast %add3A_416 : i32 to index
        %swap3A_433 = arith.constant 16 : index
        %swap3A_434 = tpu.vector_load %arg11[%swap3A_432, %swap3A_433] {strides = array<i32>} : memref<128x64xf32, #tpu.memory_space<vmem>>, vector<1x16xf32>,
        %swap3A_435 = vector.shape_cast %swap3A_434 : vector<1x16xf32> to vector<16xf32>
        %swap3A_436 = vector.shape_cast %mul3A_431 : vector<16xf32> to vector<1x16xf32>
        tpu.vector_store %arg11[%swap3A_432, %swap3A_433], %swap3A_436 {strides = array<i32>} : memref<128x64xf32, #tpu.memory_space<vmem>>, vector<1x16xf32>,
        %get3A_437 = arith.index_cast %add3A_416 : i32 to index
        %get3A_438 = arith.constant 32 : index
        %get3A_439 = tpu.vector_load %arg11[%get3A_437, %get3A_438] {strides = array<i32>} : memref<128x64xf32, #tpu.memory_space<vmem>>, vector<1x16xf32>,
        %get3A_440 = vector.shape_cast %get3A_439 : vector<1x16xf32> to vector<16xf32>
        %mul3A_441 = arith.mulf %get3A_440, %broadcast_in_dim3A_412 : vector<16xf32>
        %swap3A_442 = arith.index_cast %add3A_416 : i32 to index
        %swap3A_443 = arith.constant 32 : index
        %swap3A_444 = tpu.vector_load %arg11[%swap3A_442, %swap3A_443] {strides = array<i32>} : memref<128x64xf32, #tpu.memory_space<vmem>>, vector<1x16xf32>,
        %swap3A_445 = vector.shape_cast %swap3A_444 : vector<1x16xf32> to vector<16xf32>
        %swap3A_446 = vector.shape_cast %mul3A_441 : vector<16xf32> to vector<1x16xf32>
        tpu.vector_store %arg11[%swap3A_442, %swap3A_443], %swap3A_446 {strides = array<i32>} : memref<128x64xf32, #tpu.memory_space<vmem>>, vector<1x16xf32>,
        %get3A_447 = arith.index_cast %add3A_416 : i32 to index
        %get3A_448 = arith.constant 48 : index
        %get3A_449 = tpu.vector_load %arg11[%get3A_447, %get3A_448] {strides = array<i32>} : memref<128x64xf32, #tpu.memory_space<vmem>>, vector<1x16xf32>,
        %get3A_450 = vector.shape_cast %get3A_449 : vector<1x16xf32> to vector<16xf32>
        %mul3A_451 = arith.mulf %get3A_450, %broadcast_in_dim3A_412 : vector<16xf32>
        %swap3A_452 = arith.index_cast %add3A_416 : i32 to index
        %swap3A_453 = arith.constant 48 : index
        %swap3A_454 = tpu.vector_load %arg11[%swap3A_452, %swap3A_453] {strides = array<i32>} : memref<128x64xf32, #tpu.memory_space<vmem>>, vector<1x16xf32>,
        %swap3A_455 = vector.shape_cast %swap3A_454 : vector<1x16xf32> to vector<16xf32>
        %swap3A_456 = vector.shape_cast %mul3A_451 : vector<16xf32> to vector<1x16xf32>
        tpu.vector_store %arg11[%swap3A_452, %swap3A_453], %swap3A_456 {strides = array<i32>} : memref<128x64xf32, #tpu.memory_space<vmem>>, vector<1x16xf32>,
        %slice3A_457 = vector.extract_strided_slice %get3A_130 {offsets = [7], sizes = [1], strides = [1]} : vector<16xf32> to vector<1xf32>
        %squeeze3A_458 = vector.extract %slice3A_457[0] : f32 from vector<1xf32>
        %broadcast_in_dim3A_459 = vector.broadcast %squeeze3A_458 : f32 to vector<16xf32>
        %mul3A_460 = arith.constant 16 : i32
        %mul3A_461 = arith.muli %scan3A_125, %mul3A_460 : i32
        %add3A_462 = arith.constant 7 : i32
        %add3A_463 = arith.addi %mul3A_461, %add3A_462 : i32
        %get3A_464 = arith.index_cast %add3A_463 : i32 to index
        %get3A_465 = arith.constant 0 : index
        %get3A_466 = tpu.vector_load %arg11[%get3A_464, %get3A_465] {strides = array<i32>} : memref<128x64xf32, #tpu.memory_space<vmem>>, vector<1x16xf32>,
        %get3A_467 = vector.shape_cast %get3A_466 : vector<1x16xf32> to vector<16xf32>
        %mul3A_468 = arith.mulf %get3A_467, %broadcast_in_dim3A_459 : vector<16xf32>
        %swap3A_469 = arith.index_cast %add3A_463 : i32 to index
        %swap3A_470 = arith.constant 0 : index
        %swap3A_471 = tpu.vector_load %arg11[%swap3A_469, %swap3A_470] {strides = array<i32>} : memref<128x64xf32, #tpu.memory_space<vmem>>, vector<1x16xf32>,
        %swap3A_472 = vector.shape_cast %swap3A_471 : vector<1x16xf32> to vector<16xf32>
        %swap3A_473 = vector.shape_cast %mul3A_468 : vector<16xf32> to vector<1x16xf32>
        tpu.vector_store %arg11[%swap3A_469, %swap3A_470], %swap3A_473 {strides = array<i32>} : memref<128x64xf32, #tpu.memory_space<vmem>>, vector<1x16xf32>,
        %get3A_474 = arith.index_cast %add3A_463 : i32 to index
        %get3A_475 = arith.constant 16 : index
        %get3A_476 = tpu.vector_load %arg11[%get3A_474, %get3A_475] {strides = array<i32>} : memref<128x64xf32, #tpu.memory_space<vmem>>, vector<1x16xf32>,
        %get3A_477 = vector.shape_cast %get3A_476 : vector<1x16xf32> to vector<16xf32>
        %mul3A_478 = arith.mulf %get3A_477, %broadcast_in_dim3A_459 : vector<16xf32>
        %swap3A_479 = arith.index_cast %add3A_463 : i32 to index
        %swap3A_480 = arith.constant 16 : index
        %swap3A_481 = tpu.vector_load %arg11[%swap3A_479, %swap3A_480] {strides = array<i32>} : memref<128x64xf32, #tpu.memory_space<vmem>>, vector<1x16xf32>,
        %swap3A_482 = vector.shape_cast %swap3A_481 : vector<1x16xf32> to vector<16xf32>
        %swap3A_483 = vector.shape_cast %mul3A_478 : vector<16xf32> to vector<1x16xf32>
        tpu.vector_store %arg11[%swap3A_479, %swap3A_480], %swap3A_483 {strides = array<i32>} : memref<128x64xf32, #tpu.memory_space<vmem>>, vector<1x16xf32>,
        %get3A_484 = arith.index_cast %add3A_463 : i32 to index
        %get3A_485 = arith.constant 32 : index
        %get3A_486 = tpu.vector_load %arg11[%get3A_484, %get3A_485] {strides = array<i32>} : memref<128x64xf32, #tpu.memory_space<vmem>>, vector<1x16xf32>,
        %get3A_487 = vector.shape_cast %get3A_486 : vector<1x16xf32> to vector<16xf32>
        %mul3A_488 = arith.mulf %get3A_487, %broadcast_in_dim3A_459 : vector<16xf32>
        %swap3A_489 = arith.index_cast %add3A_463 : i32 to index
        %swap3A_490 = arith.constant 32 : index
        %swap3A_491 = tpu.vector_load %arg11[%swap3A_489, %swap3A_490] {strides = array<i32>} : memref<128x64xf32, #tpu.memory_space<vmem>>, vector<1x16xf32>,
        %swap3A_492 = vector.shape_cast %swap3A_491 : vector<1x16xf32> to vector<16xf32>
        %swap3A_493 = vector.shape_cast %mul3A_488 : vector<16xf32> to vector<1x16xf32>
        tpu.vector_store %arg11[%swap3A_489, %swap3A_490], %swap3A_493 {strides = array<i32>} : memref<128x64xf32, #tpu.memory_space<vmem>>, vector<1x16xf32>,
        %get3A_494 = arith.index_cast %add3A_463 : i32 to index
        %get3A_495 = arith.constant 48 : index
        %get3A_496 = tpu.vector_load %arg11[%get3A_494, %get3A_495] {strides = array<i32>} : memref<128x64xf32, #tpu.memory_space<vmem>>, vector<1x16xf32>,
        %get3A_497 = vector.shape_cast %get3A_496 : vector<1x16xf32> to vector<16xf32>
        %mul3A_498 = arith.mulf %get3A_497, %broadcast_in_dim3A_459 : vector<16xf32>
        %swap3A_499 = arith.index_cast %add3A_463 : i32 to index
        %swap3A_500 = arith.constant 48 : index
        %swap3A_501 = tpu.vector_load %arg11[%swap3A_499, %swap3A_500] {strides = array<i32>} : memref<128x64xf32, #tpu.memory_space<vmem>>, vector<1x16xf32>,
        %swap3A_502 = vector.shape_cast %swap3A_501 : vector<1x16xf32> to vector<16xf32>
        %swap3A_503 = vector.shape_cast %mul3A_498 : vector<16xf32> to vector<1x16xf32>
        tpu.vector_store %arg11[%swap3A_499, %swap3A_500], %swap3A_503 {strides = array<i32>} : memref<128x64xf32, #tpu.memory_space<vmem>>, vector<1x16xf32>,
        %slice3A_504 = vector.extract_strided_slice %get3A_130 {offsets = [8], sizes = [1], strides = [1]} : vector<16xf32> to vector<1xf32>
        %squeeze3A_505 = vector.extract %slice3A_504[0] : f32 from vector<1xf32>
        %broadcast_in_dim3A_506 = vector.broadcast %squeeze3A_505 : f32 to vector<16xf32>
        %mul3A_507 = arith.constant 16 : i32
        %mul3A_508 = arith.muli %scan3A_125, %mul3A_507 : i32
        %add3A_509 = arith.constant 8 : i32
        %add3A_510 = arith.addi %mul3A_508, %add3A_509 : i32
        %get3A_511 = arith.index_cast %add3A_510 : i32 to index
        %get3A_512 = arith.constant 0 : index
        %get3A_513 = tpu.vector_load %arg11[%get3A_511, %get3A_512] {strides = array<i32>} : memref<128x64xf32, #tpu.memory_space<vmem>>, vector<1x16xf32>,
        %get3A_514 = vector.shape_cast %get3A_513 : vector<1x16xf32> to vector<16xf32>
        %mul3A_515 = arith.mulf %get3A_514, %broadcast_in_dim3A_506 : vector<16xf32>
        %swap3A_516 = arith.index_cast %add3A_510 : i32 to index
        %swap3A_517 = arith.constant 0 : index
        %swap3A_518 = tpu.vector_load %arg11[%swap3A_516, %swap3A_517] {strides = array<i32>} : memref<128x64xf32, #tpu.memory_space<vmem>>, vector<1x16xf32>,
        %swap3A_519 = vector.shape_cast %swap3A_518 : vector<1x16xf32> to vector<16xf32>
        %swap3A_520 = vector.shape_cast %mul3A_515 : vector<16xf32> to vector<1x16xf32>
        tpu.vector_store %arg11[%swap3A_516, %swap3A_517], %swap3A_520 {strides = array<i32>} : memref<128x64xf32, #tpu.memory_space<vmem>>, vector<1x16xf32>,
        %get3A_521 = arith.index_cast %add3A_510 : i32 to index
        %get3A_522 = arith.constant 16 : index
        %get3A_523 = tpu.vector_load %arg11[%get3A_521, %get3A_522] {strides = array<i32>} : memref<128x64xf32, #tpu.memory_space<vmem>>, vector<1x16xf32>,
        %get3A_524 = vector.shape_cast %get3A_523 : vector<1x16xf32> to vector<16xf32>
        %mul3A_525 = arith.mulf %get3A_524, %broadcast_in_dim3A_506 : vector<16xf32>
        %swap3A_526 = arith.index_cast %add3A_510 : i32 to index
        %swap3A_527 = arith.constant 16 : index
        %swap3A_528 = tpu.vector_load %arg11[%swap3A_526, %swap3A_527] {strides = array<i32>} : memref<128x64xf32, #tpu.memory_space<vmem>>, vector<1x16xf32>,
        %swap3A_529 = vector.shape_cast %swap3A_528 : vector<1x16xf32> to vector<16xf32>
        %swap3A_530 = vector.shape_cast %mul3A_525 : vector<16xf32> to vector<1x16xf32>
        tpu.vector_store %arg11[%swap3A_526, %swap3A_527], %swap3A_530 {strides = array<i32>} : memref<128x64xf32, #tpu.memory_space<vmem>>, vector<1x16xf32>,
        %get3A_531 = arith.index_cast %add3A_510 : i32 to index
        %get3A_532 = arith.constant 32 : index
        %get3A_533 = tpu.vector_load %arg11[%get3A_531, %get3A_532] {strides = array<i32>} : memref<128x64xf32, #tpu.memory_space<vmem>>, vector<1x16xf32>,
        %get3A_534 = vector.shape_cast %get3A_533 : vector<1x16xf32> to vector<16xf32>
        %mul3A_535 = arith.mulf %get3A_534, %broadcast_in_dim3A_506 : vector<16xf32>
        %swap3A_536 = arith.index_cast %add3A_510 : i32 to index
        %swap3A_537 = arith.constant 32 : index
        %swap3A_538 = tpu.vector_load %arg11[%swap3A_536, %swap3A_537] {strides = array<i32>} : memref<128x64xf32, #tpu.memory_space<vmem>>, vector<1x16xf32>,
        %swap3A_539 = vector.shape_cast %swap3A_538 : vector<1x16xf32> to vector<16xf32>
        %swap3A_540 = vector.shape_cast %mul3A_535 : vector<16xf32> to vector<1x16xf32>
        tpu.vector_store %arg11[%swap3A_536, %swap3A_537], %swap3A_540 {strides = array<i32>} : memref<128x64xf32, #tpu.memory_space<vmem>>, vector<1x16xf32>,
        %get3A_541 = arith.index_cast %add3A_510 : i32 to index
        %get3A_542 = arith.constant 48 : index
        %get3A_543 = tpu.vector_load %arg11[%get3A_541, %get3A_542] {strides = array<i32>} : memref<128x64xf32, #tpu.memory_space<vmem>>, vector<1x16xf32>,
        %get3A_544 = vector.shape_cast %get3A_543 : vector<1x16xf32> to vector<16xf32>
        %mul3A_545 = arith.mulf %get3A_544, %broadcast_in_dim3A_506 : vector<16xf32>
        %swap3A_546 = arith.index_cast %add3A_510 : i32 to index
        %swap3A_547 = arith.constant 48 : index
        %swap3A_548 = tpu.vector_load %arg11[%swap3A_546, %swap3A_547] {strides = array<i32>} : memref<128x64xf32, #tpu.memory_space<vmem>>, vector<1x16xf32>,
        %swap3A_549 = vector.shape_cast %swap3A_548 : vector<1x16xf32> to vector<16xf32>
        %swap3A_550 = vector.shape_cast %mul3A_545 : vector<16xf32> to vector<1x16xf32>
        tpu.vector_store %arg11[%swap3A_546, %swap3A_547], %swap3A_550 {strides = array<i32>} : memref<128x64xf32, #tpu.memory_space<vmem>>, vector<1x16xf32>,
        %slice3A_551 = vector.extract_strided_slice %get3A_130 {offsets = [9], sizes = [1], strides = [1]} : vector<16xf32> to vector<1xf32>
        %squeeze3A_552 = vector.extract %slice3A_551[0] : f32 from vector<1xf32>
        %broadcast_in_dim3A_553 = vector.broadcast %squeeze3A_552 : f32 to vector<16xf32>
        %mul3A_554 = arith.constant 16 : i32
        %mul3A_555 = arith.muli %scan3A_125, %mul3A_554 : i32
        %add3A_556 = arith.constant 9 : i32
        %add3A_557 = arith.addi %mul3A_555, %add3A_556 : i32
        %get3A_558 = arith.index_cast %add3A_557 : i32 to index
        %get3A_559 = arith.constant 0 : index
        %get3A_560 = tpu.vector_load %arg11[%get3A_558, %get3A_559] {strides = array<i32>} : memref<128x64xf32, #tpu.memory_space<vmem>>, vector<1x16xf32>,
        %get3A_561 = vector.shape_cast %get3A_560 : vector<1x16xf32> to vector<16xf32>
        %mul3A_562 = arith.mulf %get3A_561, %broadcast_in_dim3A_553 : vector<16xf32>
        %swap3A_563 = arith.index_cast %add3A_557 : i32 to index
        %swap3A_564 = arith.constant 0 : index
        %swap3A_565 = tpu.vector_load %arg11[%swap3A_563, %swap3A_564] {strides = array<i32>} : memref<128x64xf32, #tpu.memory_space<vmem>>, vector<1x16xf32>,
        %swap3A_566 = vector.shape_cast %swap3A_565 : vector<1x16xf32> to vector<16xf32>
        %swap3A_567 = vector.shape_cast %mul3A_562 : vector<16xf32> to vector<1x16xf32>
        tpu.vector_store %arg11[%swap3A_563, %swap3A_564], %swap3A_567 {strides = array<i32>} : memref<128x64xf32, #tpu.memory_space<vmem>>, vector<1x16xf32>,
        %get3A_568 = arith.index_cast %add3A_557 : i32 to index
        %get3A_569 = arith.constant 16 : index
        %get3A_570 = tpu.vector_load %arg11[%get3A_568, %get3A_569] {strides = array<i32>} : memref<128x64xf32, #tpu.memory_space<vmem>>, vector<1x16xf32>,
        %get3A_571 = vector.shape_cast %get3A_570 : vector<1x16xf32> to vector<16xf32>
        %mul3A_572 = arith.mulf %get3A_571, %broadcast_in_dim3A_553 : vector<16xf32>
        %swap3A_573 = arith.index_cast %add3A_557 : i32 to index
        %swap3A_574 = arith.constant 16 : index
        %swap3A_575 = tpu.vector_load %arg11[%swap3A_573, %swap3A_574] {strides = array<i32>} : memref<128x64xf32, #tpu.memory_space<vmem>>, vector<1x16xf32>,
        %swap3A_576 = vector.shape_cast %swap3A_575 : vector<1x16xf32> to vector<16xf32>
        %swap3A_577 = vector.shape_cast %mul3A_572 : vector<16xf32> to vector<1x16xf32>
        tpu.vector_store %arg11[%swap3A_573, %swap3A_574], %swap3A_577 {strides = array<i32>} : memref<128x64xf32, #tpu.memory_space<vmem>>, vector<1x16xf32>,
        %get3A_578 = arith.index_cast %add3A_557 : i32 to index
        %get3A_579 = arith.constant 32 : index
        %get3A_580 = tpu.vector_load %arg11[%get3A_578, %get3A_579] {strides = array<i32>} : memref<128x64xf32, #tpu.memory_space<vmem>>, vector<1x16xf32>,
        %get3A_581 = vector.shape_cast %get3A_580 : vector<1x16xf32> to vector<16xf32>
        %mul3A_582 = arith.mulf %get3A_581, %broadcast_in_dim3A_553 : vector<16xf32>
        %swap3A_583 = arith.index_cast %add3A_557 : i32 to index
        %swap3A_584 = arith.constant 32 : index
        %swap3A_585 = tpu.vector_load %arg11[%swap3A_583, %swap3A_584] {strides = array<i32>} : memref<128x64xf32, #tpu.memory_space<vmem>>, vector<1x16xf32>,
        %swap3A_586 = vector.shape_cast %swap3A_585 : vector<1x16xf32> to vector<16xf32>
        %swap3A_587 = vector.shape_cast %mul3A_582 : vector<16xf32> to vector<1x16xf32>
        tpu.vector_store %arg11[%swap3A_583, %swap3A_584], %swap3A_587 {strides = array<i32>} : memref<128x64xf32, #tpu.memory_space<vmem>>, vector<1x16xf32>,
        %get3A_588 = arith.index_cast %add3A_557 : i32 to index
        %get3A_589 = arith.constant 48 : index
        %get3A_590 = tpu.vector_load %arg11[%get3A_588, %get3A_589] {strides = array<i32>} : memref<128x64xf32, #tpu.memory_space<vmem>>, vector<1x16xf32>,
        %get3A_591 = vector.shape_cast %get3A_590 : vector<1x16xf32> to vector<16xf32>
        %mul3A_592 = arith.mulf %get3A_591, %broadcast_in_dim3A_553 : vector<16xf32>
        %swap3A_593 = arith.index_cast %add3A_557 : i32 to index
        %swap3A_594 = arith.constant 48 : index
        %swap3A_595 = tpu.vector_load %arg11[%swap3A_593, %swap3A_594] {strides = array<i32>} : memref<128x64xf32, #tpu.memory_space<vmem>>, vector<1x16xf32>,
        %swap3A_596 = vector.shape_cast %swap3A_595 : vector<1x16xf32> to vector<16xf32>
        %swap3A_597 = vector.shape_cast %mul3A_592 : vector<16xf32> to vector<1x16xf32>
        tpu.vector_store %arg11[%swap3A_593, %swap3A_594], %swap3A_597 {strides = array<i32>} : memref<128x64xf32, #tpu.memory_space<vmem>>, vector<1x16xf32>,
        %slice3A_598 = vector.extract_strided_slice %get3A_130 {offsets = [10], sizes = [1], strides = [1]} : vector<16xf32> to vector<1xf32>
        %squeeze3A_599 = vector.extract %slice3A_598[0] : f32 from vector<1xf32>
        %broadcast_in_dim3A_600 = vector.broadcast %squeeze3A_599 : f32 to vector<16xf32>
        %mul3A_601 = arith.constant 16 : i32
        %mul3A_602 = arith.muli %scan3A_125, %mul3A_601 : i32
        %add3A_603 = arith.constant 10 : i32
        %add3A_604 = arith.addi %mul3A_602, %add3A_603 : i32
        %get3A_605 = arith.index_cast %add3A_604 : i32 to index
        %get3A_606 = arith.constant 0 : index
        %get3A_607 = tpu.vector_load %arg11[%get3A_605, %get3A_606] {strides = array<i32>} : memref<128x64xf32, #tpu.memory_space<vmem>>, vector<1x16xf32>,
        %get3A_608 = vector.shape_cast %get3A_607 : vector<1x16xf32> to vector<16xf32>
        %mul3A_609 = arith.mulf %get3A_608, %broadcast_in_dim3A_600 : vector<16xf32>
        %swap3A_610 = arith.index_cast %add3A_604 : i32 to index
        %swap3A_611 = arith.constant 0 : index
        %swap3A_612 = tpu.vector_load %arg11[%swap3A_610, %swap3A_611] {strides = array<i32>} : memref<128x64xf32, #tpu.memory_space<vmem>>, vector<1x16xf32>,
        %swap3A_613 = vector.shape_cast %swap3A_612 : vector<1x16xf32> to vector<16xf32>
        %swap3A_614 = vector.shape_cast %mul3A_609 : vector<16xf32> to vector<1x16xf32>
        tpu.vector_store %arg11[%swap3A_610, %swap3A_611], %swap3A_614 {strides = array<i32>} : memref<128x64xf32, #tpu.memory_space<vmem>>, vector<1x16xf32>,
        %get3A_615 = arith.index_cast %add3A_604 : i32 to index
        %get3A_616 = arith.constant 16 : index
        %get3A_617 = tpu.vector_load %arg11[%get3A_615, %get3A_616] {strides = array<i32>} : memref<128x64xf32, #tpu.memory_space<vmem>>, vector<1x16xf32>,
        %get3A_618 = vector.shape_cast %get3A_617 : vector<1x16xf32> to vector<16xf32>
        %mul3A_619 = arith.mulf %get3A_618, %broadcast_in_dim3A_600 : vector<16xf32>
        %swap3A_620 = arith.index_cast %add3A_604 : i32 to index
        %swap3A_621 = arith.constant 16 : index
        %swap3A_622 = tpu.vector_load %arg11[%swap3A_620, %swap3A_621] {strides = array<i32>} : memref<128x64xf32, #tpu.memory_space<vmem>>, vector<1x16xf32>,
        %swap3A_623 = vector.shape_cast %swap3A_622 : vector<1x16xf32> to vector<16xf32>
        %swap3A_624 = vector.shape_cast %mul3A_619 : vector<16xf32> to vector<1x16xf32>
        tpu.vector_store %arg11[%swap3A_620, %swap3A_621], %swap3A_624 {strides = array<i32>} : memref<128x64xf32, #tpu.memory_space<vmem>>, vector<1x16xf32>,
        %get3A_625 = arith.index_cast %add3A_604 : i32 to index
        %get3A_626 = arith.constant 32 : index
        %get3A_627 = tpu.vector_load %arg11[%get3A_625, %get3A_626] {strides = array<i32>} : memref<128x64xf32, #tpu.memory_space<vmem>>, vector<1x16xf32>,
        %get3A_628 = vector.shape_cast %get3A_627 : vector<1x16xf32> to vector<16xf32>
        %mul3A_629 = arith.mulf %get3A_628, %broadcast_in_dim3A_600 : vector<16xf32>
        %swap3A_630 = arith.index_cast %add3A_604 : i32 to index
        %swap3A_631 = arith.constant 32 : index
        %swap3A_632 = tpu.vector_load %arg11[%swap3A_630, %swap3A_631] {strides = array<i32>} : memref<128x64xf32, #tpu.memory_space<vmem>>, vector<1x16xf32>,
        %swap3A_633 = vector.shape_cast %swap3A_632 : vector<1x16xf32> to vector<16xf32>
        %swap3A_634 = vector.shape_cast %mul3A_629 : vector<16xf32> to vector<1x16xf32>
        tpu.vector_store %arg11[%swap3A_630, %swap3A_631], %swap3A_634 {strides = array<i32>} : memref<128x64xf32, #tpu.memory_space<vmem>>, vector<1x16xf32>,
        %get3A_635 = arith.index_cast %add3A_604 : i32 to index
        %get3A_636 = arith.constant 48 : index
        %get3A_637 = tpu.vector_load %arg11[%get3A_635, %get3A_636] {strides = array<i32>} : memref<128x64xf32, #tpu.memory_space<vmem>>, vector<1x16xf32>,
        %get3A_638 = vector.shape_cast %get3A_637 : vector<1x16xf32> to vector<16xf32>
        %mul3A_639 = arith.mulf %get3A_638, %broadcast_in_dim3A_600 : vector<16xf32>
        %swap3A_640 = arith.index_cast %add3A_604 : i32 to index
        %swap3A_641 = arith.constant 48 : index
        %swap3A_642 = tpu.vector_load %arg11[%swap3A_640, %swap3A_641] {strides = array<i32>} : memref<128x64xf32, #tpu.memory_space<vmem>>, vector<1x16xf32>,
        %swap3A_643 = vector.shape_cast %swap3A_642 : vector<1x16xf32> to vector<16xf32>
        %swap3A_644 = vector.shape_cast %mul3A_639 : vector<16xf32> to vector<1x16xf32>
        tpu.vector_store %arg11[%swap3A_640, %swap3A_641], %swap3A_644 {strides = array<i32>} : memref<128x64xf32, #tpu.memory_space<vmem>>, vector<1x16xf32>,
        %slice3A_645 = vector.extract_strided_slice %get3A_130 {offsets = [11], sizes = [1], strides = [1]} : vector<16xf32> to vector<1xf32>
        %squeeze3A_646 = vector.extract %slice3A_645[0] : f32 from vector<1xf32>
        %broadcast_in_dim3A_647 = vector.broadcast %squeeze3A_646 : f32 to vector<16xf32>
        %mul3A_648 = arith.constant 16 : i32
        %mul3A_649 = arith.muli %scan3A_125, %mul3A_648 : i32
        %add3A_650 = arith.constant 11 : i32
        %add3A_651 = arith.addi %mul3A_649, %add3A_650 : i32
        %get3A_652 = arith.index_cast %add3A_651 : i32 to index
        %get3A_653 = arith.constant 0 : index
        %get3A_654 = tpu.vector_load %arg11[%get3A_652, %get3A_653] {strides = array<i32>} : memref<128x64xf32, #tpu.memory_space<vmem>>, vector<1x16xf32>,
        %get3A_655 = vector.shape_cast %get3A_654 : vector<1x16xf32> to vector<16xf32>
        %mul3A_656 = arith.mulf %get3A_655, %broadcast_in_dim3A_647 : vector<16xf32>
        %swap3A_657 = arith.index_cast %add3A_651 : i32 to index
        %swap3A_658 = arith.constant 0 : index
        %swap3A_659 = tpu.vector_load %arg11[%swap3A_657, %swap3A_658] {strides = array<i32>} : memref<128x64xf32, #tpu.memory_space<vmem>>, vector<1x16xf32>,
        %swap3A_660 = vector.shape_cast %swap3A_659 : vector<1x16xf32> to vector<16xf32>
        %swap3A_661 = vector.shape_cast %mul3A_656 : vector<16xf32> to vector<1x16xf32>
        tpu.vector_store %arg11[%swap3A_657, %swap3A_658], %swap3A_661 {strides = array<i32>} : memref<128x64xf32, #tpu.memory_space<vmem>>, vector<1x16xf32>,
        %get3A_662 = arith.index_cast %add3A_651 : i32 to index
        %get3A_663 = arith.constant 16 : index
        %get3A_664 = tpu.vector_load %arg11[%get3A_662, %get3A_663] {strides = array<i32>} : memref<128x64xf32, #tpu.memory_space<vmem>>, vector<1x16xf32>,
        %get3A_665 = vector.shape_cast %get3A_664 : vector<1x16xf32> to vector<16xf32>
        %mul3A_666 = arith.mulf %get3A_665, %broadcast_in_dim3A_647 : vector<16xf32>
        %swap3A_667 = arith.index_cast %add3A_651 : i32 to index
        %swap3A_668 = arith.constant 16 : index
        %swap3A_669 = tpu.vector_load %arg11[%swap3A_667, %swap3A_668] {strides = array<i32>} : memref<128x64xf32, #tpu.memory_space<vmem>>, vector<1x16xf32>,
        %swap3A_670 = vector.shape_cast %swap3A_669 : vector<1x16xf32> to vector<16xf32>
        %swap3A_671 = vector.shape_cast %mul3A_666 : vector<16xf32> to vector<1x16xf32>
        tpu.vector_store %arg11[%swap3A_667, %swap3A_668], %swap3A_671 {strides = array<i32>} : memref<128x64xf32, #tpu.memory_space<vmem>>, vector<1x16xf32>,
        %get3A_672 = arith.index_cast %add3A_651 : i32 to index
        %get3A_673 = arith.constant 32 : index
        %get3A_674 = tpu.vector_load %arg11[%get3A_672, %get3A_673] {strides = array<i32>} : memref<128x64xf32, #tpu.memory_space<vmem>>, vector<1x16xf32>,
        %get3A_675 = vector.shape_cast %get3A_674 : vector<1x16xf32> to vector<16xf32>
        %mul3A_676 = arith.mulf %get3A_675, %broadcast_in_dim3A_647 : vector<16xf32>
        %swap3A_677 = arith.index_cast %add3A_651 : i32 to index
        %swap3A_678 = arith.constant 32 : index
        %swap3A_679 = tpu.vector_load %arg11[%swap3A_677, %swap3A_678] {strides = array<i32>} : memref<128x64xf32, #tpu.memory_space<vmem>>, vector<1x16xf32>,
        %swap3A_680 = vector.shape_cast %swap3A_679 : vector<1x16xf32> to vector<16xf32>
        %swap3A_681 = vector.shape_cast %mul3A_676 : vector<16xf32> to vector<1x16xf32>
        tpu.vector_store %arg11[%swap3A_677, %swap3A_678], %swap3A_681 {strides = array<i32>} : memref<128x64xf32, #tpu.memory_space<vmem>>, vector<1x16xf32>,
        %get3A_682 = arith.index_cast %add3A_651 : i32 to index
        %get3A_683 = arith.constant 48 : index
        %get3A_684 = tpu.vector_load %arg11[%get3A_682, %get3A_683] {strides = array<i32>} : memref<128x64xf32, #tpu.memory_space<vmem>>, vector<1x16xf32>,
        %get3A_685 = vector.shape_cast %get3A_684 : vector<1x16xf32> to vector<16xf32>
        %mul3A_686 = arith.mulf %get3A_685, %broadcast_in_dim3A_647 : vector<16xf32>
        %swap3A_687 = arith.index_cast %add3A_651 : i32 to index
        %swap3A_688 = arith.constant 48 : index
        %swap3A_689 = tpu.vector_load %arg11[%swap3A_687, %swap3A_688] {strides = array<i32>} : memref<128x64xf32, #tpu.memory_space<vmem>>, vector<1x16xf32>,
        %swap3A_690 = vector.shape_cast %swap3A_689 : vector<1x16xf32> to vector<16xf32>
        %swap3A_691 = vector.shape_cast %mul3A_686 : vector<16xf32> to vector<1x16xf32>
        tpu.vector_store %arg11[%swap3A_687, %swap3A_688], %swap3A_691 {strides = array<i32>} : memref<128x64xf32, #tpu.memory_space<vmem>>, vector<1x16xf32>,
        %slice3A_692 = vector.extract_strided_slice %get3A_130 {offsets = [12], sizes = [1], strides = [1]} : vector<16xf32> to vector<1xf32>
        %squeeze3A_693 = vector.extract %slice3A_692[0] : f32 from vector<1xf32>
        %broadcast_in_dim3A_694 = vector.broadcast %squeeze3A_693 : f32 to vector<16xf32>
        %mul3A_695 = arith.constant 16 : i32
        %mul3A_696 = arith.muli %scan3A_125, %mul3A_695 : i32
        %add3A_697 = arith.constant 12 : i32
        %add3A_698 = arith.addi %mul3A_696, %add3A_697 : i32
        %get3A_699 = arith.index_cast %add3A_698 : i32 to index
        %get3A_700 = arith.constant 0 : index
        %get3A_701 = tpu.vector_load %arg11[%get3A_699, %get3A_700] {strides = array<i32>} : memref<128x64xf32, #tpu.memory_space<vmem>>, vector<1x16xf32>,
        %get3A_702 = vector.shape_cast %get3A_701 : vector<1x16xf32> to vector<16xf32>
        %mul3A_703 = arith.mulf %get3A_702, %broadcast_in_dim3A_694 : vector<16xf32>
        %swap3A_704 = arith.index_cast %add3A_698 : i32 to index
        %swap3A_705 = arith.constant 0 : index
        %swap3A_706 = tpu.vector_load %arg11[%swap3A_704, %swap3A_705] {strides = array<i32>} : memref<128x64xf32, #tpu.memory_space<vmem>>, vector<1x16xf32>,
        %swap3A_707 = vector.shape_cast %swap3A_706 : vector<1x16xf32> to vector<16xf32>
        %swap3A_708 = vector.shape_cast %mul3A_703 : vector<16xf32> to vector<1x16xf32>
        tpu.vector_store %arg11[%swap3A_704, %swap3A_705], %swap3A_708 {strides = array<i32>} : memref<128x64xf32, #tpu.memory_space<vmem>>, vector<1x16xf32>,
        %get3A_709 = arith.index_cast %add3A_698 : i32 to index
        %get3A_710 = arith.constant 16 : index
        %get3A_711 = tpu.vector_load %arg11[%get3A_709, %get3A_710] {strides = array<i32>} : memref<128x64xf32, #tpu.memory_space<vmem>>, vector<1x16xf32>,
        %get3A_712 = vector.shape_cast %get3A_711 : vector<1x16xf32> to vector<16xf32>
        %mul3A_713 = arith.mulf %get3A_712, %broadcast_in_dim3A_694 : vector<16xf32>
        %swap3A_714 = arith.index_cast %add3A_698 : i32 to index
        %swap3A_715 = arith.constant 16 : index
        %swap3A_716 = tpu.vector_load %arg11[%swap3A_714, %swap3A_715] {strides = array<i32>} : memref<128x64xf32, #tpu.memory_space<vmem>>, vector<1x16xf32>,
        %swap3A_717 = vector.shape_cast %swap3A_716 : vector<1x16xf32> to vector<16xf32>
        %swap3A_718 = vector.shape_cast %mul3A_713 : vector<16xf32> to vector<1x16xf32>
        tpu.vector_store %arg11[%swap3A_714, %swap3A_715], %swap3A_718 {strides = array<i32>} : memref<128x64xf32, #tpu.memory_space<vmem>>, vector<1x16xf32>,
        %get3A_719 = arith.index_cast %add3A_698 : i32 to index
        %get3A_720 = arith.constant 32 : index
        %get3A_721 = tpu.vector_load %arg11[%get3A_719, %get3A_720] {strides = array<i32>} : memref<128x64xf32, #tpu.memory_space<vmem>>, vector<1x16xf32>,
        %get3A_722 = vector.shape_cast %get3A_721 : vector<1x16xf32> to vector<16xf32>
        %mul3A_723 = arith.mulf %get3A_722, %broadcast_in_dim3A_694 : vector<16xf32>
        %swap3A_724 = arith.index_cast %add3A_698 : i32 to index
        %swap3A_725 = arith.constant 32 : index
        %swap3A_726 = tpu.vector_load %arg11[%swap3A_724, %swap3A_725] {strides = array<i32>} : memref<128x64xf32, #tpu.memory_space<vmem>>, vector<1x16xf32>,
        %swap3A_727 = vector.shape_cast %swap3A_726 : vector<1x16xf32> to vector<16xf32>
        %swap3A_728 = vector.shape_cast %mul3A_723 : vector<16xf32> to vector<1x16xf32>
        tpu.vector_store %arg11[%swap3A_724, %swap3A_725], %swap3A_728 {strides = array<i32>} : memref<128x64xf32, #tpu.memory_space<vmem>>, vector<1x16xf32>,
        %get3A_729 = arith.index_cast %add3A_698 : i32 to index
        %get3A_730 = arith.constant 48 : index
        %get3A_731 = tpu.vector_load %arg11[%get3A_729, %get3A_730] {strides = array<i32>} : memref<128x64xf32, #tpu.memory_space<vmem>>, vector<1x16xf32>,
        %get3A_732 = vector.shape_cast %get3A_731 : vector<1x16xf32> to vector<16xf32>
        %mul3A_733 = arith.mulf %get3A_732, %broadcast_in_dim3A_694 : vector<16xf32>
        %swap3A_734 = arith.index_cast %add3A_698 : i32 to index
        %swap3A_735 = arith.constant 48 : index
        %swap3A_736 = tpu.vector_load %arg11[%swap3A_734, %swap3A_735] {strides = array<i32>} : memref<128x64xf32, #tpu.memory_space<vmem>>, vector<1x16xf32>,
        %swap3A_737 = vector.shape_cast %swap3A_736 : vector<1x16xf32> to vector<16xf32>
        %swap3A_738 = vector.shape_cast %mul3A_733 : vector<16xf32> to vector<1x16xf32>
        tpu.vector_store %arg11[%swap3A_734, %swap3A_735], %swap3A_738 {strides = array<i32>} : memref<128x64xf32, #tpu.memory_space<vmem>>, vector<1x16xf32>,
        %slice3A_739 = vector.extract_strided_slice %get3A_130 {offsets = [13], sizes = [1], strides = [1]} : vector<16xf32> to vector<1xf32>
        %squeeze3A_740 = vector.extract %slice3A_739[0] : f32 from vector<1xf32>
        %broadcast_in_dim3A_741 = vector.broadcast %squeeze3A_740 : f32 to vector<16xf32>
        %mul3A_742 = arith.constant 16 : i32
        %mul3A_743 = arith.muli %scan3A_125, %mul3A_742 : i32
        %add3A_744 = arith.constant 13 : i32
        %add3A_745 = arith.addi %mul3A_743, %add3A_744 : i32
        %get3A_746 = arith.index_cast %add3A_745 : i32 to index
        %get3A_747 = arith.constant 0 : index
        %get3A_748 = tpu.vector_load %arg11[%get3A_746, %get3A_747] {strides = array<i32>} : memref<128x64xf32, #tpu.memory_space<vmem>>, vector<1x16xf32>,
        %get3A_749 = vector.shape_cast %get3A_748 : vector<1x16xf32> to vector<16xf32>
        %mul3A_750 = arith.mulf %get3A_749, %broadcast_in_dim3A_741 : vector<16xf32>
        %swap3A_751 = arith.index_cast %add3A_745 : i32 to index
        %swap3A_752 = arith.constant 0 : index
        %swap3A_753 = tpu.vector_load %arg11[%swap3A_751, %swap3A_752] {strides = array<i32>} : memref<128x64xf32, #tpu.memory_space<vmem>>, vector<1x16xf32>,
        %swap3A_754 = vector.shape_cast %swap3A_753 : vector<1x16xf32> to vector<16xf32>
        %swap3A_755 = vector.shape_cast %mul3A_750 : vector<16xf32> to vector<1x16xf32>
        tpu.vector_store %arg11[%swap3A_751, %swap3A_752], %swap3A_755 {strides = array<i32>} : memref<128x64xf32, #tpu.memory_space<vmem>>, vector<1x16xf32>,
        %get3A_756 = arith.index_cast %add3A_745 : i32 to index
        %get3A_757 = arith.constant 16 : index
        %get3A_758 = tpu.vector_load %arg11[%get3A_756, %get3A_757] {strides = array<i32>} : memref<128x64xf32, #tpu.memory_space<vmem>>, vector<1x16xf32>,
        %get3A_759 = vector.shape_cast %get3A_758 : vector<1x16xf32> to vector<16xf32>
        %mul3A_760 = arith.mulf %get3A_759, %broadcast_in_dim3A_741 : vector<16xf32>
        %swap3A_761 = arith.index_cast %add3A_745 : i32 to index
        %swap3A_762 = arith.constant 16 : index
        %swap3A_763 = tpu.vector_load %arg11[%swap3A_761, %swap3A_762] {strides = array<i32>} : memref<128x64xf32, #tpu.memory_space<vmem>>, vector<1x16xf32>,
        %swap3A_764 = vector.shape_cast %swap3A_763 : vector<1x16xf32> to vector<16xf32>
        %swap3A_765 = vector.shape_cast %mul3A_760 : vector<16xf32> to vector<1x16xf32>
        tpu.vector_store %arg11[%swap3A_761, %swap3A_762], %swap3A_765 {strides = array<i32>} : memref<128x64xf32, #tpu.memory_space<vmem>>, vector<1x16xf32>,
        %get3A_766 = arith.index_cast %add3A_745 : i32 to index
        %get3A_767 = arith.constant 32 : index
        %get3A_768 = tpu.vector_load %arg11[%get3A_766, %get3A_767] {strides = array<i32>} : memref<128x64xf32, #tpu.memory_space<vmem>>, vector<1x16xf32>,
        %get3A_769 = vector.shape_cast %get3A_768 : vector<1x16xf32> to vector<16xf32>
        %mul3A_770 = arith.mulf %get3A_769, %broadcast_in_dim3A_741 : vector<16xf32>
        %swap3A_771 = arith.index_cast %add3A_745 : i32 to index
        %swap3A_772 = arith.constant 32 : index
        %swap3A_773 = tpu.vector_load %arg11[%swap3A_771, %swap3A_772] {strides = array<i32>} : memref<128x64xf32, #tpu.memory_space<vmem>>, vector<1x16xf32>,
        %swap3A_774 = vector.shape_cast %swap3A_773 : vector<1x16xf32> to vector<16xf32>
        %swap3A_775 = vector.shape_cast %mul3A_770 : vector<16xf32> to vector<1x16xf32>
        tpu.vector_store %arg11[%swap3A_771, %swap3A_772], %swap3A_775 {strides = array<i32>} : memref<128x64xf32, #tpu.memory_space<vmem>>, vector<1x16xf32>,
        %get3A_776 = arith.index_cast %add3A_745 : i32 to index
        %get3A_777 = arith.constant 48 : index
        %get3A_778 = tpu.vector_load %arg11[%get3A_776, %get3A_777] {strides = array<i32>} : memref<128x64xf32, #tpu.memory_space<vmem>>, vector<1x16xf32>,
        %get3A_779 = vector.shape_cast %get3A_778 : vector<1x16xf32> to vector<16xf32>
        %mul3A_780 = arith.mulf %get3A_779, %broadcast_in_dim3A_741 : vector<16xf32>
        %swap3A_781 = arith.index_cast %add3A_745 : i32 to index
        %swap3A_782 = arith.constant 48 : index
        %swap3A_783 = tpu.vector_load %arg11[%swap3A_781, %swap3A_782] {strides = array<i32>} : memref<128x64xf32, #tpu.memory_space<vmem>>, vector<1x16xf32>,
        %swap3A_784 = vector.shape_cast %swap3A_783 : vector<1x16xf32> to vector<16xf32>
        %swap3A_785 = vector.shape_cast %mul3A_780 : vector<16xf32> to vector<1x16xf32>
        tpu.vector_store %arg11[%swap3A_781, %swap3A_782], %swap3A_785 {strides = array<i32>} : memref<128x64xf32, #tpu.memory_space<vmem>>, vector<1x16xf32>,
        %slice3A_786 = vector.extract_strided_slice %get3A_130 {offsets = [14], sizes = [1], strides = [1]} : vector<16xf32> to vector<1xf32>
        %squeeze3A_787 = vector.extract %slice3A_786[0] : f32 from vector<1xf32>
        %broadcast_in_dim3A_788 = vector.broadcast %squeeze3A_787 : f32 to vector<16xf32>
        %mul3A_789 = arith.constant 16 : i32
        %mul3A_790 = arith.muli %scan3A_125, %mul3A_789 : i32
        %add3A_791 = arith.constant 14 : i32
        %add3A_792 = arith.addi %mul3A_790, %add3A_791 : i32
        %get3A_793 = arith.index_cast %add3A_792 : i32 to index
        %get3A_794 = arith.constant 0 : index
        %get3A_795 = tpu.vector_load %arg11[%get3A_793, %get3A_794] {strides = array<i32>} : memref<128x64xf32, #tpu.memory_space<vmem>>, vector<1x16xf32>,
        %get3A_796 = vector.shape_cast %get3A_795 : vector<1x16xf32> to vector<16xf32>
        %mul3A_797 = arith.mulf %get3A_796, %broadcast_in_dim3A_788 : vector<16xf32>
        %swap3A_798 = arith.index_cast %add3A_792 : i32 to index
        %swap3A_799 = arith.constant 0 : index
        %swap3A_800 = tpu.vector_load %arg11[%swap3A_798, %swap3A_799] {strides = array<i32>} : memref<128x64xf32, #tpu.memory_space<vmem>>, vector<1x16xf32>,
        %swap3A_801 = vector.shape_cast %swap3A_800 : vector<1x16xf32> to vector<16xf32>
        %swap3A_802 = vector.shape_cast %mul3A_797 : vector<16xf32> to vector<1x16xf32>
        tpu.vector_store %arg11[%swap3A_798, %swap3A_799], %swap3A_802 {strides = array<i32>} : memref<128x64xf32, #tpu.memory_space<vmem>>, vector<1x16xf32>,
        %get3A_803 = arith.index_cast %add3A_792 : i32 to index
        %get3A_804 = arith.constant 16 : index
        %get3A_805 = tpu.vector_load %arg11[%get3A_803, %get3A_804] {strides = array<i32>} : memref<128x64xf32, #tpu.memory_space<vmem>>, vector<1x16xf32>,
        %get3A_806 = vector.shape_cast %get3A_805 : vector<1x16xf32> to vector<16xf32>
        %mul3A_807 = arith.mulf %get3A_806, %broadcast_in_dim3A_788 : vector<16xf32>
        %swap3A_808 = arith.index_cast %add3A_792 : i32 to index
        %swap3A_809 = arith.constant 16 : index
        %swap3A_810 = tpu.vector_load %arg11[%swap3A_808, %swap3A_809] {strides = array<i32>} : memref<128x64xf32, #tpu.memory_space<vmem>>, vector<1x16xf32>,
        %swap3A_811 = vector.shape_cast %swap3A_810 : vector<1x16xf32> to vector<16xf32>
        %swap3A_812 = vector.shape_cast %mul3A_807 : vector<16xf32> to vector<1x16xf32>
        tpu.vector_store %arg11[%swap3A_808, %swap3A_809], %swap3A_812 {strides = array<i32>} : memref<128x64xf32, #tpu.memory_space<vmem>>, vector<1x16xf32>,
        %get3A_813 = arith.index_cast %add3A_792 : i32 to index
        %get3A_814 = arith.constant 32 : index
        %get3A_815 = tpu.vector_load %arg11[%get3A_813, %get3A_814] {strides = array<i32>} : memref<128x64xf32, #tpu.memory_space<vmem>>, vector<1x16xf32>,
        %get3A_816 = vector.shape_cast %get3A_815 : vector<1x16xf32> to vector<16xf32>
        %mul3A_817 = arith.mulf %get3A_816, %broadcast_in_dim3A_788 : vector<16xf32>
        %swap3A_818 = arith.index_cast %add3A_792 : i32 to index
        %swap3A_819 = arith.constant 32 : index
        %swap3A_820 = tpu.vector_load %arg11[%swap3A_818, %swap3A_819] {strides = array<i32>} : memref<128x64xf32, #tpu.memory_space<vmem>>, vector<1x16xf32>,
        %swap3A_821 = vector.shape_cast %swap3A_820 : vector<1x16xf32> to vector<16xf32>
        %swap3A_822 = vector.shape_cast %mul3A_817 : vector<16xf32> to vector<1x16xf32>
        tpu.vector_store %arg11[%swap3A_818, %swap3A_819], %swap3A_822 {strides = array<i32>} : memref<128x64xf32, #tpu.memory_space<vmem>>, vector<1x16xf32>,
        %get3A_823 = arith.index_cast %add3A_792 : i32 to index
        %get3A_824 = arith.constant 48 : index
        %get3A_825 = tpu.vector_load %arg11[%get3A_823, %get3A_824] {strides = array<i32>} : memref<128x64xf32, #tpu.memory_space<vmem>>, vector<1x16xf32>,
        %get3A_826 = vector.shape_cast %get3A_825 : vector<1x16xf32> to vector<16xf32>
        %mul3A_827 = arith.mulf %get3A_826, %broadcast_in_dim3A_788 : vector<16xf32>
        %swap3A_828 = arith.index_cast %add3A_792 : i32 to index
        %swap3A_829 = arith.constant 48 : index
        %swap3A_830 = tpu.vector_load %arg11[%swap3A_828, %swap3A_829] {strides = array<i32>} : memref<128x64xf32, #tpu.memory_space<vmem>>, vector<1x16xf32>,
        %swap3A_831 = vector.shape_cast %swap3A_830 : vector<1x16xf32> to vector<16xf32>
        %swap3A_832 = vector.shape_cast %mul3A_827 : vector<16xf32> to vector<1x16xf32>
        tpu.vector_store %arg11[%swap3A_828, %swap3A_829], %swap3A_832 {strides = array<i32>} : memref<128x64xf32, #tpu.memory_space<vmem>>, vector<1x16xf32>,
        %slice3A_833 = vector.extract_strided_slice %get3A_130 {offsets = [15], sizes = [1], strides = [1]} : vector<16xf32> to vector<1xf32>
        %squeeze3A_834 = vector.extract %slice3A_833[0] : f32 from vector<1xf32>
        %broadcast_in_dim3A_835 = vector.broadcast %squeeze3A_834 : f32 to vector<16xf32>
        %mul3A_836 = arith.constant 16 : i32
        %mul3A_837 = arith.muli %scan3A_125, %mul3A_836 : i32
        %add3A_838 = arith.constant 15 : i32
        %add3A_839 = arith.addi %mul3A_837, %add3A_838 : i32
        %get3A_840 = arith.index_cast %add3A_839 : i32 to index
        %get3A_841 = arith.constant 0 : index
        %get3A_842 = tpu.vector_load %arg11[%get3A_840, %get3A_841] {strides = array<i32>} : memref<128x64xf32, #tpu.memory_space<vmem>>, vector<1x16xf32>,
        %get3A_843 = vector.shape_cast %get3A_842 : vector<1x16xf32> to vector<16xf32>
        %mul3A_844 = arith.mulf %get3A_843, %broadcast_in_dim3A_835 : vector<16xf32>
        %swap3A_845 = arith.index_cast %add3A_839 : i32 to index
        %swap3A_846 = arith.constant 0 : index
        %swap3A_847 = tpu.vector_load %arg11[%swap3A_845, %swap3A_846] {strides = array<i32>} : memref<128x64xf32, #tpu.memory_space<vmem>>, vector<1x16xf32>,
        %swap3A_848 = vector.shape_cast %swap3A_847 : vector<1x16xf32> to vector<16xf32>
        %swap3A_849 = vector.shape_cast %mul3A_844 : vector<16xf32> to vector<1x16xf32>
        tpu.vector_store %arg11[%swap3A_845, %swap3A_846], %swap3A_849 {strides = array<i32>} : memref<128x64xf32, #tpu.memory_space<vmem>>, vector<1x16xf32>,
        %get3A_850 = arith.index_cast %add3A_839 : i32 to index
        %get3A_851 = arith.constant 16 : index
        %get3A_852 = tpu.vector_load %arg11[%get3A_850, %get3A_851] {strides = array<i32>} : memref<128x64xf32, #tpu.memory_space<vmem>>, vector<1x16xf32>,
        %get3A_853 = vector.shape_cast %get3A_852 : vector<1x16xf32> to vector<16xf32>
        %mul3A_854 = arith.mulf %get3A_853, %broadcast_in_dim3A_835 : vector<16xf32>
        %swap3A_855 = arith.index_cast %add3A_839 : i32 to index
        %swap3A_856 = arith.constant 16 : index
        %swap3A_857 = tpu.vector_load %arg11[%swap3A_855, %swap3A_856] {strides = array<i32>} : memref<128x64xf32, #tpu.memory_space<vmem>>, vector<1x16xf32>,
        %swap3A_858 = vector.shape_cast %swap3A_857 : vector<1x16xf32> to vector<16xf32>
        %swap3A_859 = vector.shape_cast %mul3A_854 : vector<16xf32> to vector<1x16xf32>
        tpu.vector_store %arg11[%swap3A_855, %swap3A_856], %swap3A_859 {strides = array<i32>} : memref<128x64xf32, #tpu.memory_space<vmem>>, vector<1x16xf32>,
        %get3A_860 = arith.index_cast %add3A_839 : i32 to index
        %get3A_861 = arith.constant 32 : index
        %get3A_862 = tpu.vector_load %arg11[%get3A_860, %get3A_861] {strides = array<i32>} : memref<128x64xf32, #tpu.memory_space<vmem>>, vector<1x16xf32>,
        %get3A_863 = vector.shape_cast %get3A_862 : vector<1x16xf32> to vector<16xf32>
        %mul3A_864 = arith.mulf %get3A_863, %broadcast_in_dim3A_835 : vector<16xf32>
        %swap3A_865 = arith.index_cast %add3A_839 : i32 to index
        %swap3A_866 = arith.constant 32 : index
        %swap3A_867 = tpu.vector_load %arg11[%swap3A_865, %swap3A_866] {strides = array<i32>} : memref<128x64xf32, #tpu.memory_space<vmem>>, vector<1x16xf32>,
        %swap3A_868 = vector.shape_cast %swap3A_867 : vector<1x16xf32> to vector<16xf32>
        %swap3A_869 = vector.shape_cast %mul3A_864 : vector<16xf32> to vector<1x16xf32>
        tpu.vector_store %arg11[%swap3A_865, %swap3A_866], %swap3A_869 {strides = array<i32>} : memref<128x64xf32, #tpu.memory_space<vmem>>, vector<1x16xf32>,
        %get3A_870 = arith.index_cast %add3A_839 : i32 to index
        %get3A_871 = arith.constant 48 : index
        %get3A_872 = tpu.vector_load %arg11[%get3A_870, %get3A_871] {strides = array<i32>} : memref<128x64xf32, #tpu.memory_space<vmem>>, vector<1x16xf32>,
        %get3A_873 = vector.shape_cast %get3A_872 : vector<1x16xf32> to vector<16xf32>
        %mul3A_874 = arith.mulf %get3A_873, %broadcast_in_dim3A_835 : vector<16xf32>
        %swap3A_875 = arith.index_cast %add3A_839 : i32 to index
        %swap3A_876 = arith.constant 48 : index
        %swap3A_877 = tpu.vector_load %arg11[%swap3A_875, %swap3A_876] {strides = array<i32>} : memref<128x64xf32, #tpu.memory_space<vmem>>, vector<1x16xf32>,
        %swap3A_878 = vector.shape_cast %swap3A_877 : vector<1x16xf32> to vector<16xf32>
        %swap3A_879 = vector.shape_cast %mul3A_874 : vector<16xf32> to vector<1x16xf32>
        tpu.vector_store %arg11[%swap3A_875, %swap3A_876], %swap3A_879 {strides = array<i32>} : memref<128x64xf32, #tpu.memory_space<vmem>>, vector<1x16xf32>,
      }
      %scan3A_124 = arith.constant 8 : i32
      "tpu.region"() ({
        %run_scoped3A = tpu.sem_alloc : memref<!tpu.dma_semaphore, #tpu.memory_space<semaphore_mem>>
        %dma_start3A = arith.constant 0 : i32
        %dma_start3A_125 = tpu.memref_slice %arg9[%scan3A_118, %dma_start3A] : memref<160x128xi32, #tpu.memory_space<vmem>> -> memref<1x128xi32, #tpu.memory_space<vmem>>
        %dma_start3A_126 = tpu.memref_squeeze %dma_start3A_125 : memref<1x128xi32, #tpu.memory_space<vmem>> -> memref<128xi32, #tpu.memory_space<vmem>>
        %dma_start3A_127 = arith.constant 0 : i32
        %dma_start3A_128 = arith.constant 0 : i32
        %dma_start3A_129 = tpu.memref_slice %arg13[%dma_start3A_127, %dma_start3A_128] : memref<10240x64xf32, #tpu.memory_space<vmem_shared>> -> memref<10240x64xf32, #tpu.memory_space<vmem_shared>>
        tpu.enqueue_indirect_dma source(%arg11 : memref<128x64xf32, #tpu.memory_space<vmem>>) target(%dma_start3A_129 : memref<10240x64xf32, #tpu.memory_space<vmem_shared>>) offsets(%dma_start3A_126 : memref<128xi32, #tpu.memory_space<vmem>>) semaphore(%run_scoped3A : memref<!tpu.dma_semaphore, #tpu.memory_space<semaphore_mem>>) {add = true}
        %dma_wait3A = arith.constant 0 : i32
        %dma_wait3A_130 = tpu.memref_slice %arg9[%scan3A_118, %dma_wait3A] : memref<160x128xi32, #tpu.memory_space<vmem>> -> memref<1x128xi32, #tpu.memory_space<vmem>>
        %dma_wait3A_131 = tpu.memref_squeeze %dma_wait3A_130 : memref<1x128xi32, #tpu.memory_space<vmem>> -> memref<128xi32, #tpu.memory_space<vmem>>
        %dma_wait3A_132 = arith.constant 0 : i32
        %dma_wait3A_133 = arith.constant 0 : i32
        %dma_wait3A_134 = tpu.memref_slice %arg13[%dma_wait3A_132, %dma_wait3A_133] : memref<10240x64xf32, #tpu.memory_space<vmem_shared>> -> memref<10240x64xf32, #tpu.memory_space<vmem_shared>>
        tpu.wait_indirect_dma semaphore(%run_scoped3A : memref<!tpu.dma_semaphore, #tpu.memory_space<semaphore_mem>>) src(%arg11 : memref<128x64xf32, #tpu.memory_space<vmem>>) dst(%dma_wait3A_134 : memref<10240x64xf32, #tpu.memory_space<vmem_shared>>)
        tpu.yield
      }) : () -> ()
    }
    %scan3A_108 = arith.constant 160 : i32
    %barrier3A_109 = arith.constant 0 : index
    tpu.barrier barrier_id(%barrier3A_109)
    %mul3A_110 = arith.constant 640 : i32
    %mul3A_111 = arith.muli %arg1, %mul3A_110 : i32
    %mul3A_112 = arith.constant 10240 : i32
    %mul3A_113 = arith.muli %arg0, %mul3A_112 : i32
    %mul3A_114 = arith.constant 640 : i32
    %mul3A_115 = arith.muli %arg1, %mul3A_114 : i32
    %add3A_116 = arith.addi %mul3A_113, %mul3A_115 : i32
    "tpu.region"() ({
      %run_scoped3A = tpu.sem_alloc : memref<!tpu.dma_semaphore, #tpu.memory_space<semaphore_mem>>
      %dma_start3A = arith.constant 0 : i32
      %dma_start3A_118 = tpu.memref_slice %arg6[%add3A_116, %dma_start3A] : memref<20480x64xf32, #tpu.memory_space<hbm>> -> memref<640x64xf32, #tpu.memory_space<hbm>>
      %dma_start3A_119 = arith.constant 0 : i32
      %dma_start3A_120 = tpu.memref_slice %arg13[%mul3A_111, %dma_start3A_119] : memref<10240x64xf32, #tpu.memory_space<vmem_shared>> -> memref<640x64xf32, #tpu.memory_space<vmem_shared>>
      tpu.enqueue_dma source(%dma_start3A_120 : memref<640x64xf32, #tpu.memory_space<vmem_shared>>) target(%dma_start3A_118 : memref<640x64xf32, #tpu.memory_space<hbm>>) target_semaphore(%run_scoped3A : memref<!tpu.dma_semaphore, #tpu.memory_space<semaphore_mem>>)
      %dma_wait3A = arith.constant 0 : i32
      %dma_wait3A_121 = tpu.memref_slice %arg6[%add3A_116, %dma_wait3A] : memref<20480x64xf32, #tpu.memory_space<hbm>> -> memref<640x64xf32, #tpu.memory_space<hbm>>
      %dma_wait3A_122 = arith.constant 0 : i32
      %dma_wait3A_123 = tpu.memref_slice %arg13[%mul3A_111, %dma_wait3A_122] : memref<10240x64xf32, #tpu.memory_space<vmem_shared>> -> memref<640x64xf32, #tpu.memory_space<vmem_shared>>
      tpu.wait_dma2 semaphore(%run_scoped3A : memref<!tpu.dma_semaphore, #tpu.memory_space<semaphore_mem>>) src(%dma_wait3A_123 : memref<640x64xf32, #tpu.memory_space<vmem_shared>>) dst(%dma_wait3A_121 : memref<640x64xf32, #tpu.memory_space<hbm>>)
      tpu.yield
    }) : () -> ()
    %barrier3A_117 = arith.constant 0 : index
    tpu.barrier barrier_id(%barrier3A_117)
    return
  }
}

</mosaic_0001>

<sc_bundles>
// kernel: kernel.3.cloned.1.call-start
scs
__scs_entry_jumppad:
0x0: {  	(pc) =	sbr.rel $0x88, $3  }
0x1: {  	(tag) =	ssettag $0x0;
	lr =	simm.s32 $0x1  }
0x2: {  	[smem:$0x3F9D] =	sst lr;
	_ =	strace $0xD0000000  }
0x3: {  	_ = 	snop  }
0x4: {  	_ = 	snop  }
0x5: {  	_ = 	snop  }
0x6: {  	_ = 	snop  }
0x7: {  	_ = 	snop  }
__scs_overlays_trampoline_lowered:
0x8: {  	[smem:$0x3FAC] =	sst s0  }
0x9: {  	[smem:$0x3FAD] =	sst s1  }
0xa: {  	[smem:$0x3FAE] =	sst s2  }
0xb: {  	[smem:$0x3FAF] =	sst s3  }
0xc: {  	[smem:$0x3FB0] =	sst s4  }
0xd: {  	[smem:$0x3FB1] =	sst s5  }
0xe: {  	[smem:$0x3FB2] =	sst s6  }
0xf: {  	[smem:$0x3FB3] =	sst s7  }
0x10: {  	[smem:$0x3FB4] =	sst s8  }
0x11: {  	[smem:$0x3FB5] =	sst s9;
	s0 =	simm.s32 @!p0 $0x0  }
0x12: {  	s1 =	sld [smem:$0x3F9B];
	s0 =	simm.s32 @p0 $0x1  }
0x13: {  	[smem:$0x3FB6] =	sst s0;
	s0 =	simm.s32 @!p1 $0x0  }
0x14: {  	s2 =	sld [smem:$0x3F9A];
	s0 =	simm.s32 @p1 $0x1  }
0x15: {  	[smem:$0x3FB7] =	sst s0;
	s0 =	simm.s32 @!p2 $0x0  }
0x16: {  	s3 =	sld [smem:$0x3FDB];
	s0 =	simm.s32 @p2 $0x1  }
0x17: {  	s4 =	simm.s32 $0x1BF5;
	[smem:$0x3FB9] =	sst s0  }
0x18: {  	s0 =	sld [smem:$0x3F9C];
	_ =	swait.ge [sflag:s4], $0x0  }
0x19: {  	s7 =	sld [smem:$0x3F9D]  }
0x1a: {  	s8 =	sadd.s32 $0xFFFFE003, lr  }
0x1b: {  	s9 =	sadd.s32 $0xFFFFFEF7, lr;
	s5 =	simm.s32 $0xFFFFFFFF;
	p2 =	slt.u32 s8, $0xFFFFF086  }
0x1c: {  	p1 =	slt.u32 s9, $0xF7A;
	s5 =	simm.s32 @!p2 $0x0  }
0x1d: {  	s5 =	simm.s32 @p1 $0x1;
	p0 =	seq.s32 s7, s2  }
0x1e: {  	s7 =	smul.u32 @!p0 $0xF7A, s2;
	p2 =	seq.s32 @!p0 s5, $0x0  }
0x1f: {  	s9 =	smul.u32 $0xF7A, s1;
	s8 =	simm.s32 @!p0 $0x1BF5;
	p2 =	por !p2, p0  }
0x20: {  	[sflag:s8] =	ssyncset.s32 @!p0 $0xFFFFF086;
	s6 =	sadd.s32 @!p0 s3, s7;
	s7 =	simm.s32 @!p0 $0x108  }
0x21: {  	s3 =	sadd.s32 s3, s9;
	s6 =	sadd.s32 @!p0 $0x88, s6;
	s7 =	simm.s32 @p2 $0x1082  }
0x22: {  	[simem:s7], [sflag:s8] =	dma.local @!p0 [hbm:s6], $0xF7A  }
0x23: {  	s9 =	sor.u32 $0xD0000000, s2;
	s6 =	simm.s32 $0x108;
	_ =	swait.ge @!p0 [sflag:s8], $0x0  }
0x24: {  	s3 =	sadd.s32 $0x88, s3;
	s6 =	simm.s32 @!p1 $0x1082;
	[sflag:s4] =	ssyncset.s32 $0xFFFFF086  }
0x25: {  	[simem:s6], [sflag:s4] =	dma.local [hbm:s3], $0xF7A  }
0x26: {  	[smem:$0x3F9D] =	sst s1;
	(tag) =	ssettag s2;
	_ =	strace s9  }
0x27: {  	s1 =	sld [smem:$0x3FAD]  }
0x28: {  	s2 =	sld [smem:$0x3FAE]  }
0x29: {  	s4 =	sld [smem:$0x3FB0]  }
0x2a: {  	p0 =	seq.s32 s5, $0x0;
	s5 =	sld [smem:$0x3FB1]  }
0x2b: {  	s6 =	sld [smem:$0x3FB2]  }
0x2c: {  	s7 =	sld [smem:$0x3FB3]  }
0x2d: {  	s3 =	simm.s32 $0x108;
	s8 =	sld [smem:$0x3FB4]  }
0x2e: {  	s3 =	simm.s32 @!p0 $0x1082;
	s9 =	sld [smem:$0x3FB5]  }
0x2f: {  	lr =	sadd.s32 s0, s3;
	s0 =	sld [smem:$0x3FAC]  }
0x30: {  	s3 =	sld [smem:$0x3FAF]  }
0x31: {  	[smem:$0x3FB8] =	sst s10  }
0x32: {  	s10 =	sld [smem:$0x3FB6];
	_ =	sdelay $0x3  }
0x33: {  	p0 =	seq.s32 s10, $0x1;
	s10 =	sld [smem:$0x3FB8];
	_ =	sdelay $0x3  }
0x34: {  	[smem:$0x3FB8] =	sst s10  }
0x35: {  	s10 =	sld [smem:$0x3FB7];
	_ =	sdelay $0x3  }
0x36: {  	p1 =	seq.s32 s10, $0x1;
	s10 =	sld [smem:$0x3FB8];
	_ =	sdelay $0x3  }
0x37: {  	[smem:$0x3FB8] =	sst s10  }
0x38: {  	s10 =	sld [smem:$0x3FB9]  }
0x39: {  	_ = 	snop;
	(pc) =	sbr.ind lr, $3  }
0x3a: {  	_ = 	snop  }
0x3b: {  	_ = 	snop  }
0x3c: {  	p2 =	seq.s32 s10, $0x1;
	s10 =	sld [smem:$0x3FB8]  }
0x3d: {  	_ =	shalt  }
0x3e: {  	_ =	shalt  }
0x3f: {  	_ =	shalt  }
0x40: {  	_ =	shalt  }
0x41: {  	_ =	shalt  }
0x42: {  	_ =	shalt  }
0x43: {  	_ =	shalt  }
0x44: {  	_ =	shalt  }
0x45: {  	_ =	shalt  }
0x46: {  	_ =	shalt  }
0x47: {  	_ =	shalt  }
0x48: {  	_ =	shalt  }
0x49: {  	_ =	shalt  }
0x4a: {  	_ =	shalt  }
0x4b: {  	_ =	shalt  }
0x4c: {  	_ =	shalt  }
0x4d: {  	_ =	shalt  }
0x4e: {  	_ =	shalt  }
0x4f: {  	_ =	shalt  }
0x50: {  	_ =	shalt  }
0x51: {  	_ =	shalt  }
0x52: {  	_ =	shalt  }
0x53: {  	_ =	shalt  }
0x54: {  	_ =	shalt  }
0x55: {  	_ =	shalt  }
0x56: {  	_ =	shalt  }
0x57: {  	_ =	shalt  }
0x58: {  	_ =	shalt  }
0x59: {  	_ =	shalt  }
0x5a: {  	_ =	shalt  }
0x5b: {  	_ =	shalt  }
0x5c: {  	_ =	shalt  }
0x5d: {  	_ =	shalt  }
0x5e: {  	_ =	shalt  }
0x5f: {  	_ =	shalt  }
0x60: {  	_ =	shalt  }
0x61: {  	_ =	shalt  }
0x62: {  	_ =	shalt  }
0x63: {  	_ =	shalt  }
0x64: {  	_ =	shalt  }
0x65: {  	_ =	shalt  }
0x66: {  	_ =	shalt  }
0x67: {  	_ =	shalt  }
0x68: {  	_ =	shalt  }
0x69: {  	_ =	shalt  }
0x6a: {  	_ =	shalt  }
0x6b: {  	_ =	shalt  }
0x6c: {  	_ =	shalt  }
0x6d: {  	_ =	shalt  }
0x6e: {  	_ =	shalt  }
0x6f: {  	_ =	shalt  }
0x70: {  	_ =	shalt  }
0x71: {  	_ =	shalt  }
0x72: {  	_ =	shalt  }
0x73: {  	_ =	shalt  }
0x74: {  	_ =	shalt  }
0x75: {  	_ =	shalt  }
0x76: {  	_ =	shalt  }
0x77: {  	_ =	shalt  }
0x78: {  	_ =	shalt  }
0x79: {  	_ =	shalt  }
0x7a: {  	_ =	shalt  }
0x7b: {  	_ =	shalt  }
0x7c: {  	_ =	shalt  }
0x7d: {  	_ =	shalt  }
0x7e: {  	_ =	shalt  }
0x7f: {  	_ =	shalt  }
0x80: {  	_ =	shalt  }
0x81: {  	_ =	shalt  }
0x82: {  	_ =	shalt  }
0x83: {  	_ =	shalt  }
0x84: {  	_ =	shalt  }
0x85: {  	_ =	shalt  }
0x86: {  	_ =	shalt  }
0x87: {  	_ =	shalt  }
.Lfunc_end0:
.L_simem_size_0:
called_computation_lowered:
.L_overlay_start_0:
0x88: {  	s2 =	sld [smem:$0x3FD9]  }
0x89: {  	s3 =	sld [smem:$0x3FFE];
	_ =	sdelay $0x1  }
0x8a: {  	s1 =	srdreg.scid  }
0x8b: {  	s0 =	sand.u32 $0x1, s1  }
0x8c: {  	s17 =	sshll.u32 s0, $0xA;
	s2 =	sadd.s32 s3, s2  }
0x8d: {  	s2 =	sadd.s32 s2, s17  }
0x8e: {  	[smem:$0x3FC4] =	sst s2  }
0x8f: {  	_ = 	snop  }
0x90: {  	s2 =	sld [smem:$0x3FD0];
	(tm) =	ssettm $0x1  }
0x91: {  	s18 =	sld [smem:$0x3FFB];
	_ =	sdelay $0x3  }
0x92: {  	_ =	strace s18  }
0x93: {  	s3 =	sld [smem:$0x3FFC];
	_ =	sdelay $0x3  }
0x94: {  	_ =	strace s3  }
0x95: {  	s3 =	sld [smem:$0x3FFD];
	_ =	sdelay $0x3  }
0x96: {  	_ =	strace s3  }
0x97: {  	_ =	strace $0x8FFFFFFF  }
0x98: {  	s19 =	sld [smem:$0x3FDB];
	_ =	sdelay $0x1  }
0x99: {  	s4 =	simm.s32 $_scs_section_size  }
0x9a: {  	s5 =	simm.s32 $_size__tile_overlayer_lowered;
	s6 =	simm.s32 $_tile_overlayer_lowered  }
0x9b: {  	s22 =	simm.s32 $0x1BFF;
	s21 =	sshll.u32 s6, $0x1;
	s3 =	sadd.s32 s4, s19  }
0x9c: {  	s7 =	simm.s32 $0x0;
	s20 =	sshll.u32 s5, $0x1;
	s5 =	sadd.s32 s21, s3  }
0x9d: {  	[timem:s7], [sflag:s22] =	dma.local [hbm:s5], s20  }
0x9e: {  	_ =	swait.ge [sflag:s22], s20  }
0x9f: {  	s4 =	ssub.s32 $0x0, s20;
	[sflag:s22] =	ssyncset.done $0x0  }
0xa0: {  	[sflag:s22] =	ssyncadd.s32 s4;
	_ =	sdelay $0x1  }
0xa1: {  	s23 =	simm.s32 $0x1B8B  }
0xa2: {  	_ =	swait.ge [sflag:s23], $0x1  }
0xa3: {  	[sflag:s23] =	ssyncset.done $0x0  }
0xa4: {  	s25 =	simm.s32 $0x1B8E;
	s24 =	sld [smem:$0x3FFE];
	[sflag:s23] =	ssyncadd.s32 $0xFFFFFFFF  }
0xa5: {  	s26 =	simm.s32 $execute0_lowered;
	[smem:$0x3FD2] =	sst s25  }
0xa6: {  	s5 =	sshll.u32 s26, $0x1;
	_ =	strace $0x80000046;
	[dreg:$0x1] =	wrdreg $0xFFFFFFFF  }
0xa7: {  	s28 =	simm.s32 $_size_execute0_lowered;
	s3 =	sadd.s32 s3, s5;
	[dreg:$0x0] =	wrdreg $0x0  }
0xa8: {  	s5 =	sshll.u32 s28, $0x1;
	[dreg:$0x2] =	wrdreg s3  }
0xa9: {  	[dreg:$0x3] =	wrdreg s5  }
0xaa: {  	[dreg:$0x4] =	wrdreg $0xC0  }
0xab: {  	_ =	task [dreg:s7], $0x5FFFF  }
0xac: {  	[dreg:$0x1] =	wrdreg $0xFFFFFFFF  }
0xad: {  	[dreg:$0x0] =	wrdreg $0x60  }
0xae: {  	[dreg:$0x2] =	wrdreg s24  }
0xaf: {  	[dreg:$0x3] =	wrdreg s2  }
0xb0: {  	[dreg:$0x4] =	wrdreg $0x130000  }
0xb1: {  	[dreg:$0x5] =	wrdreg $0x9  }
0xb2: {  	_ =	task.clear_ibuf [dreg:s7], $0x6FFFF;
	_ =	strace $0x90000046  }
0xb3: {  	s29 =	simm.s32 $0x9;
	_ =	strace $0x80000048  }
0xb4: {  	_ =	swait.ge [sflag:s29], $0x1  }
0xb5: {  	[sflag:s29] =	ssyncadd.s32 $0xFFFFFFFF  }
0xb6: {  	_ =	strace $0x90000048  }
0xb7: {  	_ =	sfence  }
0xb8: {  	s30 =	sld [smem:$0x0];
	_ =	sdelay $0x2  }
0xb9: {  	s31 =	sshll.u32 s1, $0xD;
	s1 =	sshrl.u32 s1, $0x2  }
0xba: {  	s3 =	sand.u32 $0x4000, s31;
	s1 =	sadd.s32 s1, s30  }
0xbb: {  	s0 =	sor.u32 s3, s0;
	s1 =	sshll.u32 s1, $0x11  }
0xbc: {  	s0 =	sor.u32 s1, s0  }
0xbd: {  	s0 =	sadd.s32 $0x8F2B, s0  }
0xbe: {  	[sflag:s0] =	ssyncadd.remote.s32 $0x1  }
0xbf: {  	_ =	sfence.sel $0xFFFF  }
0xc0: {  	[dreg:$0x0] =	wrdreg $0xFFFFFFFF;
	(pc) =	sbr.abs _section_cstart, $3  }
0xc1: {  	[dreg:$0x1] =	wrdreg $0xFFFFFFFF  }
0xc2: {  	_ =	task.clear_ibuf [dreg:s7], $0x2FFFF;
	_ =	strace $0x9FFFFFFF  }
0xc3: {  	(tm) =	ssettm $0x7FFFFFFF  }
tec
execute0_lowered:
.L_overlay_start_1:
0x0: {  	(tag) =	ssettag $0x1  }
0x1: {  	s0 =	rddreg [dreg:$0x0]  }
0x2: {  	s7 =	rddreg [dreg:$0x1]  }
0x3: {  	s2 =	rddreg [dreg:$0x2];
	s3 =	simm.s32 $0x0  }
0x4: {  	s1 =	stileid.u32;
	s5 =	srdreg.scid;
	s18 =	simm.s32 $0x1  }
0x5: {  	s20 =	simm.s32 $0xA000;
	s21 =	simm.s32 $0x11000;
	s23 =	simm.s32 $0xF000  }
0x6: {  	s24 =	simm.s32 $0x0;
	[smem:$0x7FF] =	sst s3;
	s8 =	smul.u32 $0xA00, s1  }
0x7: {  	s4 =	sadd.s32 $0xE00, s0;
	s5 =	sand.u32 $0x1, s5;
	s12 =	smul.u32 $0x28000, s1  }
0x8: {  	s6 =	sadd.s32 $0x3CE00, s0;
	s30 =	smul.u32 $0x280, s1;
	_ =	strace $0x80000047  }
0x9: {  	s10 =	ssub.s32 $0x2, s5;
	s22 =	smul.u32 $0x2800, s5;
	s5 =	sadd.s32 $0x64E00, s0  }
0xa: {  	s9 =	sadd.s32 s8, s0;
	s11 =	sshrl.u32 s10, $0x1;
	s7 =	sadd.s32 s7, s8  }
0xb: {  	s31 =	sshrl.u32 s12, $0x2;
	s29 =	ssub.s32 s10, s11;
	s8 =	sadd.s32 $0x32E00, s9  }
0xc: {  	s9 =	sadd.s32 $0x28E00, s9;
	s10 =	sadd.s32 s31, s2;
	s13 =	sadd.s32 s30, s22  }
0xd: {  	v0 =	vmov s22;
	s22 =	simm.s32 $0x80;
	s11 =	sadd.s32 $0x2000, s10;
	s12 =	sadd.s32 $0x4000, s10  }
0xe: {  	s16 =	sshll.u32 s13, $0x3;
	s13 =	sadd.s32 $0x6000, s10;
	s14 =	sadd.s32 $0x8000, s10  }
0xf: {  	v1 =	vimm.f32 $0.0e+00;
	s17 =	smax.u32 s29, $0x1;
	s15 =	sadd.s32 s6, s16;
	s16 =	sadd.s32 s5, s16  }
.LBB2_1:
0x10: {  	[tilespmem:s3], [sflag:$0x1] =	stream.linear.gather [hbm4b:s7+s3], $0x5000, $0x38;
	[tilespmem:$0x1D000] =	vst v63  }
0x11: {  	_ =	swait.ge [sflag:s18], $0x5000  }
0x12: {  	[sflag:s18] =	ssyncset.done $0x0  }
0x13: {  	s0 =	simm.s32 $0x5000;
	[sflag:s18] =	ssyncadd.s32 $0xFFFFB000  }
0x14: {  	[tilespmem:s0], [sflag:$0x1] =	stream.linear.gather [hbm4b:s8+s3], $0x5000, $0x38;
	[tilespmem:$0x1D000] =	vst v63  }
0x15: {  	_ =	swait.ge [sflag:s18], $0x5000  }
0x16: {  	[sflag:s18] =	ssyncset.done $0x0  }
0x17: {  	[sflag:s18] =	ssyncadd.s32 $0xFFFFB000  }
0x18: {  	[tilespmem:s20], [sflag:$0x1] =	stream.linear.gather [hbm4b:s9+s3], $0x5000, $0x38;
	[tilespmem:$0x1D000] =	vst v63  }
0x19: {  	_ =	swait.ge [sflag:s18], $0x5000  }
0x1a: {  	[sflag:s18] =	ssyncset.done $0x0  }
0x1b: {  	s0 =	simm.s32 $0x0;
	[sflag:s18] =	ssyncadd.s32 $0xFFFFB000  }
0x1c: {  	v4 =	vld [tilespmem:s0+$0x0]  }
0x1d: {  	v6 =	vld [tilespmem:s0+$0x10]  }
0x1e: {  	v5 =	vld [tilespmem:s0+$0x20]  }
0x1f: {  	v3 =	vld [tilespmem:s0+$0x30]  }
0x20: {  	v2 =	vld [tilespmem:s0+$0x40]  }
0x21: {  	v7 =	vadd.s32 v0, v4;
	v4 =	vld [tilespmem:s0+$0x50]  }
0x22: {  	s25 =	simm.s32 $0x200;
	[tilespmem:s0+$0x0] =	vst v7;
	v7 =	vadd.s32 v0, v6;
	v6 =	vld [tilespmem:s0+$0x60]  }
.LBB2_2:
0x23: {  	s26 =	sshra.s32 s25, $0x2;
	p0 =	sne.s32 s25, $0x13E00;
	[tilespmem:s0+$0x10] =	vst v7;
	v5 =	vadd.s32 v0, v5;
	v7 =	vld [tilespmem:s0+$0x70]  }
0x24: {  	v8 =	vld [tilespmem:s26+$0x0];
	[tilespmem:s0+$0x20] =	vst v5;
	v3 =	vadd.s32 v0, v3  }
0x25: {  	v9 =	vld [tilespmem:s26+$0x10];
	[tilespmem:s0+$0x30] =	vst v3;
	v2 =	vadd.s32 v0, v2  }
.Ltmp0:
0x26: {  	v5 =	vld [tilespmem:s26+$0x20];
	[tilespmem:s0+$0x40] =	vst v2;
	v2 =	vadd.s32 v0, v4;
	(pc) =	sbr.rel @p0 .LBB2_2-.Ltmp0, $4  }
0x27: {  	v3 =	vld [tilespmem:s26+$0x30];
	[tilespmem:s0+$0x50] =	vst v2;
	v4 =	vadd.s32 v0, v6  }
0x28: {  	v2 =	vld [tilespmem:s26+$0x40];
	[tilespmem:s0+$0x60] =	vst v4;
	v6 =	vadd.s32 v0, v7  }
0x29: {  	v7 =	vadd.s32 v0, v8;
	v4 =	vld [tilespmem:s26+$0x50];
	[tilespmem:s0+$0x70] =	vst v6;
	s0 =	smov.u32 s26  }
0x2a: {  	s25 =	sadd.s32 $0x200, s25;
	[tilespmem:s0+$0x0] =	vst v7;
	v7 =	vadd.s32 v0, v9;
	v6 =	vld [tilespmem:s0+$0x60]  }
0x2b: {  	[tilespmem:s0+$0x10] =	vst v7;
	v5 =	vadd.s32 v0, v5;
	v63 =	vld [tilespmem:s0+$0x70]  }
0x2c: {  	[tilespmem:s0+$0x20] =	vst v5;
	v3 =	vadd.s32 v0, v3  }
0x2d: {  	[tilespmem:s0+$0x30] =	vst v3;
	v2 =	vadd.s32 v0, v2  }
0x2e: {  	[tilespmem:s0+$0x40] =	vst v2;
	v2 =	vadd.s32 v0, v4  }
0x2f: {  	[tilespmem:s0+$0x50] =	vst v2;
	v2 =	vadd.s32 v0, v6  }
0x30: {  	[tilespmem:s0+$0x60] =	vst v2;
	v2 =	vadd.s32 v0, v63  }
0x31: {  	s25 =	simm.s32 $0x100;
	[tilespmem:s0+$0x70] =	vst v2;
	s0 =	simm.s32 $0x0  }
.LBB2_4:
0x32: {  	p0 =	sne.s32 s25, $0x7F00;
	[tilespmem:s0+$0x11030] =	vst v1;
	s26 =	smov.u32 s25;
	s25 =	sadd.s32 $0x100, s25  }
.Ltmp1:
0x33: {  	[tilespmem:s0+$0x11020] =	vst v1;
	(pc) =	sbr.rel @p0 .LBB2_4-.Ltmp1, $3  }
0x34: {  	[tilespmem:s0+$0x11000] =	vst v1  }
0x35: {  	[tilespmem:s0+$0x11010] =	vst v1;
	_ =	sdelay $0x1  }
0x36: {  	s0 =	sshra.s32 s26, $0x2  }
0x37: {  	[tilespmem:s0+$0x11030] =	vst v1  }
0x38: {  	[tilespmem:s0+$0x11020] =	vst v1  }
0x39: {  	[tilespmem:s0+$0x11000] =	vst v1  }
0x3a: {  	[tilespmem:s0+$0x11010] =	vst v1  }
0x3b: {  	[spmem:s10] =	stream.linear.scatter [tilespmem:s21], [sflag:$0x1], $0x2000, $0x38;
	[tilespmem:$0x1D000] =	vst v63  }
0x3c: {  	_ =	swait.ge [sflag:s18], $0x2000  }
0x3d: {  	[sflag:s18] =	ssyncset.done $0x0  }
0x3e: {  	[sflag:s18] =	ssyncadd.s32 $0xFFFFE000  }
0x3f: {  	[spmem:s11] =	stream.linear.scatter [tilespmem:s21], [sflag:$0x1], $0x2000, $0x38;
	[tilespmem:$0x1D000] =	vst v63  }
0x40: {  	_ =	swait.ge [sflag:s18], $0x2000  }
0x41: {  	[sflag:s18] =	ssyncset.done $0x0  }
0x42: {  	[sflag:s18] =	ssyncadd.s32 $0xFFFFE000  }
0x43: {  	[spmem:s12] =	stream.linear.scatter [tilespmem:s21], [sflag:$0x1], $0x2000, $0x38;
	[tilespmem:$0x1D000] =	vst v63  }
0x44: {  	_ =	swait.ge [sflag:s18], $0x2000  }
0x45: {  	[sflag:s18] =	ssyncset.done $0x0  }
0x46: {  	[sflag:s18] =	ssyncadd.s32 $0xFFFFE000  }
0x47: {  	[spmem:s13] =	stream.linear.scatter [tilespmem:s21], [sflag:$0x1], $0x2000, $0x38;
	[tilespmem:$0x1D000] =	vst v63  }
0x48: {  	_ =	swait.ge [sflag:s18], $0x2000  }
0x49: {  	[sflag:s18] =	ssyncset.done $0x0  }
0x4a: {  	[sflag:s18] =	ssyncadd.s32 $0xFFFFE000  }
0x4b: {  	[spmem:s14] =	stream.linear.scatter [tilespmem:s21], [sflag:$0x1], $0x2000, $0x38;
	[tilespmem:$0x1D000] =	vst v63  }
0x4c: {  	_ =	swait.ge [sflag:s18], $0x2000  }
0x4d: {  	[sflag:s18] =	ssyncset.done $0x0  }
0x4e: {  	[sflag:s18] =	ssyncadd.s32 $0xFFFFE000  }
0x4f: {  	s25 =	simm.s32 $0x0;
	s26 =	simm.s32 $0xA000;
	[bflag:$0x0] =	sbarrier.arrive $0xFFFF  }
.LBB2_6:
0x50: {  	s28 =	sshll.u32 s25, $0x7  }
0x51: {  	v2 =	vmov s26;
	[tilespmem:s23], [sflag:$0x1] =	stream.indirect.gather [hbm4b:s4+s22], $0x40, s28, s22, $0xb8;
	[tilespmem:$0x1D000] =	vst v63  }
0x52: {  	_ =	swait.ge [sflag:s18], $0x2000  }
0x53: {  	[sflag:s18] =	ssyncset.done $0x0  }
0x54: {  	s29 =	simm.s32 $0xF200;
	s30 =	simm.s32 $0x0;
	[sflag:s18] =	ssyncadd.s32 $0xFFFFE000  }
.LBB2_7:
0x55: {  	s0 =	sshra.s32 s30, $0x2  }
0x56: {  	v3 =	vld.idx.msk [tilespmem:v2+s0+$0x0 ss:$0x1], $0xffff;
	_ =	sdelay $0x1  }
0x57: {  	v4 =	vld [tilespmem:s29+$0xFFFFFE00];
	_ =	sdelay $0x1  }
0x58: {  	v43 =	vld [tilespmem:s29+$0xFFFFFE10]  }
0x59: {  	v5 =	vbroadcast v3, $0x0  }
0x5a: {  	v44 =	vld [tilespmem:s29+$0xFFFFFE20]  }
0x5b: {  	v4 =	vmul.f32 v5, v4  }
0x5c: {  	v45 =	vld [tilespmem:s29+$0xFFFFFE30]  }
0x5d: {  	[tilespmem:s29+$0xFFFFFE00] =	vst v4;
	v4 =	vmul.f32 v43, v5  }
0x5e: {  	v46 =	vld [tilespmem:s29+$0xFFFFFE40]  }
0x5f: {  	[tilespmem:s29+$0xFFFFFE10] =	vst v4;
	v4 =	vmul.f32 v44, v5  }
0x60: {  	v48 =	vld [tilespmem:s29+$0xFFFFFE50]  }
0x61: {  	v47 =	vbroadcast v3, $0x1;
	[tilespmem:s29+$0xFFFFFE20] =	vst v4;
	v4 =	vmul.f32 v45, v5  }
0x62: {  	v49 =	vld [tilespmem:s29+$0xFFFFFE60]  }
0x63: {  	[tilespmem:s29+$0xFFFFFE30] =	vst v4;
	v4 =	vmul.f32 v46, v47  }
0x64: {  	v50 =	vld [tilespmem:s29+$0xFFFFFE70]  }
0x65: {  	[tilespmem:s29+$0xFFFFFE40] =	vst v4;
	v4 =	vmul.f32 v48, v47  }
0x66: {  	v51 =	vld [tilespmem:s29+$0xFFFFFE80]  }
0x67: {  	[tilespmem:s29+$0xFFFFFE50] =	vst v4;
	v4 =	vmul.f32 v49, v47  }
0x68: {  	v53 =	vld [tilespmem:s29+$0xFFFFFE90]  }
0x69: {  	v52 =	vbroadcast v3, $0x2;
	[tilespmem:s29+$0xFFFFFE60] =	vst v4;
	v4 =	vmul.f32 v50, v47  }
0x6a: {  	v54 =	vld [tilespmem:s29+$0xFFFFFEA0]  }
0x6b: {  	[tilespmem:s29+$0xFFFFFE70] =	vst v4;
	v4 =	vmul.f32 v51, v52  }
0x6c: {  	v55 =	vld [tilespmem:s29+$0xFFFFFEB0]  }
0x6d: {  	[tilespmem:s29+$0xFFFFFE80] =	vst v4;
	v4 =	vmul.f32 v53, v52  }
0x6e: {  	v56 =	vld [tilespmem:s29+$0xFFFFFEC0]  }
0x6f: {  	[tilespmem:s29+$0xFFFFFE90] =	vst v4;
	v4 =	vmul.f32 v54, v52  }
0x70: {  	v58 =	vld [tilespmem:s29+$0xFFFFFED0]  }
0x71: {  	v57 =	vbroadcast v3, $0x3;
	[tilespmem:s29+$0xFFFFFEA0] =	vst v4;
	v4 =	vmul.f32 v55, v52  }
0x72: {  	v59 =	vld [tilespmem:s29+$0xFFFFFEE0]  }
0x73: {  	[tilespmem:s29+$0xFFFFFEB0] =	vst v4;
	v4 =	vmul.f32 v56, v57  }
0x74: {  	v60 =	vld [tilespmem:s29+$0xFFFFFEF0]  }
0x75: {  	[tilespmem:s29+$0xFFFFFEC0] =	vst v4;
	v4 =	vmul.f32 v58, v57  }
0x76: {  	v61 =	vld [tilespmem:s29+$0xFFFFFF00]  }
0x77: {  	[tilespmem:s29+$0xFFFFFED0] =	vst v4;
	v4 =	vmul.f32 v59, v57  }
0x78: {  	v63 =	vld [tilespmem:s29+$0xFFFFFF10]  }
0x79: {  	v62 =	vbroadcast v3, $0x4;
	[tilespmem:s29+$0xFFFFFEE0] =	vst v4;
	v4 =	vmul.f32 v60, v57  }
0x7a: {  	v8 =	vld [tilespmem:s29+$0xFFFFFF20]  }
0x7b: {  	[tilespmem:s29+$0xFFFFFEF0] =	vst v4;
	v4 =	vmul.f32 v61, v62  }
0x7c: {  	v9 =	vld [tilespmem:s29+$0xFFFFFF30]  }
0x7d: {  	[tilespmem:s29+$0xFFFFFF00] =	vst v4;
	v4 =	vmul.f32 v63, v62  }
0x7e: {  	v10 =	vld [tilespmem:s29+$0xFFFFFF40]  }
0x7f: {  	[tilespmem:s29+$0xFFFFFF10] =	vst v4;
	v4 =	vmul.f32 v8, v62  }
0x80: {  	v12 =	vld [tilespmem:s29+$0xFFFFFF50]  }
0x81: {  	v11 =	vbroadcast v3, $0x5;
	[tilespmem:s29+$0xFFFFFF20] =	vst v4;
	v4 =	vmul.f32 v9, v62  }
0x82: {  	v13 =	vld [tilespmem:s29+$0xFFFFFF60]  }
0x83: {  	[tilespmem:s29+$0xFFFFFF30] =	vst v4;
	v4 =	vmul.f32 v10, v11  }
0x84: {  	v14 =	vld [tilespmem:s29+$0xFFFFFF70]  }
0x85: {  	[tilespmem:s29+$0xFFFFFF40] =	vst v4;
	v4 =	vmul.f32 v12, v11  }
0x86: {  	v15 =	vld [tilespmem:s29+$0xFFFFFF80]  }
0x87: {  	[tilespmem:s29+$0xFFFFFF50] =	vst v4;
	v4 =	vmul.f32 v13, v11  }
0x88: {  	v17 =	vld [tilespmem:s29+$0xFFFFFF90]  }
0x89: {  	v16 =	vbroadcast v3, $0x6;
	[tilespmem:s29+$0xFFFFFF60] =	vst v4;
	v4 =	vmul.f32 v14, v11  }
0x8a: {  	v18 =	vld [tilespmem:s29+$0xFFFFFFA0]  }
0x8b: {  	[tilespmem:s29+$0xFFFFFF70] =	vst v4;
	v4 =	vmul.f32 v15, v16  }
0x8c: {  	v19 =	vld [tilespmem:s29+$0xFFFFFFB0]  }
0x8d: {  	[tilespmem:s29+$0xFFFFFF80] =	vst v4;
	v4 =	vmul.f32 v17, v16  }
0x8e: {  	v20 =	vld [tilespmem:s29+$0xFFFFFFC0]  }
0x8f: {  	[tilespmem:s29+$0xFFFFFF90] =	vst v4;
	v4 =	vmul.f32 v18, v16  }
0x90: {  	v22 =	vld [tilespmem:s29+$0xFFFFFFD0]  }
0x91: {  	v21 =	vbroadcast v3, $0x7;
	[tilespmem:s29+$0xFFFFFFA0] =	vst v4;
	v4 =	vmul.f32 v19, v16  }
0x92: {  	v23 =	vld [tilespmem:s29+$0xFFFFFFE0]  }
0x93: {  	[tilespmem:s29+$0xFFFFFFB0] =	vst v4;
	v4 =	vmul.f32 v20, v21  }
0x94: {  	v24 =	vld [tilespmem:s29+$0xFFFFFFF0]  }
0x95: {  	[tilespmem:s29+$0xFFFFFFC0] =	vst v4;
	v4 =	vmul.f32 v22, v21  }
0x96: {  	v25 =	vld [tilespmem:s29+$0x0]  }
0x97: {  	[tilespmem:s29+$0xFFFFFFD0] =	vst v4;
	v4 =	vmul.f32 v23, v21  }
0x98: {  	v27 =	vld [tilespmem:s29+$0x10]  }
0x99: {  	v26 =	vbroadcast v3, $0x8;
	[tilespmem:s29+$0xFFFFFFE0] =	vst v4;
	v4 =	vmul.f32 v24, v21  }
0x9a: {  	v28 =	vld [tilespmem:s29+$0x20]  }
0x9b: {  	[tilespmem:s29+$0xFFFFFFF0] =	vst v4;
	v4 =	vmul.f32 v25, v26  }
0x9c: {  	v29 =	vld [tilespmem:s29+$0x30]  }
0x9d: {  	[tilespmem:s29+$0x0] =	vst v4;
	v4 =	vmul.f32 v27, v26  }
0x9e: {  	v30 =	vld [tilespmem:s29+$0x40]  }
0x9f: {  	[tilespmem:s29+$0x10] =	vst v4;
	v4 =	vmul.f32 v28, v26  }
0xa0: {  	v32 =	vld [tilespmem:s29+$0x50]  }
0xa1: {  	v31 =	vbroadcast v3, $0x9;
	[tilespmem:s29+$0x20] =	vst v4;
	v4 =	vmul.f32 v29, v26  }
0xa2: {  	v33 =	vld [tilespmem:s29+$0x60]  }
0xa3: {  	[tilespmem:s29+$0x30] =	vst v4;
	v4 =	vmul.f32 v30, v31  }
0xa4: {  	v34 =	vld [tilespmem:s29+$0x70]  }
0xa5: {  	[tilespmem:s29+$0x40] =	vst v4;
	v4 =	vmul.f32 v32, v31  }
0xa6: {  	v35 =	vld [tilespmem:s29+$0x80]  }
0xa7: {  	[tilespmem:s29+$0x50] =	vst v4;
	v4 =	vmul.f32 v33, v31  }
0xa8: {  	v37 =	vld [tilespmem:s29+$0x90]  }
0xa9: {  	v36 =	vbroadcast v3, $0xA;
	[tilespmem:s29+$0x60] =	vst v4;
	v4 =	vmul.f32 v34, v31  }
0xaa: {  	v38 =	vld [tilespmem:s29+$0xA0]  }
0xab: {  	[tilespmem:s29+$0x70] =	vst v4;
	v4 =	vmul.f32 v35, v36  }
0xac: {  	v39 =	vld [tilespmem:s29+$0xB0]  }
0xad: {  	[tilespmem:s29+$0x80] =	vst v4;
	v4 =	vmul.f32 v37, v36  }
0xae: {  	v40 =	vld [tilespmem:s29+$0xC0]  }
0xaf: {  	[tilespmem:s29+$0x90] =	vst v4;
	v4 =	vmul.f32 v38, v36  }
0xb0: {  	v42 =	vld [tilespmem:s29+$0xD0]  }
0xb1: {  	v41 =	vbroadcast v3, $0xB;
	[tilespmem:s29+$0xA0] =	vst v4;
	v4 =	vmul.f32 v39, v36  }
0xb2: {  	v43 =	vld [tilespmem:s29+$0xE0]  }
0xb3: {  	[tilespmem:s29+$0xB0] =	vst v4;
	v4 =	vmul.f32 v40, v41  }
0xb4: {  	v44 =	vld [tilespmem:s29+$0xF0]  }
0xb5: {  	[tilespmem:s29+$0xC0] =	vst v4;
	v4 =	vmul.f32 v42, v41  }
0xb6: {  	v45 =	vld [tilespmem:s29+$0x100]  }
0xb7: {  	[tilespmem:s29+$0xD0] =	vst v4;
	v4 =	vmul.f32 v43, v41  }
0xb8: {  	v47 =	vld [tilespmem:s29+$0x110]  }
0xb9: {  	v46 =	vbroadcast v3, $0xC;
	[tilespmem:s29+$0xE0] =	vst v4;
	v4 =	vmul.f32 v44, v41  }
0xba: {  	v48 =	vld [tilespmem:s29+$0x120]  }
0xbb: {  	[tilespmem:s29+$0xF0] =	vst v4;
	v4 =	vmul.f32 v45, v46  }
0xbc: {  	v49 =	vld [tilespmem:s29+$0x130]  }
0xbd: {  	[tilespmem:s29+$0x100] =	vst v4;
	v4 =	vmul.f32 v47, v46  }
0xbe: {  	v50 =	vld [tilespmem:s29+$0x140]  }
0xbf: {  	[tilespmem:s29+$0x110] =	vst v4;
	v4 =	vmul.f32 v48, v46  }
0xc0: {  	v52 =	vld [tilespmem:s29+$0x150]  }
0xc1: {  	v51 =	vbroadcast v3, $0xD;
	[tilespmem:s29+$0x120] =	vst v4;
	v4 =	vmul.f32 v49, v46  }
0xc2: {  	v53 =	vld [tilespmem:s29+$0x160]  }
0xc3: {  	[tilespmem:s29+$0x130] =	vst v4;
	v4 =	vmul.f32 v50, v51  }
0xc4: {  	v54 =	vld [tilespmem:s29+$0x170]  }
0xc5: {  	[tilespmem:s29+$0x140] =	vst v4;
	v4 =	vmul.f32 v52, v51  }
0xc6: {  	v55 =	vld [tilespmem:s29+$0x180]  }
0xc7: {  	[tilespmem:s29+$0x150] =	vst v4;
	v4 =	vmul.f32 v53, v51  }
0xc8: {  	v57 =	vld [tilespmem:s29+$0x190]  }
0xc9: {  	v56 =	vbroadcast v3, $0xE;
	[tilespmem:s29+$0x160] =	vst v4;
	v4 =	vmul.f32 v54, v51  }
0xca: {  	v58 =	vld [tilespmem:s29+$0x1A0]  }
0xcb: {  	[tilespmem:s29+$0x170] =	vst v4;
	v4 =	vmul.f32 v55, v56  }
0xcc: {  	v59 =	vld [tilespmem:s29+$0x1B0]  }
0xcd: {  	[tilespmem:s29+$0x180] =	vst v4;
	v4 =	vmul.f32 v57, v56  }
0xce: {  	v60 =	vld [tilespmem:s29+$0x1C0]  }
0xcf: {  	[tilespmem:s29+$0x190] =	vst v4;
	v4 =	vmul.f32 v58, v56  }
0xd0: {  	v61 =	vld [tilespmem:s29+$0x1D0]  }
0xd1: {  	v3 =	vbroadcast v3, $0xF;
	[tilespmem:s29+$0x1A0] =	vst v4;
	v4 =	vmul.f32 v59, v56  }
0xd2: {  	v62 =	vld [tilespmem:s29+$0x1E0]  }
0xd3: {  	v63 =	vld [tilespmem:s29+$0x1F0];
	[tilespmem:s29+$0x1B0] =	vst v4;
	v4 =	vmul.f32 v60, v3;
	_ =	sdelay $0x1  }
0xd4: {  	p0 =	sne.s32 s30, $0x1C0;
	[tilespmem:s29+$0x1C0] =	vst v4;
	v4 =	vmul.f32 v61, v3  }
.Ltmp2:
0xd5: {  	_ = 	snop;
	(pc) =	sbr.rel @p0 .LBB2_7-.Ltmp2, $4  }
0xd6: {  	[tilespmem:s29+$0x1D0] =	vst v4;
	v4 =	vmul.f32 v62, v3  }
0xd7: {  	v3 =	vmul.f32 v63, v3  }
0xd8: {  	[tilespmem:s29+$0x1E0] =	vst v4  }
0xd9: {  	s30 =	sadd.s32 $0x40, s30;
	[tilespmem:s29+$0x1F0] =	vst v3;
	s29 =	sadd.s32 $0x400, s29  }
0xda: {  	s25 =	sadd.s32 $0x1, s25  }
0xdb: {  	p0 =	sne.s32 s25, $0xA0  }
.Ltmp3:
0xdc: {  	s0 =	sadd.s32 $0x5000, s28;
	(pc) =	sbr.rel @p0 .LBB2_6-.Ltmp3, $4  }
0xdd: {  	[spmem:s2] =	stream.indirect.scatter.add.f32 [tilespmem:s23], [sflag:$0x1], $0x40, s0, s22, $0xb8;
	[tilespmem:$0x1D000] =	vst v63  }
0xde: {  	_ =	swait.ge [sflag:s18], $0x2000  }
0xdf: {  	[sflag:s18] =	ssyncset.done $0x0  }
0xe0: {  	s26 =	sadd.s32 $0x80, s26;
	[sflag:s18] =	ssyncadd.s32 $0xFFFFE000  }
0xe1: {  	s0 =	sshll.u32 s1, $0x6  }
0xe2: {  	[bflag:$0x0] =	sbarrier.arrive $0xFFFF;
	s26 =	sshrl.u32 s10, $0x3;
	s25 =	sor.u32 $0x1C01, s0  }
0xe3: {  	[hbm:s15], [sflag:s25] =	dma.local [spmem:s26], $0x1400  }
0xe4: {  	_ =	swait.ge [sflag:s18], $0x1400  }
0xe5: {  	[sflag:s18] =	ssyncset.done $0x0  }
0xe6: {  	[sflag:s18] =	ssyncadd.s32 $0xFFFFEC00  }
0xe7: {  	[bflag:$0x0] =	sbarrier.arrive $0xFFFF  }
0xe8: {  	[spmem:s10] =	stream.linear.scatter [tilespmem:s21], [sflag:$0x1], $0x2000, $0x38;
	[tilespmem:$0x1D000] =	vst v63  }
0xe9: {  	_ =	swait.ge [sflag:s18], $0x2000  }
0xea: {  	[sflag:s18] =	ssyncset.done $0x0  }
0xeb: {  	[sflag:s18] =	ssyncadd.s32 $0xFFFFE000  }
0xec: {  	[spmem:s11] =	stream.linear.scatter [tilespmem:s21], [sflag:$0x1], $0x2000, $0x38;
	[tilespmem:$0x1D000] =	vst v63  }
0xed: {  	_ =	swait.ge [sflag:s18], $0x2000  }
0xee: {  	[sflag:s18] =	ssyncset.done $0x0  }
0xef: {  	[sflag:s18] =	ssyncadd.s32 $0xFFFFE000  }
0xf0: {  	[spmem:s12] =	stream.linear.scatter [tilespmem:s21], [sflag:$0x1], $0x2000, $0x38;
	[tilespmem:$0x1D000] =	vst v63  }
0xf1: {  	_ =	swait.ge [sflag:s18], $0x2000  }
0xf2: {  	[sflag:s18] =	ssyncset.done $0x0  }
0xf3: {  	[sflag:s18] =	ssyncadd.s32 $0xFFFFE000  }
0xf4: {  	[spmem:s13] =	stream.linear.scatter [tilespmem:s21], [sflag:$0x1], $0x2000, $0x38;
	[tilespmem:$0x1D000] =	vst v63  }
0xf5: {  	_ =	swait.ge [sflag:s18], $0x2000  }
0xf6: {  	[sflag:s18] =	ssyncset.done $0x0  }
0xf7: {  	[sflag:s18] =	ssyncadd.s32 $0xFFFFE000  }
0xf8: {  	[spmem:s14] =	stream.linear.scatter [tilespmem:s21], [sflag:$0x1], $0x2000, $0x38;
	[tilespmem:$0x1D000] =	vst v63  }
0xf9: {  	_ =	swait.ge [sflag:s18], $0x2000  }
0xfa: {  	[sflag:s18] =	ssyncset.done $0x0  }
0xfb: {  	[sflag:s18] =	ssyncadd.s32 $0xFFFFE000  }
0xfc: {  	s28 =	simm.s32 $0x0;
	s29 =	simm.s32 $0xA000;
	[bflag:$0x0] =	sbarrier.arrive $0xFFFF  }
.LBB2_10:
0xfd: {  	s30 =	sshll.u32 s28, $0x7  }
0xfe: {  	v2 =	vmov s29;
	[tilespmem:s23], [sflag:$0x1] =	stream.indirect.gather [hbm4b:s6+s22], $0x40, s30, s22, $0xb8;
	[tilespmem:$0x1D000] =	vst v63  }
0xff: {  	_ =	swait.ge [sflag:s18], $0x2000  }
0x100: {  	[sflag:s18] =	ssyncset.done $0x0  }
0x101: {  	s31 =	simm.s32 $0xF200;
	s0 =	simm.s32 $0x0;
	[sflag:s18] =	ssyncadd.s32 $0xFFFFE000  }
.LBB2_11:
0x102: {  	s19 =	sshra.s32 s0, $0x2  }
0x103: {  	v3 =	vld.idx.msk [tilespmem:v2+s19+$0x0 ss:$0x1], $0xffff;
	_ =	sdelay $0x1  }
0x104: {  	v4 =	vld [tilespmem:s31+$0xFFFFFE00];
	_ =	sdelay $0x1  }
0x105: {  	v43 =	vld [tilespmem:s31+$0xFFFFFE10]  }
0x106: {  	v5 =	vbroadcast v3, $0x0  }
0x107: {  	v44 =	vld [tilespmem:s31+$0xFFFFFE20]  }
0x108: {  	v4 =	vmul.f32 v5, v4  }
0x109: {  	v45 =	vld [tilespmem:s31+$0xFFFFFE30]  }
0x10a: {  	[tilespmem:s31+$0xFFFFFE00] =	vst v4;
	v4 =	vmul.f32 v43, v5  }
0x10b: {  	v46 =	vld [tilespmem:s31+$0xFFFFFE40]  }
0x10c: {  	[tilespmem:s31+$0xFFFFFE10] =	vst v4;
	v4 =	vmul.f32 v44, v5  }
0x10d: {  	v48 =	vld [tilespmem:s31+$0xFFFFFE50]  }
0x10e: {  	v47 =	vbroadcast v3, $0x1;
	[tilespmem:s31+$0xFFFFFE20] =	vst v4;
	v4 =	vmul.f32 v45, v5  }
0x10f: {  	v49 =	vld [tilespmem:s31+$0xFFFFFE60]  }
0x110: {  	[tilespmem:s31+$0xFFFFFE30] =	vst v4;
	v4 =	vmul.f32 v46, v47  }
0x111: {  	v50 =	vld [tilespmem:s31+$0xFFFFFE70]  }
0x112: {  	[tilespmem:s31+$0xFFFFFE40] =	vst v4;
	v4 =	vmul.f32 v48, v47  }
0x113: {  	v51 =	vld [tilespmem:s31+$0xFFFFFE80]  }
0x114: {  	[tilespmem:s31+$0xFFFFFE50] =	vst v4;
	v4 =	vmul.f32 v49, v47  }
0x115: {  	v53 =	vld [tilespmem:s31+$0xFFFFFE90]  }
0x116: {  	v52 =	vbroadcast v3, $0x2;
	[tilespmem:s31+$0xFFFFFE60] =	vst v4;
	v4 =	vmul.f32 v50, v47  }
0x117: {  	v54 =	vld [tilespmem:s31+$0xFFFFFEA0]  }
0x118: {  	[tilespmem:s31+$0xFFFFFE70] =	vst v4;
	v4 =	vmul.f32 v51, v52  }
0x119: {  	v55 =	vld [tilespmem:s31+$0xFFFFFEB0]  }
0x11a: {  	[tilespmem:s31+$0xFFFFFE80] =	vst v4;
	v4 =	vmul.f32 v53, v52  }
0x11b: {  	v56 =	vld [tilespmem:s31+$0xFFFFFEC0]  }
0x11c: {  	[tilespmem:s31+$0xFFFFFE90] =	vst v4;
	v4 =	vmul.f32 v54, v52  }
0x11d: {  	v58 =	vld [tilespmem:s31+$0xFFFFFED0]  }
0x11e: {  	v57 =	vbroadcast v3, $0x3;
	[tilespmem:s31+$0xFFFFFEA0] =	vst v4;
	v4 =	vmul.f32 v55, v52  }
0x11f: {  	v59 =	vld [tilespmem:s31+$0xFFFFFEE0]  }
0x120: {  	[tilespmem:s31+$0xFFFFFEB0] =	vst v4;
	v4 =	vmul.f32 v56, v57  }
0x121: {  	v60 =	vld [tilespmem:s31+$0xFFFFFEF0]  }
0x122: {  	[tilespmem:s31+$0xFFFFFEC0] =	vst v4;
	v4 =	vmul.f32 v58, v57  }
0x123: {  	v61 =	vld [tilespmem:s31+$0xFFFFFF00]  }
0x124: {  	[tilespmem:s31+$0xFFFFFED0] =	vst v4;
	v4 =	vmul.f32 v59, v57  }
0x125: {  	v63 =	vld [tilespmem:s31+$0xFFFFFF10]  }
0x126: {  	v62 =	vbroadcast v3, $0x4;
	[tilespmem:s31+$0xFFFFFEE0] =	vst v4;
	v4 =	vmul.f32 v60, v57  }
0x127: {  	v8 =	vld [tilespmem:s31+$0xFFFFFF20]  }
0x128: {  	[tilespmem:s31+$0xFFFFFEF0] =	vst v4;
	v4 =	vmul.f32 v61, v62  }
0x129: {  	v9 =	vld [tilespmem:s31+$0xFFFFFF30]  }
0x12a: {  	[tilespmem:s31+$0xFFFFFF00] =	vst v4;
	v4 =	vmul.f32 v63, v62  }
0x12b: {  	v10 =	vld [tilespmem:s31+$0xFFFFFF40]  }
0x12c: {  	[tilespmem:s31+$0xFFFFFF10] =	vst v4;
	v4 =	vmul.f32 v8, v62  }
0x12d: {  	v12 =	vld [tilespmem:s31+$0xFFFFFF50]  }
0x12e: {  	v11 =	vbroadcast v3, $0x5;
	[tilespmem:s31+$0xFFFFFF20] =	vst v4;
	v4 =	vmul.f32 v9, v62  }
0x12f: {  	v13 =	vld [tilespmem:s31+$0xFFFFFF60]  }
0x130: {  	[tilespmem:s31+$0xFFFFFF30] =	vst v4;
	v4 =	vmul.f32 v10, v11  }
0x131: {  	v14 =	vld [tilespmem:s31+$0xFFFFFF70]  }
0x132: {  	[tilespmem:s31+$0xFFFFFF40] =	vst v4;
	v4 =	vmul.f32 v12, v11  }
0x133: {  	v15 =	vld [tilespmem:s31+$0xFFFFFF80]  }
0x134: {  	[tilespmem:s31+$0xFFFFFF50] =	vst v4;
	v4 =	vmul.f32 v13, v11  }
0x135: {  	v17 =	vld [tilespmem:s31+$0xFFFFFF90]  }
0x136: {  	v16 =	vbroadcast v3, $0x6;
	[tilespmem:s31+$0xFFFFFF60] =	vst v4;
	v4 =	vmul.f32 v14, v11  }
0x137: {  	v18 =	vld [tilespmem:s31+$0xFFFFFFA0]  }
0x138: {  	[tilespmem:s31+$0xFFFFFF70] =	vst v4;
	v4 =	vmul.f32 v15, v16  }
0x139: {  	v19 =	vld [tilespmem:s31+$0xFFFFFFB0]  }
0x13a: {  	[tilespmem:s31+$0xFFFFFF80] =	vst v4;
	v4 =	vmul.f32 v17, v16  }
0x13b: {  	v20 =	vld [tilespmem:s31+$0xFFFFFFC0]  }
0x13c: {  	[tilespmem:s31+$0xFFFFFF90] =	vst v4;
	v4 =	vmul.f32 v18, v16  }
0x13d: {  	v22 =	vld [tilespmem:s31+$0xFFFFFFD0]  }
0x13e: {  	v21 =	vbroadcast v3, $0x7;
	[tilespmem:s31+$0xFFFFFFA0] =	vst v4;
	v4 =	vmul.f32 v19, v16  }
0x13f: {  	v23 =	vld [tilespmem:s31+$0xFFFFFFE0]  }
0x140: {  	[tilespmem:s31+$0xFFFFFFB0] =	vst v4;
	v4 =	vmul.f32 v20, v21  }
0x141: {  	v24 =	vld [tilespmem:s31+$0xFFFFFFF0]  }
0x142: {  	[tilespmem:s31+$0xFFFFFFC0] =	vst v4;
	v4 =	vmul.f32 v22, v21  }
0x143: {  	v25 =	vld [tilespmem:s31+$0x0]  }
0x144: {  	[tilespmem:s31+$0xFFFFFFD0] =	vst v4;
	v4 =	vmul.f32 v23, v21  }
0x145: {  	v27 =	vld [tilespmem:s31+$0x10]  }
0x146: {  	v26 =	vbroadcast v3, $0x8;
	[tilespmem:s31+$0xFFFFFFE0] =	vst v4;
	v4 =	vmul.f32 v24, v21  }
0x147: {  	v28 =	vld [tilespmem:s31+$0x20]  }
0x148: {  	[tilespmem:s31+$0xFFFFFFF0] =	vst v4;
	v4 =	vmul.f32 v25, v26  }
0x149: {  	v29 =	vld [tilespmem:s31+$0x30]  }
0x14a: {  	[tilespmem:s31+$0x0] =	vst v4;
	v4 =	vmul.f32 v27, v26  }
0x14b: {  	v30 =	vld [tilespmem:s31+$0x40]  }
0x14c: {  	[tilespmem:s31+$0x10] =	vst v4;
	v4 =	vmul.f32 v28, v26  }
0x14d: {  	v32 =	vld [tilespmem:s31+$0x50]  }
0x14e: {  	v31 =	vbroadcast v3, $0x9;
	[tilespmem:s31+$0x20] =	vst v4;
	v4 =	vmul.f32 v29, v26  }
0x14f: {  	v33 =	vld [tilespmem:s31+$0x60]  }
0x150: {  	[tilespmem:s31+$0x30] =	vst v4;
	v4 =	vmul.f32 v30, v31  }
0x151: {  	v34 =	vld [tilespmem:s31+$0x70]  }
0x152: {  	[tilespmem:s31+$0x40] =	vst v4;
	v4 =	vmul.f32 v32, v31  }
0x153: {  	v35 =	vld [tilespmem:s31+$0x80]  }
0x154: {  	[tilespmem:s31+$0x50] =	vst v4;
	v4 =	vmul.f32 v33, v31  }
0x155: {  	v37 =	vld [tilespmem:s31+$0x90]  }
0x156: {  	v36 =	vbroadcast v3, $0xA;
	[tilespmem:s31+$0x60] =	vst v4;
	v4 =	vmul.f32 v34, v31  }
0x157: {  	v38 =	vld [tilespmem:s31+$0xA0]  }
0x158: {  	[tilespmem:s31+$0x70] =	vst v4;
	v4 =	vmul.f32 v35, v36  }
0x159: {  	v39 =	vld [tilespmem:s31+$0xB0]  }
0x15a: {  	[tilespmem:s31+$0x80] =	vst v4;
	v4 =	vmul.f32 v37, v36  }
0x15b: {  	v40 =	vld [tilespmem:s31+$0xC0]  }
0x15c: {  	[tilespmem:s31+$0x90] =	vst v4;
	v4 =	vmul.f32 v38, v36  }
0x15d: {  	v42 =	vld [tilespmem:s31+$0xD0]  }
0x15e: {  	v41 =	vbroadcast v3, $0xB;
	[tilespmem:s31+$0xA0] =	vst v4;
	v4 =	vmul.f32 v39, v36  }
0x15f: {  	v43 =	vld [tilespmem:s31+$0xE0]  }
0x160: {  	[tilespmem:s31+$0xB0] =	vst v4;
	v4 =	vmul.f32 v40, v41  }
0x161: {  	v44 =	vld [tilespmem:s31+$0xF0]  }
0x162: {  	[tilespmem:s31+$0xC0] =	vst v4;
	v4 =	vmul.f32 v42, v41  }
0x163: {  	v45 =	vld [tilespmem:s31+$0x100]  }
0x164: {  	[tilespmem:s31+$0xD0] =	vst v4;
	v4 =	vmul.f32 v43, v41  }
0x165: {  	v47 =	vld [tilespmem:s31+$0x110]  }
0x166: {  	v46 =	vbroadcast v3, $0xC;
	[tilespmem:s31+$0xE0] =	vst v4;
	v4 =	vmul.f32 v44, v41  }
0x167: {  	v48 =	vld [tilespmem:s31+$0x120]  }
0x168: {  	[tilespmem:s31+$0xF0] =	vst v4;
	v4 =	vmul.f32 v45, v46  }
0x169: {  	v49 =	vld [tilespmem:s31+$0x130]  }
0x16a: {  	[tilespmem:s31+$0x100] =	vst v4;
	v4 =	vmul.f32 v47, v46  }
0x16b: {  	v50 =	vld [tilespmem:s31+$0x140]  }
0x16c: {  	[tilespmem:s31+$0x110] =	vst v4;
	v4 =	vmul.f32 v48, v46  }
0x16d: {  	v52 =	vld [tilespmem:s31+$0x150]  }
0x16e: {  	v51 =	vbroadcast v3, $0xD;
	[tilespmem:s31+$0x120] =	vst v4;
	v4 =	vmul.f32 v49, v46  }
0x16f: {  	v53 =	vld [tilespmem:s31+$0x160]  }
0x170: {  	[tilespmem:s31+$0x130] =	vst v4;
	v4 =	vmul.f32 v50, v51  }
0x171: {  	v54 =	vld [tilespmem:s31+$0x170]  }
0x172: {  	[tilespmem:s31+$0x140] =	vst v4;
	v4 =	vmul.f32 v52, v51  }
0x173: {  	v55 =	vld [tilespmem:s31+$0x180]  }
0x174: {  	[tilespmem:s31+$0x150] =	vst v4;
	v4 =	vmul.f32 v53, v51  }
0x175: {  	v57 =	vld [tilespmem:s31+$0x190]  }
0x176: {  	v56 =	vbroadcast v3, $0xE;
	[tilespmem:s31+$0x160] =	vst v4;
	v4 =	vmul.f32 v54, v51  }
0x177: {  	v58 =	vld [tilespmem:s31+$0x1A0]  }
0x178: {  	[tilespmem:s31+$0x170] =	vst v4;
	v4 =	vmul.f32 v55, v56  }
0x179: {  	v59 =	vld [tilespmem:s31+$0x1B0]  }
0x17a: {  	[tilespmem:s31+$0x180] =	vst v4;
	v4 =	vmul.f32 v57, v56  }
0x17b: {  	v60 =	vld [tilespmem:s31+$0x1C0]  }
0x17c: {  	[tilespmem:s31+$0x190] =	vst v4;
	v4 =	vmul.f32 v58, v56  }
0x17d: {  	v61 =	vld [tilespmem:s31+$0x1D0]  }
0x17e: {  	v3 =	vbroadcast v3, $0xF;
	[tilespmem:s31+$0x1A0] =	vst v4;
	v4 =	vmul.f32 v59, v56  }
0x17f: {  	v62 =	vld [tilespmem:s31+$0x1E0]  }
0x180: {  	v63 =	vld [tilespmem:s31+$0x1F0];
	[tilespmem:s31+$0x1B0] =	vst v4;
	v4 =	vmul.f32 v60, v3;
	_ =	sdelay $0x1  }
0x181: {  	p0 =	sne.s32 s0, $0x1C0;
	[tilespmem:s31+$0x1C0] =	vst v4;
	v4 =	vmul.f32 v61, v3  }
.Ltmp4:
0x182: {  	_ = 	snop;
	(pc) =	sbr.rel @p0 .LBB2_11-.Ltmp4, $4  }
0x183: {  	[tilespmem:s31+$0x1D0] =	vst v4;
	v4 =	vmul.f32 v62, v3  }
0x184: {  	v3 =	vmul.f32 v63, v3  }
0x185: {  	[tilespmem:s31+$0x1E0] =	vst v4  }
0x186: {  	s0 =	sadd.s32 $0x40, s0;
	[tilespmem:s31+$0x1F0] =	vst v3;
	s31 =	sadd.s32 $0x400, s31  }
0x187: {  	s28 =	sadd.s32 $0x1, s28  }
0x188: {  	p0 =	sne.s32 s28, $0xA0  }
.Ltmp5:
0x189: {  	s0 =	sadd.s32 $0x5000, s30;
	(pc) =	sbr.rel @p0 .LBB2_10-.Ltmp5, $4  }
0x18a: {  	[spmem:s2] =	stream.indirect.scatter.add.f32 [tilespmem:s23], [sflag:$0x1], $0x40, s0, s22, $0xb8;
	[tilespmem:$0x1D000] =	vst v63  }
0x18b: {  	_ =	swait.ge [sflag:s18], $0x2000  }
0x18c: {  	[sflag:s18] =	ssyncset.done $0x0  }
0x18d: {  	s29 =	sadd.s32 $0x80, s29;
	[sflag:s18] =	ssyncadd.s32 $0xFFFFE000  }
0x18e: {  	[bflag:$0x0] =	sbarrier.arrive $0xFFFF  }
0x18f: {  	[hbm:s16], [sflag:s25] =	dma.local [spmem:s26], $0x1400  }
0x190: {  	_ =	swait.ge [sflag:s18], $0x1400  }
0x191: {  	[sflag:s18] =	ssyncset.done $0x0  }
0x192: {  	[sflag:s18] =	ssyncadd.s32 $0xFFFFEC00  }
0x193: {  	[bflag:$0x0] =	sbarrier.arrive $0xFFFF  }
0x194: {  	[spmem:s10] =	stream.linear.scatter [tilespmem:s21], [sflag:$0x1], $0x2000, $0x38;
	[tilespmem:$0x1D000] =	vst v63  }
0x195: {  	_ =	swait.ge [sflag:s18], $0x2000  }
0x196: {  	[sflag:s18] =	ssyncset.done $0x0  }
0x197: {  	[sflag:s18] =	ssyncadd.s32 $0xFFFFE000  }
0x198: {  	[spmem:s11] =	stream.linear.scatter [tilespmem:s21], [sflag:$0x1], $0x2000, $0x38;
	[tilespmem:$0x1D000] =	vst v63  }
0x199: {  	_ =	swait.ge [sflag:s18], $0x2000  }
0x19a: {  	[sflag:s18] =	ssyncset.done $0x0  }
0x19b: {  	[sflag:s18] =	ssyncadd.s32 $0xFFFFE000  }
0x19c: {  	[spmem:s12] =	stream.linear.scatter [tilespmem:s21], [sflag:$0x1], $0x2000, $0x38;
	[tilespmem:$0x1D000] =	vst v63  }
0x19d: {  	_ =	swait.ge [sflag:s18], $0x2000  }
0x19e: {  	[sflag:s18] =	ssyncset.done $0x0  }
0x19f: {  	[sflag:s18] =	ssyncadd.s32 $0xFFFFE000  }
0x1a0: {  	[spmem:s13] =	stream.linear.scatter [tilespmem:s21], [sflag:$0x1], $0x2000, $0x38;
	[tilespmem:$0x1D000] =	vst v63  }
0x1a1: {  	_ =	swait.ge [sflag:s18], $0x2000  }
0x1a2: {  	[sflag:s18] =	ssyncset.done $0x0  }
0x1a3: {  	[sflag:s18] =	ssyncadd.s32 $0xFFFFE000  }
0x1a4: {  	[spmem:s14] =	stream.linear.scatter [tilespmem:s21], [sflag:$0x1], $0x2000, $0x38;
	[tilespmem:$0x1D000] =	vst v63  }
0x1a5: {  	_ =	swait.ge [sflag:s18], $0x2000  }
0x1a6: {  	[sflag:s18] =	ssyncset.done $0x0  }
0x1a7: {  	[sflag:s18] =	ssyncadd.s32 $0xFFFFE000  }
0x1a8: {  	s28 =	simm.s32 $0x0;
	s29 =	simm.s32 $0xA000;
	[bflag:$0x0] =	sbarrier.arrive $0xFFFF  }
.LBB2_14:
0x1a9: {  	s30 =	sshll.u32 s28, $0x7  }
0x1aa: {  	v2 =	vmov s29;
	[tilespmem:s23], [sflag:$0x1] =	stream.indirect.gather [hbm4b:s5+s22], $0x40, s30, s22, $0xb8;
	[tilespmem:$0x1D000] =	vst v63  }
0x1ab: {  	_ =	swait.ge [sflag:s18], $0x2000  }
0x1ac: {  	[sflag:s18] =	ssyncset.done $0x0  }
0x1ad: {  	s31 =	simm.s32 $0xF200;
	s0 =	simm.s32 $0x0;
	[sflag:s18] =	ssyncadd.s32 $0xFFFFE000  }
.LBB2_15:
0x1ae: {  	s19 =	sshra.s32 s0, $0x2  }
0x1af: {  	v3 =	vld.idx.msk [tilespmem:v2+s19+$0x0 ss:$0x1], $0xffff;
	_ =	sdelay $0x1  }
0x1b0: {  	v4 =	vld [tilespmem:s31+$0xFFFFFE00];
	_ =	sdelay $0x1  }
0x1b1: {  	v43 =	vld [tilespmem:s31+$0xFFFFFE10]  }
0x1b2: {  	v5 =	vbroadcast v3, $0x0  }
0x1b3: {  	v44 =	vld [tilespmem:s31+$0xFFFFFE20]  }
0x1b4: {  	v4 =	vmul.f32 v5, v4  }
0x1b5: {  	v45 =	vld [tilespmem:s31+$0xFFFFFE30]  }
0x1b6: {  	[tilespmem:s31+$0xFFFFFE00] =	vst v4;
	v4 =	vmul.f32 v43, v5  }
0x1b7: {  	v46 =	vld [tilespmem:s31+$0xFFFFFE40]  }
0x1b8: {  	[tilespmem:s31+$0xFFFFFE10] =	vst v4;
	v4 =	vmul.f32 v44, v5  }
0x1b9: {  	v48 =	vld [tilespmem:s31+$0xFFFFFE50]  }
0x1ba: {  	v47 =	vbroadcast v3, $0x1;
	[tilespmem:s31+$0xFFFFFE20] =	vst v4;
	v4 =	vmul.f32 v45, v5  }
0x1bb: {  	v49 =	vld [tilespmem:s31+$0xFFFFFE60]  }
0x1bc: {  	[tilespmem:s31+$0xFFFFFE30] =	vst v4;
	v4 =	vmul.f32 v46, v47  }
0x1bd: {  	v50 =	vld [tilespmem:s31+$0xFFFFFE70]  }
0x1be: {  	[tilespmem:s31+$0xFFFFFE40] =	vst v4;
	v4 =	vmul.f32 v48, v47  }
0x1bf: {  	v51 =	vld [tilespmem:s31+$0xFFFFFE80]  }
0x1c0: {  	[tilespmem:s31+$0xFFFFFE50] =	vst v4;
	v4 =	vmul.f32 v49, v47  }
0x1c1: {  	v53 =	vld [tilespmem:s31+$0xFFFFFE90]  }
0x1c2: {  	v52 =	vbroadcast v3, $0x2;
	[tilespmem:s31+$0xFFFFFE60] =	vst v4;
	v4 =	vmul.f32 v50, v47  }
0x1c3: {  	v54 =	vld [tilespmem:s31+$0xFFFFFEA0]  }
0x1c4: {  	[tilespmem:s31+$0xFFFFFE70] =	vst v4;
	v4 =	vmul.f32 v51, v52  }
0x1c5: {  	v55 =	vld [tilespmem:s31+$0xFFFFFEB0]  }
0x1c6: {  	[tilespmem:s31+$0xFFFFFE80] =	vst v4;
	v4 =	vmul.f32 v53, v52  }
0x1c7: {  	v56 =	vld [tilespmem:s31+$0xFFFFFEC0]  }
0x1c8: {  	[tilespmem:s31+$0xFFFFFE90] =	vst v4;
	v4 =	vmul.f32 v54, v52  }
0x1c9: {  	v58 =	vld [tilespmem:s31+$0xFFFFFED0]  }
0x1ca: {  	v57 =	vbroadcast v3, $0x3;
	[tilespmem:s31+$0xFFFFFEA0] =	vst v4;
	v4 =	vmul.f32 v55, v52  }
0x1cb: {  	v59 =	vld [tilespmem:s31+$0xFFFFFEE0]  }
0x1cc: {  	[tilespmem:s31+$0xFFFFFEB0] =	vst v4;
	v4 =	vmul.f32 v56, v57  }
0x1cd: {  	v60 =	vld [tilespmem:s31+$0xFFFFFEF0]  }
0x1ce: {  	[tilespmem:s31+$0xFFFFFEC0] =	vst v4;
	v4 =	vmul.f32 v58, v57  }
0x1cf: {  	v61 =	vld [tilespmem:s31+$0xFFFFFF00]  }
0x1d0: {  	[tilespmem:s31+$0xFFFFFED0] =	vst v4;
	v4 =	vmul.f32 v59, v57  }
0x1d1: {  	v63 =	vld [tilespmem:s31+$0xFFFFFF10]  }
0x1d2: {  	v62 =	vbroadcast v3, $0x4;
	[tilespmem:s31+$0xFFFFFEE0] =	vst v4;
	v4 =	vmul.f32 v60, v57  }
0x1d3: {  	v8 =	vld [tilespmem:s31+$0xFFFFFF20]  }
0x1d4: {  	[tilespmem:s31+$0xFFFFFEF0] =	vst v4;
	v4 =	vmul.f32 v61, v62  }
0x1d5: {  	v9 =	vld [tilespmem:s31+$0xFFFFFF30]  }
0x1d6: {  	[tilespmem:s31+$0xFFFFFF00] =	vst v4;
	v4 =	vmul.f32 v63, v62  }
0x1d7: {  	v10 =	vld [tilespmem:s31+$0xFFFFFF40]  }
0x1d8: {  	[tilespmem:s31+$0xFFFFFF10] =	vst v4;
	v4 =	vmul.f32 v8, v62  }
0x1d9: {  	v12 =	vld [tilespmem:s31+$0xFFFFFF50]  }
0x1da: {  	v11 =	vbroadcast v3, $0x5;
	[tilespmem:s31+$0xFFFFFF20] =	vst v4;
	v4 =	vmul.f32 v9, v62  }
0x1db: {  	v13 =	vld [tilespmem:s31+$0xFFFFFF60]  }
0x1dc: {  	[tilespmem:s31+$0xFFFFFF30] =	vst v4;
	v4 =	vmul.f32 v10, v11  }
0x1dd: {  	v14 =	vld [tilespmem:s31+$0xFFFFFF70]  }
0x1de: {  	[tilespmem:s31+$0xFFFFFF40] =	vst v4;
	v4 =	vmul.f32 v12, v11  }
0x1df: {  	v15 =	vld [tilespmem:s31+$0xFFFFFF80]  }
0x1e0: {  	[tilespmem:s31+$0xFFFFFF50] =	vst v4;
	v4 =	vmul.f32 v13, v11  }
0x1e1: {  	v17 =	vld [tilespmem:s31+$0xFFFFFF90]  }
0x1e2: {  	v16 =	vbroadcast v3, $0x6;
	[tilespmem:s31+$0xFFFFFF60] =	vst v4;
	v4 =	vmul.f32 v14, v11  }
0x1e3: {  	v18 =	vld [tilespmem:s31+$0xFFFFFFA0]  }
0x1e4: {  	[tilespmem:s31+$0xFFFFFF70] =	vst v4;
	v4 =	vmul.f32 v15, v16  }
0x1e5: {  	v19 =	vld [tilespmem:s31+$0xFFFFFFB0]  }
0x1e6: {  	[tilespmem:s31+$0xFFFFFF80] =	vst v4;
	v4 =	vmul.f32 v17, v16  }
0x1e7: {  	v20 =	vld [tilespmem:s31+$0xFFFFFFC0]  }
0x1e8: {  	[tilespmem:s31+$0xFFFFFF90] =	vst v4;
	v4 =	vmul.f32 v18, v16  }
0x1e9: {  	v22 =	vld [tilespmem:s31+$0xFFFFFFD0]  }
0x1ea: {  	v21 =	vbroadcast v3, $0x7;
	[tilespmem:s31+$0xFFFFFFA0] =	vst v4;
	v4 =	vmul.f32 v19, v16  }
0x1eb: {  	v23 =	vld [tilespmem:s31+$0xFFFFFFE0]  }
0x1ec: {  	[tilespmem:s31+$0xFFFFFFB0] =	vst v4;
	v4 =	vmul.f32 v20, v21  }
0x1ed: {  	v24 =	vld [tilespmem:s31+$0xFFFFFFF0]  }
0x1ee: {  	[tilespmem:s31+$0xFFFFFFC0] =	vst v4;
	v4 =	vmul.f32 v22, v21  }
0x1ef: {  	v25 =	vld [tilespmem:s31+$0x0]  }
0x1f0: {  	[tilespmem:s31+$0xFFFFFFD0] =	vst v4;
	v4 =	vmul.f32 v23, v21  }
0x1f1: {  	v27 =	vld [tilespmem:s31+$0x10]  }
0x1f2: {  	v26 =	vbroadcast v3, $0x8;
	[tilespmem:s31+$0xFFFFFFE0] =	vst v4;
	v4 =	vmul.f32 v24, v21  }
0x1f3: {  	v28 =	vld [tilespmem:s31+$0x20]  }
0x1f4: {  	[tilespmem:s31+$0xFFFFFFF0] =	vst v4;
	v4 =	vmul.f32 v25, v26  }
0x1f5: {  	v29 =	vld [tilespmem:s31+$0x30]  }
0x1f6: {  	[tilespmem:s31+$0x0] =	vst v4;
	v4 =	vmul.f32 v27, v26  }
0x1f7: {  	v30 =	vld [tilespmem:s31+$0x40]  }
0x1f8: {  	[tilespmem:s31+$0x10] =	vst v4;
	v4 =	vmul.f32 v28, v26  }
0x1f9: {  	v32 =	vld [tilespmem:s31+$0x50]  }
0x1fa: {  	v31 =	vbroadcast v3, $0x9;
	[tilespmem:s31+$0x20] =	vst v4;
	v4 =	vmul.f32 v29, v26  }
0x1fb: {  	v33 =	vld [tilespmem:s31+$0x60]  }
0x1fc: {  	[tilespmem:s31+$0x30] =	vst v4;
	v4 =	vmul.f32 v30, v31  }
0x1fd: {  	v34 =	vld [tilespmem:s31+$0x70]  }
0x1fe: {  	[tilespmem:s31+$0x40] =	vst v4;
	v4 =	vmul.f32 v32, v31  }
0x1ff: {  	v35 =	vld [tilespmem:s31+$0x80]  }
0x200: {  	[tilespmem:s31+$0x50] =	vst v4;
	v4 =	vmul.f32 v33, v31  }
0x201: {  	v37 =	vld [tilespmem:s31+$0x90]  }
0x202: {  	v36 =	vbroadcast v3, $0xA;
	[tilespmem:s31+$0x60] =	vst v4;
	v4 =	vmul.f32 v34, v31  }
0x203: {  	v38 =	vld [tilespmem:s31+$0xA0]  }
0x204: {  	[tilespmem:s31+$0x70] =	vst v4;
	v4 =	vmul.f32 v35, v36  }
0x205: {  	v39 =	vld [tilespmem:s31+$0xB0]  }
0x206: {  	[tilespmem:s31+$0x80] =	vst v4;
	v4 =	vmul.f32 v37, v36  }
0x207: {  	v40 =	vld [tilespmem:s31+$0xC0]  }
0x208: {  	[tilespmem:s31+$0x90] =	vst v4;
	v4 =	vmul.f32 v38, v36  }
0x209: {  	v42 =	vld [tilespmem:s31+$0xD0]  }
0x20a: {  	v41 =	vbroadcast v3, $0xB;
	[tilespmem:s31+$0xA0] =	vst v4;
	v4 =	vmul.f32 v39, v36  }
0x20b: {  	v43 =	vld [tilespmem:s31+$0xE0]  }
0x20c: {  	[tilespmem:s31+$0xB0] =	vst v4;
	v4 =	vmul.f32 v40, v41  }
0x20d: {  	v44 =	vld [tilespmem:s31+$0xF0]  }
0x20e: {  	[tilespmem:s31+$0xC0] =	vst v4;
	v4 =	vmul.f32 v42, v41  }
0x20f: {  	v45 =	vld [tilespmem:s31+$0x100]  }
0x210: {  	[tilespmem:s31+$0xD0] =	vst v4;
	v4 =	vmul.f32 v43, v41  }
0x211: {  	v47 =	vld [tilespmem:s31+$0x110]  }
0x212: {  	v46 =	vbroadcast v3, $0xC;
	[tilespmem:s31+$0xE0] =	vst v4;
	v4 =	vmul.f32 v44, v41  }
0x213: {  	v48 =	vld [tilespmem:s31+$0x120]  }
0x214: {  	[tilespmem:s31+$0xF0] =	vst v4;
	v4 =	vmul.f32 v45, v46  }
0x215: {  	v49 =	vld [tilespmem:s31+$0x130]  }
0x216: {  	[tilespmem:s31+$0x100] =	vst v4;
	v4 =	vmul.f32 v47, v46  }
0x217: {  	v50 =	vld [tilespmem:s31+$0x140]  }
0x218: {  	[tilespmem:s31+$0x110] =	vst v4;
	v4 =	vmul.f32 v48, v46  }
0x219: {  	v52 =	vld [tilespmem:s31+$0x150]  }
0x21a: {  	v51 =	vbroadcast v3, $0xD;
	[tilespmem:s31+$0x120] =	vst v4;
	v4 =	vmul.f32 v49, v46  }
0x21b: {  	v53 =	vld [tilespmem:s31+$0x160]  }
0x21c: {  	[tilespmem:s31+$0x130] =	vst v4;
	v4 =	vmul.f32 v50, v51  }
0x21d: {  	v54 =	vld [tilespmem:s31+$0x170]  }
0x21e: {  	[tilespmem:s31+$0x140] =	vst v4;
	v4 =	vmul.f32 v52, v51  }
0x21f: {  	v55 =	vld [tilespmem:s31+$0x180]  }
0x220: {  	[tilespmem:s31+$0x150] =	vst v4;
	v4 =	vmul.f32 v53, v51  }
0x221: {  	v57 =	vld [tilespmem:s31+$0x190]  }
0x222: {  	v56 =	vbroadcast v3, $0xE;
	[tilespmem:s31+$0x160] =	vst v4;
	v4 =	vmul.f32 v54, v51  }
0x223: {  	v58 =	vld [tilespmem:s31+$0x1A0]  }
0x224: {  	[tilespmem:s31+$0x170] =	vst v4;
	v4 =	vmul.f32 v55, v56  }
0x225: {  	v59 =	vld [tilespmem:s31+$0x1B0]  }
0x226: {  	[tilespmem:s31+$0x180] =	vst v4;
	v4 =	vmul.f32 v57, v56  }
0x227: {  	v60 =	vld [tilespmem:s31+$0x1C0]  }
0x228: {  	[tilespmem:s31+$0x190] =	vst v4;
	v4 =	vmul.f32 v58, v56  }
0x229: {  	v61 =	vld [tilespmem:s31+$0x1D0]  }
0x22a: {  	v3 =	vbroadcast v3, $0xF;
	[tilespmem:s31+$0x1A0] =	vst v4;
	v4 =	vmul.f32 v59, v56  }
0x22b: {  	v62 =	vld [tilespmem:s31+$0x1E0]  }
0x22c: {  	v63 =	vld [tilespmem:s31+$0x1F0];
	[tilespmem:s31+$0x1B0] =	vst v4;
	v4 =	vmul.f32 v60, v3;
	_ =	sdelay $0x1  }
0x22d: {  	p0 =	sne.s32 s0, $0x1C0;
	[tilespmem:s31+$0x1C0] =	vst v4;
	v4 =	vmul.f32 v61, v3  }
.Ltmp6:
0x22e: {  	_ = 	snop;
	(pc) =	sbr.rel @p0 .LBB2_15-.Ltmp6, $4  }
0x22f: {  	[tilespmem:s31+$0x1D0] =	vst v4;
	v4 =	vmul.f32 v62, v3  }
0x230: {  	v3 =	vmul.f32 v63, v3  }
0x231: {  	[tilespmem:s31+$0x1E0] =	vst v4  }
0x232: {  	s0 =	sadd.s32 $0x40, s0;
	[tilespmem:s31+$0x1F0] =	vst v3;
	s31 =	sadd.s32 $0x400, s31  }
0x233: {  	s28 =	sadd.s32 $0x1, s28  }
0x234: {  	p0 =	sne.s32 s28, $0xA0  }
.Ltmp7:
0x235: {  	s0 =	sadd.s32 $0x5000, s30;
	(pc) =	sbr.rel @p0 .LBB2_14-.Ltmp7, $4  }
0x236: {  	[spmem:s2] =	stream.indirect.scatter.add.f32 [tilespmem:s23], [sflag:$0x1], $0x40, s0, s22, $0xb8;
	[tilespmem:$0x1D000] =	vst v63  }
0x237: {  	_ =	swait.ge [sflag:s18], $0x2000  }
0x238: {  	[sflag:s18] =	ssyncset.done $0x0  }
0x239: {  	s29 =	sadd.s32 $0x80, s29;
	[sflag:s18] =	ssyncadd.s32 $0xFFFFE000  }
0x23a: {  	[bflag:$0x0] =	sbarrier.arrive $0xFFFF;
	s24 =	sadd.s32 $0x1, s24  }
0x23b: {  	[hbm:s16], [sflag:s25] =	dma.local [spmem:s26], $0x1400  }
0x23c: {  	p0 =	sne.s32 s24, s17  }
.Ltmp8:
0x23d: {  	_ =	swait.ge [sflag:s18], $0x1400;
	(pc) =	sbr.rel @p0 .LBB2_1-.Ltmp8, $3  }
0x23e: {  	[sflag:s18] =	ssyncset.done $0x0  }
0x23f: {  	[sflag:s18] =	ssyncadd.s32 $0xFFFFEC00  }
0x240: {  	[bflag:$0x0] =	sbarrier.arrive $0xFFFF;
	_ =	sdelay $0x1  }
0x241: {  	_ =	sfence.sel $0x180000  }
0x242: {  	[bflag:$0x0] =	sbarrier.arrive $0xFFFF  }
0x243: {  	_ =	strace $0x90000047  }
0x244: {  	[bflag:$0x2] =	sbarrier.arrive $0xFFFF  }
0x245: {  	p0 =	sne.s32 s1, $0x0;
	s0 =	rddreg [dreg:$0x3]  }
0x246: {  	s0 =	sadd.s32 @!p0 $0x100000, s0  }
0x247: {  	[sflag:s0] =	ssyncadd.tile.s32 @!p0 $0x1;
	_ =	shalt  }
.Lfunc_end2:
_tile_overlayer_lowered:
.L_overlay_start_2:
0x248: {  	(tag) =	ssettag $0x2  }
0x249: {  	s0 =	rddreg [dreg:$0x0];
	s2 =	stileid.u32  }
0x24a: {  	s1 =	rddreg [dreg:$0x1];
	p0 =	sne.s32 s2, $0x0  }
0x24b: {  	s3 =	rddreg [dreg:$0x2];
	[bflag:$0x3] =	sbarrier.arrive $0xFFFF;
	s2 =	simm.s32 @!p0 $0x1C01  }
0x24c: {  	[timem:s3], [sflag:s2] =	dma.local @!p0 [hbm:s0], s1  }
0x24d: {  	s0 =	simm.s32 @!p0 $0x1  }
0x24e: {  	_ =	swait.ge @!p0 [sflag:s0], s1  }
0x24f: {  	s1 =	ssub.s32 @!p0 $0x0, s1;
	[sflag:s0] =	ssyncset.done @!p0 $0x0  }
0x250: {  	[sflag:s0] =	ssyncadd.s32 @!p0 s1  }
0x251: {  	[bflag:$0x3] =	sbarrier.arrive $0xFFFF  }
0x252: {  	_ =	shalt  }

</sc_bundles>
